<compile_context>
chip_gen: v7x
topology: tpu7x:2x2x1
jax: 0.10.2.dev20260603
libtpu: 0.0.44.dev20260713+nightly
codegen_flags: <defaults>
</compile_context>

<pallas_src>
import functools

import jax
import jax.numpy as jnp
import numpy as np
from jax import lax
from jax.experimental import pallas as pl
from jax.experimental.pallas import tpu as pltpu
from jax.experimental.pallas import tpu_sc as plsc

B, N = 8, 8192
NPOINTS = [512, 128, 32]
RADII = [0.04, 0.08, 0.16]
NSAMPLES = [64, 32, 16]
BN_EPS = 1e-5
MLP_DIMS = [[3, 32, 32, 64], [67, 128, 128, 256], [259, 256, 512, 512],
            [515, 512, 1024, 1024]]

_NW = 32



def _fps_stage(xs, ys, zs, npoint, cx_ref, cy_ref, cz_ref, dists_ref):
    Bb, Nn = xs.shape
    iota = lax.broadcasted_iota(jnp.int32, (Bb, Nn), 1)
    iota_s = lax.broadcasted_iota(jnp.int32, (Bb, npoint), 1)
    cx_ref[...] = jnp.zeros((Bb, npoint), jnp.float32)
    cy_ref[...] = jnp.zeros((Bb, npoint), jnp.float32)
    cz_ref[...] = jnp.zeros((Bb, npoint), jnp.float32)
    dists_ref[...] = jnp.full((Bb, Nn), 1e10, jnp.float32)

    def body(i, far):
        sel = iota == far
        cx = jnp.sum(jnp.where(sel, xs, 0.0), axis=1, keepdims=True)
        cy = jnp.sum(jnp.where(sel, ys, 0.0), axis=1, keepdims=True)
        cz = jnp.sum(jnp.where(sel, zs, 0.0), axis=1, keepdims=True)
        hot = iota_s == i
        cx_ref[...] = jnp.where(hot, cx, cx_ref[...])
        cy_ref[...] = jnp.where(hot, cy, cy_ref[...])
        cz_ref[...] = jnp.where(hot, cz, cz_ref[...])
        d = (xs - cx) ** 2 + (ys - cy) ** 2 + (zs - cz) ** 2
        dists = jnp.minimum(dists_ref[...], d)
        dists_ref[...] = dists
        m = jnp.max(dists, axis=1, keepdims=True)
        far = jnp.min(jnp.where(dists == m, iota, Nn), axis=1, keepdims=True)
        return far.astype(jnp.int32)

    lax.fori_loop(0, npoint, body, jnp.zeros((Bb, 1), jnp.int32))


def _fps_all_kernel(x_ref, y_ref, z_ref,
                    cx0, cy0, cz0, cx1, cy1, cz1, cx2, cy2, cz2,
                    d0, d1, d2):
    _fps_stage(x_ref[...], y_ref[...], z_ref[...], NPOINTS[0],
               cx0, cy0, cz0, d0)
    _fps_stage(cx0[...], cy0[...], cz0[...], NPOINTS[1], cx1, cy1, cz1, d1)
    _fps_stage(cx1[...], cy1[...], cz1[...], NPOINTS[2], cx2, cy2, cz2, d2)


def _fps_all(x, y, z):
    outs = [jax.ShapeDtypeStruct((B, s), jnp.float32)
            for s in NPOINTS for _ in range(3)]
    return pl.pallas_call(
        _fps_all_kernel,
        out_shape=tuple(outs),
        scratch_shapes=[pltpu.VMEM((B, N), jnp.float32),
                        pltpu.VMEM((B, NPOINTS[0]), jnp.float32),
                        pltpu.VMEM((B, NPOINTS[1]), jnp.float32)],
    )(x, y, z)



def _ballq_kernel(nxyz_ref, xt_ref, out_ref, *, radius, nsample):
    a = nxyz_ref[0]
    bt = xt_ref[0]
    S = a.shape[0]
    Nn = bt.shape[1]
    aa = jnp.sum(a[:, 0:3] * a[:, 0:3], axis=1, keepdims=True)
    bb = jnp.sum(bt[0:3, :] * bt[0:3, :], axis=0, keepdims=True)
    ab = jnp.dot(a, bt, preferred_element_type=jnp.float32)
    sqr = aa + bb - 2.0 * ab
    iota = lax.broadcasted_iota(jnp.int32, (S, Nn), 1)
    val0 = jnp.where(sqr > radius * radius, Nn, iota)
    iota_k = lax.broadcasted_iota(jnp.int32, (S, nsample), 1)

    def body(k, state):
        val, acc = state
        m = jnp.min(val, axis=1, keepdims=True)
        acc = jnp.where(iota_k == k, m, acc)
        val = jnp.where(val == m, Nn, val)
        return val, acc

    _, idx = lax.fori_loop(0, nsample, body,
                           (val0, jnp.zeros((S, nsample), jnp.int32)))
    first = idx[:, 0:1]
    first = jnp.where(first == Nn, 0, first)
    idx = jnp.where(idx == Nn, first, idx)
    out_ref[0] = idx


def _ball_query(new_xyz8, xt8, radius, nsample):
    _, S, _ = new_xyz8.shape
    Nn = xt8.shape[2]
    return pl.pallas_call(
        functools.partial(_ballq_kernel, radius=radius, nsample=nsample),
        grid=(B,),
        in_specs=[pl.BlockSpec((1, S, 8), lambda b: (b, 0, 0)),
                  pl.BlockSpec((1, 8, Nn), lambda b: (b, 0, 0))],
        out_specs=pl.BlockSpec((1, S, nsample), lambda b: (b, 0, 0)),
        out_shape=jax.ShapeDtypeStruct((B, S, nsample), jnp.int32),
    )(new_xyz8, xt8)



def _gather_rows(table, idx):
    rows, d = idx.shape[0], table.shape[1]
    rows_pw = rows // _NW
    nchunks = rows_pw // 128
    idx3 = idx.reshape(_NW, nchunks, 128)
    mesh = plsc.VectorSubcoreMesh(core_axis_name="c", subcore_axis_name="s")

    @functools.partial(
        pl.kernel, mesh=mesh,
        compiler_params=pltpu.CompilerParams(use_tc_tiling_on_sc=False),
        out_type=jax.ShapeDtypeStruct((rows, d), jnp.float32),
        scratch_types=[pltpu.VMEM((nchunks, 128), jnp.int32),
                       pltpu.VMEM((128, d), jnp.float32),
                       pltpu.SemaphoreType.DMA],
    )
    def k(table_hbm, idx_hbm, out_hbm, idx_v, rows_v, sem):
        wid = lax.axis_index("s") * 2 + lax.axis_index("c")
        pltpu.sync_copy(idx_hbm.at[wid], idx_v)

        def body(j, carry):
            pltpu.async_copy(table_hbm.at[idx_v.at[j]], rows_v, sem).wait()
            pltpu.sync_copy(
                rows_v, out_hbm.at[pl.ds(wid * rows_pw + j * 128, 128)])
            return carry

        lax.fori_loop(0, nchunks, body, 0)

    return k(table, idx3)


S0K, K0K = 512, 64
NWORDS = N // 16


def _pack_kernel(nxyz_ref, xt_ref, out_ref, *, radius):
    a = nxyz_ref[0]
    bt = xt_ref[0]
    aa = jnp.sum(a[:, 0:3] * a[:, 0:3], axis=1, keepdims=True)
    bb = jnp.sum(bt[0:3, :] * bt[0:3, :], axis=0, keepdims=True)
    ab = jnp.dot(a, bt, preferred_element_type=jnp.float32)
    sqr = aa + bb - 2.0 * ab
    maskf = jnp.where(sqr > radius * radius, 0.0, 1.0)
    ji = lax.broadcasted_iota(jnp.int32, (512, 32), 0)
    wi = lax.broadcasted_iota(jnp.int32, (512, 32), 1)
    pmat = jnp.where((ji >> 4) == wi, 1 << (ji & 15), 0).astype(jnp.float32)
    cols = [jnp.dot(maskf[:, nb * 512:(nb + 1) * 512], pmat,
                    preferred_element_type=jnp.float32)
            for nb in range(N // 512)]
    out_ref[0] = jnp.concatenate(cols, axis=1).astype(jnp.int32)


def _pack_words(nxyz8, xt8, radius):
    return pl.pallas_call(
        functools.partial(_pack_kernel, radius=radius),
        grid=(B,),
        in_specs=[pl.BlockSpec((1, S0K, 8), lambda b: (b, 0, 0)),
                  pl.BlockSpec((1, 8, N), lambda b: (b, 0, 0))],
        out_specs=pl.BlockSpec((1, S0K, NWORDS), lambda b: (b, 0, 0)),
        out_shape=jax.ShapeDtypeStruct((B, S0K, NWORDS), jnp.int32),
    )(nxyz8, xt8)



def _sc_ballq_gather0(words, x, y, z):
    mesh = plsc.VectorSubcoreMesh(core_axis_name="c", subcore_axis_name="s")
    rows_per_sub = S0K // 4

    @functools.partial(
        pl.kernel, mesh=mesh,
        compiler_params=pltpu.CompilerParams(use_tc_tiling_on_sc=False,
                                             needs_layout_passes=False),
        out_type=jax.ShapeDtypeStruct((B * S0K * K0K, 16), jnp.float32),
        scratch_types=[pltpu.VMEM((N,), jnp.float32),
                       pltpu.VMEM((N,), jnp.float32),
                       pltpu.VMEM((N,), jnp.float32),
                       pltpu.VMEM((rows_per_sub, NWORDS), jnp.int32),
                       pltpu.VMEM((K0K,), jnp.int32),
                       pltpu.VMEM((NWORDS + 16, ), jnp.int32),
                       pltpu.VMEM((8 * K0K, 16), jnp.float32)],
    )
    def k(words_hbm, x_hbm, y_hbm, z_hbm, out_hbm, xb, yb, zb, wb, idxb,
          wlist, grow):
        wid = lax.axis_index("s") * 2 + lax.axis_index("c")
        b = wid // 4
        r0 = (wid % 4) * rows_per_sub
        pltpu.sync_copy(x_hbm.at[b], xb)
        pltpu.sync_copy(y_hbm.at[b], yb)
        pltpu.sync_copy(z_hbm.at[b], zb)
        pltpu.sync_copy(words_hbm.at[b, pl.ds(r0, rows_per_sub)], wb)
        lane = lax.broadcasted_iota(jnp.int32, (16,), 0)
        zf = jnp.zeros((16,), jnp.float32)

        def zbody(i, c):
            grow[i] = zf
            return c
        lax.fori_loop(0, 8 * K0K, zbody, 0)

        def row_body(r, carry):
            wcnt = jnp.zeros((16,), jnp.int32)
            for t in range(NWORDS // 16):
                v = wb[r, pl.ds(t * 16, 16)]
                m = v != 0
                pos = wcnt + plsc.cumsum(m.astype(jnp.int32)) - 1
                plsc.store_scatter(wlist, [pos], t * 16 + lane, mask=m)
                wcnt = wcnt + plsc.all_reduce_population_count(m)
            nw = wcnt[0]

            def g_cond(state):
                g, cnt_v = state
                return jnp.logical_and(g * 16 < nw, cnt_v[0] < K0K)

            def g_body(state):
                g, cnt_v = state
                wl = wlist[pl.ds(g * 16, 16)]
                valid_v = (g * 16 + lane) < nw
                wv = plsc.load_gather(
                    wb, [jnp.full((16,), r, jnp.int32), wl], mask=valid_v)
                for j in range(16):
                    w_s = wv[j]
                    valid = (g * 16 + j) < nw
                    m = (((w_s >> lane) & 1) != 0) & valid
                    pos = cnt_v + plsc.cumsum(m.astype(jnp.int32)) - 1
                    mc = m & (pos < K0K)
                    plsc.store_scatter(idxb, [pos], wl[j] * 16 + lane, mask=mc)
                    cnt_v = cnt_v + plsc.all_reduce_population_count(mc)
                return (g + 1, cnt_v)

            _, cnt_v = lax.while_loop(
                g_cond, g_body, (jnp.int32(0), jnp.zeros((16,), jnp.int32)))
            v0 = idxb[pl.ds(0, 16)]
            first_s = jnp.where(cnt_v[0] > 0, v0[0], 0)
            rr = lax.bitwise_and(r, 7)
            for t2 in range(K0K // 16):
                lane_ids = t2 * 16 + lane
                cur = idxb[pl.ds(t2 * 16, 16)]
                idxv = jnp.where(lane_ids < cnt_v, cur, first_s)
                gx = plsc.load_gather(xb, [idxv])
                gy = plsc.load_gather(yb, [idxv])
                gz = plsc.load_gather(zb, [idxv])
                rowpos = rr * K0K + t2 * 16 + lane
                plsc.store_scatter(grow, [rowpos, jnp.zeros((16,), jnp.int32)], gx)
                plsc.store_scatter(grow, [rowpos, jnp.full((16,), 1, jnp.int32)], gy)
                plsc.store_scatter(grow, [rowpos, jnp.full((16,), 2, jnp.int32)], gz)

            @pl.when(rr == 7)
            def _():
                base = (b * S0K + r0 + r - 7) * K0K
                pltpu.sync_copy(grow, out_hbm.at[pl.ds(base, 8 * K0K)])

            return carry

        lax.fori_loop(0, rows_per_sub, row_body, 0)

    return k(words, x, y, z)



def _mlp_kernel(g_ref, c_ref, w1, s1, b1, w2, s2, b2, w3, s3, b3, out_ref,
                *, sb, ks):
    d = g_ref.shape[1]
    x = g_ref[...].reshape(sb, ks, d) - c_ref[0][:, None, :]
    x = x.reshape(sb * ks, d)
    for w, s, b in ((w1, s1, b1), (w2, s2, b2), (w3, s3, b3)):
        x = jnp.dot(x, w[...], preferred_element_type=jnp.float32)
        x = jnp.maximum(x * s[...] + b[...], 0.0)
    cout = x.shape[1]
    out_ref[0] = jnp.max(x.reshape(sb, ks, cout), axis=1)


def _mlp_max(g, cpad, weights, ks, sb):
    _, s_dim, d = cpad.shape
    (w1, s1, b1), (w2, s2, b2), (w3, s3, b3) = weights
    cout = w3.shape[1]
    n_sb = s_dim // sb
    wspec = [pl.BlockSpec(w.shape, lambda b, s: tuple([0] * w.ndim))
             for w in (w1, s1, b1, w2, s2, b2, w3, s3, b3)]
    return pl.pallas_call(
        functools.partial(_mlp_kernel, sb=sb, ks=ks),
        grid=(B, n_sb),
        in_specs=[pl.BlockSpec((sb * ks, d),
                               lambda b, s, n_sb=n_sb: (b * n_sb + s, 0)),
                  pl.BlockSpec((1, sb, d), lambda b, s: (b, s, 0))] + wspec,
        out_specs=pl.BlockSpec((1, sb, cout), lambda b, s: (b, s, 0)),
        out_shape=jax.ShapeDtypeStruct((B, s_dim, cout), jnp.float32),
    )(g, cpad, w1, s1, b1, w2, s2, b2, w3, s3, b3)


def _layer_params(params, si):
    inv = np.float32(1.0 / np.sqrt(1.0 + BN_EPS))
    out = []
    for li in range(3):
        w = params['sa%d_w%d' % (si, li)]
        din = MLP_DIMS[si][li] if li else _pad16(MLP_DIMS[si][0])
        wt = jnp.zeros((din, w.shape[0]), jnp.float32)
        wt = wt.at[:w.shape[1], :].set(w.T)
        s = (inv * params['sa%d_g%d' % (si, li)])[None, :]
        b = params['sa%d_b%d' % (si, li)][None, :]
        out.append((wt, s, b))
    return out


def _pad16(c):
    return ((c + 15) // 16) * 16


def _pad_cols(x, d):
    return jnp.pad(x, ((0, 0),) * (x.ndim - 1) + ((0, d - x.shape[-1]),))



def kernel(pointcloud, params):
    xyz = pointcloud[..., 0:3]
    x, y, z = xyz[..., 0], xyz[..., 1], xyz[..., 2]

    cx0, cy0, cz0, cx1, cy1, cz1, cx2, cy2, cz2 = _fps_all(x, y, z)
    nxyz0 = jnp.stack([cx0, cy0, cz0], axis=-1)
    nxyz1 = jnp.stack([cx1, cy1, cz1], axis=-1)
    nxyz2 = jnp.stack([cx2, cy2, cz2], axis=-1)

    s0, k0 = NPOINTS[0], NSAMPLES[0]
    xt8 = jnp.pad(jnp.stack([x, y, z], axis=1), ((0, 0), (0, 5), (0, 0)))
    words0 = _pack_words(_pad_cols(nxyz0, 8), xt8, RADII[0])
    g0 = _sc_ballq_gather0(words0, x, y, z)
    f1 = _mlp_max(g0, _pad_cols(nxyz0, 16), _layer_params(params, 0),
                  ks=k0, sb=32)

    s1_, k1 = NPOINTS[1], NSAMPLES[1]
    x1t8 = jnp.pad(jnp.stack([cx0, cy0, cz0], axis=1), ((0, 0), (0, 5), (0, 0)))
    gidx1 = _ball_query(_pad_cols(nxyz1, 8), x1t8, RADII[1], k1)
    flat1 = (gidx1 + (jnp.arange(B, dtype=jnp.int32) * s0)[:, None, None])
    table1 = _pad_cols(jnp.concatenate([nxyz0, f1], axis=-1).reshape(B * s0, 67), 80)
    g1 = _gather_rows(table1, flat1.reshape(-1))
    f2 = _mlp_max(g1, _pad_cols(nxyz1, 80), _layer_params(params, 1),
                  ks=k1, sb=32)

    s2_, k2 = NPOINTS[2], NSAMPLES[2]
    x2t8 = jnp.pad(jnp.stack([cx1, cy1, cz1], axis=1), ((0, 0), (0, 5), (0, 0)))
    gidx2 = _ball_query(_pad_cols(nxyz2, 8), x2t8, RADII[2], k2)
    flat2 = (gidx2 + (jnp.arange(B, dtype=jnp.int32) * s1_)[:, None, None])
    table2 = _pad_cols(jnp.concatenate([nxyz1, f2], axis=-1).reshape(B * s1_, 259), 272)
    g2 = _gather_rows(table2, flat2.reshape(-1))
    f3 = _mlp_max(g2, _pad_cols(nxyz2, 272), _layer_params(params, 2),
                  ks=k2, sb=32)

    g3 = _pad_cols(jnp.concatenate([nxyz2, f3], axis=-1).reshape(B * 32, 515), 528)
    czero = jnp.zeros((B, 1, 528), jnp.float32)
    f4 = _mlp_max(g3, czero, _layer_params(params, 3), ks=32, sb=1)
    return f4.reshape(B, 1024)

# --- scband reference (transcript-rebuilt; emitter-appended) ---
"""Pipeline reference for scband-pointnet2-center-47863115546832 (READ-ONLY COPY).

The authoritative reference and input builder live on the scoring server;
editing this copy changes nothing except your own understanding.
"""

import jax, jax.numpy as jnp
import numpy as np

B, N = 8, 8192
MLPS = [[3, 32, 32, 64], [67, 128, 128, 256], [259, 256, 512, 512], [515, 512, 1024, 1024]]
NPOINTS = [512, 128, 32]
RADII = [0.04, 0.08, 0.16]
NSAMPLES = [64, 32, 16]
BN_EPS = 1e-5


def setup_inputs(seed: int = 0):
    key = jax.random.key(seed)
    key, kpc = jax.random.split(key)
    pointcloud = jax.random.uniform(kpc, (B, N, 3), dtype=jnp.float32)
    params = {}
    for si, mlp in enumerate(MLPS):
        for li in range(len(mlp) - 1):
            cin, cout = mlp[li], mlp[li + 1]
            key, kw = jax.random.split(key)
            params['sa%d_w%d' % (si, li)] = jax.random.normal(kw, (cout, cin), dtype=jnp.float32) / np.sqrt(cin)
            params['sa%d_g%d' % (si, li)] = jnp.ones((cout,), jnp.float32)
            params['sa%d_b%d' % (si, li)] = jnp.zeros((cout,), jnp.float32)
    return {'pointcloud': pointcloud, 'params': params}


def index_points(points, idx):
    # points [B, N, C], idx [B, ...] int -> gathered [B, ..., C]
    return jax.vmap(lambda p, i: p[i])(points, idx)


def square_distance(a, b):
    # a [B, S, 3], b [B, N, 3] -> [B, S, N]
    aa = jnp.sum(a * a, -1)[:, :, None]
    bb = jnp.sum(b * b, -1)[:, None, :]
    ab = jnp.einsum('bsc,bnc->bsn', a, b)
    return aa + bb - 2.0 * ab


def fps(xyz, npoint):
    # furthest point sampling; indices are non-differentiable (matches CUDA op)
    xyz = jax.lax.stop_gradient(xyz)
    Bb, Nn, _ = xyz.shape
    dists0 = jnp.full((Bb, Nn), 1e10, jnp.float32)
    far0 = jnp.zeros((Bb,), jnp.int32)
    cent0 = jnp.zeros((Bb, npoint), jnp.int32)

    def body(i, state):
        dists, far, cent = state
        cent = cent.at[:, i].set(far)
        c = index_points(xyz, far[:, None])  # [B, 1, 3]
        d = jnp.sum((xyz - c) ** 2, -1)
        dists = jnp.minimum(dists, d)
        far = jnp.argmax(dists, -1).astype(jnp.int32)
        return (dists, far, cent)

    _, _, cent = jax.lax.fori_loop(0, npoint, body, (dists0, far0, cent0))
    return cent


def ball_query(radius, nsample, xyz, new_xyz):
    Nn = xyz.shape[1]
    sqr = jax.lax.stop_gradient(square_distance(new_xyz, xyz))  # [B, S, N]
    idx = jnp.broadcast_to(jnp.arange(Nn, dtype=jnp.int32), sqr.shape)
    idx = jnp.where(sqr > radius * radius, Nn, idx)
    idx = jnp.sort(idx, axis=-1)[..., :nsample]
    first = idx[..., :1]
    first = jnp.where(first == Nn, 0, first)
    idx = jnp.where(idx == Nn, first, idx)
    return idx


def shared_mlp(x, params, si):
    # 1x1 conv (per-point linear) + BatchNorm(eval, rm=0, rv=1) + ReLU
    nl = len(MLPS[si]) - 1
    inv = np.float32(1.0 / np.sqrt(1.0 + BN_EPS))
    for li in range(nl):
        w = params['sa%d_w%d' % (si, li)]
        x = jnp.einsum('...c,oc->...o', x, w)
        x = x * inv * params['sa%d_g%d' % (si, li)] + params['sa%d_b%d' % (si, li)]
        x = jax.nn.relu(x)
    return x


def sa_module(xyz, feats, si, params):
    npoint = NPOINTS[si]
    radius = RADII[si]
    nsample = NSAMPLES[si]
    fidx = fps(xyz, npoint)
    new_xyz = index_points(xyz, fidx)  # [B, S, 3]
    gidx = ball_query(radius, nsample, xyz, new_xyz)  # [B, S, K]
    g_xyz = index_points(xyz, gidx) - new_xyz[:, :, None, :]
    if feats is not None:
        g_f = index_points(feats, gidx)
        new_f = jnp.concatenate([g_xyz, g_f], axis=-1)
    else:
        new_f = g_xyz
    new_f = shared_mlp(new_f, params, si)
    new_f = jnp.max(new_f, axis=2)  # max over nsample -> [B, S, C]
    return new_xyz, new_f


def sa_group_all(xyz, feats, params):
    new_f = jnp.concatenate([xyz, feats], axis=-1)[:, None, :, :]  # [B, 1, N, 3+C]
    new_f = shared_mlp(new_f, params, 3)
    return jnp.max(new_f, axis=2)[:, 0, :]  # [B, 1024]


def reference(pointcloud, params):
    xyz = pointcloud[..., 0:3]
    feats = None  # input_dim = 0
    xyz1, f1 = sa_module(xyz, feats, 0, params)
    xyz2, f2 = sa_module(xyz1, f1, 1, params)
    xyz3, f3 = sa_module(xyz2, f2, 2, params)
    return sa_group_all(xyz3, f3, params)

if __name__ == "__main__":
    import jax
    _d = setup_inputs()
    print(jax.jit(kernel)(*tuple(_d.values())))

</pallas_src>

<mosaic_0001>
#map = affine_map<(d0, d1) -> (0, 0)>
#map1 = affine_map<(d0, d1) -> (0, 0, 0)>
module attributes {stable_mosaic.version = 14 : i64} {
  func.func @k(%arg0: i32, %arg1: i32, %arg2: memref<1024x272xf32, #tpu.memory_space<hbm>>, %arg3: memref<32x1x128xi32, #tpu.memory_space<hbm>>, %arg4: memref<4096x272xf32, #tpu.memory_space<hbm>>, %arg5: memref<1x128xi32, #tpu.memory_space<vmem>>, %arg6: memref<128x272xf32, #tpu.memory_space<vmem>>, %arg7: memref<!tpu.dma_semaphore, #tpu.memory_space<semaphore_mem>>) attributes {dimension_semantics = [#tpu.dimension_semantics<core_parallel>, #tpu.dimension_semantics<subcore_parallel>], iteration_bounds = array<i64: 2, 16>, scalar_prefetch = 0 : i64, scratch_operands = 3 : i64, tpu.core_type = #tpu.core_type<sc_vector_subcore>, window_params = [{transform_indices = #map}, {transform_indices = #map1}, {transform_indices = #map}]} {
    %mul3A = arith.constant 2 : i32
    %mul3A_0 = arith.muli %arg1, %mul3A : i32
    %add3A = arith.addi %mul3A_0, %arg0 : i32
    "tpu.region"() ({
      %run_scoped3A = tpu.sem_alloc : memref<!tpu.dma_semaphore, #tpu.memory_space<semaphore_mem>>
      %dma_start3A_18 = arith.constant 0 : i32
      %dma_start3A_19 = arith.constant 0 : i32
      %dma_start3A_20 = tpu.memref_slice %arg3[%add3A, %dma_start3A_18, %dma_start3A_19] : memref<32x1x128xi32, #tpu.memory_space<hbm>> -> memref<1x1x128xi32, #tpu.memory_space<hbm>>
      %dma_start3A_21 = tpu.memref_squeeze %dma_start3A_20 : memref<1x1x128xi32, #tpu.memory_space<hbm>> -> memref<1x128xi32, #tpu.memory_space<hbm>>
      %dma_start3A_22 = arith.constant 0 : i32
      %dma_start3A_23 = arith.constant 0 : i32
      %dma_start3A_24 = tpu.memref_slice %arg3[%add3A, %dma_start3A_22, %dma_start3A_23] : memref<32x1x128xi32, #tpu.memory_space<hbm>> -> memref<1x1x128xi32, #tpu.memory_space<hbm>>
      %dma_start3A_25 = tpu.memref_squeeze %dma_start3A_24 : memref<1x1x128xi32, #tpu.memory_space<hbm>> -> memref<1x128xi32, #tpu.memory_space<hbm>>
      tpu.enqueue_dma source(%dma_start3A_25 : memref<1x128xi32, #tpu.memory_space<hbm>>) target(%arg5 : memref<1x128xi32, #tpu.memory_space<vmem>>) target_semaphore(%run_scoped3A : memref<!tpu.dma_semaphore, #tpu.memory_space<semaphore_mem>>)
      %dma_wait3A_26 = arith.constant 0 : i32
      %dma_wait3A_27 = arith.constant 0 : i32
      %dma_wait3A_28 = tpu.memref_slice %arg3[%add3A, %dma_wait3A_26, %dma_wait3A_27] : memref<32x1x128xi32, #tpu.memory_space<hbm>> -> memref<1x1x128xi32, #tpu.memory_space<hbm>>
      %dma_wait3A_29 = tpu.memref_squeeze %dma_wait3A_28 : memref<1x1x128xi32, #tpu.memory_space<hbm>> -> memref<1x128xi32, #tpu.memory_space<hbm>>
      %dma_wait3A_30 = arith.constant 0 : i32
      %dma_wait3A_31 = arith.constant 0 : i32
      %dma_wait3A_32 = tpu.memref_slice %arg3[%add3A, %dma_wait3A_30, %dma_wait3A_31] : memref<32x1x128xi32, #tpu.memory_space<hbm>> -> memref<1x1x128xi32, #tpu.memory_space<hbm>>
      %dma_wait3A_33 = tpu.memref_squeeze %dma_wait3A_32 : memref<1x1x128xi32, #tpu.memory_space<hbm>> -> memref<1x128xi32, #tpu.memory_space<hbm>>
      tpu.wait_dma2 semaphore(%run_scoped3A : memref<!tpu.dma_semaphore, #tpu.memory_space<semaphore_mem>>) src(%dma_wait3A_33 : memref<1x128xi32, #tpu.memory_space<hbm>>) dst(%arg5 : memref<1x128xi32, #tpu.memory_space<vmem>>)
      tpu.yield
    }) : () -> ()
    %scan3A = arith.constant 0 : i32
    %scan3A_1 = arith.constant 0 : i32
    %dma_start3A = arith.constant 0 : i32
    %dma_start3A_2 = tpu.memref_slice %arg5[%scan3A_1, %dma_start3A] : memref<1x128xi32, #tpu.memory_space<vmem>> -> memref<1x128xi32, #tpu.memory_space<vmem>>
    %dma_start3A_3 = tpu.memref_squeeze %dma_start3A_2 : memref<1x128xi32, #tpu.memory_space<vmem>> -> memref<128xi32, #tpu.memory_space<vmem>>
    %dma_start3A_4 = arith.constant 0 : i32
    %dma_start3A_5 = arith.constant 0 : i32
    %dma_start3A_6 = tpu.memref_slice %arg2[%dma_start3A_4, %dma_start3A_5] : memref<1024x272xf32, #tpu.memory_space<hbm>> -> memref<1024x272xf32, #tpu.memory_space<hbm>>
    tpu.enqueue_indirect_dma source(%dma_start3A_6 : memref<1024x272xf32, #tpu.memory_space<hbm>>) target(%arg6 : memref<128x272xf32, #tpu.memory_space<vmem>>) offsets(%dma_start3A_3 : memref<128xi32, #tpu.memory_space<vmem>>) semaphore(%arg7 : memref<!tpu.dma_semaphore, #tpu.memory_space<semaphore_mem>>)
    %dma_wait3A = arith.constant 0 : i32
    %dma_wait3A_7 = tpu.memref_slice %arg5[%scan3A_1, %dma_wait3A] : memref<1x128xi32, #tpu.memory_space<vmem>> -> memref<1x128xi32, #tpu.memory_space<vmem>>
    %dma_wait3A_8 = tpu.memref_squeeze %dma_wait3A_7 : memref<1x128xi32, #tpu.memory_space<vmem>> -> memref<128xi32, #tpu.memory_space<vmem>>
    %dma_wait3A_9 = arith.constant 0 : i32
    %dma_wait3A_10 = arith.constant 0 : i32
    %dma_wait3A_11 = tpu.memref_slice %arg2[%dma_wait3A_9, %dma_wait3A_10] : memref<1024x272xf32, #tpu.memory_space<hbm>> -> memref<1024x272xf32, #tpu.memory_space<hbm>>
    tpu.wait_indirect_dma semaphore(%arg7 : memref<!tpu.dma_semaphore, #tpu.memory_space<semaphore_mem>>) src(%dma_wait3A_11 : memref<1024x272xf32, #tpu.memory_space<hbm>>) dst(%arg6 : memref<128x272xf32, #tpu.memory_space<vmem>>)
    %mul3A_12 = arith.constant 128 : i32
    %mul3A_13 = arith.muli %add3A, %mul3A_12 : i32
    %mul3A_14 = arith.constant 128 : i32
    %mul3A_15 = arith.muli %scan3A_1, %mul3A_14 : i32
    %add3A_16 = arith.addi %mul3A_13, %mul3A_15 : i32
    "tpu.region"() ({
      %run_scoped3A = tpu.sem_alloc : memref<!tpu.dma_semaphore, #tpu.memory_space<semaphore_mem>>
      %dma_start3A_18 = arith.constant 0 : i32
      %dma_start3A_19 = tpu.memref_slice %arg4[%add3A_16, %dma_start3A_18] : memref<4096x272xf32, #tpu.memory_space<hbm>> -> memref<128x272xf32, #tpu.memory_space<hbm>>
      %dma_start3A_20 = arith.constant 0 : i32
      %dma_start3A_21 = tpu.memref_slice %arg4[%add3A_16, %dma_start3A_20] : memref<4096x272xf32, #tpu.memory_space<hbm>> -> memref<128x272xf32, #tpu.memory_space<hbm>>
      tpu.enqueue_dma source(%arg6 : memref<128x272xf32, #tpu.memory_space<vmem>>) target(%dma_start3A_21 : memref<128x272xf32, #tpu.memory_space<hbm>>) target_semaphore(%run_scoped3A : memref<!tpu.dma_semaphore, #tpu.memory_space<semaphore_mem>>)
      %dma_wait3A_22 = arith.constant 0 : i32
      %dma_wait3A_23 = tpu.memref_slice %arg4[%add3A_16, %dma_wait3A_22] : memref<4096x272xf32, #tpu.memory_space<hbm>> -> memref<128x272xf32, #tpu.memory_space<hbm>>
      %dma_wait3A_24 = arith.constant 0 : i32
      %dma_wait3A_25 = tpu.memref_slice %arg4[%add3A_16, %dma_wait3A_24] : memref<4096x272xf32, #tpu.memory_space<hbm>> -> memref<128x272xf32, #tpu.memory_space<hbm>>
      tpu.wait_dma2 semaphore(%run_scoped3A : memref<!tpu.dma_semaphore, #tpu.memory_space<semaphore_mem>>) src(%arg6 : memref<128x272xf32, #tpu.memory_space<vmem>>) dst(%dma_wait3A_25 : memref<128x272xf32, #tpu.memory_space<hbm>>)
      tpu.yield
    }) : () -> ()
    %scan3A_17 = arith.constant 1 : i32
    return
  }
}

#map = affine_map<(d0, d1) -> (0, 0, 0)>
#map1 = affine_map<(d0, d1) -> (0, 0)>
module attributes {stable_mosaic.version = 14 : i64} {
  func.func @k(%arg0: i32, %arg1: i32, %arg2: memref<8x512x512xi32, #tpu.memory_space<hbm>>, %arg3: memref<8x8192xf32, #tpu.memory_space<hbm>>, %arg4: memref<8x8192xf32, #tpu.memory_space<hbm>>, %arg5: memref<8x8192xf32, #tpu.memory_space<hbm>>, %arg6: memref<262144x16xf32, #tpu.memory_space<hbm>>, %arg7: memref<8192xf32, #tpu.memory_space<vmem>>, %arg8: memref<8192xf32, #tpu.memory_space<vmem>>, %arg9: memref<8192xf32, #tpu.memory_space<vmem>>, %arg10: memref<128x512xi32, #tpu.memory_space<vmem>>, %arg11: memref<64xi32, #tpu.memory_space<vmem>>, %arg12: memref<528xi32, #tpu.memory_space<vmem>>, %arg13: memref<512x16xf32, #tpu.memory_space<vmem>>) attributes {dimension_semantics = [#tpu.dimension_semantics<core_parallel>, #tpu.dimension_semantics<subcore_parallel>], iteration_bounds = array<i64: 2, 16>, scalar_prefetch = 0 : i64, scratch_operands = 7 : i64, tpu.core_type = #tpu.core_type<sc_vector_subcore>, window_params = [{transform_indices = #map}, {transform_indices = #map1}, {transform_indices = #map1}, {transform_indices = #map1}, {transform_indices = #map1}]} {
    %mul3A = arith.constant 2 : i32
    %mul3A_0 = arith.muli %arg1, %mul3A : i32
    %add3A = arith.addi %mul3A_0, %arg0 : i32
    %jit3A = arith.constant 4 : i32
    %div3A = arith.divsi %add3A, %jit3A : i32
    %sign3A = arith.constant 0 : i32
    %sign3A_1 = arith.cmpi sgt, %add3A, %sign3A : i32
    %sign3A_2 = arith.extui %sign3A_1 : i1 to i32
    %sign3A_3 = arith.constant 0 : i32
    %sign3A_4 = arith.cmpi slt, %add3A, %sign3A_3 : i32
    %sign3A_5 = arith.extui %sign3A_4 : i1 to i32
    %sign3A_6 = arith.subi %sign3A_2, %sign3A_5 : i32
    %sign3A_7 = arith.constant 0 : i32
    %sign3A_8 = arith.cmpi sgt, %jit3A, %sign3A_7 : i32
    %sign3A_9 = arith.extui %sign3A_8 : i1 to i32
    %sign3A_10 = arith.constant 0 : i32
    %sign3A_11 = arith.cmpi slt, %jit3A, %sign3A_10 : i32
    %sign3A_12 = arith.extui %sign3A_11 : i1 to i32
    %sign3A_13 = arith.subi %sign3A_9, %sign3A_12 : i32
    %ne3A = arith.cmpi ne, %sign3A_6, %sign3A_13 : i32
    %rem3A = arith.remsi %add3A, %jit3A : i32
    %ne3A_14 = arith.constant 0 : i32
    %ne3A_15 = arith.cmpi ne, %rem3A, %ne3A_14 : i32
    %and3A = arith.andi %ne3A, %ne3A_15 : i1
    %sub3A = arith.constant 1 : i32
    %sub3A_16 = arith.subi %div3A, %sub3A : i32
    %select_n3A = arith.select %and3A, %sub3A_16, %div3A : i32
    %jit3A_17 = arith.constant 4 : i32
    %eq3A = arith.constant 0 : i32
    %eq3A_18 = arith.cmpi eq, %jit3A_17, %eq3A : i32
    %jit3A_19 = arith.constant 1 : i32
    %select_n3A_20 = arith.select %eq3A_18, %jit3A_19, %jit3A_17 : i32
    %rem3A_21 = arith.remsi %add3A, %select_n3A_20 : i32
    %ne3A_22 = arith.constant 0 : i32
    %ne3A_23 = arith.cmpi ne, %rem3A_21, %ne3A_22 : i32
    %lt3A = arith.constant 0 : i32
    %lt3A_24 = arith.cmpi slt, %rem3A_21, %lt3A : i32
    %lt3A_25 = arith.constant 0 : i32
    %lt3A_26 = arith.cmpi slt, %select_n3A_20, %lt3A_25 : i32
    %ne3A_27 = arith.xori %lt3A_24, %lt3A_26 : i1
    %and3A_28 = arith.andi %ne3A_27, %ne3A_23 : i1
    %add3A_29 = arith.addi %rem3A_21, %select_n3A_20 : i32
    %select_n3A_30 = arith.select %and3A_28, %add3A_29, %rem3A_21 : i32
    %mul3A_31 = arith.constant 128 : i32
    %mul3A_32 = arith.muli %select_n3A_30, %mul3A_31 : i32
    "tpu.region"() ({
      %run_scoped3A = tpu.sem_alloc : memref<!tpu.dma_semaphore, #tpu.memory_space<semaphore_mem>>
      %dma_start3A = arith.constant 0 : i32
      %dma_start3A_45 = tpu.memref_slice %arg3[%select_n3A, %dma_start3A] : memref<8x8192xf32, #tpu.memory_space<hbm>> -> memref<1x8192xf32, #tpu.memory_space<hbm>>
      %dma_start3A_46 = tpu.memref_squeeze %dma_start3A_45 : memref<1x8192xf32, #tpu.memory_space<hbm>> -> memref<8192xf32, #tpu.memory_space<hbm>>
      %dma_start3A_47 = arith.constant 0 : i32
      %dma_start3A_48 = tpu.memref_slice %arg3[%select_n3A, %dma_start3A_47] : memref<8x8192xf32, #tpu.memory_space<hbm>> -> memref<1x8192xf32, #tpu.memory_space<hbm>>
      %dma_start3A_49 = tpu.memref_squeeze %dma_start3A_48 : memref<1x8192xf32, #tpu.memory_space<hbm>> -> memref<8192xf32, #tpu.memory_space<hbm>>
      tpu.enqueue_dma source(%dma_start3A_49 : memref<8192xf32, #tpu.memory_space<hbm>>) target(%arg7 : memref<8192xf32, #tpu.memory_space<vmem>>) target_semaphore(%run_scoped3A : memref<!tpu.dma_semaphore, #tpu.memory_space<semaphore_mem>>)
      %dma_wait3A = arith.constant 0 : i32
      %dma_wait3A_50 = tpu.memref_slice %arg3[%select_n3A, %dma_wait3A] : memref<8x8192xf32, #tpu.memory_space<hbm>> -> memref<1x8192xf32, #tpu.memory_space<hbm>>
      %dma_wait3A_51 = tpu.memref_squeeze %dma_wait3A_50 : memref<1x8192xf32, #tpu.memory_space<hbm>> -> memref<8192xf32, #tpu.memory_space<hbm>>
      %dma_wait3A_52 = arith.constant 0 : i32
      %dma_wait3A_53 = tpu.memref_slice %arg3[%select_n3A, %dma_wait3A_52] : memref<8x8192xf32, #tpu.memory_space<hbm>> -> memref<1x8192xf32, #tpu.memory_space<hbm>>
      %dma_wait3A_54 = tpu.memref_squeeze %dma_wait3A_53 : memref<1x8192xf32, #tpu.memory_space<hbm>> -> memref<8192xf32, #tpu.memory_space<hbm>>
      tpu.wait_dma2 semaphore(%run_scoped3A : memref<!tpu.dma_semaphore, #tpu.memory_space<semaphore_mem>>) src(%dma_wait3A_54 : memref<8192xf32, #tpu.memory_space<hbm>>) dst(%arg7 : memref<8192xf32, #tpu.memory_space<vmem>>)
      tpu.yield
    }) : () -> ()
    "tpu.region"() ({
      %run_scoped3A = tpu.sem_alloc : memref<!tpu.dma_semaphore, #tpu.memory_space<semaphore_mem>>
      %dma_start3A = arith.constant 0 : i32
      %dma_start3A_45 = tpu.memref_slice %arg4[%select_n3A, %dma_start3A] : memref<8x8192xf32, #tpu.memory_space<hbm>> -> memref<1x8192xf32, #tpu.memory_space<hbm>>
      %dma_start3A_46 = tpu.memref_squeeze %dma_start3A_45 : memref<1x8192xf32, #tpu.memory_space<hbm>> -> memref<8192xf32, #tpu.memory_space<hbm>>
      %dma_start3A_47 = arith.constant 0 : i32
      %dma_start3A_48 = tpu.memref_slice %arg4[%select_n3A, %dma_start3A_47] : memref<8x8192xf32, #tpu.memory_space<hbm>> -> memref<1x8192xf32, #tpu.memory_space<hbm>>
      %dma_start3A_49 = tpu.memref_squeeze %dma_start3A_48 : memref<1x8192xf32, #tpu.memory_space<hbm>> -> memref<8192xf32, #tpu.memory_space<hbm>>
      tpu.enqueue_dma source(%dma_start3A_49 : memref<8192xf32, #tpu.memory_space<hbm>>) target(%arg8 : memref<8192xf32, #tpu.memory_space<vmem>>) target_semaphore(%run_scoped3A : memref<!tpu.dma_semaphore, #tpu.memory_space<semaphore_mem>>)
      %dma_wait3A = arith.constant 0 : i32
      %dma_wait3A_50 = tpu.memref_slice %arg4[%select_n3A, %dma_wait3A] : memref<8x8192xf32, #tpu.memory_space<hbm>> -> memref<1x8192xf32, #tpu.memory_space<hbm>>
      %dma_wait3A_51 = tpu.memref_squeeze %dma_wait3A_50 : memref<1x8192xf32, #tpu.memory_space<hbm>> -> memref<8192xf32, #tpu.memory_space<hbm>>
      %dma_wait3A_52 = arith.constant 0 : i32
      %dma_wait3A_53 = tpu.memref_slice %arg4[%select_n3A, %dma_wait3A_52] : memref<8x8192xf32, #tpu.memory_space<hbm>> -> memref<1x8192xf32, #tpu.memory_space<hbm>>
      %dma_wait3A_54 = tpu.memref_squeeze %dma_wait3A_53 : memref<1x8192xf32, #tpu.memory_space<hbm>> -> memref<8192xf32, #tpu.memory_space<hbm>>
      tpu.wait_dma2 semaphore(%run_scoped3A : memref<!tpu.dma_semaphore, #tpu.memory_space<semaphore_mem>>) src(%dma_wait3A_54 : memref<8192xf32, #tpu.memory_space<hbm>>) dst(%arg8 : memref<8192xf32, #tpu.memory_space<vmem>>)
      tpu.yield
    }) : () -> ()
    "tpu.region"() ({
      %run_scoped3A = tpu.sem_alloc : memref<!tpu.dma_semaphore, #tpu.memory_space<semaphore_mem>>
      %dma_start3A = arith.constant 0 : i32
      %dma_start3A_45 = tpu.memref_slice %arg5[%select_n3A, %dma_start3A] : memref<8x8192xf32, #tpu.memory_space<hbm>> -> memref<1x8192xf32, #tpu.memory_space<hbm>>
      %dma_start3A_46 = tpu.memref_squeeze %dma_start3A_45 : memref<1x8192xf32, #tpu.memory_space<hbm>> -> memref<8192xf32, #tpu.memory_space<hbm>>
      %dma_start3A_47 = arith.constant 0 : i32
      %dma_start3A_48 = tpu.memref_slice %arg5[%select_n3A, %dma_start3A_47] : memref<8x8192xf32, #tpu.memory_space<hbm>> -> memref<1x8192xf32, #tpu.memory_space<hbm>>
      %dma_start3A_49 = tpu.memref_squeeze %dma_start3A_48 : memref<1x8192xf32, #tpu.memory_space<hbm>> -> memref<8192xf32, #tpu.memory_space<hbm>>
      tpu.enqueue_dma source(%dma_start3A_49 : memref<8192xf32, #tpu.memory_space<hbm>>) target(%arg9 : memref<8192xf32, #tpu.memory_space<vmem>>) target_semaphore(%run_scoped3A : memref<!tpu.dma_semaphore, #tpu.memory_space<semaphore_mem>>)
      %dma_wait3A = arith.constant 0 : i32
      %dma_wait3A_50 = tpu.memref_slice %arg5[%select_n3A, %dma_wait3A] : memref<8x8192xf32, #tpu.memory_space<hbm>> -> memref<1x8192xf32, #tpu.memory_space<hbm>>
      %dma_wait3A_51 = tpu.memref_squeeze %dma_wait3A_50 : memref<1x8192xf32, #tpu.memory_space<hbm>> -> memref<8192xf32, #tpu.memory_space<hbm>>
      %dma_wait3A_52 = arith.constant 0 : i32
      %dma_wait3A_53 = tpu.memref_slice %arg5[%select_n3A, %dma_wait3A_52] : memref<8x8192xf32, #tpu.memory_space<hbm>> -> memref<1x8192xf32, #tpu.memory_space<hbm>>
      %dma_wait3A_54 = tpu.memref_squeeze %dma_wait3A_53 : memref<1x8192xf32, #tpu.memory_space<hbm>> -> memref<8192xf32, #tpu.memory_space<hbm>>
      tpu.wait_dma2 semaphore(%run_scoped3A : memref<!tpu.dma_semaphore, #tpu.memory_space<semaphore_mem>>) src(%dma_wait3A_54 : memref<8192xf32, #tpu.memory_space<hbm>>) dst(%arg9 : memref<8192xf32, #tpu.memory_space<vmem>>)
      tpu.yield
    }) : () -> ()
    "tpu.region"() ({
      %run_scoped3A = tpu.sem_alloc : memref<!tpu.dma_semaphore, #tpu.memory_space<semaphore_mem>>
      %dma_start3A = arith.constant 0 : i32
      %dma_start3A_45 = tpu.memref_slice %arg2[%select_n3A, %mul3A_32, %dma_start3A] : memref<8x512x512xi32, #tpu.memory_space<hbm>> -> memref<1x128x512xi32, #tpu.memory_space<hbm>>
      %dma_start3A_46 = tpu.memref_squeeze %dma_start3A_45 : memref<1x128x512xi32, #tpu.memory_space<hbm>> -> memref<128x512xi32, #tpu.memory_space<hbm>>
      %dma_start3A_47 = arith.constant 0 : i32
      %dma_start3A_48 = tpu.memref_slice %arg2[%select_n3A, %mul3A_32, %dma_start3A_47] : memref<8x512x512xi32, #tpu.memory_space<hbm>> -> memref<1x128x512xi32, #tpu.memory_space<hbm>>
      %dma_start3A_49 = tpu.memref_squeeze %dma_start3A_48 : memref<1x128x512xi32, #tpu.memory_space<hbm>> -> memref<128x512xi32, #tpu.memory_space<hbm>>
      tpu.enqueue_dma source(%dma_start3A_49 : memref<128x512xi32, #tpu.memory_space<hbm>>) target(%arg10 : memref<128x512xi32, #tpu.memory_space<vmem>>) target_semaphore(%run_scoped3A : memref<!tpu.dma_semaphore, #tpu.memory_space<semaphore_mem>>)
      %dma_wait3A = arith.constant 0 : i32
      %dma_wait3A_50 = tpu.memref_slice %arg2[%select_n3A, %mul3A_32, %dma_wait3A] : memref<8x512x512xi32, #tpu.memory_space<hbm>> -> memref<1x128x512xi32, #tpu.memory_space<hbm>>
      %dma_wait3A_51 = tpu.memref_squeeze %dma_wait3A_50 : memref<1x128x512xi32, #tpu.memory_space<hbm>> -> memref<128x512xi32, #tpu.memory_space<hbm>>
      %dma_wait3A_52 = arith.constant 0 : i32
      %dma_wait3A_53 = tpu.memref_slice %arg2[%select_n3A, %mul3A_32, %dma_wait3A_52] : memref<8x512x512xi32, #tpu.memory_space<hbm>> -> memref<1x128x512xi32, #tpu.memory_space<hbm>>
      %dma_wait3A_54 = tpu.memref_squeeze %dma_wait3A_53 : memref<1x128x512xi32, #tpu.memory_space<hbm>> -> memref<128x512xi32, #tpu.memory_space<hbm>>
      tpu.wait_dma2 semaphore(%run_scoped3A : memref<!tpu.dma_semaphore, #tpu.memory_space<semaphore_mem>>) src(%dma_wait3A_54 : memref<128x512xi32, #tpu.memory_space<hbm>>) dst(%arg10 : memref<128x512xi32, #tpu.memory_space<vmem>>)
      tpu.yield
    }) : () -> ()
    %iota3A = tpu.iota {dimensions = array<i32: 0>} : vector<16xi32>
    %broadcast_in_dim3A = arith.constant 0.000000e+00 : f32
    %broadcast_in_dim3A_33 = vector.broadcast %broadcast_in_dim3A : f32 to vector<16xf32>
    %scan3A = arith.constant 0 : i32
    %scan3A_34 = arith.constant 0 : i32
    %scan3A_35 = arith.constant 512 : i32
    %scan3A_36 = arith.addi %scan3A_34, %scan3A_35 : i32
    %scan3A_37 = arith.constant 1 : i32
    scf.for %scan3A_45 = %scan3A_34 to %scan3A_36 step %scan3A_37  : i32 {
      %swap3A = arith.index_cast %scan3A_45 : i32 to index
      %swap3A_46 = arith.constant 0 : index
      %swap3A_47 = tpu.vector_load %arg13[%swap3A, %swap3A_46] {strides = array<i32>} : memref<512x16xf32, #tpu.memory_space<vmem>>, vector<16xf32>,
      tpu.vector_store %arg13[%swap3A, %swap3A_46], %broadcast_in_dim3A_33 {strides = array<i32>} : memref<512x16xf32, #tpu.memory_space<vmem>>, vector<16xf32>,
    }
    %scan3A_38 = arith.constant 512 : i32
    %scan3A_39 = arith.constant 0 : i32
    %scan3A_40 = arith.constant 0 : i32
    %scan3A_41 = arith.constant 128 : i32
    %scan3A_42 = arith.addi %scan3A_40, %scan3A_41 : i32
    %scan3A_43 = arith.constant 1 : i32
    scf.for %scan3A_45 = %scan3A_40 to %scan3A_42 step %scan3A_43  : i32 {
      %broadcast_in_dim3A_46 = arith.constant 0 : i32
      %broadcast_in_dim3A_47 = vector.broadcast %broadcast_in_dim3A_46 : i32 to vector<16xi32>
      %get3A = arith.index_cast %scan3A_45 : i32 to index
      %get3A_48 = arith.constant 0 : index
      %get3A_49 = tpu.vector_load %arg10[%get3A, %get3A_48] {strides = array<i32>} : memref<128x512xi32, #tpu.memory_space<vmem>>, vector<16xi32>,
      %ne3A_50 = arith.constant 0 : i32
      %ne3A_51 = vector.broadcast %ne3A_50 : i32 to vector<16xi32>
      %ne3A_52 = arith.cmpi ne, %get3A_49, %ne3A_51 : vector<16xi32>
      %convert_element_type3A = arith.extui %ne3A_52 : vector<16xi1> to vector<16xi32>
      %broadcast_in_dim3A_53 = arith.constant true
      %broadcast_in_dim3A_54 = vector.broadcast %broadcast_in_dim3A_53 : i1 to vector<16xi1>
      %masked_cumsum3A = tpu.scan <sum>, %convert_element_type3A masked %broadcast_in_dim3A_54 : vector<16xi32>, vector<16xi1> -> vector<16xi32>
      %add3A_55 = arith.addi %broadcast_in_dim3A_47, %masked_cumsum3A : vector<16xi32>
      %sub3A_56 = arith.constant 1 : i32
      %sub3A_57 = vector.broadcast %sub3A_56 : i32 to vector<16xi32>
      %sub3A_58 = arith.subi %add3A_55, %sub3A_57 : vector<16xi32>
      %add3A_59 = arith.constant 0 : i32
      %add3A_60 = vector.broadcast %add3A_59 : i32 to vector<16xi32>
      %add3A_61 = arith.addi %add3A_60, %iota3A : vector<16xi32>
      tpu.vector_store_idx %arg12[%sub3A_58], %add3A_61 masked %ne3A_52 : memref<528xi32, #tpu.memory_space<vmem>>[vector<16xi32>], vector<16xi32>, vector<16xi1>
      %all_reduce_population_count3A = tpu.all_reduce %ne3A_52 {dim = 0 : i64, kind = #tpu.reduction_kind<sum>} : vector<16xi1> -> vector<16xi32>
      %add3A_62 = arith.addi %broadcast_in_dim3A_47, %all_reduce_population_count3A : vector<16xi32>
      %get3A_63 = arith.index_cast %scan3A_45 : i32 to index
      %get3A_64 = arith.constant 16 : index
      %get3A_65 = tpu.vector_load %arg10[%get3A_63, %get3A_64] {strides = array<i32>} : memref<128x512xi32, #tpu.memory_space<vmem>>, vector<16xi32>,
      %ne3A_66 = arith.constant 0 : i32
      %ne3A_67 = vector.broadcast %ne3A_66 : i32 to vector<16xi32>
      %ne3A_68 = arith.cmpi ne, %get3A_65, %ne3A_67 : vector<16xi32>
      %convert_element_type3A_69 = arith.extui %ne3A_68 : vector<16xi1> to vector<16xi32>
      %broadcast_in_dim3A_70 = arith.constant true
      %broadcast_in_dim3A_71 = vector.broadcast %broadcast_in_dim3A_70 : i1 to vector<16xi1>
      %masked_cumsum3A_72 = tpu.scan <sum>, %convert_element_type3A_69 masked %broadcast_in_dim3A_71 : vector<16xi32>, vector<16xi1> -> vector<16xi32>
      %add3A_73 = arith.addi %add3A_62, %masked_cumsum3A_72 : vector<16xi32>
      %sub3A_74 = arith.constant 1 : i32
      %sub3A_75 = vector.broadcast %sub3A_74 : i32 to vector<16xi32>
      %sub3A_76 = arith.subi %add3A_73, %sub3A_75 : vector<16xi32>
      %add3A_77 = arith.constant 16 : i32
      %add3A_78 = vector.broadcast %add3A_77 : i32 to vector<16xi32>
      %add3A_79 = arith.addi %add3A_78, %iota3A : vector<16xi32>
      tpu.vector_store_idx %arg12[%sub3A_76], %add3A_79 masked %ne3A_68 : memref<528xi32, #tpu.memory_space<vmem>>[vector<16xi32>], vector<16xi32>, vector<16xi1>
      %all_reduce_population_count3A_80 = tpu.all_reduce %ne3A_68 {dim = 0 : i64, kind = #tpu.reduction_kind<sum>} : vector<16xi1> -> vector<16xi32>
      %add3A_81 = arith.addi %add3A_62, %all_reduce_population_count3A_80 : vector<16xi32>
      %get3A_82 = arith.index_cast %scan3A_45 : i32 to index
      %get3A_83 = arith.constant 32 : index
      %get3A_84 = tpu.vector_load %arg10[%get3A_82, %get3A_83] {strides = array<i32>} : memref<128x512xi32, #tpu.memory_space<vmem>>, vector<16xi32>,
      %ne3A_85 = arith.constant 0 : i32
      %ne3A_86 = vector.broadcast %ne3A_85 : i32 to vector<16xi32>
      %ne3A_87 = arith.cmpi ne, %get3A_84, %ne3A_86 : vector<16xi32>
      %convert_element_type3A_88 = arith.extui %ne3A_87 : vector<16xi1> to vector<16xi32>
      %broadcast_in_dim3A_89 = arith.constant true
      %broadcast_in_dim3A_90 = vector.broadcast %broadcast_in_dim3A_89 : i1 to vector<16xi1>
      %masked_cumsum3A_91 = tpu.scan <sum>, %convert_element_type3A_88 masked %broadcast_in_dim3A_90 : vector<16xi32>, vector<16xi1> -> vector<16xi32>
      %add3A_92 = arith.addi %add3A_81, %masked_cumsum3A_91 : vector<16xi32>
      %sub3A_93 = arith.constant 1 : i32
      %sub3A_94 = vector.broadcast %sub3A_93 : i32 to vector<16xi32>
      %sub3A_95 = arith.subi %add3A_92, %sub3A_94 : vector<16xi32>
      %add3A_96 = arith.constant 32 : i32
      %add3A_97 = vector.broadcast %add3A_96 : i32 to vector<16xi32>
      %add3A_98 = arith.addi %add3A_97, %iota3A : vector<16xi32>
      tpu.vector_store_idx %arg12[%sub3A_95], %add3A_98 masked %ne3A_87 : memref<528xi32, #tpu.memory_space<vmem>>[vector<16xi32>], vector<16xi32>, vector<16xi1>
      %all_reduce_population_count3A_99 = tpu.all_reduce %ne3A_87 {dim = 0 : i64, kind = #tpu.reduction_kind<sum>} : vector<16xi1> -> vector<16xi32>
      %add3A_100 = arith.addi %add3A_81, %all_reduce_population_count3A_99 : vector<16xi32>
      %get3A_101 = arith.index_cast %scan3A_45 : i32 to index
      %get3A_102 = arith.constant 48 : index
      %get3A_103 = tpu.vector_load %arg10[%get3A_101, %get3A_102] {strides = array<i32>} : memref<128x512xi32, #tpu.memory_space<vmem>>, vector<16xi32>,
      %ne3A_104 = arith.constant 0 : i32
      %ne3A_105 = vector.broadcast %ne3A_104 : i32 to vector<16xi32>
      %ne3A_106 = arith.cmpi ne, %get3A_103, %ne3A_105 : vector<16xi32>
      %convert_element_type3A_107 = arith.extui %ne3A_106 : vector<16xi1> to vector<16xi32>
      %broadcast_in_dim3A_108 = arith.constant true
      %broadcast_in_dim3A_109 = vector.broadcast %broadcast_in_dim3A_108 : i1 to vector<16xi1>
      %masked_cumsum3A_110 = tpu.scan <sum>, %convert_element_type3A_107 masked %broadcast_in_dim3A_109 : vector<16xi32>, vector<16xi1> -> vector<16xi32>
      %add3A_111 = arith.addi %add3A_100, %masked_cumsum3A_110 : vector<16xi32>
      %sub3A_112 = arith.constant 1 : i32
      %sub3A_113 = vector.broadcast %sub3A_112 : i32 to vector<16xi32>
      %sub3A_114 = arith.subi %add3A_111, %sub3A_113 : vector<16xi32>
      %add3A_115 = arith.constant 48 : i32
      %add3A_116 = vector.broadcast %add3A_115 : i32 to vector<16xi32>
      %add3A_117 = arith.addi %add3A_116, %iota3A : vector<16xi32>
      tpu.vector_store_idx %arg12[%sub3A_114], %add3A_117 masked %ne3A_106 : memref<528xi32, #tpu.memory_space<vmem>>[vector<16xi32>], vector<16xi32>, vector<16xi1>
      %all_reduce_population_count3A_118 = tpu.all_reduce %ne3A_106 {dim = 0 : i64, kind = #tpu.reduction_kind<sum>} : vector<16xi1> -> vector<16xi32>
      %add3A_119 = arith.addi %add3A_100, %all_reduce_population_count3A_118 : vector<16xi32>
      %get3A_120 = arith.index_cast %scan3A_45 : i32 to index
      %get3A_121 = arith.constant 64 : index
      %get3A_122 = tpu.vector_load %arg10[%get3A_120, %get3A_121] {strides = array<i32>} : memref<128x512xi32, #tpu.memory_space<vmem>>, vector<16xi32>,
      %ne3A_123 = arith.constant 0 : i32
      %ne3A_124 = vector.broadcast %ne3A_123 : i32 to vector<16xi32>
      %ne3A_125 = arith.cmpi ne, %get3A_122, %ne3A_124 : vector<16xi32>
      %convert_element_type3A_126 = arith.extui %ne3A_125 : vector<16xi1> to vector<16xi32>
      %broadcast_in_dim3A_127 = arith.constant true
      %broadcast_in_dim3A_128 = vector.broadcast %broadcast_in_dim3A_127 : i1 to vector<16xi1>
      %masked_cumsum3A_129 = tpu.scan <sum>, %convert_element_type3A_126 masked %broadcast_in_dim3A_128 : vector<16xi32>, vector<16xi1> -> vector<16xi32>
      %add3A_130 = arith.addi %add3A_119, %masked_cumsum3A_129 : vector<16xi32>
      %sub3A_131 = arith.constant 1 : i32
      %sub3A_132 = vector.broadcast %sub3A_131 : i32 to vector<16xi32>
      %sub3A_133 = arith.subi %add3A_130, %sub3A_132 : vector<16xi32>
      %add3A_134 = arith.constant 64 : i32
      %add3A_135 = vector.broadcast %add3A_134 : i32 to vector<16xi32>
      %add3A_136 = arith.addi %add3A_135, %iota3A : vector<16xi32>
      tpu.vector_store_idx %arg12[%sub3A_133], %add3A_136 masked %ne3A_125 : memref<528xi32, #tpu.memory_space<vmem>>[vector<16xi32>], vector<16xi32>, vector<16xi1>
      %all_reduce_population_count3A_137 = tpu.all_reduce %ne3A_125 {dim = 0 : i64, kind = #tpu.reduction_kind<sum>} : vector<16xi1> -> vector<16xi32>
      %add3A_138 = arith.addi %add3A_119, %all_reduce_population_count3A_137 : vector<16xi32>
      %get3A_139 = arith.index_cast %scan3A_45 : i32 to index
      %get3A_140 = arith.constant 80 : index
      %get3A_141 = tpu.vector_load %arg10[%get3A_139, %get3A_140] {strides = array<i32>} : memref<128x512xi32, #tpu.memory_space<vmem>>, vector<16xi32>,
      %ne3A_142 = arith.constant 0 : i32
      %ne3A_143 = vector.broadcast %ne3A_142 : i32 to vector<16xi32>
      %ne3A_144 = arith.cmpi ne, %get3A_141, %ne3A_143 : vector<16xi32>
      %convert_element_type3A_145 = arith.extui %ne3A_144 : vector<16xi1> to vector<16xi32>
      %broadcast_in_dim3A_146 = arith.constant true
      %broadcast_in_dim3A_147 = vector.broadcast %broadcast_in_dim3A_146 : i1 to vector<16xi1>
      %masked_cumsum3A_148 = tpu.scan <sum>, %convert_element_type3A_145 masked %broadcast_in_dim3A_147 : vector<16xi32>, vector<16xi1> -> vector<16xi32>
      %add3A_149 = arith.addi %add3A_138, %masked_cumsum3A_148 : vector<16xi32>
      %sub3A_150 = arith.constant 1 : i32
      %sub3A_151 = vector.broadcast %sub3A_150 : i32 to vector<16xi32>
      %sub3A_152 = arith.subi %add3A_149, %sub3A_151 : vector<16xi32>
      %add3A_153 = arith.constant 80 : i32
      %add3A_154 = vector.broadcast %add3A_153 : i32 to vector<16xi32>
      %add3A_155 = arith.addi %add3A_154, %iota3A : vector<16xi32>
      tpu.vector_store_idx %arg12[%sub3A_152], %add3A_155 masked %ne3A_144 : memref<528xi32, #tpu.memory_space<vmem>>[vector<16xi32>], vector<16xi32>, vector<16xi1>
      %all_reduce_population_count3A_156 = tpu.all_reduce %ne3A_144 {dim = 0 : i64, kind = #tpu.reduction_kind<sum>} : vector<16xi1> -> vector<16xi32>
      %add3A_157 = arith.addi %add3A_138, %all_reduce_population_count3A_156 : vector<16xi32>
      %get3A_158 = arith.index_cast %scan3A_45 : i32 to index
      %get3A_159 = arith.constant 96 : index
      %get3A_160 = tpu.vector_load %arg10[%get3A_158, %get3A_159] {strides = array<i32>} : memref<128x512xi32, #tpu.memory_space<vmem>>, vector<16xi32>,
      %ne3A_161 = arith.constant 0 : i32
      %ne3A_162 = vector.broadcast %ne3A_161 : i32 to vector<16xi32>
      %ne3A_163 = arith.cmpi ne, %get3A_160, %ne3A_162 : vector<16xi32>
      %convert_element_type3A_164 = arith.extui %ne3A_163 : vector<16xi1> to vector<16xi32>
      %broadcast_in_dim3A_165 = arith.constant true
      %broadcast_in_dim3A_166 = vector.broadcast %broadcast_in_dim3A_165 : i1 to vector<16xi1>
      %masked_cumsum3A_167 = tpu.scan <sum>, %convert_element_type3A_164 masked %broadcast_in_dim3A_166 : vector<16xi32>, vector<16xi1> -> vector<16xi32>
      %add3A_168 = arith.addi %add3A_157, %masked_cumsum3A_167 : vector<16xi32>
      %sub3A_169 = arith.constant 1 : i32
      %sub3A_170 = vector.broadcast %sub3A_169 : i32 to vector<16xi32>
      %sub3A_171 = arith.subi %add3A_168, %sub3A_170 : vector<16xi32>
      %add3A_172 = arith.constant 96 : i32
      %add3A_173 = vector.broadcast %add3A_172 : i32 to vector<16xi32>
      %add3A_174 = arith.addi %add3A_173, %iota3A : vector<16xi32>
      tpu.vector_store_idx %arg12[%sub3A_171], %add3A_174 masked %ne3A_163 : memref<528xi32, #tpu.memory_space<vmem>>[vector<16xi32>], vector<16xi32>, vector<16xi1>
      %all_reduce_population_count3A_175 = tpu.all_reduce %ne3A_163 {dim = 0 : i64, kind = #tpu.reduction_kind<sum>} : vector<16xi1> -> vector<16xi32>
      %add3A_176 = arith.addi %add3A_157, %all_reduce_population_count3A_175 : vector<16xi32>
      %get3A_177 = arith.index_cast %scan3A_45 : i32 to index
      %get3A_178 = arith.constant 112 : index
      %get3A_179 = tpu.vector_load %arg10[%get3A_177, %get3A_178] {strides = array<i32>} : memref<128x512xi32, #tpu.memory_space<vmem>>, vector<16xi32>,
      %ne3A_180 = arith.constant 0 : i32
      %ne3A_181 = vector.broadcast %ne3A_180 : i32 to vector<16xi32>
      %ne3A_182 = arith.cmpi ne, %get3A_179, %ne3A_181 : vector<16xi32>
      %convert_element_type3A_183 = arith.extui %ne3A_182 : vector<16xi1> to vector<16xi32>
      %broadcast_in_dim3A_184 = arith.constant true
      %broadcast_in_dim3A_185 = vector.broadcast %broadcast_in_dim3A_184 : i1 to vector<16xi1>
      %masked_cumsum3A_186 = tpu.scan <sum>, %convert_element_type3A_183 masked %broadcast_in_dim3A_185 : vector<16xi32>, vector<16xi1> -> vector<16xi32>
      %add3A_187 = arith.addi %add3A_176, %masked_cumsum3A_186 : vector<16xi32>
      %sub3A_188 = arith.constant 1 : i32
      %sub3A_189 = vector.broadcast %sub3A_188 : i32 to vector<16xi32>
      %sub3A_190 = arith.subi %add3A_187, %sub3A_189 : vector<16xi32>
      %add3A_191 = arith.constant 112 : i32
      %add3A_192 = vector.broadcast %add3A_191 : i32 to vector<16xi32>
      %add3A_193 = arith.addi %add3A_192, %iota3A : vector<16xi32>
      tpu.vector_store_idx %arg12[%sub3A_190], %add3A_193 masked %ne3A_182 : memref<528xi32, #tpu.memory_space<vmem>>[vector<16xi32>], vector<16xi32>, vector<16xi1>
      %all_reduce_population_count3A_194 = tpu.all_reduce %ne3A_182 {dim = 0 : i64, kind = #tpu.reduction_kind<sum>} : vector<16xi1> -> vector<16xi32>
      %add3A_195 = arith.addi %add3A_176, %all_reduce_population_count3A_194 : vector<16xi32>
      %get3A_196 = arith.index_cast %scan3A_45 : i32 to index
      %get3A_197 = arith.constant 128 : index
      %get3A_198 = tpu.vector_load %arg10[%get3A_196, %get3A_197] {strides = array<i32>} : memref<128x512xi32, #tpu.memory_space<vmem>>, vector<16xi32>,
      %ne3A_199 = arith.constant 0 : i32
      %ne3A_200 = vector.broadcast %ne3A_199 : i32 to vector<16xi32>
      %ne3A_201 = arith.cmpi ne, %get3A_198, %ne3A_200 : vector<16xi32>
      %convert_element_type3A_202 = arith.extui %ne3A_201 : vector<16xi1> to vector<16xi32>
      %broadcast_in_dim3A_203 = arith.constant true
      %broadcast_in_dim3A_204 = vector.broadcast %broadcast_in_dim3A_203 : i1 to vector<16xi1>
      %masked_cumsum3A_205 = tpu.scan <sum>, %convert_element_type3A_202 masked %broadcast_in_dim3A_204 : vector<16xi32>, vector<16xi1> -> vector<16xi32>
      %add3A_206 = arith.addi %add3A_195, %masked_cumsum3A_205 : vector<16xi32>
      %sub3A_207 = arith.constant 1 : i32
      %sub3A_208 = vector.broadcast %sub3A_207 : i32 to vector<16xi32>
      %sub3A_209 = arith.subi %add3A_206, %sub3A_208 : vector<16xi32>
      %add3A_210 = arith.constant 128 : i32
      %add3A_211 = vector.broadcast %add3A_210 : i32 to vector<16xi32>
      %add3A_212 = arith.addi %add3A_211, %iota3A : vector<16xi32>
      tpu.vector_store_idx %arg12[%sub3A_209], %add3A_212 masked %ne3A_201 : memref<528xi32, #tpu.memory_space<vmem>>[vector<16xi32>], vector<16xi32>, vector<16xi1>
      %all_reduce_population_count3A_213 = tpu.all_reduce %ne3A_201 {dim = 0 : i64, kind = #tpu.reduction_kind<sum>} : vector<16xi1> -> vector<16xi32>
      %add3A_214 = arith.addi %add3A_195, %all_reduce_population_count3A_213 : vector<16xi32>
      %get3A_215 = arith.index_cast %scan3A_45 : i32 to index
      %get3A_216 = arith.constant 144 : index
      %get3A_217 = tpu.vector_load %arg10[%get3A_215, %get3A_216] {strides = array<i32>} : memref<128x512xi32, #tpu.memory_space<vmem>>, vector<16xi32>,
      %ne3A_218 = arith.constant 0 : i32
      %ne3A_219 = vector.broadcast %ne3A_218 : i32 to vector<16xi32>
      %ne3A_220 = arith.cmpi ne, %get3A_217, %ne3A_219 : vector<16xi32>
      %convert_element_type3A_221 = arith.extui %ne3A_220 : vector<16xi1> to vector<16xi32>
      %broadcast_in_dim3A_222 = arith.constant true
      %broadcast_in_dim3A_223 = vector.broadcast %broadcast_in_dim3A_222 : i1 to vector<16xi1>
      %masked_cumsum3A_224 = tpu.scan <sum>, %convert_element_type3A_221 masked %broadcast_in_dim3A_223 : vector<16xi32>, vector<16xi1> -> vector<16xi32>
      %add3A_225 = arith.addi %add3A_214, %masked_cumsum3A_224 : vector<16xi32>
      %sub3A_226 = arith.constant 1 : i32
      %sub3A_227 = vector.broadcast %sub3A_226 : i32 to vector<16xi32>
      %sub3A_228 = arith.subi %add3A_225, %sub3A_227 : vector<16xi32>
      %add3A_229 = arith.constant 144 : i32
      %add3A_230 = vector.broadcast %add3A_229 : i32 to vector<16xi32>
      %add3A_231 = arith.addi %add3A_230, %iota3A : vector<16xi32>
      tpu.vector_store_idx %arg12[%sub3A_228], %add3A_231 masked %ne3A_220 : memref<528xi32, #tpu.memory_space<vmem>>[vector<16xi32>], vector<16xi32>, vector<16xi1>
      %all_reduce_population_count3A_232 = tpu.all_reduce %ne3A_220 {dim = 0 : i64, kind = #tpu.reduction_kind<sum>} : vector<16xi1> -> vector<16xi32>
      %add3A_233 = arith.addi %add3A_214, %all_reduce_population_count3A_232 : vector<16xi32>
      %get3A_234 = arith.index_cast %scan3A_45 : i32 to index
      %get3A_235 = arith.constant 160 : index
      %get3A_236 = tpu.vector_load %arg10[%get3A_234, %get3A_235] {strides = array<i32>} : memref<128x512xi32, #tpu.memory_space<vmem>>, vector<16xi32>,
      %ne3A_237 = arith.constant 0 : i32
      %ne3A_238 = vector.broadcast %ne3A_237 : i32 to vector<16xi32>
      %ne3A_239 = arith.cmpi ne, %get3A_236, %ne3A_238 : vector<16xi32>
      %convert_element_type3A_240 = arith.extui %ne3A_239 : vector<16xi1> to vector<16xi32>
      %broadcast_in_dim3A_241 = arith.constant true
      %broadcast_in_dim3A_242 = vector.broadcast %broadcast_in_dim3A_241 : i1 to vector<16xi1>
      %masked_cumsum3A_243 = tpu.scan <sum>, %convert_element_type3A_240 masked %broadcast_in_dim3A_242 : vector<16xi32>, vector<16xi1> -> vector<16xi32>
      %add3A_244 = arith.addi %add3A_233, %masked_cumsum3A_243 : vector<16xi32>
      %sub3A_245 = arith.constant 1 : i32
      %sub3A_246 = vector.broadcast %sub3A_245 : i32 to vector<16xi32>
      %sub3A_247 = arith.subi %add3A_244, %sub3A_246 : vector<16xi32>
      %add3A_248 = arith.constant 160 : i32
      %add3A_249 = vector.broadcast %add3A_248 : i32 to vector<16xi32>
      %add3A_250 = arith.addi %add3A_249, %iota3A : vector<16xi32>
      tpu.vector_store_idx %arg12[%sub3A_247], %add3A_250 masked %ne3A_239 : memref<528xi32, #tpu.memory_space<vmem>>[vector<16xi32>], vector<16xi32>, vector<16xi1>
      %all_reduce_population_count3A_251 = tpu.all_reduce %ne3A_239 {dim = 0 : i64, kind = #tpu.reduction_kind<sum>} : vector<16xi1> -> vector<16xi32>
      %add3A_252 = arith.addi %add3A_233, %all_reduce_population_count3A_251 : vector<16xi32>
      %get3A_253 = arith.index_cast %scan3A_45 : i32 to index
      %get3A_254 = arith.constant 176 : index
      %get3A_255 = tpu.vector_load %arg10[%get3A_253, %get3A_254] {strides = array<i32>} : memref<128x512xi32, #tpu.memory_space<vmem>>, vector<16xi32>,
      %ne3A_256 = arith.constant 0 : i32
      %ne3A_257 = vector.broadcast %ne3A_256 : i32 to vector<16xi32>
      %ne3A_258 = arith.cmpi ne, %get3A_255, %ne3A_257 : vector<16xi32>
      %convert_element_type3A_259 = arith.extui %ne3A_258 : vector<16xi1> to vector<16xi32>
      %broadcast_in_dim3A_260 = arith.constant true
      %broadcast_in_dim3A_261 = vector.broadcast %broadcast_in_dim3A_260 : i1 to vector<16xi1>
      %masked_cumsum3A_262 = tpu.scan <sum>, %convert_element_type3A_259 masked %broadcast_in_dim3A_261 : vector<16xi32>, vector<16xi1> -> vector<16xi32>
      %add3A_263 = arith.addi %add3A_252, %masked_cumsum3A_262 : vector<16xi32>
      %sub3A_264 = arith.constant 1 : i32
      %sub3A_265 = vector.broadcast %sub3A_264 : i32 to vector<16xi32>
      %sub3A_266 = arith.subi %add3A_263, %sub3A_265 : vector<16xi32>
      %add3A_267 = arith.constant 176 : i32
      %add3A_268 = vector.broadcast %add3A_267 : i32 to vector<16xi32>
      %add3A_269 = arith.addi %add3A_268, %iota3A : vector<16xi32>
      tpu.vector_store_idx %arg12[%sub3A_266], %add3A_269 masked %ne3A_258 : memref<528xi32, #tpu.memory_space<vmem>>[vector<16xi32>], vector<16xi32>, vector<16xi1>
      %all_reduce_population_count3A_270 = tpu.all_reduce %ne3A_258 {dim = 0 : i64, kind = #tpu.reduction_kind<sum>} : vector<16xi1> -> vector<16xi32>
      %add3A_271 = arith.addi %add3A_252, %all_reduce_population_count3A_270 : vector<16xi32>
      %get3A_272 = arith.index_cast %scan3A_45 : i32 to index
      %get3A_273 = arith.constant 192 : index
      %get3A_274 = tpu.vector_load %arg10[%get3A_272, %get3A_273] {strides = array<i32>} : memref<128x512xi32, #tpu.memory_space<vmem>>, vector<16xi32>,
      %ne3A_275 = arith.constant 0 : i32
      %ne3A_276 = vector.broadcast %ne3A_275 : i32 to vector<16xi32>
      %ne3A_277 = arith.cmpi ne, %get3A_274, %ne3A_276 : vector<16xi32>
      %convert_element_type3A_278 = arith.extui %ne3A_277 : vector<16xi1> to vector<16xi32>
      %broadcast_in_dim3A_279 = arith.constant true
      %broadcast_in_dim3A_280 = vector.broadcast %broadcast_in_dim3A_279 : i1 to vector<16xi1>
      %masked_cumsum3A_281 = tpu.scan <sum>, %convert_element_type3A_278 masked %broadcast_in_dim3A_280 : vector<16xi32>, vector<16xi1> -> vector<16xi32>
      %add3A_282 = arith.addi %add3A_271, %masked_cumsum3A_281 : vector<16xi32>
      %sub3A_283 = arith.constant 1 : i32
      %sub3A_284 = vector.broadcast %sub3A_283 : i32 to vector<16xi32>
      %sub3A_285 = arith.subi %add3A_282, %sub3A_284 : vector<16xi32>
      %add3A_286 = arith.constant 192 : i32
      %add3A_287 = vector.broadcast %add3A_286 : i32 to vector<16xi32>
      %add3A_288 = arith.addi %add3A_287, %iota3A : vector<16xi32>
      tpu.vector_store_idx %arg12[%sub3A_285], %add3A_288 masked %ne3A_277 : memref<528xi32, #tpu.memory_space<vmem>>[vector<16xi32>], vector<16xi32>, vector<16xi1>
      %all_reduce_population_count3A_289 = tpu.all_reduce %ne3A_277 {dim = 0 : i64, kind = #tpu.reduction_kind<sum>} : vector<16xi1> -> vector<16xi32>
      %add3A_290 = arith.addi %add3A_271, %all_reduce_population_count3A_289 : vector<16xi32>
      %get3A_291 = arith.index_cast %scan3A_45 : i32 to index
      %get3A_292 = arith.constant 208 : index
      %get3A_293 = tpu.vector_load %arg10[%get3A_291, %get3A_292] {strides = array<i32>} : memref<128x512xi32, #tpu.memory_space<vmem>>, vector<16xi32>,
      %ne3A_294 = arith.constant 0 : i32
      %ne3A_295 = vector.broadcast %ne3A_294 : i32 to vector<16xi32>
      %ne3A_296 = arith.cmpi ne, %get3A_293, %ne3A_295 : vector<16xi32>
      %convert_element_type3A_297 = arith.extui %ne3A_296 : vector<16xi1> to vector<16xi32>
      %broadcast_in_dim3A_298 = arith.constant true
      %broadcast_in_dim3A_299 = vector.broadcast %broadcast_in_dim3A_298 : i1 to vector<16xi1>
      %masked_cumsum3A_300 = tpu.scan <sum>, %convert_element_type3A_297 masked %broadcast_in_dim3A_299 : vector<16xi32>, vector<16xi1> -> vector<16xi32>
      %add3A_301 = arith.addi %add3A_290, %masked_cumsum3A_300 : vector<16xi32>
      %sub3A_302 = arith.constant 1 : i32
      %sub3A_303 = vector.broadcast %sub3A_302 : i32 to vector<16xi32>
      %sub3A_304 = arith.subi %add3A_301, %sub3A_303 : vector<16xi32>
      %add3A_305 = arith.constant 208 : i32
      %add3A_306 = vector.broadcast %add3A_305 : i32 to vector<16xi32>
      %add3A_307 = arith.addi %add3A_306, %iota3A : vector<16xi32>
      tpu.vector_store_idx %arg12[%sub3A_304], %add3A_307 masked %ne3A_296 : memref<528xi32, #tpu.memory_space<vmem>>[vector<16xi32>], vector<16xi32>, vector<16xi1>
      %all_reduce_population_count3A_308 = tpu.all_reduce %ne3A_296 {dim = 0 : i64, kind = #tpu.reduction_kind<sum>} : vector<16xi1> -> vector<16xi32>
      %add3A_309 = arith.addi %add3A_290, %all_reduce_population_count3A_308 : vector<16xi32>
      %get3A_310 = arith.index_cast %scan3A_45 : i32 to index
      %get3A_311 = arith.constant 224 : index
      %get3A_312 = tpu.vector_load %arg10[%get3A_310, %get3A_311] {strides = array<i32>} : memref<128x512xi32, #tpu.memory_space<vmem>>, vector<16xi32>,
      %ne3A_313 = arith.constant 0 : i32
      %ne3A_314 = vector.broadcast %ne3A_313 : i32 to vector<16xi32>
      %ne3A_315 = arith.cmpi ne, %get3A_312, %ne3A_314 : vector<16xi32>
      %convert_element_type3A_316 = arith.extui %ne3A_315 : vector<16xi1> to vector<16xi32>
      %broadcast_in_dim3A_317 = arith.constant true
      %broadcast_in_dim3A_318 = vector.broadcast %broadcast_in_dim3A_317 : i1 to vector<16xi1>
      %masked_cumsum3A_319 = tpu.scan <sum>, %convert_element_type3A_316 masked %broadcast_in_dim3A_318 : vector<16xi32>, vector<16xi1> -> vector<16xi32>
      %add3A_320 = arith.addi %add3A_309, %masked_cumsum3A_319 : vector<16xi32>
      %sub3A_321 = arith.constant 1 : i32
      %sub3A_322 = vector.broadcast %sub3A_321 : i32 to vector<16xi32>
      %sub3A_323 = arith.subi %add3A_320, %sub3A_322 : vector<16xi32>
      %add3A_324 = arith.constant 224 : i32
      %add3A_325 = vector.broadcast %add3A_324 : i32 to vector<16xi32>
      %add3A_326 = arith.addi %add3A_325, %iota3A : vector<16xi32>
      tpu.vector_store_idx %arg12[%sub3A_323], %add3A_326 masked %ne3A_315 : memref<528xi32, #tpu.memory_space<vmem>>[vector<16xi32>], vector<16xi32>, vector<16xi1>
      %all_reduce_population_count3A_327 = tpu.all_reduce %ne3A_315 {dim = 0 : i64, kind = #tpu.reduction_kind<sum>} : vector<16xi1> -> vector<16xi32>
      %add3A_328 = arith.addi %add3A_309, %all_reduce_population_count3A_327 : vector<16xi32>
      %get3A_329 = arith.index_cast %scan3A_45 : i32 to index
      %get3A_330 = arith.constant 240 : index
      %get3A_331 = tpu.vector_load %arg10[%get3A_329, %get3A_330] {strides = array<i32>} : memref<128x512xi32, #tpu.memory_space<vmem>>, vector<16xi32>,
      %ne3A_332 = arith.constant 0 : i32
      %ne3A_333 = vector.broadcast %ne3A_332 : i32 to vector<16xi32>
      %ne3A_334 = arith.cmpi ne, %get3A_331, %ne3A_333 : vector<16xi32>
      %convert_element_type3A_335 = arith.extui %ne3A_334 : vector<16xi1> to vector<16xi32>
      %broadcast_in_dim3A_336 = arith.constant true
      %broadcast_in_dim3A_337 = vector.broadcast %broadcast_in_dim3A_336 : i1 to vector<16xi1>
      %masked_cumsum3A_338 = tpu.scan <sum>, %convert_element_type3A_335 masked %broadcast_in_dim3A_337 : vector<16xi32>, vector<16xi1> -> vector<16xi32>
      %add3A_339 = arith.addi %add3A_328, %masked_cumsum3A_338 : vector<16xi32>
      %sub3A_340 = arith.constant 1 : i32
      %sub3A_341 = vector.broadcast %sub3A_340 : i32 to vector<16xi32>
      %sub3A_342 = arith.subi %add3A_339, %sub3A_341 : vector<16xi32>
      %add3A_343 = arith.constant 240 : i32
      %add3A_344 = vector.broadcast %add3A_343 : i32 to vector<16xi32>
      %add3A_345 = arith.addi %add3A_344, %iota3A : vector<16xi32>
      tpu.vector_store_idx %arg12[%sub3A_342], %add3A_345 masked %ne3A_334 : memref<528xi32, #tpu.memory_space<vmem>>[vector<16xi32>], vector<16xi32>, vector<16xi1>
      %all_reduce_population_count3A_346 = tpu.all_reduce %ne3A_334 {dim = 0 : i64, kind = #tpu.reduction_kind<sum>} : vector<16xi1> -> vector<16xi32>
      %add3A_347 = arith.addi %add3A_328, %all_reduce_population_count3A_346 : vector<16xi32>
      %get3A_348 = arith.index_cast %scan3A_45 : i32 to index
      %get3A_349 = arith.constant 256 : index
      %get3A_350 = tpu.vector_load %arg10[%get3A_348, %get3A_349] {strides = array<i32>} : memref<128x512xi32, #tpu.memory_space<vmem>>, vector<16xi32>,
      %ne3A_351 = arith.constant 0 : i32
      %ne3A_352 = vector.broadcast %ne3A_351 : i32 to vector<16xi32>
      %ne3A_353 = arith.cmpi ne, %get3A_350, %ne3A_352 : vector<16xi32>
      %convert_element_type3A_354 = arith.extui %ne3A_353 : vector<16xi1> to vector<16xi32>
      %broadcast_in_dim3A_355 = arith.constant true
      %broadcast_in_dim3A_356 = vector.broadcast %broadcast_in_dim3A_355 : i1 to vector<16xi1>
      %masked_cumsum3A_357 = tpu.scan <sum>, %convert_element_type3A_354 masked %broadcast_in_dim3A_356 : vector<16xi32>, vector<16xi1> -> vector<16xi32>
      %add3A_358 = arith.addi %add3A_347, %masked_cumsum3A_357 : vector<16xi32>
      %sub3A_359 = arith.constant 1 : i32
      %sub3A_360 = vector.broadcast %sub3A_359 : i32 to vector<16xi32>
      %sub3A_361 = arith.subi %add3A_358, %sub3A_360 : vector<16xi32>
      %add3A_362 = arith.constant 256 : i32
      %add3A_363 = vector.broadcast %add3A_362 : i32 to vector<16xi32>
      %add3A_364 = arith.addi %add3A_363, %iota3A : vector<16xi32>
      tpu.vector_store_idx %arg12[%sub3A_361], %add3A_364 masked %ne3A_353 : memref<528xi32, #tpu.memory_space<vmem>>[vector<16xi32>], vector<16xi32>, vector<16xi1>
      %all_reduce_population_count3A_365 = tpu.all_reduce %ne3A_353 {dim = 0 : i64, kind = #tpu.reduction_kind<sum>} : vector<16xi1> -> vector<16xi32>
      %add3A_366 = arith.addi %add3A_347, %all_reduce_population_count3A_365 : vector<16xi32>
      %get3A_367 = arith.index_cast %scan3A_45 : i32 to index
      %get3A_368 = arith.constant 272 : index
      %get3A_369 = tpu.vector_load %arg10[%get3A_367, %get3A_368] {strides = array<i32>} : memref<128x512xi32, #tpu.memory_space<vmem>>, vector<16xi32>,
      %ne3A_370 = arith.constant 0 : i32
      %ne3A_371 = vector.broadcast %ne3A_370 : i32 to vector<16xi32>
      %ne3A_372 = arith.cmpi ne, %get3A_369, %ne3A_371 : vector<16xi32>
      %convert_element_type3A_373 = arith.extui %ne3A_372 : vector<16xi1> to vector<16xi32>
      %broadcast_in_dim3A_374 = arith.constant true
      %broadcast_in_dim3A_375 = vector.broadcast %broadcast_in_dim3A_374 : i1 to vector<16xi1>
      %masked_cumsum3A_376 = tpu.scan <sum>, %convert_element_type3A_373 masked %broadcast_in_dim3A_375 : vector<16xi32>, vector<16xi1> -> vector<16xi32>
      %add3A_377 = arith.addi %add3A_366, %masked_cumsum3A_376 : vector<16xi32>
      %sub3A_378 = arith.constant 1 : i32
      %sub3A_379 = vector.broadcast %sub3A_378 : i32 to vector<16xi32>
      %sub3A_380 = arith.subi %add3A_377, %sub3A_379 : vector<16xi32>
      %add3A_381 = arith.constant 272 : i32
      %add3A_382 = vector.broadcast %add3A_381 : i32 to vector<16xi32>
      %add3A_383 = arith.addi %add3A_382, %iota3A : vector<16xi32>
      tpu.vector_store_idx %arg12[%sub3A_380], %add3A_383 masked %ne3A_372 : memref<528xi32, #tpu.memory_space<vmem>>[vector<16xi32>], vector<16xi32>, vector<16xi1>
      %all_reduce_population_count3A_384 = tpu.all_reduce %ne3A_372 {dim = 0 : i64, kind = #tpu.reduction_kind<sum>} : vector<16xi1> -> vector<16xi32>
      %add3A_385 = arith.addi %add3A_366, %all_reduce_population_count3A_384 : vector<16xi32>
      %get3A_386 = arith.index_cast %scan3A_45 : i32 to index
      %get3A_387 = arith.constant 288 : index
      %get3A_388 = tpu.vector_load %arg10[%get3A_386, %get3A_387] {strides = array<i32>} : memref<128x512xi32, #tpu.memory_space<vmem>>, vector<16xi32>,
      %ne3A_389 = arith.constant 0 : i32
      %ne3A_390 = vector.broadcast %ne3A_389 : i32 to vector<16xi32>
      %ne3A_391 = arith.cmpi ne, %get3A_388, %ne3A_390 : vector<16xi32>
      %convert_element_type3A_392 = arith.extui %ne3A_391 : vector<16xi1> to vector<16xi32>
      %broadcast_in_dim3A_393 = arith.constant true
      %broadcast_in_dim3A_394 = vector.broadcast %broadcast_in_dim3A_393 : i1 to vector<16xi1>
      %masked_cumsum3A_395 = tpu.scan <sum>, %convert_element_type3A_392 masked %broadcast_in_dim3A_394 : vector<16xi32>, vector<16xi1> -> vector<16xi32>
      %add3A_396 = arith.addi %add3A_385, %masked_cumsum3A_395 : vector<16xi32>
      %sub3A_397 = arith.constant 1 : i32
      %sub3A_398 = vector.broadcast %sub3A_397 : i32 to vector<16xi32>
      %sub3A_399 = arith.subi %add3A_396, %sub3A_398 : vector<16xi32>
      %add3A_400 = arith.constant 288 : i32
      %add3A_401 = vector.broadcast %add3A_400 : i32 to vector<16xi32>
      %add3A_402 = arith.addi %add3A_401, %iota3A : vector<16xi32>
      tpu.vector_store_idx %arg12[%sub3A_399], %add3A_402 masked %ne3A_391 : memref<528xi32, #tpu.memory_space<vmem>>[vector<16xi32>], vector<16xi32>, vector<16xi1>
      %all_reduce_population_count3A_403 = tpu.all_reduce %ne3A_391 {dim = 0 : i64, kind = #tpu.reduction_kind<sum>} : vector<16xi1> -> vector<16xi32>
      %add3A_404 = arith.addi %add3A_385, %all_reduce_population_count3A_403 : vector<16xi32>
      %get3A_405 = arith.index_cast %scan3A_45 : i32 to index
      %get3A_406 = arith.constant 304 : index
      %get3A_407 = tpu.vector_load %arg10[%get3A_405, %get3A_406] {strides = array<i32>} : memref<128x512xi32, #tpu.memory_space<vmem>>, vector<16xi32>,
      %ne3A_408 = arith.constant 0 : i32
      %ne3A_409 = vector.broadcast %ne3A_408 : i32 to vector<16xi32>
      %ne3A_410 = arith.cmpi ne, %get3A_407, %ne3A_409 : vector<16xi32>
      %convert_element_type3A_411 = arith.extui %ne3A_410 : vector<16xi1> to vector<16xi32>
      %broadcast_in_dim3A_412 = arith.constant true
      %broadcast_in_dim3A_413 = vector.broadcast %broadcast_in_dim3A_412 : i1 to vector<16xi1>
      %masked_cumsum3A_414 = tpu.scan <sum>, %convert_element_type3A_411 masked %broadcast_in_dim3A_413 : vector<16xi32>, vector<16xi1> -> vector<16xi32>
      %add3A_415 = arith.addi %add3A_404, %masked_cumsum3A_414 : vector<16xi32>
      %sub3A_416 = arith.constant 1 : i32
      %sub3A_417 = vector.broadcast %sub3A_416 : i32 to vector<16xi32>
      %sub3A_418 = arith.subi %add3A_415, %sub3A_417 : vector<16xi32>
      %add3A_419 = arith.constant 304 : i32
      %add3A_420 = vector.broadcast %add3A_419 : i32 to vector<16xi32>
      %add3A_421 = arith.addi %add3A_420, %iota3A : vector<16xi32>
      tpu.vector_store_idx %arg12[%sub3A_418], %add3A_421 masked %ne3A_410 : memref<528xi32, #tpu.memory_space<vmem>>[vector<16xi32>], vector<16xi32>, vector<16xi1>
      %all_reduce_population_count3A_422 = tpu.all_reduce %ne3A_410 {dim = 0 : i64, kind = #tpu.reduction_kind<sum>} : vector<16xi1> -> vector<16xi32>
      %add3A_423 = arith.addi %add3A_404, %all_reduce_population_count3A_422 : vector<16xi32>
      %get3A_424 = arith.index_cast %scan3A_45 : i32 to index
      %get3A_425 = arith.constant 320 : index
      %get3A_426 = tpu.vector_load %arg10[%get3A_424, %get3A_425] {strides = array<i32>} : memref<128x512xi32, #tpu.memory_space<vmem>>, vector<16xi32>,
      %ne3A_427 = arith.constant 0 : i32
      %ne3A_428 = vector.broadcast %ne3A_427 : i32 to vector<16xi32>
      %ne3A_429 = arith.cmpi ne, %get3A_426, %ne3A_428 : vector<16xi32>
      %convert_element_type3A_430 = arith.extui %ne3A_429 : vector<16xi1> to vector<16xi32>
      %broadcast_in_dim3A_431 = arith.constant true
      %broadcast_in_dim3A_432 = vector.broadcast %broadcast_in_dim3A_431 : i1 to vector<16xi1>
      %masked_cumsum3A_433 = tpu.scan <sum>, %convert_element_type3A_430 masked %broadcast_in_dim3A_432 : vector<16xi32>, vector<16xi1> -> vector<16xi32>
      %add3A_434 = arith.addi %add3A_423, %masked_cumsum3A_433 : vector<16xi32>
      %sub3A_435 = arith.constant 1 : i32
      %sub3A_436 = vector.broadcast %sub3A_435 : i32 to vector<16xi32>
      %sub3A_437 = arith.subi %add3A_434, %sub3A_436 : vector<16xi32>
      %add3A_438 = arith.constant 320 : i32
      %add3A_439 = vector.broadcast %add3A_438 : i32 to vector<16xi32>
      %add3A_440 = arith.addi %add3A_439, %iota3A : vector<16xi32>
      tpu.vector_store_idx %arg12[%sub3A_437], %add3A_440 masked %ne3A_429 : memref<528xi32, #tpu.memory_space<vmem>>[vector<16xi32>], vector<16xi32>, vector<16xi1>
      %all_reduce_population_count3A_441 = tpu.all_reduce %ne3A_429 {dim = 0 : i64, kind = #tpu.reduction_kind<sum>} : vector<16xi1> -> vector<16xi32>
      %add3A_442 = arith.addi %add3A_423, %all_reduce_population_count3A_441 : vector<16xi32>
      %get3A_443 = arith.index_cast %scan3A_45 : i32 to index
      %get3A_444 = arith.constant 336 : index
      %get3A_445 = tpu.vector_load %arg10[%get3A_443, %get3A_444] {strides = array<i32>} : memref<128x512xi32, #tpu.memory_space<vmem>>, vector<16xi32>,
      %ne3A_446 = arith.constant 0 : i32
      %ne3A_447 = vector.broadcast %ne3A_446 : i32 to vector<16xi32>
      %ne3A_448 = arith.cmpi ne, %get3A_445, %ne3A_447 : vector<16xi32>
      %convert_element_type3A_449 = arith.extui %ne3A_448 : vector<16xi1> to vector<16xi32>
      %broadcast_in_dim3A_450 = arith.constant true
      %broadcast_in_dim3A_451 = vector.broadcast %broadcast_in_dim3A_450 : i1 to vector<16xi1>
      %masked_cumsum3A_452 = tpu.scan <sum>, %convert_element_type3A_449 masked %broadcast_in_dim3A_451 : vector<16xi32>, vector<16xi1> -> vector<16xi32>
      %add3A_453 = arith.addi %add3A_442, %masked_cumsum3A_452 : vector<16xi32>
      %sub3A_454 = arith.constant 1 : i32
      %sub3A_455 = vector.broadcast %sub3A_454 : i32 to vector<16xi32>
      %sub3A_456 = arith.subi %add3A_453, %sub3A_455 : vector<16xi32>
      %add3A_457 = arith.constant 336 : i32
      %add3A_458 = vector.broadcast %add3A_457 : i32 to vector<16xi32>
      %add3A_459 = arith.addi %add3A_458, %iota3A : vector<16xi32>
      tpu.vector_store_idx %arg12[%sub3A_456], %add3A_459 masked %ne3A_448 : memref<528xi32, #tpu.memory_space<vmem>>[vector<16xi32>], vector<16xi32>, vector<16xi1>
      %all_reduce_population_count3A_460 = tpu.all_reduce %ne3A_448 {dim = 0 : i64, kind = #tpu.reduction_kind<sum>} : vector<16xi1> -> vector<16xi32>
      %add3A_461 = arith.addi %add3A_442, %all_reduce_population_count3A_460 : vector<16xi32>
      %get3A_462 = arith.index_cast %scan3A_45 : i32 to index
      %get3A_463 = arith.constant 352 : index
      %get3A_464 = tpu.vector_load %arg10[%get3A_462, %get3A_463] {strides = array<i32>} : memref<128x512xi32, #tpu.memory_space<vmem>>, vector<16xi32>,
      %ne3A_465 = arith.constant 0 : i32
      %ne3A_466 = vector.broadcast %ne3A_465 : i32 to vector<16xi32>
      %ne3A_467 = arith.cmpi ne, %get3A_464, %ne3A_466 : vector<16xi32>
      %convert_element_type3A_468 = arith.extui %ne3A_467 : vector<16xi1> to vector<16xi32>
      %broadcast_in_dim3A_469 = arith.constant true
      %broadcast_in_dim3A_470 = vector.broadcast %broadcast_in_dim3A_469 : i1 to vector<16xi1>
      %masked_cumsum3A_471 = tpu.scan <sum>, %convert_element_type3A_468 masked %broadcast_in_dim3A_470 : vector<16xi32>, vector<16xi1> -> vector<16xi32>
      %add3A_472 = arith.addi %add3A_461, %masked_cumsum3A_471 : vector<16xi32>
      %sub3A_473 = arith.constant 1 : i32
      %sub3A_474 = vector.broadcast %sub3A_473 : i32 to vector<16xi32>
      %sub3A_475 = arith.subi %add3A_472, %sub3A_474 : vector<16xi32>
      %add3A_476 = arith.constant 352 : i32
      %add3A_477 = vector.broadcast %add3A_476 : i32 to vector<16xi32>
      %add3A_478 = arith.addi %add3A_477, %iota3A : vector<16xi32>
      tpu.vector_store_idx %arg12[%sub3A_475], %add3A_478 masked %ne3A_467 : memref<528xi32, #tpu.memory_space<vmem>>[vector<16xi32>], vector<16xi32>, vector<16xi1>
      %all_reduce_population_count3A_479 = tpu.all_reduce %ne3A_467 {dim = 0 : i64, kind = #tpu.reduction_kind<sum>} : vector<16xi1> -> vector<16xi32>
      %add3A_480 = arith.addi %add3A_461, %all_reduce_population_count3A_479 : vector<16xi32>
      %get3A_481 = arith.index_cast %scan3A_45 : i32 to index
      %get3A_482 = arith.constant 368 : index
      %get3A_483 = tpu.vector_load %arg10[%get3A_481, %get3A_482] {strides = array<i32>} : memref<128x512xi32, #tpu.memory_space<vmem>>, vector<16xi32>,
      %ne3A_484 = arith.constant 0 : i32
      %ne3A_485 = vector.broadcast %ne3A_484 : i32 to vector<16xi32>
      %ne3A_486 = arith.cmpi ne, %get3A_483, %ne3A_485 : vector<16xi32>
      %convert_element_type3A_487 = arith.extui %ne3A_486 : vector<16xi1> to vector<16xi32>
      %broadcast_in_dim3A_488 = arith.constant true
      %broadcast_in_dim3A_489 = vector.broadcast %broadcast_in_dim3A_488 : i1 to vector<16xi1>
      %masked_cumsum3A_490 = tpu.scan <sum>, %convert_element_type3A_487 masked %broadcast_in_dim3A_489 : vector<16xi32>, vector<16xi1> -> vector<16xi32>
      %add3A_491 = arith.addi %add3A_480, %masked_cumsum3A_490 : vector<16xi32>
      %sub3A_492 = arith.constant 1 : i32
      %sub3A_493 = vector.broadcast %sub3A_492 : i32 to vector<16xi32>
      %sub3A_494 = arith.subi %add3A_491, %sub3A_493 : vector<16xi32>
      %add3A_495 = arith.constant 368 : i32
      %add3A_496 = vector.broadcast %add3A_495 : i32 to vector<16xi32>
      %add3A_497 = arith.addi %add3A_496, %iota3A : vector<16xi32>
      tpu.vector_store_idx %arg12[%sub3A_494], %add3A_497 masked %ne3A_486 : memref<528xi32, #tpu.memory_space<vmem>>[vector<16xi32>], vector<16xi32>, vector<16xi1>
      %all_reduce_population_count3A_498 = tpu.all_reduce %ne3A_486 {dim = 0 : i64, kind = #tpu.reduction_kind<sum>} : vector<16xi1> -> vector<16xi32>
      %add3A_499 = arith.addi %add3A_480, %all_reduce_population_count3A_498 : vector<16xi32>
      %get3A_500 = arith.index_cast %scan3A_45 : i32 to index
      %get3A_501 = arith.constant 384 : index
      %get3A_502 = tpu.vector_load %arg10[%get3A_500, %get3A_501] {strides = array<i32>} : memref<128x512xi32, #tpu.memory_space<vmem>>, vector<16xi32>,
      %ne3A_503 = arith.constant 0 : i32
      %ne3A_504 = vector.broadcast %ne3A_503 : i32 to vector<16xi32>
      %ne3A_505 = arith.cmpi ne, %get3A_502, %ne3A_504 : vector<16xi32>
      %convert_element_type3A_506 = arith.extui %ne3A_505 : vector<16xi1> to vector<16xi32>
      %broadcast_in_dim3A_507 = arith.constant true
      %broadcast_in_dim3A_508 = vector.broadcast %broadcast_in_dim3A_507 : i1 to vector<16xi1>
      %masked_cumsum3A_509 = tpu.scan <sum>, %convert_element_type3A_506 masked %broadcast_in_dim3A_508 : vector<16xi32>, vector<16xi1> -> vector<16xi32>
      %add3A_510 = arith.addi %add3A_499, %masked_cumsum3A_509 : vector<16xi32>
      %sub3A_511 = arith.constant 1 : i32
      %sub3A_512 = vector.broadcast %sub3A_511 : i32 to vector<16xi32>
      %sub3A_513 = arith.subi %add3A_510, %sub3A_512 : vector<16xi32>
      %add3A_514 = arith.constant 384 : i32
      %add3A_515 = vector.broadcast %add3A_514 : i32 to vector<16xi32>
      %add3A_516 = arith.addi %add3A_515, %iota3A : vector<16xi32>
      tpu.vector_store_idx %arg12[%sub3A_513], %add3A_516 masked %ne3A_505 : memref<528xi32, #tpu.memory_space<vmem>>[vector<16xi32>], vector<16xi32>, vector<16xi1>
      %all_reduce_population_count3A_517 = tpu.all_reduce %ne3A_505 {dim = 0 : i64, kind = #tpu.reduction_kind<sum>} : vector<16xi1> -> vector<16xi32>
      %add3A_518 = arith.addi %add3A_499, %all_reduce_population_count3A_517 : vector<16xi32>
      %get3A_519 = arith.index_cast %scan3A_45 : i32 to index
      %get3A_520 = arith.constant 400 : index
      %get3A_521 = tpu.vector_load %arg10[%get3A_519, %get3A_520] {strides = array<i32>} : memref<128x512xi32, #tpu.memory_space<vmem>>, vector<16xi32>,
      %ne3A_522 = arith.constant 0 : i32
      %ne3A_523 = vector.broadcast %ne3A_522 : i32 to vector<16xi32>
      %ne3A_524 = arith.cmpi ne, %get3A_521, %ne3A_523 : vector<16xi32>
      %convert_element_type3A_525 = arith.extui %ne3A_524 : vector<16xi1> to vector<16xi32>
      %broadcast_in_dim3A_526 = arith.constant true
      %broadcast_in_dim3A_527 = vector.broadcast %broadcast_in_dim3A_526 : i1 to vector<16xi1>
      %masked_cumsum3A_528 = tpu.scan <sum>, %convert_element_type3A_525 masked %broadcast_in_dim3A_527 : vector<16xi32>, vector<16xi1> -> vector<16xi32>
      %add3A_529 = arith.addi %add3A_518, %masked_cumsum3A_528 : vector<16xi32>
      %sub3A_530 = arith.constant 1 : i32
      %sub3A_531 = vector.broadcast %sub3A_530 : i32 to vector<16xi32>
      %sub3A_532 = arith.subi %add3A_529, %sub3A_531 : vector<16xi32>
      %add3A_533 = arith.constant 400 : i32
      %add3A_534 = vector.broadcast %add3A_533 : i32 to vector<16xi32>
      %add3A_535 = arith.addi %add3A_534, %iota3A : vector<16xi32>
      tpu.vector_store_idx %arg12[%sub3A_532], %add3A_535 masked %ne3A_524 : memref<528xi32, #tpu.memory_space<vmem>>[vector<16xi32>], vector<16xi32>, vector<16xi1>
      %all_reduce_population_count3A_536 = tpu.all_reduce %ne3A_524 {dim = 0 : i64, kind = #tpu.reduction_kind<sum>} : vector<16xi1> -> vector<16xi32>
      %add3A_537 = arith.addi %add3A_518, %all_reduce_population_count3A_536 : vector<16xi32>
      %get3A_538 = arith.index_cast %scan3A_45 : i32 to index
      %get3A_539 = arith.constant 416 : index
      %get3A_540 = tpu.vector_load %arg10[%get3A_538, %get3A_539] {strides = array<i32>} : memref<128x512xi32, #tpu.memory_space<vmem>>, vector<16xi32>,
      %ne3A_541 = arith.constant 0 : i32
      %ne3A_542 = vector.broadcast %ne3A_541 : i32 to vector<16xi32>
      %ne3A_543 = arith.cmpi ne, %get3A_540, %ne3A_542 : vector<16xi32>
      %convert_element_type3A_544 = arith.extui %ne3A_543 : vector<16xi1> to vector<16xi32>
      %broadcast_in_dim3A_545 = arith.constant true
      %broadcast_in_dim3A_546 = vector.broadcast %broadcast_in_dim3A_545 : i1 to vector<16xi1>
      %masked_cumsum3A_547 = tpu.scan <sum>, %convert_element_type3A_544 masked %broadcast_in_dim3A_546 : vector<16xi32>, vector<16xi1> -> vector<16xi32>
      %add3A_548 = arith.addi %add3A_537, %masked_cumsum3A_547 : vector<16xi32>
      %sub3A_549 = arith.constant 1 : i32
      %sub3A_550 = vector.broadcast %sub3A_549 : i32 to vector<16xi32>
      %sub3A_551 = arith.subi %add3A_548, %sub3A_550 : vector<16xi32>
      %add3A_552 = arith.constant 416 : i32
      %add3A_553 = vector.broadcast %add3A_552 : i32 to vector<16xi32>
      %add3A_554 = arith.addi %add3A_553, %iota3A : vector<16xi32>
      tpu.vector_store_idx %arg12[%sub3A_551], %add3A_554 masked %ne3A_543 : memref<528xi32, #tpu.memory_space<vmem>>[vector<16xi32>], vector<16xi32>, vector<16xi1>
      %all_reduce_population_count3A_555 = tpu.all_reduce %ne3A_543 {dim = 0 : i64, kind = #tpu.reduction_kind<sum>} : vector<16xi1> -> vector<16xi32>
      %add3A_556 = arith.addi %add3A_537, %all_reduce_population_count3A_555 : vector<16xi32>
      %get3A_557 = arith.index_cast %scan3A_45 : i32 to index
      %get3A_558 = arith.constant 432 : index
      %get3A_559 = tpu.vector_load %arg10[%get3A_557, %get3A_558] {strides = array<i32>} : memref<128x512xi32, #tpu.memory_space<vmem>>, vector<16xi32>,
      %ne3A_560 = arith.constant 0 : i32
      %ne3A_561 = vector.broadcast %ne3A_560 : i32 to vector<16xi32>
      %ne3A_562 = arith.cmpi ne, %get3A_559, %ne3A_561 : vector<16xi32>
      %convert_element_type3A_563 = arith.extui %ne3A_562 : vector<16xi1> to vector<16xi32>
      %broadcast_in_dim3A_564 = arith.constant true
      %broadcast_in_dim3A_565 = vector.broadcast %broadcast_in_dim3A_564 : i1 to vector<16xi1>
      %masked_cumsum3A_566 = tpu.scan <sum>, %convert_element_type3A_563 masked %broadcast_in_dim3A_565 : vector<16xi32>, vector<16xi1> -> vector<16xi32>
      %add3A_567 = arith.addi %add3A_556, %masked_cumsum3A_566 : vector<16xi32>
      %sub3A_568 = arith.constant 1 : i32
      %sub3A_569 = vector.broadcast %sub3A_568 : i32 to vector<16xi32>
      %sub3A_570 = arith.subi %add3A_567, %sub3A_569 : vector<16xi32>
      %add3A_571 = arith.constant 432 : i32
      %add3A_572 = vector.broadcast %add3A_571 : i32 to vector<16xi32>
      %add3A_573 = arith.addi %add3A_572, %iota3A : vector<16xi32>
      tpu.vector_store_idx %arg12[%sub3A_570], %add3A_573 masked %ne3A_562 : memref<528xi32, #tpu.memory_space<vmem>>[vector<16xi32>], vector<16xi32>, vector<16xi1>
      %all_reduce_population_count3A_574 = tpu.all_reduce %ne3A_562 {dim = 0 : i64, kind = #tpu.reduction_kind<sum>} : vector<16xi1> -> vector<16xi32>
      %add3A_575 = arith.addi %add3A_556, %all_reduce_population_count3A_574 : vector<16xi32>
      %get3A_576 = arith.index_cast %scan3A_45 : i32 to index
      %get3A_577 = arith.constant 448 : index
      %get3A_578 = tpu.vector_load %arg10[%get3A_576, %get3A_577] {strides = array<i32>} : memref<128x512xi32, #tpu.memory_space<vmem>>, vector<16xi32>,
      %ne3A_579 = arith.constant 0 : i32
      %ne3A_580 = vector.broadcast %ne3A_579 : i32 to vector<16xi32>
      %ne3A_581 = arith.cmpi ne, %get3A_578, %ne3A_580 : vector<16xi32>
      %convert_element_type3A_582 = arith.extui %ne3A_581 : vector<16xi1> to vector<16xi32>
      %broadcast_in_dim3A_583 = arith.constant true
      %broadcast_in_dim3A_584 = vector.broadcast %broadcast_in_dim3A_583 : i1 to vector<16xi1>
      %masked_cumsum3A_585 = tpu.scan <sum>, %convert_element_type3A_582 masked %broadcast_in_dim3A_584 : vector<16xi32>, vector<16xi1> -> vector<16xi32>
      %add3A_586 = arith.addi %add3A_575, %masked_cumsum3A_585 : vector<16xi32>
      %sub3A_587 = arith.constant 1 : i32
      %sub3A_588 = vector.broadcast %sub3A_587 : i32 to vector<16xi32>
      %sub3A_589 = arith.subi %add3A_586, %sub3A_588 : vector<16xi32>
      %add3A_590 = arith.constant 448 : i32
      %add3A_591 = vector.broadcast %add3A_590 : i32 to vector<16xi32>
      %add3A_592 = arith.addi %add3A_591, %iota3A : vector<16xi32>
      tpu.vector_store_idx %arg12[%sub3A_589], %add3A_592 masked %ne3A_581 : memref<528xi32, #tpu.memory_space<vmem>>[vector<16xi32>], vector<16xi32>, vector<16xi1>
      %all_reduce_population_count3A_593 = tpu.all_reduce %ne3A_581 {dim = 0 : i64, kind = #tpu.reduction_kind<sum>} : vector<16xi1> -> vector<16xi32>
      %add3A_594 = arith.addi %add3A_575, %all_reduce_population_count3A_593 : vector<16xi32>
      %get3A_595 = arith.index_cast %scan3A_45 : i32 to index
      %get3A_596 = arith.constant 464 : index
      %get3A_597 = tpu.vector_load %arg10[%get3A_595, %get3A_596] {strides = array<i32>} : memref<128x512xi32, #tpu.memory_space<vmem>>, vector<16xi32>,
      %ne3A_598 = arith.constant 0 : i32
      %ne3A_599 = vector.broadcast %ne3A_598 : i32 to vector<16xi32>
      %ne3A_600 = arith.cmpi ne, %get3A_597, %ne3A_599 : vector<16xi32>
      %convert_element_type3A_601 = arith.extui %ne3A_600 : vector<16xi1> to vector<16xi32>
      %broadcast_in_dim3A_602 = arith.constant true
      %broadcast_in_dim3A_603 = vector.broadcast %broadcast_in_dim3A_602 : i1 to vector<16xi1>
      %masked_cumsum3A_604 = tpu.scan <sum>, %convert_element_type3A_601 masked %broadcast_in_dim3A_603 : vector<16xi32>, vector<16xi1> -> vector<16xi32>
      %add3A_605 = arith.addi %add3A_594, %masked_cumsum3A_604 : vector<16xi32>
      %sub3A_606 = arith.constant 1 : i32
      %sub3A_607 = vector.broadcast %sub3A_606 : i32 to vector<16xi32>
      %sub3A_608 = arith.subi %add3A_605, %sub3A_607 : vector<16xi32>
      %add3A_609 = arith.constant 464 : i32
      %add3A_610 = vector.broadcast %add3A_609 : i32 to vector<16xi32>
      %add3A_611 = arith.addi %add3A_610, %iota3A : vector<16xi32>
      tpu.vector_store_idx %arg12[%sub3A_608], %add3A_611 masked %ne3A_600 : memref<528xi32, #tpu.memory_space<vmem>>[vector<16xi32>], vector<16xi32>, vector<16xi1>
      %all_reduce_population_count3A_612 = tpu.all_reduce %ne3A_600 {dim = 0 : i64, kind = #tpu.reduction_kind<sum>} : vector<16xi1> -> vector<16xi32>
      %add3A_613 = arith.addi %add3A_594, %all_reduce_population_count3A_612 : vector<16xi32>
      %get3A_614 = arith.index_cast %scan3A_45 : i32 to index
      %get3A_615 = arith.constant 480 : index
      %get3A_616 = tpu.vector_load %arg10[%get3A_614, %get3A_615] {strides = array<i32>} : memref<128x512xi32, #tpu.memory_space<vmem>>, vector<16xi32>,
      %ne3A_617 = arith.constant 0 : i32
      %ne3A_618 = vector.broadcast %ne3A_617 : i32 to vector<16xi32>
      %ne3A_619 = arith.cmpi ne, %get3A_616, %ne3A_618 : vector<16xi32>
      %convert_element_type3A_620 = arith.extui %ne3A_619 : vector<16xi1> to vector<16xi32>
      %broadcast_in_dim3A_621 = arith.constant true
      %broadcast_in_dim3A_622 = vector.broadcast %broadcast_in_dim3A_621 : i1 to vector<16xi1>
      %masked_cumsum3A_623 = tpu.scan <sum>, %convert_element_type3A_620 masked %broadcast_in_dim3A_622 : vector<16xi32>, vector<16xi1> -> vector<16xi32>
      %add3A_624 = arith.addi %add3A_613, %masked_cumsum3A_623 : vector<16xi32>
      %sub3A_625 = arith.constant 1 : i32
      %sub3A_626 = vector.broadcast %sub3A_625 : i32 to vector<16xi32>
      %sub3A_627 = arith.subi %add3A_624, %sub3A_626 : vector<16xi32>
      %add3A_628 = arith.constant 480 : i32
      %add3A_629 = vector.broadcast %add3A_628 : i32 to vector<16xi32>
      %add3A_630 = arith.addi %add3A_629, %iota3A : vector<16xi32>
      tpu.vector_store_idx %arg12[%sub3A_627], %add3A_630 masked %ne3A_619 : memref<528xi32, #tpu.memory_space<vmem>>[vector<16xi32>], vector<16xi32>, vector<16xi1>
      %all_reduce_population_count3A_631 = tpu.all_reduce %ne3A_619 {dim = 0 : i64, kind = #tpu.reduction_kind<sum>} : vector<16xi1> -> vector<16xi32>
      %add3A_632 = arith.addi %add3A_613, %all_reduce_population_count3A_631 : vector<16xi32>
      %get3A_633 = arith.index_cast %scan3A_45 : i32 to index
      %get3A_634 = arith.constant 496 : index
      %get3A_635 = tpu.vector_load %arg10[%get3A_633, %get3A_634] {strides = array<i32>} : memref<128x512xi32, #tpu.memory_space<vmem>>, vector<16xi32>,
      %ne3A_636 = arith.constant 0 : i32
      %ne3A_637 = vector.broadcast %ne3A_636 : i32 to vector<16xi32>
      %ne3A_638 = arith.cmpi ne, %get3A_635, %ne3A_637 : vector<16xi32>
      %convert_element_type3A_639 = arith.extui %ne3A_638 : vector<16xi1> to vector<16xi32>
      %broadcast_in_dim3A_640 = arith.constant true
      %broadcast_in_dim3A_641 = vector.broadcast %broadcast_in_dim3A_640 : i1 to vector<16xi1>
      %masked_cumsum3A_642 = tpu.scan <sum>, %convert_element_type3A_639 masked %broadcast_in_dim3A_641 : vector<16xi32>, vector<16xi1> -> vector<16xi32>
      %add3A_643 = arith.addi %add3A_632, %masked_cumsum3A_642 : vector<16xi32>
      %sub3A_644 = arith.constant 1 : i32
      %sub3A_645 = vector.broadcast %sub3A_644 : i32 to vector<16xi32>
      %sub3A_646 = arith.subi %add3A_643, %sub3A_645 : vector<16xi32>
      %add3A_647 = arith.constant 496 : i32
      %add3A_648 = vector.broadcast %add3A_647 : i32 to vector<16xi32>
      %add3A_649 = arith.addi %add3A_648, %iota3A : vector<16xi32>
      tpu.vector_store_idx %arg12[%sub3A_646], %add3A_649 masked %ne3A_638 : memref<528xi32, #tpu.memory_space<vmem>>[vector<16xi32>], vector<16xi32>, vector<16xi1>
      %all_reduce_population_count3A_650 = tpu.all_reduce %ne3A_638 {dim = 0 : i64, kind = #tpu.reduction_kind<sum>} : vector<16xi1> -> vector<16xi32>
      %add3A_651 = arith.addi %add3A_632, %all_reduce_population_count3A_650 : vector<16xi32>
      %slice3A = vector.extract_strided_slice %add3A_651 {offsets = [0], sizes = [1], strides = [1]} : vector<16xi32> to vector<1xi32>
      %squeeze3A = vector.extract %slice3A[0] : i32 from vector<1xi32>
      %broadcast_in_dim3A_652 = arith.constant 0 : i32
      %broadcast_in_dim3A_653 = vector.broadcast %broadcast_in_dim3A_652 : i32 to vector<16xi32>
      %while3A = arith.constant 0 : i32
      %while3A_654:2 = scf.while (%while3A_761 = %while3A, %while3A_762 = %broadcast_in_dim3A_653) : (i32, vector<16xi32>) -> (i32, vector<16xi32>) {
        %mul3A_763 = arith.constant 16 : i32
        %mul3A_764 = arith.muli %while3A_761, %mul3A_763 : i32
        %lt3A_765 = arith.cmpi slt, %mul3A_764, %squeeze3A : i32
        %slice3A_766 = vector.extract_strided_slice %while3A_762 {offsets = [0], sizes = [1], strides = [1]} : vector<16xi32> to vector<1xi32>
        %squeeze3A_767 = vector.extract %slice3A_766[0] : i32 from vector<1xi32>
        %lt3A_768 = arith.constant 64 : i32
        %lt3A_769 = arith.cmpi slt, %squeeze3A_767, %lt3A_768 : i32
        %and3A_770 = arith.andi %lt3A_765, %lt3A_769 : i1
        scf.condition(%and3A_770) %while3A_761, %while3A_762 : i32, vector<16xi32>
      } do {
      ^bb0(%while3A_761: i32, %while3A_762: vector<16xi32>):
        %mul3A_763 = arith.constant 16 : i32
        %mul3A_764 = arith.muli %while3A_761, %mul3A_763 : i32
        %get3A_765 = arith.index_cast %mul3A_764 : i32 to index
        %get3A_766 = tpu.vector_load %arg12[%get3A_765] {strides = array<i32>} : memref<528xi32, #tpu.memory_space<vmem>>, vector<16xi32>,
        %mul3A_767 = arith.constant 16 : i32
        %mul3A_768 = arith.muli %while3A_761, %mul3A_767 : i32
        %add3A_769 = vector.broadcast %mul3A_768 : i32 to vector<16xi32>
        %add3A_770 = arith.addi %add3A_769, %iota3A : vector<16xi32>
        %lt3A_771 = vector.broadcast %squeeze3A : i32 to vector<16xi32>
        %lt3A_772 = arith.cmpi slt, %add3A_770, %lt3A_771 : vector<16xi32>
        %broadcast_in_dim3A_773 = vector.broadcast %scan3A_45 : i32 to vector<16xi32>
        %gather3A_774 = tpu.vector_load_idx %arg10[%broadcast_in_dim3A_773, %get3A_766] masked %lt3A_772 : memref<128x512xi32, #tpu.memory_space<vmem>>[vector<16xi32>, vector<16xi32>], vector<16xi32>, vector<16xi1>
        %slice3A_775 = vector.extract_strided_slice %gather3A_774 {offsets = [0], sizes = [1], strides = [1]} : vector<16xi32> to vector<1xi32>
        %squeeze3A_776 = vector.extract %slice3A_775[0] : i32 from vector<1xi32>
        %mul3A_777 = arith.constant 16 : i32
        %mul3A_778 = arith.muli %while3A_761, %mul3A_777 : i32
        %add3A_779 = arith.constant 0 : i32
        %add3A_780 = arith.addi %mul3A_778, %add3A_779 : i32
        %lt3A_781 = arith.cmpi slt, %add3A_780, %squeeze3A : i32
        %shift_right_arithmetic3A = vector.broadcast %squeeze3A_776 : i32 to vector<16xi32>
        %shift_right_arithmetic3A_782 = arith.shrsi %shift_right_arithmetic3A, %iota3A : vector<16xi32>
        %and3A_783 = arith.constant 1 : i32
        %and3A_784 = vector.broadcast %and3A_783 : i32 to vector<16xi32>
        %and3A_785 = arith.andi %shift_right_arithmetic3A_782, %and3A_784 : vector<16xi32>
        %ne3A_786 = arith.constant 0 : i32
        %ne3A_787 = vector.broadcast %ne3A_786 : i32 to vector<16xi32>
        %ne3A_788 = arith.cmpi ne, %and3A_785, %ne3A_787 : vector<16xi32>
        %and3A_789 = vector.broadcast %lt3A_781 : i1 to vector<16xi1>
        %and3A_790 = arith.andi %ne3A_788, %and3A_789 : vector<16xi1>
        %convert_element_type3A_791 = arith.extui %and3A_790 : vector<16xi1> to vector<16xi32>
        %broadcast_in_dim3A_792 = arith.constant true
        %broadcast_in_dim3A_793 = vector.broadcast %broadcast_in_dim3A_792 : i1 to vector<16xi1>
        %masked_cumsum3A_794 = tpu.scan <sum>, %convert_element_type3A_791 masked %broadcast_in_dim3A_793 : vector<16xi32>, vector<16xi1> -> vector<16xi32>
        %add3A_795 = arith.addi %while3A_762, %masked_cumsum3A_794 : vector<16xi32>
        %sub3A_796 = arith.constant 1 : i32
        %sub3A_797 = vector.broadcast %sub3A_796 : i32 to vector<16xi32>
        %sub3A_798 = arith.subi %add3A_795, %sub3A_797 : vector<16xi32>
        %lt3A_799 = arith.constant 64 : i32
        %lt3A_800 = vector.broadcast %lt3A_799 : i32 to vector<16xi32>
        %lt3A_801 = arith.cmpi slt, %sub3A_798, %lt3A_800 : vector<16xi32>
        %and3A_802 = arith.andi %and3A_790, %lt3A_801 : vector<16xi1>
        %slice3A_803 = vector.extract_strided_slice %get3A_766 {offsets = [0], sizes = [1], strides = [1]} : vector<16xi32> to vector<1xi32>
        %squeeze3A_804 = vector.extract %slice3A_803[0] : i32 from vector<1xi32>
        %mul3A_805 = arith.constant 16 : i32
        %mul3A_806 = arith.muli %squeeze3A_804, %mul3A_805 : i32
        %add3A_807 = vector.broadcast %mul3A_806 : i32 to vector<16xi32>
        %add3A_808 = arith.addi %add3A_807, %iota3A : vector<16xi32>
        tpu.vector_store_idx %arg11[%sub3A_798], %add3A_808 masked %and3A_802 : memref<64xi32, #tpu.memory_space<vmem>>[vector<16xi32>], vector<16xi32>, vector<16xi1>
        %all_reduce_population_count3A_809 = tpu.all_reduce %and3A_802 {dim = 0 : i64, kind = #tpu.reduction_kind<sum>} : vector<16xi1> -> vector<16xi32>
        %add3A_810 = arith.addi %while3A_762, %all_reduce_population_count3A_809 : vector<16xi32>
        %slice3A_811 = vector.extract_strided_slice %gather3A_774 {offsets = [1], sizes = [1], strides = [1]} : vector<16xi32> to vector<1xi32>
        %squeeze3A_812 = vector.extract %slice3A_811[0] : i32 from vector<1xi32>
        %mul3A_813 = arith.constant 16 : i32
        %mul3A_814 = arith.muli %while3A_761, %mul3A_813 : i32
        %add3A_815 = arith.constant 1 : i32
        %add3A_816 = arith.addi %mul3A_814, %add3A_815 : i32
        %lt3A_817 = arith.cmpi slt, %add3A_816, %squeeze3A : i32
        %shift_right_arithmetic3A_818 = vector.broadcast %squeeze3A_812 : i32 to vector<16xi32>
        %shift_right_arithmetic3A_819 = arith.shrsi %shift_right_arithmetic3A_818, %iota3A : vector<16xi32>
        %and3A_820 = arith.constant 1 : i32
        %and3A_821 = vector.broadcast %and3A_820 : i32 to vector<16xi32>
        %and3A_822 = arith.andi %shift_right_arithmetic3A_819, %and3A_821 : vector<16xi32>
        %ne3A_823 = arith.constant 0 : i32
        %ne3A_824 = vector.broadcast %ne3A_823 : i32 to vector<16xi32>
        %ne3A_825 = arith.cmpi ne, %and3A_822, %ne3A_824 : vector<16xi32>
        %and3A_826 = vector.broadcast %lt3A_817 : i1 to vector<16xi1>
        %and3A_827 = arith.andi %ne3A_825, %and3A_826 : vector<16xi1>
        %convert_element_type3A_828 = arith.extui %and3A_827 : vector<16xi1> to vector<16xi32>
        %broadcast_in_dim3A_829 = arith.constant true
        %broadcast_in_dim3A_830 = vector.broadcast %broadcast_in_dim3A_829 : i1 to vector<16xi1>
        %masked_cumsum3A_831 = tpu.scan <sum>, %convert_element_type3A_828 masked %broadcast_in_dim3A_830 : vector<16xi32>, vector<16xi1> -> vector<16xi32>
        %add3A_832 = arith.addi %add3A_810, %masked_cumsum3A_831 : vector<16xi32>
        %sub3A_833 = arith.constant 1 : i32
        %sub3A_834 = vector.broadcast %sub3A_833 : i32 to vector<16xi32>
        %sub3A_835 = arith.subi %add3A_832, %sub3A_834 : vector<16xi32>
        %lt3A_836 = arith.constant 64 : i32
        %lt3A_837 = vector.broadcast %lt3A_836 : i32 to vector<16xi32>
        %lt3A_838 = arith.cmpi slt, %sub3A_835, %lt3A_837 : vector<16xi32>
        %and3A_839 = arith.andi %and3A_827, %lt3A_838 : vector<16xi1>
        %slice3A_840 = vector.extract_strided_slice %get3A_766 {offsets = [1], sizes = [1], strides = [1]} : vector<16xi32> to vector<1xi32>
        %squeeze3A_841 = vector.extract %slice3A_840[0] : i32 from vector<1xi32>
        %mul3A_842 = arith.constant 16 : i32
        %mul3A_843 = arith.muli %squeeze3A_841, %mul3A_842 : i32
        %add3A_844 = vector.broadcast %mul3A_843 : i32 to vector<16xi32>
        %add3A_845 = arith.addi %add3A_844, %iota3A : vector<16xi32>
        tpu.vector_store_idx %arg11[%sub3A_835], %add3A_845 masked %and3A_839 : memref<64xi32, #tpu.memory_space<vmem>>[vector<16xi32>], vector<16xi32>, vector<16xi1>
        %all_reduce_population_count3A_846 = tpu.all_reduce %and3A_839 {dim = 0 : i64, kind = #tpu.reduction_kind<sum>} : vector<16xi1> -> vector<16xi32>
        %add3A_847 = arith.addi %add3A_810, %all_reduce_population_count3A_846 : vector<16xi32>
        %slice3A_848 = vector.extract_strided_slice %gather3A_774 {offsets = [2], sizes = [1], strides = [1]} : vector<16xi32> to vector<1xi32>
        %squeeze3A_849 = vector.extract %slice3A_848[0] : i32 from vector<1xi32>
        %mul3A_850 = arith.constant 16 : i32
        %mul3A_851 = arith.muli %while3A_761, %mul3A_850 : i32
        %add3A_852 = arith.constant 2 : i32
        %add3A_853 = arith.addi %mul3A_851, %add3A_852 : i32
        %lt3A_854 = arith.cmpi slt, %add3A_853, %squeeze3A : i32
        %shift_right_arithmetic3A_855 = vector.broadcast %squeeze3A_849 : i32 to vector<16xi32>
        %shift_right_arithmetic3A_856 = arith.shrsi %shift_right_arithmetic3A_855, %iota3A : vector<16xi32>
        %and3A_857 = arith.constant 1 : i32
        %and3A_858 = vector.broadcast %and3A_857 : i32 to vector<16xi32>
        %and3A_859 = arith.andi %shift_right_arithmetic3A_856, %and3A_858 : vector<16xi32>
        %ne3A_860 = arith.constant 0 : i32
        %ne3A_861 = vector.broadcast %ne3A_860 : i32 to vector<16xi32>
        %ne3A_862 = arith.cmpi ne, %and3A_859, %ne3A_861 : vector<16xi32>
        %and3A_863 = vector.broadcast %lt3A_854 : i1 to vector<16xi1>
        %and3A_864 = arith.andi %ne3A_862, %and3A_863 : vector<16xi1>
        %convert_element_type3A_865 = arith.extui %and3A_864 : vector<16xi1> to vector<16xi32>
        %broadcast_in_dim3A_866 = arith.constant true
        %broadcast_in_dim3A_867 = vector.broadcast %broadcast_in_dim3A_866 : i1 to vector<16xi1>
        %masked_cumsum3A_868 = tpu.scan <sum>, %convert_element_type3A_865 masked %broadcast_in_dim3A_867 : vector<16xi32>, vector<16xi1> -> vector<16xi32>
        %add3A_869 = arith.addi %add3A_847, %masked_cumsum3A_868 : vector<16xi32>
        %sub3A_870 = arith.constant 1 : i32
        %sub3A_871 = vector.broadcast %sub3A_870 : i32 to vector<16xi32>
        %sub3A_872 = arith.subi %add3A_869, %sub3A_871 : vector<16xi32>
        %lt3A_873 = arith.constant 64 : i32
        %lt3A_874 = vector.broadcast %lt3A_873 : i32 to vector<16xi32>
        %lt3A_875 = arith.cmpi slt, %sub3A_872, %lt3A_874 : vector<16xi32>
        %and3A_876 = arith.andi %and3A_864, %lt3A_875 : vector<16xi1>
        %slice3A_877 = vector.extract_strided_slice %get3A_766 {offsets = [2], sizes = [1], strides = [1]} : vector<16xi32> to vector<1xi32>
        %squeeze3A_878 = vector.extract %slice3A_877[0] : i32 from vector<1xi32>
        %mul3A_879 = arith.constant 16 : i32
        %mul3A_880 = arith.muli %squeeze3A_878, %mul3A_879 : i32
        %add3A_881 = vector.broadcast %mul3A_880 : i32 to vector<16xi32>
        %add3A_882 = arith.addi %add3A_881, %iota3A : vector<16xi32>
        tpu.vector_store_idx %arg11[%sub3A_872], %add3A_882 masked %and3A_876 : memref<64xi32, #tpu.memory_space<vmem>>[vector<16xi32>], vector<16xi32>, vector<16xi1>
        %all_reduce_population_count3A_883 = tpu.all_reduce %and3A_876 {dim = 0 : i64, kind = #tpu.reduction_kind<sum>} : vector<16xi1> -> vector<16xi32>
        %add3A_884 = arith.addi %add3A_847, %all_reduce_population_count3A_883 : vector<16xi32>
        %slice3A_885 = vector.extract_strided_slice %gather3A_774 {offsets = [3], sizes = [1], strides = [1]} : vector<16xi32> to vector<1xi32>
        %squeeze3A_886 = vector.extract %slice3A_885[0] : i32 from vector<1xi32>
        %mul3A_887 = arith.constant 16 : i32
        %mul3A_888 = arith.muli %while3A_761, %mul3A_887 : i32
        %add3A_889 = arith.constant 3 : i32
        %add3A_890 = arith.addi %mul3A_888, %add3A_889 : i32
        %lt3A_891 = arith.cmpi slt, %add3A_890, %squeeze3A : i32
        %shift_right_arithmetic3A_892 = vector.broadcast %squeeze3A_886 : i32 to vector<16xi32>
        %shift_right_arithmetic3A_893 = arith.shrsi %shift_right_arithmetic3A_892, %iota3A : vector<16xi32>
        %and3A_894 = arith.constant 1 : i32
        %and3A_895 = vector.broadcast %and3A_894 : i32 to vector<16xi32>
        %and3A_896 = arith.andi %shift_right_arithmetic3A_893, %and3A_895 : vector<16xi32>
        %ne3A_897 = arith.constant 0 : i32
        %ne3A_898 = vector.broadcast %ne3A_897 : i32 to vector<16xi32>
        %ne3A_899 = arith.cmpi ne, %and3A_896, %ne3A_898 : vector<16xi32>
        %and3A_900 = vector.broadcast %lt3A_891 : i1 to vector<16xi1>
        %and3A_901 = arith.andi %ne3A_899, %and3A_900 : vector<16xi1>
        %convert_element_type3A_902 = arith.extui %and3A_901 : vector<16xi1> to vector<16xi32>
        %broadcast_in_dim3A_903 = arith.constant true
        %broadcast_in_dim3A_904 = vector.broadcast %broadcast_in_dim3A_903 : i1 to vector<16xi1>
        %masked_cumsum3A_905 = tpu.scan <sum>, %convert_element_type3A_902 masked %broadcast_in_dim3A_904 : vector<16xi32>, vector<16xi1> -> vector<16xi32>
        %add3A_906 = arith.addi %add3A_884, %masked_cumsum3A_905 : vector<16xi32>
        %sub3A_907 = arith.constant 1 : i32
        %sub3A_908 = vector.broadcast %sub3A_907 : i32 to vector<16xi32>
        %sub3A_909 = arith.subi %add3A_906, %sub3A_908 : vector<16xi32>
        %lt3A_910 = arith.constant 64 : i32
        %lt3A_911 = vector.broadcast %lt3A_910 : i32 to vector<16xi32>
        %lt3A_912 = arith.cmpi slt, %sub3A_909, %lt3A_911 : vector<16xi32>
        %and3A_913 = arith.andi %and3A_901, %lt3A_912 : vector<16xi1>
        %slice3A_914 = vector.extract_strided_slice %get3A_766 {offsets = [3], sizes = [1], strides = [1]} : vector<16xi32> to vector<1xi32>
        %squeeze3A_915 = vector.extract %slice3A_914[0] : i32 from vector<1xi32>
        %mul3A_916 = arith.constant 16 : i32
        %mul3A_917 = arith.muli %squeeze3A_915, %mul3A_916 : i32
        %add3A_918 = vector.broadcast %mul3A_917 : i32 to vector<16xi32>
        %add3A_919 = arith.addi %add3A_918, %iota3A : vector<16xi32>
        tpu.vector_store_idx %arg11[%sub3A_909], %add3A_919 masked %and3A_913 : memref<64xi32, #tpu.memory_space<vmem>>[vector<16xi32>], vector<16xi32>, vector<16xi1>
        %all_reduce_population_count3A_920 = tpu.all_reduce %and3A_913 {dim = 0 : i64, kind = #tpu.reduction_kind<sum>} : vector<16xi1> -> vector<16xi32>
        %add3A_921 = arith.addi %add3A_884, %all_reduce_population_count3A_920 : vector<16xi32>
        %slice3A_922 = vector.extract_strided_slice %gather3A_774 {offsets = [4], sizes = [1], strides = [1]} : vector<16xi32> to vector<1xi32>
        %squeeze3A_923 = vector.extract %slice3A_922[0] : i32 from vector<1xi32>
        %mul3A_924 = arith.constant 16 : i32
        %mul3A_925 = arith.muli %while3A_761, %mul3A_924 : i32
        %add3A_926 = arith.constant 4 : i32
        %add3A_927 = arith.addi %mul3A_925, %add3A_926 : i32
        %lt3A_928 = arith.cmpi slt, %add3A_927, %squeeze3A : i32
        %shift_right_arithmetic3A_929 = vector.broadcast %squeeze3A_923 : i32 to vector<16xi32>
        %shift_right_arithmetic3A_930 = arith.shrsi %shift_right_arithmetic3A_929, %iota3A : vector<16xi32>
        %and3A_931 = arith.constant 1 : i32
        %and3A_932 = vector.broadcast %and3A_931 : i32 to vector<16xi32>
        %and3A_933 = arith.andi %shift_right_arithmetic3A_930, %and3A_932 : vector<16xi32>
        %ne3A_934 = arith.constant 0 : i32
        %ne3A_935 = vector.broadcast %ne3A_934 : i32 to vector<16xi32>
        %ne3A_936 = arith.cmpi ne, %and3A_933, %ne3A_935 : vector<16xi32>
        %and3A_937 = vector.broadcast %lt3A_928 : i1 to vector<16xi1>
        %and3A_938 = arith.andi %ne3A_936, %and3A_937 : vector<16xi1>
        %convert_element_type3A_939 = arith.extui %and3A_938 : vector<16xi1> to vector<16xi32>
        %broadcast_in_dim3A_940 = arith.constant true
        %broadcast_in_dim3A_941 = vector.broadcast %broadcast_in_dim3A_940 : i1 to vector<16xi1>
        %masked_cumsum3A_942 = tpu.scan <sum>, %convert_element_type3A_939 masked %broadcast_in_dim3A_941 : vector<16xi32>, vector<16xi1> -> vector<16xi32>
        %add3A_943 = arith.addi %add3A_921, %masked_cumsum3A_942 : vector<16xi32>
        %sub3A_944 = arith.constant 1 : i32
        %sub3A_945 = vector.broadcast %sub3A_944 : i32 to vector<16xi32>
        %sub3A_946 = arith.subi %add3A_943, %sub3A_945 : vector<16xi32>
        %lt3A_947 = arith.constant 64 : i32
        %lt3A_948 = vector.broadcast %lt3A_947 : i32 to vector<16xi32>
        %lt3A_949 = arith.cmpi slt, %sub3A_946, %lt3A_948 : vector<16xi32>
        %and3A_950 = arith.andi %and3A_938, %lt3A_949 : vector<16xi1>
        %slice3A_951 = vector.extract_strided_slice %get3A_766 {offsets = [4], sizes = [1], strides = [1]} : vector<16xi32> to vector<1xi32>
        %squeeze3A_952 = vector.extract %slice3A_951[0] : i32 from vector<1xi32>
        %mul3A_953 = arith.constant 16 : i32
        %mul3A_954 = arith.muli %squeeze3A_952, %mul3A_953 : i32
        %add3A_955 = vector.broadcast %mul3A_954 : i32 to vector<16xi32>
        %add3A_956 = arith.addi %add3A_955, %iota3A : vector<16xi32>
        tpu.vector_store_idx %arg11[%sub3A_946], %add3A_956 masked %and3A_950 : memref<64xi32, #tpu.memory_space<vmem>>[vector<16xi32>], vector<16xi32>, vector<16xi1>
        %all_reduce_population_count3A_957 = tpu.all_reduce %and3A_950 {dim = 0 : i64, kind = #tpu.reduction_kind<sum>} : vector<16xi1> -> vector<16xi32>
        %add3A_958 = arith.addi %add3A_921, %all_reduce_population_count3A_957 : vector<16xi32>
        %slice3A_959 = vector.extract_strided_slice %gather3A_774 {offsets = [5], sizes = [1], strides = [1]} : vector<16xi32> to vector<1xi32>
        %squeeze3A_960 = vector.extract %slice3A_959[0] : i32 from vector<1xi32>
        %mul3A_961 = arith.constant 16 : i32
        %mul3A_962 = arith.muli %while3A_761, %mul3A_961 : i32
        %add3A_963 = arith.constant 5 : i32
        %add3A_964 = arith.addi %mul3A_962, %add3A_963 : i32
        %lt3A_965 = arith.cmpi slt, %add3A_964, %squeeze3A : i32
        %shift_right_arithmetic3A_966 = vector.broadcast %squeeze3A_960 : i32 to vector<16xi32>
        %shift_right_arithmetic3A_967 = arith.shrsi %shift_right_arithmetic3A_966, %iota3A : vector<16xi32>
        %and3A_968 = arith.constant 1 : i32
        %and3A_969 = vector.broadcast %and3A_968 : i32 to vector<16xi32>
        %and3A_970 = arith.andi %shift_right_arithmetic3A_967, %and3A_969 : vector<16xi32>
        %ne3A_971 = arith.constant 0 : i32
        %ne3A_972 = vector.broadcast %ne3A_971 : i32 to vector<16xi32>
        %ne3A_973 = arith.cmpi ne, %and3A_970, %ne3A_972 : vector<16xi32>
        %and3A_974 = vector.broadcast %lt3A_965 : i1 to vector<16xi1>
        %and3A_975 = arith.andi %ne3A_973, %and3A_974 : vector<16xi1>
        %convert_element_type3A_976 = arith.extui %and3A_975 : vector<16xi1> to vector<16xi32>
        %broadcast_in_dim3A_977 = arith.constant true
        %broadcast_in_dim3A_978 = vector.broadcast %broadcast_in_dim3A_977 : i1 to vector<16xi1>
        %masked_cumsum3A_979 = tpu.scan <sum>, %convert_element_type3A_976 masked %broadcast_in_dim3A_978 : vector<16xi32>, vector<16xi1> -> vector<16xi32>
        %add3A_980 = arith.addi %add3A_958, %masked_cumsum3A_979 : vector<16xi32>
        %sub3A_981 = arith.constant 1 : i32
        %sub3A_982 = vector.broadcast %sub3A_981 : i32 to vector<16xi32>
        %sub3A_983 = arith.subi %add3A_980, %sub3A_982 : vector<16xi32>
        %lt3A_984 = arith.constant 64 : i32
        %lt3A_985 = vector.broadcast %lt3A_984 : i32 to vector<16xi32>
        %lt3A_986 = arith.cmpi slt, %sub3A_983, %lt3A_985 : vector<16xi32>
        %and3A_987 = arith.andi %and3A_975, %lt3A_986 : vector<16xi1>
        %slice3A_988 = vector.extract_strided_slice %get3A_766 {offsets = [5], sizes = [1], strides = [1]} : vector<16xi32> to vector<1xi32>
        %squeeze3A_989 = vector.extract %slice3A_988[0] : i32 from vector<1xi32>
        %mul3A_990 = arith.constant 16 : i32
        %mul3A_991 = arith.muli %squeeze3A_989, %mul3A_990 : i32
        %add3A_992 = vector.broadcast %mul3A_991 : i32 to vector<16xi32>
        %add3A_993 = arith.addi %add3A_992, %iota3A : vector<16xi32>
        tpu.vector_store_idx %arg11[%sub3A_983], %add3A_993 masked %and3A_987 : memref<64xi32, #tpu.memory_space<vmem>>[vector<16xi32>], vector<16xi32>, vector<16xi1>
        %all_reduce_population_count3A_994 = tpu.all_reduce %and3A_987 {dim = 0 : i64, kind = #tpu.reduction_kind<sum>} : vector<16xi1> -> vector<16xi32>
        %add3A_995 = arith.addi %add3A_958, %all_reduce_population_count3A_994 : vector<16xi32>
        %slice3A_996 = vector.extract_strided_slice %gather3A_774 {offsets = [6], sizes = [1], strides = [1]} : vector<16xi32> to vector<1xi32>
        %squeeze3A_997 = vector.extract %slice3A_996[0] : i32 from vector<1xi32>
        %mul3A_998 = arith.constant 16 : i32
        %mul3A_999 = arith.muli %while3A_761, %mul3A_998 : i32
        %add3A_1000 = arith.constant 6 : i32
        %add3A_1001 = arith.addi %mul3A_999, %add3A_1000 : i32
        %lt3A_1002 = arith.cmpi slt, %add3A_1001, %squeeze3A : i32
        %shift_right_arithmetic3A_1003 = vector.broadcast %squeeze3A_997 : i32 to vector<16xi32>
        %shift_right_arithmetic3A_1004 = arith.shrsi %shift_right_arithmetic3A_1003, %iota3A : vector<16xi32>
        %and3A_1005 = arith.constant 1 : i32
        %and3A_1006 = vector.broadcast %and3A_1005 : i32 to vector<16xi32>
        %and3A_1007 = arith.andi %shift_right_arithmetic3A_1004, %and3A_1006 : vector<16xi32>
        %ne3A_1008 = arith.constant 0 : i32
        %ne3A_1009 = vector.broadcast %ne3A_1008 : i32 to vector<16xi32>
        %ne3A_1010 = arith.cmpi ne, %and3A_1007, %ne3A_1009 : vector<16xi32>
        %and3A_1011 = vector.broadcast %lt3A_1002 : i1 to vector<16xi1>
        %and3A_1012 = arith.andi %ne3A_1010, %and3A_1011 : vector<16xi1>
        %convert_element_type3A_1013 = arith.extui %and3A_1012 : vector<16xi1> to vector<16xi32>
        %broadcast_in_dim3A_1014 = arith.constant true
        %broadcast_in_dim3A_1015 = vector.broadcast %broadcast_in_dim3A_1014 : i1 to vector<16xi1>
        %masked_cumsum3A_1016 = tpu.scan <sum>, %convert_element_type3A_1013 masked %broadcast_in_dim3A_1015 : vector<16xi32>, vector<16xi1> -> vector<16xi32>
        %add3A_1017 = arith.addi %add3A_995, %masked_cumsum3A_1016 : vector<16xi32>
        %sub3A_1018 = arith.constant 1 : i32
        %sub3A_1019 = vector.broadcast %sub3A_1018 : i32 to vector<16xi32>
        %sub3A_1020 = arith.subi %add3A_1017, %sub3A_1019 : vector<16xi32>
        %lt3A_1021 = arith.constant 64 : i32
        %lt3A_1022 = vector.broadcast %lt3A_1021 : i32 to vector<16xi32>
        %lt3A_1023 = arith.cmpi slt, %sub3A_1020, %lt3A_1022 : vector<16xi32>
        %and3A_1024 = arith.andi %and3A_1012, %lt3A_1023 : vector<16xi1>
        %slice3A_1025 = vector.extract_strided_slice %get3A_766 {offsets = [6], sizes = [1], strides = [1]} : vector<16xi32> to vector<1xi32>
        %squeeze3A_1026 = vector.extract %slice3A_1025[0] : i32 from vector<1xi32>
        %mul3A_1027 = arith.constant 16 : i32
        %mul3A_1028 = arith.muli %squeeze3A_1026, %mul3A_1027 : i32
        %add3A_1029 = vector.broadcast %mul3A_1028 : i32 to vector<16xi32>
        %add3A_1030 = arith.addi %add3A_1029, %iota3A : vector<16xi32>
        tpu.vector_store_idx %arg11[%sub3A_1020], %add3A_1030 masked %and3A_1024 : memref<64xi32, #tpu.memory_space<vmem>>[vector<16xi32>], vector<16xi32>, vector<16xi1>
        %all_reduce_population_count3A_1031 = tpu.all_reduce %and3A_1024 {dim = 0 : i64, kind = #tpu.reduction_kind<sum>} : vector<16xi1> -> vector<16xi32>
        %add3A_1032 = arith.addi %add3A_995, %all_reduce_population_count3A_1031 : vector<16xi32>
        %slice3A_1033 = vector.extract_strided_slice %gather3A_774 {offsets = [7], sizes = [1], strides = [1]} : vector<16xi32> to vector<1xi32>
        %squeeze3A_1034 = vector.extract %slice3A_1033[0] : i32 from vector<1xi32>
        %mul3A_1035 = arith.constant 16 : i32
        %mul3A_1036 = arith.muli %while3A_761, %mul3A_1035 : i32
        %add3A_1037 = arith.constant 7 : i32
        %add3A_1038 = arith.addi %mul3A_1036, %add3A_1037 : i32
        %lt3A_1039 = arith.cmpi slt, %add3A_1038, %squeeze3A : i32
        %shift_right_arithmetic3A_1040 = vector.broadcast %squeeze3A_1034 : i32 to vector<16xi32>
        %shift_right_arithmetic3A_1041 = arith.shrsi %shift_right_arithmetic3A_1040, %iota3A : vector<16xi32>
        %and3A_1042 = arith.constant 1 : i32
        %and3A_1043 = vector.broadcast %and3A_1042 : i32 to vector<16xi32>
        %and3A_1044 = arith.andi %shift_right_arithmetic3A_1041, %and3A_1043 : vector<16xi32>
        %ne3A_1045 = arith.constant 0 : i32
        %ne3A_1046 = vector.broadcast %ne3A_1045 : i32 to vector<16xi32>
        %ne3A_1047 = arith.cmpi ne, %and3A_1044, %ne3A_1046 : vector<16xi32>
        %and3A_1048 = vector.broadcast %lt3A_1039 : i1 to vector<16xi1>
        %and3A_1049 = arith.andi %ne3A_1047, %and3A_1048 : vector<16xi1>
        %convert_element_type3A_1050 = arith.extui %and3A_1049 : vector<16xi1> to vector<16xi32>
        %broadcast_in_dim3A_1051 = arith.constant true
        %broadcast_in_dim3A_1052 = vector.broadcast %broadcast_in_dim3A_1051 : i1 to vector<16xi1>
        %masked_cumsum3A_1053 = tpu.scan <sum>, %convert_element_type3A_1050 masked %broadcast_in_dim3A_1052 : vector<16xi32>, vector<16xi1> -> vector<16xi32>
        %add3A_1054 = arith.addi %add3A_1032, %masked_cumsum3A_1053 : vector<16xi32>
        %sub3A_1055 = arith.constant 1 : i32
        %sub3A_1056 = vector.broadcast %sub3A_1055 : i32 to vector<16xi32>
        %sub3A_1057 = arith.subi %add3A_1054, %sub3A_1056 : vector<16xi32>
        %lt3A_1058 = arith.constant 64 : i32
        %lt3A_1059 = vector.broadcast %lt3A_1058 : i32 to vector<16xi32>
        %lt3A_1060 = arith.cmpi slt, %sub3A_1057, %lt3A_1059 : vector<16xi32>
        %and3A_1061 = arith.andi %and3A_1049, %lt3A_1060 : vector<16xi1>
        %slice3A_1062 = vector.extract_strided_slice %get3A_766 {offsets = [7], sizes = [1], strides = [1]} : vector<16xi32> to vector<1xi32>
        %squeeze3A_1063 = vector.extract %slice3A_1062[0] : i32 from vector<1xi32>
        %mul3A_1064 = arith.constant 16 : i32
        %mul3A_1065 = arith.muli %squeeze3A_1063, %mul3A_1064 : i32
        %add3A_1066 = vector.broadcast %mul3A_1065 : i32 to vector<16xi32>
        %add3A_1067 = arith.addi %add3A_1066, %iota3A : vector<16xi32>
        tpu.vector_store_idx %arg11[%sub3A_1057], %add3A_1067 masked %and3A_1061 : memref<64xi32, #tpu.memory_space<vmem>>[vector<16xi32>], vector<16xi32>, vector<16xi1>
        %all_reduce_population_count3A_1068 = tpu.all_reduce %and3A_1061 {dim = 0 : i64, kind = #tpu.reduction_kind<sum>} : vector<16xi1> -> vector<16xi32>
        %add3A_1069 = arith.addi %add3A_1032, %all_reduce_population_count3A_1068 : vector<16xi32>
        %slice3A_1070 = vector.extract_strided_slice %gather3A_774 {offsets = [8], sizes = [1], strides = [1]} : vector<16xi32> to vector<1xi32>
        %squeeze3A_1071 = vector.extract %slice3A_1070[0] : i32 from vector<1xi32>
        %mul3A_1072 = arith.constant 16 : i32
        %mul3A_1073 = arith.muli %while3A_761, %mul3A_1072 : i32
        %add3A_1074 = arith.constant 8 : i32
        %add3A_1075 = arith.addi %mul3A_1073, %add3A_1074 : i32
        %lt3A_1076 = arith.cmpi slt, %add3A_1075, %squeeze3A : i32
        %shift_right_arithmetic3A_1077 = vector.broadcast %squeeze3A_1071 : i32 to vector<16xi32>
        %shift_right_arithmetic3A_1078 = arith.shrsi %shift_right_arithmetic3A_1077, %iota3A : vector<16xi32>
        %and3A_1079 = arith.constant 1 : i32
        %and3A_1080 = vector.broadcast %and3A_1079 : i32 to vector<16xi32>
        %and3A_1081 = arith.andi %shift_right_arithmetic3A_1078, %and3A_1080 : vector<16xi32>
        %ne3A_1082 = arith.constant 0 : i32
        %ne3A_1083 = vector.broadcast %ne3A_1082 : i32 to vector<16xi32>
        %ne3A_1084 = arith.cmpi ne, %and3A_1081, %ne3A_1083 : vector<16xi32>
        %and3A_1085 = vector.broadcast %lt3A_1076 : i1 to vector<16xi1>
        %and3A_1086 = arith.andi %ne3A_1084, %and3A_1085 : vector<16xi1>
        %convert_element_type3A_1087 = arith.extui %and3A_1086 : vector<16xi1> to vector<16xi32>
        %broadcast_in_dim3A_1088 = arith.constant true
        %broadcast_in_dim3A_1089 = vector.broadcast %broadcast_in_dim3A_1088 : i1 to vector<16xi1>
        %masked_cumsum3A_1090 = tpu.scan <sum>, %convert_element_type3A_1087 masked %broadcast_in_dim3A_1089 : vector<16xi32>, vector<16xi1> -> vector<16xi32>
        %add3A_1091 = arith.addi %add3A_1069, %masked_cumsum3A_1090 : vector<16xi32>
        %sub3A_1092 = arith.constant 1 : i32
        %sub3A_1093 = vector.broadcast %sub3A_1092 : i32 to vector<16xi32>
        %sub3A_1094 = arith.subi %add3A_1091, %sub3A_1093 : vector<16xi32>
        %lt3A_1095 = arith.constant 64 : i32
        %lt3A_1096 = vector.broadcast %lt3A_1095 : i32 to vector<16xi32>
        %lt3A_1097 = arith.cmpi slt, %sub3A_1094, %lt3A_1096 : vector<16xi32>
        %and3A_1098 = arith.andi %and3A_1086, %lt3A_1097 : vector<16xi1>
        %slice3A_1099 = vector.extract_strided_slice %get3A_766 {offsets = [8], sizes = [1], strides = [1]} : vector<16xi32> to vector<1xi32>
        %squeeze3A_1100 = vector.extract %slice3A_1099[0] : i32 from vector<1xi32>
        %mul3A_1101 = arith.constant 16 : i32
        %mul3A_1102 = arith.muli %squeeze3A_1100, %mul3A_1101 : i32
        %add3A_1103 = vector.broadcast %mul3A_1102 : i32 to vector<16xi32>
        %add3A_1104 = arith.addi %add3A_1103, %iota3A : vector<16xi32>
        tpu.vector_store_idx %arg11[%sub3A_1094], %add3A_1104 masked %and3A_1098 : memref<64xi32, #tpu.memory_space<vmem>>[vector<16xi32>], vector<16xi32>, vector<16xi1>
        %all_reduce_population_count3A_1105 = tpu.all_reduce %and3A_1098 {dim = 0 : i64, kind = #tpu.reduction_kind<sum>} : vector<16xi1> -> vector<16xi32>
        %add3A_1106 = arith.addi %add3A_1069, %all_reduce_population_count3A_1105 : vector<16xi32>
        %slice3A_1107 = vector.extract_strided_slice %gather3A_774 {offsets = [9], sizes = [1], strides = [1]} : vector<16xi32> to vector<1xi32>
        %squeeze3A_1108 = vector.extract %slice3A_1107[0] : i32 from vector<1xi32>
        %mul3A_1109 = arith.constant 16 : i32
        %mul3A_1110 = arith.muli %while3A_761, %mul3A_1109 : i32
        %add3A_1111 = arith.constant 9 : i32
        %add3A_1112 = arith.addi %mul3A_1110, %add3A_1111 : i32
        %lt3A_1113 = arith.cmpi slt, %add3A_1112, %squeeze3A : i32
        %shift_right_arithmetic3A_1114 = vector.broadcast %squeeze3A_1108 : i32 to vector<16xi32>
        %shift_right_arithmetic3A_1115 = arith.shrsi %shift_right_arithmetic3A_1114, %iota3A : vector<16xi32>
        %and3A_1116 = arith.constant 1 : i32
        %and3A_1117 = vector.broadcast %and3A_1116 : i32 to vector<16xi32>
        %and3A_1118 = arith.andi %shift_right_arithmetic3A_1115, %and3A_1117 : vector<16xi32>
        %ne3A_1119 = arith.constant 0 : i32
        %ne3A_1120 = vector.broadcast %ne3A_1119 : i32 to vector<16xi32>
        %ne3A_1121 = arith.cmpi ne, %and3A_1118, %ne3A_1120 : vector<16xi32>
        %and3A_1122 = vector.broadcast %lt3A_1113 : i1 to vector<16xi1>
        %and3A_1123 = arith.andi %ne3A_1121, %and3A_1122 : vector<16xi1>
        %convert_element_type3A_1124 = arith.extui %and3A_1123 : vector<16xi1> to vector<16xi32>
        %broadcast_in_dim3A_1125 = arith.constant true
        %broadcast_in_dim3A_1126 = vector.broadcast %broadcast_in_dim3A_1125 : i1 to vector<16xi1>
        %masked_cumsum3A_1127 = tpu.scan <sum>, %convert_element_type3A_1124 masked %broadcast_in_dim3A_1126 : vector<16xi32>, vector<16xi1> -> vector<16xi32>
        %add3A_1128 = arith.addi %add3A_1106, %masked_cumsum3A_1127 : vector<16xi32>
        %sub3A_1129 = arith.constant 1 : i32
        %sub3A_1130 = vector.broadcast %sub3A_1129 : i32 to vector<16xi32>
        %sub3A_1131 = arith.subi %add3A_1128, %sub3A_1130 : vector<16xi32>
        %lt3A_1132 = arith.constant 64 : i32
        %lt3A_1133 = vector.broadcast %lt3A_1132 : i32 to vector<16xi32>
        %lt3A_1134 = arith.cmpi slt, %sub3A_1131, %lt3A_1133 : vector<16xi32>
        %and3A_1135 = arith.andi %and3A_1123, %lt3A_1134 : vector<16xi1>
        %slice3A_1136 = vector.extract_strided_slice %get3A_766 {offsets = [9], sizes = [1], strides = [1]} : vector<16xi32> to vector<1xi32>
        %squeeze3A_1137 = vector.extract %slice3A_1136[0] : i32 from vector<1xi32>
        %mul3A_1138 = arith.constant 16 : i32
        %mul3A_1139 = arith.muli %squeeze3A_1137, %mul3A_1138 : i32
        %add3A_1140 = vector.broadcast %mul3A_1139 : i32 to vector<16xi32>
        %add3A_1141 = arith.addi %add3A_1140, %iota3A : vector<16xi32>
        tpu.vector_store_idx %arg11[%sub3A_1131], %add3A_1141 masked %and3A_1135 : memref<64xi32, #tpu.memory_space<vmem>>[vector<16xi32>], vector<16xi32>, vector<16xi1>
        %all_reduce_population_count3A_1142 = tpu.all_reduce %and3A_1135 {dim = 0 : i64, kind = #tpu.reduction_kind<sum>} : vector<16xi1> -> vector<16xi32>
        %add3A_1143 = arith.addi %add3A_1106, %all_reduce_population_count3A_1142 : vector<16xi32>
        %slice3A_1144 = vector.extract_strided_slice %gather3A_774 {offsets = [10], sizes = [1], strides = [1]} : vector<16xi32> to vector<1xi32>
        %squeeze3A_1145 = vector.extract %slice3A_1144[0] : i32 from vector<1xi32>
        %mul3A_1146 = arith.constant 16 : i32
        %mul3A_1147 = arith.muli %while3A_761, %mul3A_1146 : i32
        %add3A_1148 = arith.constant 10 : i32
        %add3A_1149 = arith.addi %mul3A_1147, %add3A_1148 : i32
        %lt3A_1150 = arith.cmpi slt, %add3A_1149, %squeeze3A : i32
        %shift_right_arithmetic3A_1151 = vector.broadcast %squeeze3A_1145 : i32 to vector<16xi32>
        %shift_right_arithmetic3A_1152 = arith.shrsi %shift_right_arithmetic3A_1151, %iota3A : vector<16xi32>
        %and3A_1153 = arith.constant 1 : i32
        %and3A_1154 = vector.broadcast %and3A_1153 : i32 to vector<16xi32>
        %and3A_1155 = arith.andi %shift_right_arithmetic3A_1152, %and3A_1154 : vector<16xi32>
        %ne3A_1156 = arith.constant 0 : i32
        %ne3A_1157 = vector.broadcast %ne3A_1156 : i32 to vector<16xi32>
        %ne3A_1158 = arith.cmpi ne, %and3A_1155, %ne3A_1157 : vector<16xi32>
        %and3A_1159 = vector.broadcast %lt3A_1150 : i1 to vector<16xi1>
        %and3A_1160 = arith.andi %ne3A_1158, %and3A_1159 : vector<16xi1>
        %convert_element_type3A_1161 = arith.extui %and3A_1160 : vector<16xi1> to vector<16xi32>
        %broadcast_in_dim3A_1162 = arith.constant true
        %broadcast_in_dim3A_1163 = vector.broadcast %broadcast_in_dim3A_1162 : i1 to vector<16xi1>
        %masked_cumsum3A_1164 = tpu.scan <sum>, %convert_element_type3A_1161 masked %broadcast_in_dim3A_1163 : vector<16xi32>, vector<16xi1> -> vector<16xi32>
        %add3A_1165 = arith.addi %add3A_1143, %masked_cumsum3A_1164 : vector<16xi32>
        %sub3A_1166 = arith.constant 1 : i32
        %sub3A_1167 = vector.broadcast %sub3A_1166 : i32 to vector<16xi32>
        %sub3A_1168 = arith.subi %add3A_1165, %sub3A_1167 : vector<16xi32>
        %lt3A_1169 = arith.constant 64 : i32
        %lt3A_1170 = vector.broadcast %lt3A_1169 : i32 to vector<16xi32>
        %lt3A_1171 = arith.cmpi slt, %sub3A_1168, %lt3A_1170 : vector<16xi32>
        %and3A_1172 = arith.andi %and3A_1160, %lt3A_1171 : vector<16xi1>
        %slice3A_1173 = vector.extract_strided_slice %get3A_766 {offsets = [10], sizes = [1], strides = [1]} : vector<16xi32> to vector<1xi32>
        %squeeze3A_1174 = vector.extract %slice3A_1173[0] : i32 from vector<1xi32>
        %mul3A_1175 = arith.constant 16 : i32
        %mul3A_1176 = arith.muli %squeeze3A_1174, %mul3A_1175 : i32
        %add3A_1177 = vector.broadcast %mul3A_1176 : i32 to vector<16xi32>
        %add3A_1178 = arith.addi %add3A_1177, %iota3A : vector<16xi32>
        tpu.vector_store_idx %arg11[%sub3A_1168], %add3A_1178 masked %and3A_1172 : memref<64xi32, #tpu.memory_space<vmem>>[vector<16xi32>], vector<16xi32>, vector<16xi1>
        %all_reduce_population_count3A_1179 = tpu.all_reduce %and3A_1172 {dim = 0 : i64, kind = #tpu.reduction_kind<sum>} : vector<16xi1> -> vector<16xi32>
        %add3A_1180 = arith.addi %add3A_1143, %all_reduce_population_count3A_1179 : vector<16xi32>
        %slice3A_1181 = vector.extract_strided_slice %gather3A_774 {offsets = [11], sizes = [1], strides = [1]} : vector<16xi32> to vector<1xi32>
        %squeeze3A_1182 = vector.extract %slice3A_1181[0] : i32 from vector<1xi32>
        %mul3A_1183 = arith.constant 16 : i32
        %mul3A_1184 = arith.muli %while3A_761, %mul3A_1183 : i32
        %add3A_1185 = arith.constant 11 : i32
        %add3A_1186 = arith.addi %mul3A_1184, %add3A_1185 : i32
        %lt3A_1187 = arith.cmpi slt, %add3A_1186, %squeeze3A : i32
        %shift_right_arithmetic3A_1188 = vector.broadcast %squeeze3A_1182 : i32 to vector<16xi32>
        %shift_right_arithmetic3A_1189 = arith.shrsi %shift_right_arithmetic3A_1188, %iota3A : vector<16xi32>
        %and3A_1190 = arith.constant 1 : i32
        %and3A_1191 = vector.broadcast %and3A_1190 : i32 to vector<16xi32>
        %and3A_1192 = arith.andi %shift_right_arithmetic3A_1189, %and3A_1191 : vector<16xi32>
        %ne3A_1193 = arith.constant 0 : i32
        %ne3A_1194 = vector.broadcast %ne3A_1193 : i32 to vector<16xi32>
        %ne3A_1195 = arith.cmpi ne, %and3A_1192, %ne3A_1194 : vector<16xi32>
        %and3A_1196 = vector.broadcast %lt3A_1187 : i1 to vector<16xi1>
        %and3A_1197 = arith.andi %ne3A_1195, %and3A_1196 : vector<16xi1>
        %convert_element_type3A_1198 = arith.extui %and3A_1197 : vector<16xi1> to vector<16xi32>
        %broadcast_in_dim3A_1199 = arith.constant true
        %broadcast_in_dim3A_1200 = vector.broadcast %broadcast_in_dim3A_1199 : i1 to vector<16xi1>
        %masked_cumsum3A_1201 = tpu.scan <sum>, %convert_element_type3A_1198 masked %broadcast_in_dim3A_1200 : vector<16xi32>, vector<16xi1> -> vector<16xi32>
        %add3A_1202 = arith.addi %add3A_1180, %masked_cumsum3A_1201 : vector<16xi32>
        %sub3A_1203 = arith.constant 1 : i32
        %sub3A_1204 = vector.broadcast %sub3A_1203 : i32 to vector<16xi32>
        %sub3A_1205 = arith.subi %add3A_1202, %sub3A_1204 : vector<16xi32>
        %lt3A_1206 = arith.constant 64 : i32
        %lt3A_1207 = vector.broadcast %lt3A_1206 : i32 to vector<16xi32>
        %lt3A_1208 = arith.cmpi slt, %sub3A_1205, %lt3A_1207 : vector<16xi32>
        %and3A_1209 = arith.andi %and3A_1197, %lt3A_1208 : vector<16xi1>
        %slice3A_1210 = vector.extract_strided_slice %get3A_766 {offsets = [11], sizes = [1], strides = [1]} : vector<16xi32> to vector<1xi32>
        %squeeze3A_1211 = vector.extract %slice3A_1210[0] : i32 from vector<1xi32>
        %mul3A_1212 = arith.constant 16 : i32
        %mul3A_1213 = arith.muli %squeeze3A_1211, %mul3A_1212 : i32
        %add3A_1214 = vector.broadcast %mul3A_1213 : i32 to vector<16xi32>
        %add3A_1215 = arith.addi %add3A_1214, %iota3A : vector<16xi32>
        tpu.vector_store_idx %arg11[%sub3A_1205], %add3A_1215 masked %and3A_1209 : memref<64xi32, #tpu.memory_space<vmem>>[vector<16xi32>], vector<16xi32>, vector<16xi1>
        %all_reduce_population_count3A_1216 = tpu.all_reduce %and3A_1209 {dim = 0 : i64, kind = #tpu.reduction_kind<sum>} : vector<16xi1> -> vector<16xi32>
        %add3A_1217 = arith.addi %add3A_1180, %all_reduce_population_count3A_1216 : vector<16xi32>
        %slice3A_1218 = vector.extract_strided_slice %gather3A_774 {offsets = [12], sizes = [1], strides = [1]} : vector<16xi32> to vector<1xi32>
        %squeeze3A_1219 = vector.extract %slice3A_1218[0] : i32 from vector<1xi32>
        %mul3A_1220 = arith.constant 16 : i32
        %mul3A_1221 = arith.muli %while3A_761, %mul3A_1220 : i32
        %add3A_1222 = arith.constant 12 : i32
        %add3A_1223 = arith.addi %mul3A_1221, %add3A_1222 : i32
        %lt3A_1224 = arith.cmpi slt, %add3A_1223, %squeeze3A : i32
        %shift_right_arithmetic3A_1225 = vector.broadcast %squeeze3A_1219 : i32 to vector<16xi32>
        %shift_right_arithmetic3A_1226 = arith.shrsi %shift_right_arithmetic3A_1225, %iota3A : vector<16xi32>
        %and3A_1227 = arith.constant 1 : i32
        %and3A_1228 = vector.broadcast %and3A_1227 : i32 to vector<16xi32>
        %and3A_1229 = arith.andi %shift_right_arithmetic3A_1226, %and3A_1228 : vector<16xi32>
        %ne3A_1230 = arith.constant 0 : i32
        %ne3A_1231 = vector.broadcast %ne3A_1230 : i32 to vector<16xi32>
        %ne3A_1232 = arith.cmpi ne, %and3A_1229, %ne3A_1231 : vector<16xi32>
        %and3A_1233 = vector.broadcast %lt3A_1224 : i1 to vector<16xi1>
        %and3A_1234 = arith.andi %ne3A_1232, %and3A_1233 : vector<16xi1>
        %convert_element_type3A_1235 = arith.extui %and3A_1234 : vector<16xi1> to vector<16xi32>
        %broadcast_in_dim3A_1236 = arith.constant true
        %broadcast_in_dim3A_1237 = vector.broadcast %broadcast_in_dim3A_1236 : i1 to vector<16xi1>
        %masked_cumsum3A_1238 = tpu.scan <sum>, %convert_element_type3A_1235 masked %broadcast_in_dim3A_1237 : vector<16xi32>, vector<16xi1> -> vector<16xi32>
        %add3A_1239 = arith.addi %add3A_1217, %masked_cumsum3A_1238 : vector<16xi32>
        %sub3A_1240 = arith.constant 1 : i32
        %sub3A_1241 = vector.broadcast %sub3A_1240 : i32 to vector<16xi32>
        %sub3A_1242 = arith.subi %add3A_1239, %sub3A_1241 : vector<16xi32>
        %lt3A_1243 = arith.constant 64 : i32
        %lt3A_1244 = vector.broadcast %lt3A_1243 : i32 to vector<16xi32>
        %lt3A_1245 = arith.cmpi slt, %sub3A_1242, %lt3A_1244 : vector<16xi32>
        %and3A_1246 = arith.andi %and3A_1234, %lt3A_1245 : vector<16xi1>
        %slice3A_1247 = vector.extract_strided_slice %get3A_766 {offsets = [12], sizes = [1], strides = [1]} : vector<16xi32> to vector<1xi32>
        %squeeze3A_1248 = vector.extract %slice3A_1247[0] : i32 from vector<1xi32>
        %mul3A_1249 = arith.constant 16 : i32
        %mul3A_1250 = arith.muli %squeeze3A_1248, %mul3A_1249 : i32
        %add3A_1251 = vector.broadcast %mul3A_1250 : i32 to vector<16xi32>
        %add3A_1252 = arith.addi %add3A_1251, %iota3A : vector<16xi32>
        tpu.vector_store_idx %arg11[%sub3A_1242], %add3A_1252 masked %and3A_1246 : memref<64xi32, #tpu.memory_space<vmem>>[vector<16xi32>], vector<16xi32>, vector<16xi1>
        %all_reduce_population_count3A_1253 = tpu.all_reduce %and3A_1246 {dim = 0 : i64, kind = #tpu.reduction_kind<sum>} : vector<16xi1> -> vector<16xi32>
        %add3A_1254 = arith.addi %add3A_1217, %all_reduce_population_count3A_1253 : vector<16xi32>
        %slice3A_1255 = vector.extract_strided_slice %gather3A_774 {offsets = [13], sizes = [1], strides = [1]} : vector<16xi32> to vector<1xi32>
        %squeeze3A_1256 = vector.extract %slice3A_1255[0] : i32 from vector<1xi32>
        %mul3A_1257 = arith.constant 16 : i32
        %mul3A_1258 = arith.muli %while3A_761, %mul3A_1257 : i32
        %add3A_1259 = arith.constant 13 : i32
        %add3A_1260 = arith.addi %mul3A_1258, %add3A_1259 : i32
        %lt3A_1261 = arith.cmpi slt, %add3A_1260, %squeeze3A : i32
        %shift_right_arithmetic3A_1262 = vector.broadcast %squeeze3A_1256 : i32 to vector<16xi32>
        %shift_right_arithmetic3A_1263 = arith.shrsi %shift_right_arithmetic3A_1262, %iota3A : vector<16xi32>
        %and3A_1264 = arith.constant 1 : i32
        %and3A_1265 = vector.broadcast %and3A_1264 : i32 to vector<16xi32>
        %and3A_1266 = arith.andi %shift_right_arithmetic3A_1263, %and3A_1265 : vector<16xi32>
        %ne3A_1267 = arith.constant 0 : i32
        %ne3A_1268 = vector.broadcast %ne3A_1267 : i32 to vector<16xi32>
        %ne3A_1269 = arith.cmpi ne, %and3A_1266, %ne3A_1268 : vector<16xi32>
        %and3A_1270 = vector.broadcast %lt3A_1261 : i1 to vector<16xi1>
        %and3A_1271 = arith.andi %ne3A_1269, %and3A_1270 : vector<16xi1>
        %convert_element_type3A_1272 = arith.extui %and3A_1271 : vector<16xi1> to vector<16xi32>
        %broadcast_in_dim3A_1273 = arith.constant true
        %broadcast_in_dim3A_1274 = vector.broadcast %broadcast_in_dim3A_1273 : i1 to vector<16xi1>
        %masked_cumsum3A_1275 = tpu.scan <sum>, %convert_element_type3A_1272 masked %broadcast_in_dim3A_1274 : vector<16xi32>, vector<16xi1> -> vector<16xi32>
        %add3A_1276 = arith.addi %add3A_1254, %masked_cumsum3A_1275 : vector<16xi32>
        %sub3A_1277 = arith.constant 1 : i32
        %sub3A_1278 = vector.broadcast %sub3A_1277 : i32 to vector<16xi32>
        %sub3A_1279 = arith.subi %add3A_1276, %sub3A_1278 : vector<16xi32>
        %lt3A_1280 = arith.constant 64 : i32
        %lt3A_1281 = vector.broadcast %lt3A_1280 : i32 to vector<16xi32>
        %lt3A_1282 = arith.cmpi slt, %sub3A_1279, %lt3A_1281 : vector<16xi32>
        %and3A_1283 = arith.andi %and3A_1271, %lt3A_1282 : vector<16xi1>
        %slice3A_1284 = vector.extract_strided_slice %get3A_766 {offsets = [13], sizes = [1], strides = [1]} : vector<16xi32> to vector<1xi32>
        %squeeze3A_1285 = vector.extract %slice3A_1284[0] : i32 from vector<1xi32>
        %mul3A_1286 = arith.constant 16 : i32
        %mul3A_1287 = arith.muli %squeeze3A_1285, %mul3A_1286 : i32
        %add3A_1288 = vector.broadcast %mul3A_1287 : i32 to vector<16xi32>
        %add3A_1289 = arith.addi %add3A_1288, %iota3A : vector<16xi32>
        tpu.vector_store_idx %arg11[%sub3A_1279], %add3A_1289 masked %and3A_1283 : memref<64xi32, #tpu.memory_space<vmem>>[vector<16xi32>], vector<16xi32>, vector<16xi1>
        %all_reduce_population_count3A_1290 = tpu.all_reduce %and3A_1283 {dim = 0 : i64, kind = #tpu.reduction_kind<sum>} : vector<16xi1> -> vector<16xi32>
        %add3A_1291 = arith.addi %add3A_1254, %all_reduce_population_count3A_1290 : vector<16xi32>
        %slice3A_1292 = vector.extract_strided_slice %gather3A_774 {offsets = [14], sizes = [1], strides = [1]} : vector<16xi32> to vector<1xi32>
        %squeeze3A_1293 = vector.extract %slice3A_1292[0] : i32 from vector<1xi32>
        %mul3A_1294 = arith.constant 16 : i32
        %mul3A_1295 = arith.muli %while3A_761, %mul3A_1294 : i32
        %add3A_1296 = arith.constant 14 : i32
        %add3A_1297 = arith.addi %mul3A_1295, %add3A_1296 : i32
        %lt3A_1298 = arith.cmpi slt, %add3A_1297, %squeeze3A : i32
        %shift_right_arithmetic3A_1299 = vector.broadcast %squeeze3A_1293 : i32 to vector<16xi32>
        %shift_right_arithmetic3A_1300 = arith.shrsi %shift_right_arithmetic3A_1299, %iota3A : vector<16xi32>
        %and3A_1301 = arith.constant 1 : i32
        %and3A_1302 = vector.broadcast %and3A_1301 : i32 to vector<16xi32>
        %and3A_1303 = arith.andi %shift_right_arithmetic3A_1300, %and3A_1302 : vector<16xi32>
        %ne3A_1304 = arith.constant 0 : i32
        %ne3A_1305 = vector.broadcast %ne3A_1304 : i32 to vector<16xi32>
        %ne3A_1306 = arith.cmpi ne, %and3A_1303, %ne3A_1305 : vector<16xi32>
        %and3A_1307 = vector.broadcast %lt3A_1298 : i1 to vector<16xi1>
        %and3A_1308 = arith.andi %ne3A_1306, %and3A_1307 : vector<16xi1>
        %convert_element_type3A_1309 = arith.extui %and3A_1308 : vector<16xi1> to vector<16xi32>
        %broadcast_in_dim3A_1310 = arith.constant true
        %broadcast_in_dim3A_1311 = vector.broadcast %broadcast_in_dim3A_1310 : i1 to vector<16xi1>
        %masked_cumsum3A_1312 = tpu.scan <sum>, %convert_element_type3A_1309 masked %broadcast_in_dim3A_1311 : vector<16xi32>, vector<16xi1> -> vector<16xi32>
        %add3A_1313 = arith.addi %add3A_1291, %masked_cumsum3A_1312 : vector<16xi32>
        %sub3A_1314 = arith.constant 1 : i32
        %sub3A_1315 = vector.broadcast %sub3A_1314 : i32 to vector<16xi32>
        %sub3A_1316 = arith.subi %add3A_1313, %sub3A_1315 : vector<16xi32>
        %lt3A_1317 = arith.constant 64 : i32
        %lt3A_1318 = vector.broadcast %lt3A_1317 : i32 to vector<16xi32>
        %lt3A_1319 = arith.cmpi slt, %sub3A_1316, %lt3A_1318 : vector<16xi32>
        %and3A_1320 = arith.andi %and3A_1308, %lt3A_1319 : vector<16xi1>
        %slice3A_1321 = vector.extract_strided_slice %get3A_766 {offsets = [14], sizes = [1], strides = [1]} : vector<16xi32> to vector<1xi32>
        %squeeze3A_1322 = vector.extract %slice3A_1321[0] : i32 from vector<1xi32>
        %mul3A_1323 = arith.constant 16 : i32
        %mul3A_1324 = arith.muli %squeeze3A_1322, %mul3A_1323 : i32
        %add3A_1325 = vector.broadcast %mul3A_1324 : i32 to vector<16xi32>
        %add3A_1326 = arith.addi %add3A_1325, %iota3A : vector<16xi32>
        tpu.vector_store_idx %arg11[%sub3A_1316], %add3A_1326 masked %and3A_1320 : memref<64xi32, #tpu.memory_space<vmem>>[vector<16xi32>], vector<16xi32>, vector<16xi1>
        %all_reduce_population_count3A_1327 = tpu.all_reduce %and3A_1320 {dim = 0 : i64, kind = #tpu.reduction_kind<sum>} : vector<16xi1> -> vector<16xi32>
        %add3A_1328 = arith.addi %add3A_1291, %all_reduce_population_count3A_1327 : vector<16xi32>
        %slice3A_1329 = vector.extract_strided_slice %gather3A_774 {offsets = [15], sizes = [1], strides = [1]} : vector<16xi32> to vector<1xi32>
        %squeeze3A_1330 = vector.extract %slice3A_1329[0] : i32 from vector<1xi32>
        %mul3A_1331 = arith.constant 16 : i32
        %mul3A_1332 = arith.muli %while3A_761, %mul3A_1331 : i32
        %add3A_1333 = arith.constant 15 : i32
        %add3A_1334 = arith.addi %mul3A_1332, %add3A_1333 : i32
        %lt3A_1335 = arith.cmpi slt, %add3A_1334, %squeeze3A : i32
        %shift_right_arithmetic3A_1336 = vector.broadcast %squeeze3A_1330 : i32 to vector<16xi32>
        %shift_right_arithmetic3A_1337 = arith.shrsi %shift_right_arithmetic3A_1336, %iota3A : vector<16xi32>
        %and3A_1338 = arith.constant 1 : i32
        %and3A_1339 = vector.broadcast %and3A_1338 : i32 to vector<16xi32>
        %and3A_1340 = arith.andi %shift_right_arithmetic3A_1337, %and3A_1339 : vector<16xi32>
        %ne3A_1341 = arith.constant 0 : i32
        %ne3A_1342 = vector.broadcast %ne3A_1341 : i32 to vector<16xi32>
        %ne3A_1343 = arith.cmpi ne, %and3A_1340, %ne3A_1342 : vector<16xi32>
        %and3A_1344 = vector.broadcast %lt3A_1335 : i1 to vector<16xi1>
        %and3A_1345 = arith.andi %ne3A_1343, %and3A_1344 : vector<16xi1>
        %convert_element_type3A_1346 = arith.extui %and3A_1345 : vector<16xi1> to vector<16xi32>
        %broadcast_in_dim3A_1347 = arith.constant true
        %broadcast_in_dim3A_1348 = vector.broadcast %broadcast_in_dim3A_1347 : i1 to vector<16xi1>
        %masked_cumsum3A_1349 = tpu.scan <sum>, %convert_element_type3A_1346 masked %broadcast_in_dim3A_1348 : vector<16xi32>, vector<16xi1> -> vector<16xi32>
        %add3A_1350 = arith.addi %add3A_1328, %masked_cumsum3A_1349 : vector<16xi32>
        %sub3A_1351 = arith.constant 1 : i32
        %sub3A_1352 = vector.broadcast %sub3A_1351 : i32 to vector<16xi32>
        %sub3A_1353 = arith.subi %add3A_1350, %sub3A_1352 : vector<16xi32>
        %lt3A_1354 = arith.constant 64 : i32
        %lt3A_1355 = vector.broadcast %lt3A_1354 : i32 to vector<16xi32>
        %lt3A_1356 = arith.cmpi slt, %sub3A_1353, %lt3A_1355 : vector<16xi32>
        %and3A_1357 = arith.andi %and3A_1345, %lt3A_1356 : vector<16xi1>
        %slice3A_1358 = vector.extract_strided_slice %get3A_766 {offsets = [15], sizes = [1], strides = [1]} : vector<16xi32> to vector<1xi32>
        %squeeze3A_1359 = vector.extract %slice3A_1358[0] : i32 from vector<1xi32>
        %mul3A_1360 = arith.constant 16 : i32
        %mul3A_1361 = arith.muli %squeeze3A_1359, %mul3A_1360 : i32
        %add3A_1362 = vector.broadcast %mul3A_1361 : i32 to vector<16xi32>
        %add3A_1363 = arith.addi %add3A_1362, %iota3A : vector<16xi32>
        tpu.vector_store_idx %arg11[%sub3A_1353], %add3A_1363 masked %and3A_1357 : memref<64xi32, #tpu.memory_space<vmem>>[vector<16xi32>], vector<16xi32>, vector<16xi1>
        %all_reduce_population_count3A_1364 = tpu.all_reduce %and3A_1357 {dim = 0 : i64, kind = #tpu.reduction_kind<sum>} : vector<16xi1> -> vector<16xi32>
        %add3A_1365 = arith.addi %add3A_1328, %all_reduce_population_count3A_1364 : vector<16xi32>
        %add3A_1366 = arith.constant 1 : i32
        %add3A_1367 = arith.addi %while3A_761, %add3A_1366 : i32
        scf.yield %add3A_1367, %add3A_1365 : i32, vector<16xi32>
      }
      %get3A_655 = arith.constant 0 : index
      %get3A_656 = tpu.vector_load %arg11[%get3A_655] {strides = array<i32>} : memref<64xi32, #tpu.memory_space<vmem>>, vector<16xi32>,
      %slice3A_657 = vector.extract_strided_slice %while3A_654#1 {offsets = [0], sizes = [1], strides = [1]} : vector<16xi32> to vector<1xi32>
      %squeeze3A_658 = vector.extract %slice3A_657[0] : i32 from vector<1xi32>
      %gt3A = arith.constant 0 : i32
      %gt3A_659 = arith.cmpi sgt, %squeeze3A_658, %gt3A : i32
      %slice3A_660 = vector.extract_strided_slice %get3A_656 {offsets = [0], sizes = [1], strides = [1]} : vector<16xi32> to vector<1xi32>
      %squeeze3A_661 = vector.extract %slice3A_660[0] : i32 from vector<1xi32>
      %jit3A_662 = arith.constant 0 : i32
      %select_n3A_663 = arith.select %gt3A_659, %squeeze3A_661, %jit3A_662 : i32
      %and3A_664 = arith.constant 7 : i32
      %and3A_665 = arith.andi %scan3A_45, %and3A_664 : i32
      %add3A_666 = arith.constant 0 : i32
      %add3A_667 = vector.broadcast %add3A_666 : i32 to vector<16xi32>
      %add3A_668 = arith.addi %add3A_667, %iota3A : vector<16xi32>
      %get3A_669 = arith.constant 0 : index
      %get3A_670 = tpu.vector_load %arg11[%get3A_669] {strides = array<i32>} : memref<64xi32, #tpu.memory_space<vmem>>, vector<16xi32>,
      %lt3A_671 = arith.cmpi slt, %add3A_668, %while3A_654#1 : vector<16xi32>
      %broadcast_in_dim3A_672 = vector.broadcast %select_n3A_663 : i32 to vector<16xi32>
      %select_n3A_673 = arith.select %lt3A_671, %get3A_670, %broadcast_in_dim3A_672 : vector<16xi1>, vector<16xi32>
      %gather3A = tpu.vector_load_idx %arg7[%select_n3A_673] : memref<8192xf32, #tpu.memory_space<vmem>>[vector<16xi32>], vector<16xf32>,
      %gather3A_674 = tpu.vector_load_idx %arg8[%select_n3A_673] : memref<8192xf32, #tpu.memory_space<vmem>>[vector<16xi32>], vector<16xf32>,
      %gather3A_675 = tpu.vector_load_idx %arg9[%select_n3A_673] : memref<8192xf32, #tpu.memory_space<vmem>>[vector<16xi32>], vector<16xf32>,
      %mul3A_676 = arith.constant 64 : i32
      %mul3A_677 = arith.muli %and3A_665, %mul3A_676 : i32
      %add3A_678 = arith.constant 0 : i32
      %add3A_679 = arith.addi %mul3A_677, %add3A_678 : i32
      %add3A_680 = vector.broadcast %add3A_679 : i32 to vector<16xi32>
      %add3A_681 = arith.addi %add3A_680, %iota3A : vector<16xi32>
      %broadcast_in_dim3A_682 = arith.constant 0 : i32
      %broadcast_in_dim3A_683 = vector.broadcast %broadcast_in_dim3A_682 : i32 to vector<16xi32>
      tpu.vector_store_idx %arg13[%add3A_681, %broadcast_in_dim3A_683], %gather3A : memref<512x16xf32, #tpu.memory_space<vmem>>[vector<16xi32>, vector<16xi32>], vector<16xf32>,
      %broadcast_in_dim3A_684 = arith.constant 1 : i32
      %broadcast_in_dim3A_685 = vector.broadcast %broadcast_in_dim3A_684 : i32 to vector<16xi32>
      tpu.vector_store_idx %arg13[%add3A_681, %broadcast_in_dim3A_685], %gather3A_674 : memref<512x16xf32, #tpu.memory_space<vmem>>[vector<16xi32>, vector<16xi32>], vector<16xf32>,
      %broadcast_in_dim3A_686 = arith.constant 2 : i32
      %broadcast_in_dim3A_687 = vector.broadcast %broadcast_in_dim3A_686 : i32 to vector<16xi32>
      tpu.vector_store_idx %arg13[%add3A_681, %broadcast_in_dim3A_687], %gather3A_675 : memref<512x16xf32, #tpu.memory_space<vmem>>[vector<16xi32>, vector<16xi32>], vector<16xf32>,
      %add3A_688 = arith.constant 16 : i32
      %add3A_689 = vector.broadcast %add3A_688 : i32 to vector<16xi32>
      %add3A_690 = arith.addi %add3A_689, %iota3A : vector<16xi32>
      %get3A_691 = arith.constant 16 : index
      %get3A_692 = tpu.vector_load %arg11[%get3A_691] {strides = array<i32>} : memref<64xi32, #tpu.memory_space<vmem>>, vector<16xi32>,
      %lt3A_693 = arith.cmpi slt, %add3A_690, %while3A_654#1 : vector<16xi32>
      %broadcast_in_dim3A_694 = vector.broadcast %select_n3A_663 : i32 to vector<16xi32>
      %select_n3A_695 = arith.select %lt3A_693, %get3A_692, %broadcast_in_dim3A_694 : vector<16xi1>, vector<16xi32>
      %gather3A_696 = tpu.vector_load_idx %arg7[%select_n3A_695] : memref<8192xf32, #tpu.memory_space<vmem>>[vector<16xi32>], vector<16xf32>,
      %gather3A_697 = tpu.vector_load_idx %arg8[%select_n3A_695] : memref<8192xf32, #tpu.memory_space<vmem>>[vector<16xi32>], vector<16xf32>,
      %gather3A_698 = tpu.vector_load_idx %arg9[%select_n3A_695] : memref<8192xf32, #tpu.memory_space<vmem>>[vector<16xi32>], vector<16xf32>,
      %mul3A_699 = arith.constant 64 : i32
      %mul3A_700 = arith.muli %and3A_665, %mul3A_699 : i32
      %add3A_701 = arith.constant 16 : i32
      %add3A_702 = arith.addi %mul3A_700, %add3A_701 : i32
      %add3A_703 = vector.broadcast %add3A_702 : i32 to vector<16xi32>
      %add3A_704 = arith.addi %add3A_703, %iota3A : vector<16xi32>
      %broadcast_in_dim3A_705 = arith.constant 0 : i32
      %broadcast_in_dim3A_706 = vector.broadcast %broadcast_in_dim3A_705 : i32 to vector<16xi32>
      tpu.vector_store_idx %arg13[%add3A_704, %broadcast_in_dim3A_706], %gather3A_696 : memref<512x16xf32, #tpu.memory_space<vmem>>[vector<16xi32>, vector<16xi32>], vector<16xf32>,
      %broadcast_in_dim3A_707 = arith.constant 1 : i32
      %broadcast_in_dim3A_708 = vector.broadcast %broadcast_in_dim3A_707 : i32 to vector<16xi32>
      tpu.vector_store_idx %arg13[%add3A_704, %broadcast_in_dim3A_708], %gather3A_697 : memref<512x16xf32, #tpu.memory_space<vmem>>[vector<16xi32>, vector<16xi32>], vector<16xf32>,
      %broadcast_in_dim3A_709 = arith.constant 2 : i32
      %broadcast_in_dim3A_710 = vector.broadcast %broadcast_in_dim3A_709 : i32 to vector<16xi32>
      tpu.vector_store_idx %arg13[%add3A_704, %broadcast_in_dim3A_710], %gather3A_698 : memref<512x16xf32, #tpu.memory_space<vmem>>[vector<16xi32>, vector<16xi32>], vector<16xf32>,
      %add3A_711 = arith.constant 32 : i32
      %add3A_712 = vector.broadcast %add3A_711 : i32 to vector<16xi32>
      %add3A_713 = arith.addi %add3A_712, %iota3A : vector<16xi32>
      %get3A_714 = arith.constant 32 : index
      %get3A_715 = tpu.vector_load %arg11[%get3A_714] {strides = array<i32>} : memref<64xi32, #tpu.memory_space<vmem>>, vector<16xi32>,
      %lt3A_716 = arith.cmpi slt, %add3A_713, %while3A_654#1 : vector<16xi32>
      %broadcast_in_dim3A_717 = vector.broadcast %select_n3A_663 : i32 to vector<16xi32>
      %select_n3A_718 = arith.select %lt3A_716, %get3A_715, %broadcast_in_dim3A_717 : vector<16xi1>, vector<16xi32>
      %gather3A_719 = tpu.vector_load_idx %arg7[%select_n3A_718] : memref<8192xf32, #tpu.memory_space<vmem>>[vector<16xi32>], vector<16xf32>,
      %gather3A_720 = tpu.vector_load_idx %arg8[%select_n3A_718] : memref<8192xf32, #tpu.memory_space<vmem>>[vector<16xi32>], vector<16xf32>,
      %gather3A_721 = tpu.vector_load_idx %arg9[%select_n3A_718] : memref<8192xf32, #tpu.memory_space<vmem>>[vector<16xi32>], vector<16xf32>,
      %mul3A_722 = arith.constant 64 : i32
      %mul3A_723 = arith.muli %and3A_665, %mul3A_722 : i32
      %add3A_724 = arith.constant 32 : i32
      %add3A_725 = arith.addi %mul3A_723, %add3A_724 : i32
      %add3A_726 = vector.broadcast %add3A_725 : i32 to vector<16xi32>
      %add3A_727 = arith.addi %add3A_726, %iota3A : vector<16xi32>
      %broadcast_in_dim3A_728 = arith.constant 0 : i32
      %broadcast_in_dim3A_729 = vector.broadcast %broadcast_in_dim3A_728 : i32 to vector<16xi32>
      tpu.vector_store_idx %arg13[%add3A_727, %broadcast_in_dim3A_729], %gather3A_719 : memref<512x16xf32, #tpu.memory_space<vmem>>[vector<16xi32>, vector<16xi32>], vector<16xf32>,
      %broadcast_in_dim3A_730 = arith.constant 1 : i32
      %broadcast_in_dim3A_731 = vector.broadcast %broadcast_in_dim3A_730 : i32 to vector<16xi32>
      tpu.vector_store_idx %arg13[%add3A_727, %broadcast_in_dim3A_731], %gather3A_720 : memref<512x16xf32, #tpu.memory_space<vmem>>[vector<16xi32>, vector<16xi32>], vector<16xf32>,
      %broadcast_in_dim3A_732 = arith.constant 2 : i32
      %broadcast_in_dim3A_733 = vector.broadcast %broadcast_in_dim3A_732 : i32 to vector<16xi32>
      tpu.vector_store_idx %arg13[%add3A_727, %broadcast_in_dim3A_733], %gather3A_721 : memref<512x16xf32, #tpu.memory_space<vmem>>[vector<16xi32>, vector<16xi32>], vector<16xf32>,
      %add3A_734 = arith.constant 48 : i32
      %add3A_735 = vector.broadcast %add3A_734 : i32 to vector<16xi32>
      %add3A_736 = arith.addi %add3A_735, %iota3A : vector<16xi32>
      %get3A_737 = arith.constant 48 : index
      %get3A_738 = tpu.vector_load %arg11[%get3A_737] {strides = array<i32>} : memref<64xi32, #tpu.memory_space<vmem>>, vector<16xi32>,
      %lt3A_739 = arith.cmpi slt, %add3A_736, %while3A_654#1 : vector<16xi32>
      %broadcast_in_dim3A_740 = vector.broadcast %select_n3A_663 : i32 to vector<16xi32>
      %select_n3A_741 = arith.select %lt3A_739, %get3A_738, %broadcast_in_dim3A_740 : vector<16xi1>, vector<16xi32>
      %gather3A_742 = tpu.vector_load_idx %arg7[%select_n3A_741] : memref<8192xf32, #tpu.memory_space<vmem>>[vector<16xi32>], vector<16xf32>,
      %gather3A_743 = tpu.vector_load_idx %arg8[%select_n3A_741] : memref<8192xf32, #tpu.memory_space<vmem>>[vector<16xi32>], vector<16xf32>,
      %gather3A_744 = tpu.vector_load_idx %arg9[%select_n3A_741] : memref<8192xf32, #tpu.memory_space<vmem>>[vector<16xi32>], vector<16xf32>,
      %mul3A_745 = arith.constant 64 : i32
      %mul3A_746 = arith.muli %and3A_665, %mul3A_745 : i32
      %add3A_747 = arith.constant 48 : i32
      %add3A_748 = arith.addi %mul3A_746, %add3A_747 : i32
      %add3A_749 = vector.broadcast %add3A_748 : i32 to vector<16xi32>
      %add3A_750 = arith.addi %add3A_749, %iota3A : vector<16xi32>
      %broadcast_in_dim3A_751 = arith.constant 0 : i32
      %broadcast_in_dim3A_752 = vector.broadcast %broadcast_in_dim3A_751 : i32 to vector<16xi32>
      tpu.vector_store_idx %arg13[%add3A_750, %broadcast_in_dim3A_752], %gather3A_742 : memref<512x16xf32, #tpu.memory_space<vmem>>[vector<16xi32>, vector<16xi32>], vector<16xf32>,
      %broadcast_in_dim3A_753 = arith.constant 1 : i32
      %broadcast_in_dim3A_754 = vector.broadcast %broadcast_in_dim3A_753 : i32 to vector<16xi32>
      tpu.vector_store_idx %arg13[%add3A_750, %broadcast_in_dim3A_754], %gather3A_743 : memref<512x16xf32, #tpu.memory_space<vmem>>[vector<16xi32>, vector<16xi32>], vector<16xf32>,
      %broadcast_in_dim3A_755 = arith.constant 2 : i32
      %broadcast_in_dim3A_756 = vector.broadcast %broadcast_in_dim3A_755 : i32 to vector<16xi32>
      tpu.vector_store_idx %arg13[%add3A_750, %broadcast_in_dim3A_756], %gather3A_744 : memref<512x16xf32, #tpu.memory_space<vmem>>[vector<16xi32>, vector<16xi32>], vector<16xf32>,
      %eq3A_757 = arith.constant 7 : i32
      %eq3A_758 = arith.cmpi eq, %and3A_665, %eq3A_757 : i32
      %convert_element_type3A_759 = arith.extui %eq3A_758 : i1 to i32
      %cond3A = arith.constant 0 : i32
      %cond3A_760 = arith.cmpi ne, %convert_element_type3A_759, %cond3A : i32
      scf.if %cond3A_760 {
        %mul3A_761 = arith.constant 512 : i32
        %mul3A_762 = arith.muli %select_n3A, %mul3A_761 : i32
        %add3A_763 = arith.addi %mul3A_762, %mul3A_32 : i32
        %add3A_764 = arith.addi %add3A_763, %scan3A_45 : i32
        %sub3A_765 = arith.constant 7 : i32
        %sub3A_766 = arith.subi %add3A_764, %sub3A_765 : i32
        %mul3A_767 = arith.constant 64 : i32
        %mul3A_768 = arith.muli %sub3A_766, %mul3A_767 : i32
        "tpu.region"() ({
          %run_scoped3A = tpu.sem_alloc : memref<!tpu.dma_semaphore, #tpu.memory_space<semaphore_mem>>
          %dma_start3A = arith.constant 0 : i32
          %dma_start3A_769 = tpu.memref_slice %arg6[%mul3A_768, %dma_start3A] : memref<262144x16xf32, #tpu.memory_space<hbm>> -> memref<512x16xf32, #tpu.memory_space<hbm>>
          %dma_start3A_770 = arith.constant 0 : i32
          %dma_start3A_771 = tpu.memref_slice %arg6[%mul3A_768, %dma_start3A_770] : memref<262144x16xf32, #tpu.memory_space<hbm>> -> memref<512x16xf32, #tpu.memory_space<hbm>>
          tpu.enqueue_dma source(%arg13 : memref<512x16xf32, #tpu.memory_space<vmem>>) target(%dma_start3A_771 : memref<512x16xf32, #tpu.memory_space<hbm>>) target_semaphore(%run_scoped3A : memref<!tpu.dma_semaphore, #tpu.memory_space<semaphore_mem>>)
          %dma_wait3A = arith.constant 0 : i32
          %dma_wait3A_772 = tpu.memref_slice %arg6[%mul3A_768, %dma_wait3A] : memref<262144x16xf32, #tpu.memory_space<hbm>> -> memref<512x16xf32, #tpu.memory_space<hbm>>
          %dma_wait3A_773 = arith.constant 0 : i32
          %dma_wait3A_774 = tpu.memref_slice %arg6[%mul3A_768, %dma_wait3A_773] : memref<262144x16xf32, #tpu.memory_space<hbm>> -> memref<512x16xf32, #tpu.memory_space<hbm>>
          tpu.wait_dma2 semaphore(%run_scoped3A : memref<!tpu.dma_semaphore, #tpu.memory_space<semaphore_mem>>) src(%arg13 : memref<512x16xf32, #tpu.memory_space<vmem>>) dst(%dma_wait3A_774 : memref<512x16xf32, #tpu.memory_space<hbm>>)
          tpu.yield
        }) : () -> ()
      } else {
      }
    }
    %scan3A_44 = arith.constant 128 : i32
    return
  }
}

#map = affine_map<(d0, d1) -> (0, 0)>
#map1 = affine_map<(d0, d1) -> (0, 0, 0)>
module attributes {stable_mosaic.version = 14 : i64} {
  func.func @k(%arg0: i32, %arg1: i32, %arg2: memref<4096x80xf32, #tpu.memory_space<hbm>>, %arg3: memref<32x8x128xi32, #tpu.memory_space<hbm>>, %arg4: memref<32768x80xf32, #tpu.memory_space<hbm>>, %arg5: memref<8x128xi32, #tpu.memory_space<vmem>>, %arg6: memref<128x80xf32, #tpu.memory_space<vmem>>, %arg7: memref<!tpu.dma_semaphore, #tpu.memory_space<semaphore_mem>>) attributes {dimension_semantics = [#tpu.dimension_semantics<core_parallel>, #tpu.dimension_semantics<subcore_parallel>], iteration_bounds = array<i64: 2, 16>, scalar_prefetch = 0 : i64, scratch_operands = 3 : i64, tpu.core_type = #tpu.core_type<sc_vector_subcore>, window_params = [{transform_indices = #map}, {transform_indices = #map1}, {transform_indices = #map}]} {
    %mul3A = arith.constant 2 : i32
    %mul3A_0 = arith.muli %arg1, %mul3A : i32
    %add3A = arith.addi %mul3A_0, %arg0 : i32
    "tpu.region"() ({
      %run_scoped3A = tpu.sem_alloc : memref<!tpu.dma_semaphore, #tpu.memory_space<semaphore_mem>>
      %dma_start3A = arith.constant 0 : i32
      %dma_start3A_6 = arith.constant 0 : i32
      %dma_start3A_7 = tpu.memref_slice %arg3[%add3A, %dma_start3A, %dma_start3A_6] : memref<32x8x128xi32, #tpu.memory_space<hbm>> -> memref<1x8x128xi32, #tpu.memory_space<hbm>>
      %dma_start3A_8 = tpu.memref_squeeze %dma_start3A_7 : memref<1x8x128xi32, #tpu.memory_space<hbm>> -> memref<8x128xi32, #tpu.memory_space<hbm>>
      %dma_start3A_9 = arith.constant 0 : i32
      %dma_start3A_10 = arith.constant 0 : i32
      %dma_start3A_11 = tpu.memref_slice %arg3[%add3A, %dma_start3A_9, %dma_start3A_10] : memref<32x8x128xi32, #tpu.memory_space<hbm>> -> memref<1x8x128xi32, #tpu.memory_space<hbm>>
      %dma_start3A_12 = tpu.memref_squeeze %dma_start3A_11 : memref<1x8x128xi32, #tpu.memory_space<hbm>> -> memref<8x128xi32, #tpu.memory_space<hbm>>
      tpu.enqueue_dma source(%dma_start3A_12 : memref<8x128xi32, #tpu.memory_space<hbm>>) target(%arg5 : memref<8x128xi32, #tpu.memory_space<vmem>>) target_semaphore(%run_scoped3A : memref<!tpu.dma_semaphore, #tpu.memory_space<semaphore_mem>>)
      %dma_wait3A = arith.constant 0 : i32
      %dma_wait3A_13 = arith.constant 0 : i32
      %dma_wait3A_14 = tpu.memref_slice %arg3[%add3A, %dma_wait3A, %dma_wait3A_13] : memref<32x8x128xi32, #tpu.memory_space<hbm>> -> memref<1x8x128xi32, #tpu.memory_space<hbm>>
      %dma_wait3A_15 = tpu.memref_squeeze %dma_wait3A_14 : memref<1x8x128xi32, #tpu.memory_space<hbm>> -> memref<8x128xi32, #tpu.memory_space<hbm>>
      %dma_wait3A_16 = arith.constant 0 : i32
      %dma_wait3A_17 = arith.constant 0 : i32
      %dma_wait3A_18 = tpu.memref_slice %arg3[%add3A, %dma_wait3A_16, %dma_wait3A_17] : memref<32x8x128xi32, #tpu.memory_space<hbm>> -> memref<1x8x128xi32, #tpu.memory_space<hbm>>
      %dma_wait3A_19 = tpu.memref_squeeze %dma_wait3A_18 : memref<1x8x128xi32, #tpu.memory_space<hbm>> -> memref<8x128xi32, #tpu.memory_space<hbm>>
      tpu.wait_dma2 semaphore(%run_scoped3A : memref<!tpu.dma_semaphore, #tpu.memory_space<semaphore_mem>>) src(%dma_wait3A_19 : memref<8x128xi32, #tpu.memory_space<hbm>>) dst(%arg5 : memref<8x128xi32, #tpu.memory_space<vmem>>)
      tpu.yield
    }) : () -> ()
    %scan3A = arith.constant 0 : i32
    %scan3A_1 = arith.constant 0 : i32
    %scan3A_2 = arith.constant 8 : i32
    %scan3A_3 = arith.addi %scan3A_1, %scan3A_2 : i32
    %scan3A_4 = arith.constant 1 : i32
    scf.for %scan3A_6 = %scan3A_1 to %scan3A_3 step %scan3A_4  : i32 {
      %dma_start3A = arith.constant 0 : i32
      %dma_start3A_7 = tpu.memref_slice %arg5[%scan3A_6, %dma_start3A] : memref<8x128xi32, #tpu.memory_space<vmem>> -> memref<1x128xi32, #tpu.memory_space<vmem>>
      %dma_start3A_8 = tpu.memref_squeeze %dma_start3A_7 : memref<1x128xi32, #tpu.memory_space<vmem>> -> memref<128xi32, #tpu.memory_space<vmem>>
      %dma_start3A_9 = arith.constant 0 : i32
      %dma_start3A_10 = arith.constant 0 : i32
      %dma_start3A_11 = tpu.memref_slice %arg2[%dma_start3A_9, %dma_start3A_10] : memref<4096x80xf32, #tpu.memory_space<hbm>> -> memref<4096x80xf32, #tpu.memory_space<hbm>>
      tpu.enqueue_indirect_dma source(%dma_start3A_11 : memref<4096x80xf32, #tpu.memory_space<hbm>>) target(%arg6 : memref<128x80xf32, #tpu.memory_space<vmem>>) offsets(%dma_start3A_8 : memref<128xi32, #tpu.memory_space<vmem>>) semaphore(%arg7 : memref<!tpu.dma_semaphore, #tpu.memory_space<semaphore_mem>>)
      %dma_wait3A = arith.constant 0 : i32
      %dma_wait3A_12 = tpu.memref_slice %arg5[%scan3A_6, %dma_wait3A] : memref<8x128xi32, #tpu.memory_space<vmem>> -> memref<1x128xi32, #tpu.memory_space<vmem>>
      %dma_wait3A_13 = tpu.memref_squeeze %dma_wait3A_12 : memref<1x128xi32, #tpu.memory_space<vmem>> -> memref<128xi32, #tpu.memory_space<vmem>>
      %dma_wait3A_14 = arith.constant 0 : i32
      %dma_wait3A_15 = arith.constant 0 : i32
      %dma_wait3A_16 = tpu.memref_slice %arg2[%dma_wait3A_14, %dma_wait3A_15] : memref<4096x80xf32, #tpu.memory_space<hbm>> -> memref<4096x80xf32, #tpu.memory_space<hbm>>
      tpu.wait_indirect_dma semaphore(%arg7 : memref<!tpu.dma_semaphore, #tpu.memory_space<semaphore_mem>>) src(%dma_wait3A_16 : memref<4096x80xf32, #tpu.memory_space<hbm>>) dst(%arg6 : memref<128x80xf32, #tpu.memory_space<vmem>>)
      %mul3A_17 = arith.constant 1024 : i32
      %mul3A_18 = arith.muli %add3A, %mul3A_17 : i32
      %mul3A_19 = arith.constant 128 : i32
      %mul3A_20 = arith.muli %scan3A_6, %mul3A_19 : i32
      %add3A_21 = arith.addi %mul3A_18, %mul3A_20 : i32
      "tpu.region"() ({
        %run_scoped3A = tpu.sem_alloc : memref<!tpu.dma_semaphore, #tpu.memory_space<semaphore_mem>>
        %dma_start3A_22 = arith.constant 0 : i32
        %dma_start3A_23 = tpu.memref_slice %arg4[%add3A_21, %dma_start3A_22] : memref<32768x80xf32, #tpu.memory_space<hbm>> -> memref<128x80xf32, #tpu.memory_space<hbm>>
        %dma_start3A_24 = arith.constant 0 : i32
        %dma_start3A_25 = tpu.memref_slice %arg4[%add3A_21, %dma_start3A_24] : memref<32768x80xf32, #tpu.memory_space<hbm>> -> memref<128x80xf32, #tpu.memory_space<hbm>>
        tpu.enqueue_dma source(%arg6 : memref<128x80xf32, #tpu.memory_space<vmem>>) target(%dma_start3A_25 : memref<128x80xf32, #tpu.memory_space<hbm>>) target_semaphore(%run_scoped3A : memref<!tpu.dma_semaphore, #tpu.memory_space<semaphore_mem>>)
        %dma_wait3A_26 = arith.constant 0 : i32
        %dma_wait3A_27 = tpu.memref_slice %arg4[%add3A_21, %dma_wait3A_26] : memref<32768x80xf32, #tpu.memory_space<hbm>> -> memref<128x80xf32, #tpu.memory_space<hbm>>
        %dma_wait3A_28 = arith.constant 0 : i32
        %dma_wait3A_29 = tpu.memref_slice %arg4[%add3A_21, %dma_wait3A_28] : memref<32768x80xf32, #tpu.memory_space<hbm>> -> memref<128x80xf32, #tpu.memory_space<hbm>>
        tpu.wait_dma2 semaphore(%run_scoped3A : memref<!tpu.dma_semaphore, #tpu.memory_space<semaphore_mem>>) src(%arg6 : memref<128x80xf32, #tpu.memory_space<vmem>>) dst(%dma_wait3A_29 : memref<128x80xf32, #tpu.memory_space<hbm>>)
        tpu.yield
      }) : () -> ()
    }
    %scan3A_5 = arith.constant 8 : i32
    return
  }
}

module attributes {stable_mosaic.version = 14 : i64} {
  func.func @_fps_all_kernel(%arg0: memref<8x8192xf32, #tpu.memory_space<vmem>>, %arg1: memref<8x8192xf32, #tpu.memory_space<vmem>>, %arg2: memref<8x8192xf32, #tpu.memory_space<vmem>>, %arg3: memref<8x512xf32, #tpu.memory_space<vmem>>, %arg4: memref<8x512xf32, #tpu.memory_space<vmem>>, %arg5: memref<8x512xf32, #tpu.memory_space<vmem>>, %arg6: memref<8x128xf32, #tpu.memory_space<vmem>>, %arg7: memref<8x128xf32, #tpu.memory_space<vmem>>, %arg8: memref<8x128xf32, #tpu.memory_space<vmem>>, %arg9: memref<8x32xf32, #tpu.memory_space<vmem>>, %arg10: memref<8x32xf32, #tpu.memory_space<vmem>>, %arg11: memref<8x32xf32, #tpu.memory_space<vmem>>, %arg12: memref<8x8192xf32, #tpu.memory_space<vmem>>, %arg13: memref<8x512xf32, #tpu.memory_space<vmem>>, %arg14: memref<8x128xf32, #tpu.memory_space<vmem>>) attributes {dimension_semantics = [], scalar_prefetch = 0 : i64, scratch_operands = 3 : i64, tpu.core_type = #tpu.core_type<tc>} {
    %get3A = arith.constant 0 : index
    %get3A_0 = arith.constant 0 : index
    %get3A_1 = vector.load %arg0[%get3A, %get3A_0] : memref<8x8192xf32, #tpu.memory_space<vmem>>, vector<8x8192xf32>
    %get3A_2 = arith.constant 0 : index
    %get3A_3 = arith.constant 0 : index
    %get3A_4 = vector.load %arg1[%get3A_2, %get3A_3] : memref<8x8192xf32, #tpu.memory_space<vmem>>, vector<8x8192xf32>
    %get3A_5 = arith.constant 0 : index
    %get3A_6 = arith.constant 0 : index
    %get3A_7 = vector.load %arg2[%get3A_5, %get3A_6] : memref<8x8192xf32, #tpu.memory_space<vmem>>, vector<8x8192xf32>
    %iota3A = tpu.iota {dimensions = array<i32: 1>} : vector<8x8192xi32>
    %iota3A_8 = tpu.iota {dimensions = array<i32: 1>} : vector<8x512xi32>
    %broadcast_in_dim3A = arith.constant 0.000000e+00 : f32
    %broadcast_in_dim3A_9 = vector.broadcast %broadcast_in_dim3A : f32 to vector<8x512xf32>
    %swap3A = arith.constant 0 : index
    %swap3A_10 = arith.constant 0 : index
    %swap3A_11 = vector.load %arg3[%swap3A, %swap3A_10] : memref<8x512xf32, #tpu.memory_space<vmem>>, vector<8x512xf32>
    tpu.vector_store %arg3[%swap3A, %swap3A_10], %broadcast_in_dim3A_9 {strides = array<i32>} : memref<8x512xf32, #tpu.memory_space<vmem>>, vector<8x512xf32>,
    %broadcast_in_dim3A_12 = arith.constant 0.000000e+00 : f32
    %broadcast_in_dim3A_13 = vector.broadcast %broadcast_in_dim3A_12 : f32 to vector<8x512xf32>
    %swap3A_14 = arith.constant 0 : index
    %swap3A_15 = arith.constant 0 : index
    %swap3A_16 = vector.load %arg4[%swap3A_14, %swap3A_15] : memref<8x512xf32, #tpu.memory_space<vmem>>, vector<8x512xf32>
    tpu.vector_store %arg4[%swap3A_14, %swap3A_15], %broadcast_in_dim3A_13 {strides = array<i32>} : memref<8x512xf32, #tpu.memory_space<vmem>>, vector<8x512xf32>,
    %broadcast_in_dim3A_17 = arith.constant 0.000000e+00 : f32
    %broadcast_in_dim3A_18 = vector.broadcast %broadcast_in_dim3A_17 : f32 to vector<8x512xf32>
    %swap3A_19 = arith.constant 0 : index
    %swap3A_20 = arith.constant 0 : index
    %swap3A_21 = vector.load %arg5[%swap3A_19, %swap3A_20] : memref<8x512xf32, #tpu.memory_space<vmem>>, vector<8x512xf32>
    tpu.vector_store %arg5[%swap3A_19, %swap3A_20], %broadcast_in_dim3A_18 {strides = array<i32>} : memref<8x512xf32, #tpu.memory_space<vmem>>, vector<8x512xf32>,
    %broadcast_in_dim3A_22 = arith.constant 1.000000e+10 : f32
    %broadcast_in_dim3A_23 = vector.broadcast %broadcast_in_dim3A_22 : f32 to vector<8x8192xf32>
    %swap3A_24 = arith.constant 0 : index
    %swap3A_25 = arith.constant 0 : index
    %swap3A_26 = vector.load %arg12[%swap3A_24, %swap3A_25] : memref<8x8192xf32, #tpu.memory_space<vmem>>, vector<8x8192xf32>
    tpu.vector_store %arg12[%swap3A_24, %swap3A_25], %broadcast_in_dim3A_23 {strides = array<i32>} : memref<8x8192xf32, #tpu.memory_space<vmem>>, vector<8x8192xf32>,
    %broadcast_in_dim3A_27 = arith.constant 0 : i32
    %broadcast_in_dim3A_28 = vector.broadcast %broadcast_in_dim3A_27 : i32 to vector<8x1xi32>
    %scan3A = arith.constant 0 : i32
    %scan3A_29 = arith.constant 512 : i32
    %scan3A_30 = arith.addi %scan3A, %scan3A_29 : i32
    %scan3A_31 = arith.constant 1 : i32
    %scan3A_32 = scf.for %scan3A_112 = %scan3A to %scan3A_30 step %scan3A_31 iter_args(%scan3A_113 = %broadcast_in_dim3A_28) -> (vector<8x1xi32>)  : i32 {
      %eq3A = vector.broadcast %scan3A_113 : vector<8x1xi32> to vector<8x8192xi32>
      %eq3A_114 = arith.cmpi eq, %iota3A, %eq3A : vector<8x8192xi32>
      %jit3A = arith.constant 0.000000e+00 : f32
      %broadcast_in_dim3A_115 = vector.broadcast %jit3A : f32 to vector<8x8192xf32>
      %select_n3A = arith.select %eq3A_114, %get3A_1, %broadcast_in_dim3A_115 : vector<8x8192xi1>, vector<8x8192xf32>
      %reduce_sum3A = arith.constant dense<0.000000e+00> : vector<8xf32>
      %reduce_sum3A_116 = vector.multi_reduction <add>, %select_n3A, %reduce_sum3A [1] : vector<8x8192xf32> to vector<8xf32>
      %broadcast_in_dim3A_117 = vector.shape_cast %reduce_sum3A_116 : vector<8xf32> to vector<8x1xf32>
      %jit3A_118 = arith.constant 0.000000e+00 : f32
      %broadcast_in_dim3A_119 = vector.broadcast %jit3A_118 : f32 to vector<8x8192xf32>
      %select_n3A_120 = arith.select %eq3A_114, %get3A_4, %broadcast_in_dim3A_119 : vector<8x8192xi1>, vector<8x8192xf32>
      %reduce_sum3A_121 = arith.constant dense<0.000000e+00> : vector<8xf32>
      %reduce_sum3A_122 = vector.multi_reduction <add>, %select_n3A_120, %reduce_sum3A_121 [1] : vector<8x8192xf32> to vector<8xf32>
      %broadcast_in_dim3A_123 = vector.shape_cast %reduce_sum3A_122 : vector<8xf32> to vector<8x1xf32>
      %jit3A_124 = arith.constant 0.000000e+00 : f32
      %broadcast_in_dim3A_125 = vector.broadcast %jit3A_124 : f32 to vector<8x8192xf32>
      %select_n3A_126 = arith.select %eq3A_114, %get3A_7, %broadcast_in_dim3A_125 : vector<8x8192xi1>, vector<8x8192xf32>
      %reduce_sum3A_127 = arith.constant dense<0.000000e+00> : vector<8xf32>
      %reduce_sum3A_128 = vector.multi_reduction <add>, %select_n3A_126, %reduce_sum3A_127 [1] : vector<8x8192xf32> to vector<8xf32>
      %broadcast_in_dim3A_129 = vector.shape_cast %reduce_sum3A_128 : vector<8xf32> to vector<8x1xf32>
      %eq3A_130 = vector.broadcast %scan3A_112 : i32 to vector<8x512xi32>
      %eq3A_131 = arith.cmpi eq, %iota3A_8, %eq3A_130 : vector<8x512xi32>
      %get3A_132 = arith.constant 0 : index
      %get3A_133 = arith.constant 0 : index
      %get3A_134 = vector.load %arg3[%get3A_132, %get3A_133] : memref<8x512xf32, #tpu.memory_space<vmem>>, vector<8x512xf32>
      %broadcast_in_dim3A_135 = vector.shape_cast %broadcast_in_dim3A_117 : vector<8x1xf32> to vector<8x1xf32>
      %broadcast_in_dim3A_136 = vector.broadcast %broadcast_in_dim3A_135 : vector<8x1xf32> to vector<8x512xf32>
      %select_n3A_137 = arith.select %eq3A_131, %broadcast_in_dim3A_136, %get3A_134 : vector<8x512xi1>, vector<8x512xf32>
      %swap3A_138 = arith.constant 0 : index
      %swap3A_139 = arith.constant 0 : index
      %swap3A_140 = vector.load %arg3[%swap3A_138, %swap3A_139] : memref<8x512xf32, #tpu.memory_space<vmem>>, vector<8x512xf32>
      tpu.vector_store %arg3[%swap3A_138, %swap3A_139], %select_n3A_137 {strides = array<i32>} : memref<8x512xf32, #tpu.memory_space<vmem>>, vector<8x512xf32>,
      %get3A_141 = arith.constant 0 : index
      %get3A_142 = arith.constant 0 : index
      %get3A_143 = vector.load %arg4[%get3A_141, %get3A_142] : memref<8x512xf32, #tpu.memory_space<vmem>>, vector<8x512xf32>
      %broadcast_in_dim3A_144 = vector.shape_cast %broadcast_in_dim3A_123 : vector<8x1xf32> to vector<8x1xf32>
      %broadcast_in_dim3A_145 = vector.broadcast %broadcast_in_dim3A_144 : vector<8x1xf32> to vector<8x512xf32>
      %select_n3A_146 = arith.select %eq3A_131, %broadcast_in_dim3A_145, %get3A_143 : vector<8x512xi1>, vector<8x512xf32>
      %swap3A_147 = arith.constant 0 : index
      %swap3A_148 = arith.constant 0 : index
      %swap3A_149 = vector.load %arg4[%swap3A_147, %swap3A_148] : memref<8x512xf32, #tpu.memory_space<vmem>>, vector<8x512xf32>
      tpu.vector_store %arg4[%swap3A_147, %swap3A_148], %select_n3A_146 {strides = array<i32>} : memref<8x512xf32, #tpu.memory_space<vmem>>, vector<8x512xf32>,
      %get3A_150 = arith.constant 0 : index
      %get3A_151 = arith.constant 0 : index
      %get3A_152 = vector.load %arg5[%get3A_150, %get3A_151] : memref<8x512xf32, #tpu.memory_space<vmem>>, vector<8x512xf32>
      %broadcast_in_dim3A_153 = vector.shape_cast %broadcast_in_dim3A_129 : vector<8x1xf32> to vector<8x1xf32>
      %broadcast_in_dim3A_154 = vector.broadcast %broadcast_in_dim3A_153 : vector<8x1xf32> to vector<8x512xf32>
      %select_n3A_155 = arith.select %eq3A_131, %broadcast_in_dim3A_154, %get3A_152 : vector<8x512xi1>, vector<8x512xf32>
      %swap3A_156 = arith.constant 0 : index
      %swap3A_157 = arith.constant 0 : index
      %swap3A_158 = vector.load %arg5[%swap3A_156, %swap3A_157] : memref<8x512xf32, #tpu.memory_space<vmem>>, vector<8x512xf32>
      tpu.vector_store %arg5[%swap3A_156, %swap3A_157], %select_n3A_155 {strides = array<i32>} : memref<8x512xf32, #tpu.memory_space<vmem>>, vector<8x512xf32>,
      %sub3A = vector.broadcast %broadcast_in_dim3A_117 : vector<8x1xf32> to vector<8x8192xf32>
      %sub3A_159 = arith.subf %get3A_1, %sub3A : vector<8x8192xf32>
      %integer_pow3A = arith.mulf %sub3A_159, %sub3A_159 : vector<8x8192xf32>
      %sub3A_160 = vector.broadcast %broadcast_in_dim3A_123 : vector<8x1xf32> to vector<8x8192xf32>
      %sub3A_161 = arith.subf %get3A_4, %sub3A_160 : vector<8x8192xf32>
      %integer_pow3A_162 = arith.mulf %sub3A_161, %sub3A_161 : vector<8x8192xf32>
      %add3A = arith.addf %integer_pow3A, %integer_pow3A_162 : vector<8x8192xf32>
      %sub3A_163 = vector.broadcast %broadcast_in_dim3A_129 : vector<8x1xf32> to vector<8x8192xf32>
      %sub3A_164 = arith.subf %get3A_7, %sub3A_163 : vector<8x8192xf32>
      %integer_pow3A_165 = arith.mulf %sub3A_164, %sub3A_164 : vector<8x8192xf32>
      %add3A_166 = arith.addf %add3A, %integer_pow3A_165 : vector<8x8192xf32>
      %get3A_167 = arith.constant 0 : index
      %get3A_168 = arith.constant 0 : index
      %get3A_169 = vector.load %arg12[%get3A_167, %get3A_168] : memref<8x8192xf32, #tpu.memory_space<vmem>>, vector<8x8192xf32>
      %min3A = arith.minimumf %get3A_169, %add3A_166 : vector<8x8192xf32>
      %swap3A_170 = arith.constant 0 : index
      %swap3A_171 = arith.constant 0 : index
      %swap3A_172 = vector.load %arg12[%swap3A_170, %swap3A_171] : memref<8x8192xf32, #tpu.memory_space<vmem>>, vector<8x8192xf32>
      tpu.vector_store %arg12[%swap3A_170, %swap3A_171], %min3A {strides = array<i32>} : memref<8x8192xf32, #tpu.memory_space<vmem>>, vector<8x8192xf32>,
      %reduce_max3A = arith.constant dense<0xFF800000> : vector<8xf32>
      %reduce_max3A_173 = vector.multi_reduction <maximumf>, %min3A, %reduce_max3A [1] : vector<8x8192xf32> to vector<8xf32>
      %broadcast_in_dim3A_174 = vector.shape_cast %reduce_max3A_173 : vector<8xf32> to vector<8x1xf32>
      %eq3A_175 = vector.broadcast %broadcast_in_dim3A_174 : vector<8x1xf32> to vector<8x8192xf32>
      %eq3A_176 = arith.cmpf oeq, %min3A, %eq3A_175 : vector<8x8192xf32>
      %jit3A_177 = arith.constant 8192 : i32
      %broadcast_in_dim3A_178 = vector.broadcast %jit3A_177 : i32 to vector<8x8192xi32>
      %select_n3A_179 = arith.select %eq3A_176, %iota3A, %broadcast_in_dim3A_178 : vector<8x8192xi1>, vector<8x8192xi32>
      %reduce_min3A = arith.constant dense<2147483647> : vector<8xi32>
      %reduce_min3A_180 = vector.multi_reduction <minsi>, %select_n3A_179, %reduce_min3A [1] : vector<8x8192xi32> to vector<8xi32>
      %broadcast_in_dim3A_181 = vector.shape_cast %reduce_min3A_180 : vector<8xi32> to vector<8x1xi32>
      scf.yield %broadcast_in_dim3A_181 : vector<8x1xi32>
    }
    %scan3A_33 = arith.constant 512 : i32
    %get3A_34 = arith.constant 0 : index
    %get3A_35 = arith.constant 0 : index
    %get3A_36 = vector.load %arg3[%get3A_34, %get3A_35] : memref<8x512xf32, #tpu.memory_space<vmem>>, vector<8x512xf32>
    %get3A_37 = arith.constant 0 : index
    %get3A_38 = arith.constant 0 : index
    %get3A_39 = vector.load %arg4[%get3A_37, %get3A_38] : memref<8x512xf32, #tpu.memory_space<vmem>>, vector<8x512xf32>
    %get3A_40 = arith.constant 0 : index
    %get3A_41 = arith.constant 0 : index
    %get3A_42 = vector.load %arg5[%get3A_40, %get3A_41] : memref<8x512xf32, #tpu.memory_space<vmem>>, vector<8x512xf32>
    %iota3A_43 = tpu.iota {dimensions = array<i32: 1>} : vector<8x512xi32>
    %iota3A_44 = tpu.iota {dimensions = array<i32: 1>} : vector<8x128xi32>
    %broadcast_in_dim3A_45 = arith.constant 0.000000e+00 : f32
    %broadcast_in_dim3A_46 = vector.broadcast %broadcast_in_dim3A_45 : f32 to vector<8x128xf32>
    %swap3A_47 = arith.constant 0 : index
    %swap3A_48 = arith.constant 0 : index
    %swap3A_49 = vector.load %arg6[%swap3A_47, %swap3A_48] : memref<8x128xf32, #tpu.memory_space<vmem>>, vector<8x128xf32>
    tpu.vector_store %arg6[%swap3A_47, %swap3A_48], %broadcast_in_dim3A_46 {strides = array<i32>} : memref<8x128xf32, #tpu.memory_space<vmem>>, vector<8x128xf32>,
    %broadcast_in_dim3A_50 = arith.constant 0.000000e+00 : f32
    %broadcast_in_dim3A_51 = vector.broadcast %broadcast_in_dim3A_50 : f32 to vector<8x128xf32>
    %swap3A_52 = arith.constant 0 : index
    %swap3A_53 = arith.constant 0 : index
    %swap3A_54 = vector.load %arg7[%swap3A_52, %swap3A_53] : memref<8x128xf32, #tpu.memory_space<vmem>>, vector<8x128xf32>
    tpu.vector_store %arg7[%swap3A_52, %swap3A_53], %broadcast_in_dim3A_51 {strides = array<i32>} : memref<8x128xf32, #tpu.memory_space<vmem>>, vector<8x128xf32>,
    %broadcast_in_dim3A_55 = arith.constant 0.000000e+00 : f32
    %broadcast_in_dim3A_56 = vector.broadcast %broadcast_in_dim3A_55 : f32 to vector<8x128xf32>
    %swap3A_57 = arith.constant 0 : index
    %swap3A_58 = arith.constant 0 : index
    %swap3A_59 = vector.load %arg8[%swap3A_57, %swap3A_58] : memref<8x128xf32, #tpu.memory_space<vmem>>, vector<8x128xf32>
    tpu.vector_store %arg8[%swap3A_57, %swap3A_58], %broadcast_in_dim3A_56 {strides = array<i32>} : memref<8x128xf32, #tpu.memory_space<vmem>>, vector<8x128xf32>,
    %broadcast_in_dim3A_60 = arith.constant 1.000000e+10 : f32
    %broadcast_in_dim3A_61 = vector.broadcast %broadcast_in_dim3A_60 : f32 to vector<8x512xf32>
    %swap3A_62 = arith.constant 0 : index
    %swap3A_63 = arith.constant 0 : index
    %swap3A_64 = vector.load %arg13[%swap3A_62, %swap3A_63] : memref<8x512xf32, #tpu.memory_space<vmem>>, vector<8x512xf32>
    tpu.vector_store %arg13[%swap3A_62, %swap3A_63], %broadcast_in_dim3A_61 {strides = array<i32>} : memref<8x512xf32, #tpu.memory_space<vmem>>, vector<8x512xf32>,
    %broadcast_in_dim3A_65 = arith.constant 0 : i32
    %broadcast_in_dim3A_66 = vector.broadcast %broadcast_in_dim3A_65 : i32 to vector<8x1xi32>
    %scan3A_67 = arith.constant 0 : i32
    %scan3A_68 = arith.constant 128 : i32
    %scan3A_69 = arith.addi %scan3A_67, %scan3A_68 : i32
    %scan3A_70 = arith.constant 1 : i32
    %scan3A_71 = scf.for %scan3A_112 = %scan3A_67 to %scan3A_69 step %scan3A_70 iter_args(%scan3A_113 = %broadcast_in_dim3A_66) -> (vector<8x1xi32>)  : i32 {
      %eq3A = vector.broadcast %scan3A_113 : vector<8x1xi32> to vector<8x512xi32>
      %eq3A_114 = arith.cmpi eq, %iota3A_43, %eq3A : vector<8x512xi32>
      %jit3A = arith.constant 0.000000e+00 : f32
      %broadcast_in_dim3A_115 = vector.broadcast %jit3A : f32 to vector<8x512xf32>
      %select_n3A = arith.select %eq3A_114, %get3A_36, %broadcast_in_dim3A_115 : vector<8x512xi1>, vector<8x512xf32>
      %reduce_sum3A = arith.constant dense<0.000000e+00> : vector<8xf32>
      %reduce_sum3A_116 = vector.multi_reduction <add>, %select_n3A, %reduce_sum3A [1] : vector<8x512xf32> to vector<8xf32>
      %broadcast_in_dim3A_117 = vector.shape_cast %reduce_sum3A_116 : vector<8xf32> to vector<8x1xf32>
      %jit3A_118 = arith.constant 0.000000e+00 : f32
      %broadcast_in_dim3A_119 = vector.broadcast %jit3A_118 : f32 to vector<8x512xf32>
      %select_n3A_120 = arith.select %eq3A_114, %get3A_39, %broadcast_in_dim3A_119 : vector<8x512xi1>, vector<8x512xf32>
      %reduce_sum3A_121 = arith.constant dense<0.000000e+00> : vector<8xf32>
      %reduce_sum3A_122 = vector.multi_reduction <add>, %select_n3A_120, %reduce_sum3A_121 [1] : vector<8x512xf32> to vector<8xf32>
      %broadcast_in_dim3A_123 = vector.shape_cast %reduce_sum3A_122 : vector<8xf32> to vector<8x1xf32>
      %jit3A_124 = arith.constant 0.000000e+00 : f32
      %broadcast_in_dim3A_125 = vector.broadcast %jit3A_124 : f32 to vector<8x512xf32>
      %select_n3A_126 = arith.select %eq3A_114, %get3A_42, %broadcast_in_dim3A_125 : vector<8x512xi1>, vector<8x512xf32>
      %reduce_sum3A_127 = arith.constant dense<0.000000e+00> : vector<8xf32>
      %reduce_sum3A_128 = vector.multi_reduction <add>, %select_n3A_126, %reduce_sum3A_127 [1] : vector<8x512xf32> to vector<8xf32>
      %broadcast_in_dim3A_129 = vector.shape_cast %reduce_sum3A_128 : vector<8xf32> to vector<8x1xf32>
      %eq3A_130 = vector.broadcast %scan3A_112 : i32 to vector<8x128xi32>
      %eq3A_131 = arith.cmpi eq, %iota3A_44, %eq3A_130 : vector<8x128xi32>
      %get3A_132 = arith.constant 0 : index
      %get3A_133 = arith.constant 0 : index
      %get3A_134 = vector.load %arg6[%get3A_132, %get3A_133] : memref<8x128xf32, #tpu.memory_space<vmem>>, vector<8x128xf32>
      %broadcast_in_dim3A_135 = vector.shape_cast %broadcast_in_dim3A_117 : vector<8x1xf32> to vector<8x1xf32>
      %broadcast_in_dim3A_136 = vector.broadcast %broadcast_in_dim3A_135 : vector<8x1xf32> to vector<8x128xf32>
      %select_n3A_137 = arith.select %eq3A_131, %broadcast_in_dim3A_136, %get3A_134 : vector<8x128xi1>, vector<8x128xf32>
      %swap3A_138 = arith.constant 0 : index
      %swap3A_139 = arith.constant 0 : index
      %swap3A_140 = vector.load %arg6[%swap3A_138, %swap3A_139] : memref<8x128xf32, #tpu.memory_space<vmem>>, vector<8x128xf32>
      tpu.vector_store %arg6[%swap3A_138, %swap3A_139], %select_n3A_137 {strides = array<i32>} : memref<8x128xf32, #tpu.memory_space<vmem>>, vector<8x128xf32>,
      %get3A_141 = arith.constant 0 : index
      %get3A_142 = arith.constant 0 : index
      %get3A_143 = vector.load %arg7[%get3A_141, %get3A_142] : memref<8x128xf32, #tpu.memory_space<vmem>>, vector<8x128xf32>
      %broadcast_in_dim3A_144 = vector.shape_cast %broadcast_in_dim3A_123 : vector<8x1xf32> to vector<8x1xf32>
      %broadcast_in_dim3A_145 = vector.broadcast %broadcast_in_dim3A_144 : vector<8x1xf32> to vector<8x128xf32>
      %select_n3A_146 = arith.select %eq3A_131, %broadcast_in_dim3A_145, %get3A_143 : vector<8x128xi1>, vector<8x128xf32>
      %swap3A_147 = arith.constant 0 : index
      %swap3A_148 = arith.constant 0 : index
      %swap3A_149 = vector.load %arg7[%swap3A_147, %swap3A_148] : memref<8x128xf32, #tpu.memory_space<vmem>>, vector<8x128xf32>
      tpu.vector_store %arg7[%swap3A_147, %swap3A_148], %select_n3A_146 {strides = array<i32>} : memref<8x128xf32, #tpu.memory_space<vmem>>, vector<8x128xf32>,
      %get3A_150 = arith.constant 0 : index
      %get3A_151 = arith.constant 0 : index
      %get3A_152 = vector.load %arg8[%get3A_150, %get3A_151] : memref<8x128xf32, #tpu.memory_space<vmem>>, vector<8x128xf32>
      %broadcast_in_dim3A_153 = vector.shape_cast %broadcast_in_dim3A_129 : vector<8x1xf32> to vector<8x1xf32>
      %broadcast_in_dim3A_154 = vector.broadcast %broadcast_in_dim3A_153 : vector<8x1xf32> to vector<8x128xf32>
      %select_n3A_155 = arith.select %eq3A_131, %broadcast_in_dim3A_154, %get3A_152 : vector<8x128xi1>, vector<8x128xf32>
      %swap3A_156 = arith.constant 0 : index
      %swap3A_157 = arith.constant 0 : index
      %swap3A_158 = vector.load %arg8[%swap3A_156, %swap3A_157] : memref<8x128xf32, #tpu.memory_space<vmem>>, vector<8x128xf32>
      tpu.vector_store %arg8[%swap3A_156, %swap3A_157], %select_n3A_155 {strides = array<i32>} : memref<8x128xf32, #tpu.memory_space<vmem>>, vector<8x128xf32>,
      %sub3A = vector.broadcast %broadcast_in_dim3A_117 : vector<8x1xf32> to vector<8x512xf32>
      %sub3A_159 = arith.subf %get3A_36, %sub3A : vector<8x512xf32>
      %integer_pow3A = arith.mulf %sub3A_159, %sub3A_159 : vector<8x512xf32>
      %sub3A_160 = vector.broadcast %broadcast_in_dim3A_123 : vector<8x1xf32> to vector<8x512xf32>
      %sub3A_161 = arith.subf %get3A_39, %sub3A_160 : vector<8x512xf32>
      %integer_pow3A_162 = arith.mulf %sub3A_161, %sub3A_161 : vector<8x512xf32>
      %add3A = arith.addf %integer_pow3A, %integer_pow3A_162 : vector<8x512xf32>
      %sub3A_163 = vector.broadcast %broadcast_in_dim3A_129 : vector<8x1xf32> to vector<8x512xf32>
      %sub3A_164 = arith.subf %get3A_42, %sub3A_163 : vector<8x512xf32>
      %integer_pow3A_165 = arith.mulf %sub3A_164, %sub3A_164 : vector<8x512xf32>
      %add3A_166 = arith.addf %add3A, %integer_pow3A_165 : vector<8x512xf32>
      %get3A_167 = arith.constant 0 : index
      %get3A_168 = arith.constant 0 : index
      %get3A_169 = vector.load %arg13[%get3A_167, %get3A_168] : memref<8x512xf32, #tpu.memory_space<vmem>>, vector<8x512xf32>
      %min3A = arith.minimumf %get3A_169, %add3A_166 : vector<8x512xf32>
      %swap3A_170 = arith.constant 0 : index
      %swap3A_171 = arith.constant 0 : index
      %swap3A_172 = vector.load %arg13[%swap3A_170, %swap3A_171] : memref<8x512xf32, #tpu.memory_space<vmem>>, vector<8x512xf32>
      tpu.vector_store %arg13[%swap3A_170, %swap3A_171], %min3A {strides = array<i32>} : memref<8x512xf32, #tpu.memory_space<vmem>>, vector<8x512xf32>,
      %reduce_max3A = arith.constant dense<0xFF800000> : vector<8xf32>
      %reduce_max3A_173 = vector.multi_reduction <maximumf>, %min3A, %reduce_max3A [1] : vector<8x512xf32> to vector<8xf32>
      %broadcast_in_dim3A_174 = vector.shape_cast %reduce_max3A_173 : vector<8xf32> to vector<8x1xf32>
      %eq3A_175 = vector.broadcast %broadcast_in_dim3A_174 : vector<8x1xf32> to vector<8x512xf32>
      %eq3A_176 = arith.cmpf oeq, %min3A, %eq3A_175 : vector<8x512xf32>
      %jit3A_177 = arith.constant 512 : i32
      %broadcast_in_dim3A_178 = vector.broadcast %jit3A_177 : i32 to vector<8x512xi32>
      %select_n3A_179 = arith.select %eq3A_176, %iota3A_43, %broadcast_in_dim3A_178 : vector<8x512xi1>, vector<8x512xi32>
      %reduce_min3A = arith.constant dense<2147483647> : vector<8xi32>
      %reduce_min3A_180 = vector.multi_reduction <minsi>, %select_n3A_179, %reduce_min3A [1] : vector<8x512xi32> to vector<8xi32>
      %broadcast_in_dim3A_181 = vector.shape_cast %reduce_min3A_180 : vector<8xi32> to vector<8x1xi32>
      scf.yield %broadcast_in_dim3A_181 : vector<8x1xi32>
    }
    %scan3A_72 = arith.constant 128 : i32
    %get3A_73 = arith.constant 0 : index
    %get3A_74 = arith.constant 0 : index
    %get3A_75 = vector.load %arg6[%get3A_73, %get3A_74] : memref<8x128xf32, #tpu.memory_space<vmem>>, vector<8x128xf32>
    %get3A_76 = arith.constant 0 : index
    %get3A_77 = arith.constant 0 : index
    %get3A_78 = vector.load %arg7[%get3A_76, %get3A_77] : memref<8x128xf32, #tpu.memory_space<vmem>>, vector<8x128xf32>
    %get3A_79 = arith.constant 0 : index
    %get3A_80 = arith.constant 0 : index
    %get3A_81 = vector.load %arg8[%get3A_79, %get3A_80] : memref<8x128xf32, #tpu.memory_space<vmem>>, vector<8x128xf32>
    %iota3A_82 = tpu.iota {dimensions = array<i32: 1>} : vector<8x128xi32>
    %iota3A_83 = tpu.iota {dimensions = array<i32: 1>} : vector<8x32xi32>
    %broadcast_in_dim3A_84 = arith.constant 0.000000e+00 : f32
    %broadcast_in_dim3A_85 = vector.broadcast %broadcast_in_dim3A_84 : f32 to vector<8x32xf32>
    %swap3A_86 = arith.constant 0 : index
    %swap3A_87 = arith.constant 0 : index
    %swap3A_88 = vector.load %arg9[%swap3A_86, %swap3A_87] : memref<8x32xf32, #tpu.memory_space<vmem>>, vector<8x32xf32>
    tpu.vector_store %arg9[%swap3A_86, %swap3A_87], %broadcast_in_dim3A_85 {strides = array<i32>} : memref<8x32xf32, #tpu.memory_space<vmem>>, vector<8x32xf32>,
    %broadcast_in_dim3A_89 = arith.constant 0.000000e+00 : f32
    %broadcast_in_dim3A_90 = vector.broadcast %broadcast_in_dim3A_89 : f32 to vector<8x32xf32>
    %swap3A_91 = arith.constant 0 : index
    %swap3A_92 = arith.constant 0 : index
    %swap3A_93 = vector.load %arg10[%swap3A_91, %swap3A_92] : memref<8x32xf32, #tpu.memory_space<vmem>>, vector<8x32xf32>
    tpu.vector_store %arg10[%swap3A_91, %swap3A_92], %broadcast_in_dim3A_90 {strides = array<i32>} : memref<8x32xf32, #tpu.memory_space<vmem>>, vector<8x32xf32>,
    %broadcast_in_dim3A_94 = arith.constant 0.000000e+00 : f32
    %broadcast_in_dim3A_95 = vector.broadcast %broadcast_in_dim3A_94 : f32 to vector<8x32xf32>
    %swap3A_96 = arith.constant 0 : index
    %swap3A_97 = arith.constant 0 : index
    %swap3A_98 = vector.load %arg11[%swap3A_96, %swap3A_97] : memref<8x32xf32, #tpu.memory_space<vmem>>, vector<8x32xf32>
    tpu.vector_store %arg11[%swap3A_96, %swap3A_97], %broadcast_in_dim3A_95 {strides = array<i32>} : memref<8x32xf32, #tpu.memory_space<vmem>>, vector<8x32xf32>,
    %broadcast_in_dim3A_99 = arith.constant 1.000000e+10 : f32
    %broadcast_in_dim3A_100 = vector.broadcast %broadcast_in_dim3A_99 : f32 to vector<8x128xf32>
    %swap3A_101 = arith.constant 0 : index
    %swap3A_102 = arith.constant 0 : index
    %swap3A_103 = vector.load %arg14[%swap3A_101, %swap3A_102] : memref<8x128xf32, #tpu.memory_space<vmem>>, vector<8x128xf32>
    tpu.vector_store %arg14[%swap3A_101, %swap3A_102], %broadcast_in_dim3A_100 {strides = array<i32>} : memref<8x128xf32, #tpu.memory_space<vmem>>, vector<8x128xf32>,
    %broadcast_in_dim3A_104 = arith.constant 0 : i32
    %broadcast_in_dim3A_105 = vector.broadcast %broadcast_in_dim3A_104 : i32 to vector<8x1xi32>
    %scan3A_106 = arith.constant 0 : i32
    %scan3A_107 = arith.constant 32 : i32
    %scan3A_108 = arith.addi %scan3A_106, %scan3A_107 : i32
    %scan3A_109 = arith.constant 1 : i32
    %scan3A_110 = scf.for %scan3A_112 = %scan3A_106 to %scan3A_108 step %scan3A_109 iter_args(%scan3A_113 = %broadcast_in_dim3A_105) -> (vector<8x1xi32>)  : i32 {
      %eq3A = vector.broadcast %scan3A_113 : vector<8x1xi32> to vector<8x128xi32>
      %eq3A_114 = arith.cmpi eq, %iota3A_82, %eq3A : vector<8x128xi32>
      %jit3A = arith.constant 0.000000e+00 : f32
      %broadcast_in_dim3A_115 = vector.broadcast %jit3A : f32 to vector<8x128xf32>
      %select_n3A = arith.select %eq3A_114, %get3A_75, %broadcast_in_dim3A_115 : vector<8x128xi1>, vector<8x128xf32>
      %reduce_sum3A = arith.constant dense<0.000000e+00> : vector<8xf32>
      %reduce_sum3A_116 = vector.multi_reduction <add>, %select_n3A, %reduce_sum3A [1] : vector<8x128xf32> to vector<8xf32>
      %broadcast_in_dim3A_117 = vector.shape_cast %reduce_sum3A_116 : vector<8xf32> to vector<8x1xf32>
      %jit3A_118 = arith.constant 0.000000e+00 : f32
      %broadcast_in_dim3A_119 = vector.broadcast %jit3A_118 : f32 to vector<8x128xf32>
      %select_n3A_120 = arith.select %eq3A_114, %get3A_78, %broadcast_in_dim3A_119 : vector<8x128xi1>, vector<8x128xf32>
      %reduce_sum3A_121 = arith.constant dense<0.000000e+00> : vector<8xf32>
      %reduce_sum3A_122 = vector.multi_reduction <add>, %select_n3A_120, %reduce_sum3A_121 [1] : vector<8x128xf32> to vector<8xf32>
      %broadcast_in_dim3A_123 = vector.shape_cast %reduce_sum3A_122 : vector<8xf32> to vector<8x1xf32>
      %jit3A_124 = arith.constant 0.000000e+00 : f32
      %broadcast_in_dim3A_125 = vector.broadcast %jit3A_124 : f32 to vector<8x128xf32>
      %select_n3A_126 = arith.select %eq3A_114, %get3A_81, %broadcast_in_dim3A_125 : vector<8x128xi1>, vector<8x128xf32>
      %reduce_sum3A_127 = arith.constant dense<0.000000e+00> : vector<8xf32>
      %reduce_sum3A_128 = vector.multi_reduction <add>, %select_n3A_126, %reduce_sum3A_127 [1] : vector<8x128xf32> to vector<8xf32>
      %broadcast_in_dim3A_129 = vector.shape_cast %reduce_sum3A_128 : vector<8xf32> to vector<8x1xf32>
      %eq3A_130 = vector.broadcast %scan3A_112 : i32 to vector<8x32xi32>
      %eq3A_131 = arith.cmpi eq, %iota3A_83, %eq3A_130 : vector<8x32xi32>
      %get3A_132 = arith.constant 0 : index
      %get3A_133 = arith.constant 0 : index
      %get3A_134 = vector.load %arg9[%get3A_132, %get3A_133] : memref<8x32xf32, #tpu.memory_space<vmem>>, vector<8x32xf32>
      %broadcast_in_dim3A_135 = vector.shape_cast %broadcast_in_dim3A_117 : vector<8x1xf32> to vector<8x1xf32>
      %broadcast_in_dim3A_136 = vector.broadcast %broadcast_in_dim3A_135 : vector<8x1xf32> to vector<8x32xf32>
      %select_n3A_137 = arith.select %eq3A_131, %broadcast_in_dim3A_136, %get3A_134 : vector<8x32xi1>, vector<8x32xf32>
      %swap3A_138 = arith.constant 0 : index
      %swap3A_139 = arith.constant 0 : index
      %swap3A_140 = vector.load %arg9[%swap3A_138, %swap3A_139] : memref<8x32xf32, #tpu.memory_space<vmem>>, vector<8x32xf32>
      tpu.vector_store %arg9[%swap3A_138, %swap3A_139], %select_n3A_137 {strides = array<i32>} : memref<8x32xf32, #tpu.memory_space<vmem>>, vector<8x32xf32>,
      %get3A_141 = arith.constant 0 : index
      %get3A_142 = arith.constant 0 : index
      %get3A_143 = vector.load %arg10[%get3A_141, %get3A_142] : memref<8x32xf32, #tpu.memory_space<vmem>>, vector<8x32xf32>
      %broadcast_in_dim3A_144 = vector.shape_cast %broadcast_in_dim3A_123 : vector<8x1xf32> to vector<8x1xf32>
      %broadcast_in_dim3A_145 = vector.broadcast %broadcast_in_dim3A_144 : vector<8x1xf32> to vector<8x32xf32>
      %select_n3A_146 = arith.select %eq3A_131, %broadcast_in_dim3A_145, %get3A_143 : vector<8x32xi1>, vector<8x32xf32>
      %swap3A_147 = arith.constant 0 : index
      %swap3A_148 = arith.constant 0 : index
      %swap3A_149 = vector.load %arg10[%swap3A_147, %swap3A_148] : memref<8x32xf32, #tpu.memory_space<vmem>>, vector<8x32xf32>
      tpu.vector_store %arg10[%swap3A_147, %swap3A_148], %select_n3A_146 {strides = array<i32>} : memref<8x32xf32, #tpu.memory_space<vmem>>, vector<8x32xf32>,
      %get3A_150 = arith.constant 0 : index
      %get3A_151 = arith.constant 0 : index
      %get3A_152 = vector.load %arg11[%get3A_150, %get3A_151] : memref<8x32xf32, #tpu.memory_space<vmem>>, vector<8x32xf32>
      %broadcast_in_dim3A_153 = vector.shape_cast %broadcast_in_dim3A_129 : vector<8x1xf32> to vector<8x1xf32>
      %broadcast_in_dim3A_154 = vector.broadcast %broadcast_in_dim3A_153 : vector<8x1xf32> to vector<8x32xf32>
      %select_n3A_155 = arith.select %eq3A_131, %broadcast_in_dim3A_154, %get3A_152 : vector<8x32xi1>, vector<8x32xf32>
      %swap3A_156 = arith.constant 0 : index
      %swap3A_157 = arith.constant 0 : index
      %swap3A_158 = vector.load %arg11[%swap3A_156, %swap3A_157] : memref<8x32xf32, #tpu.memory_space<vmem>>, vector<8x32xf32>
      tpu.vector_store %arg11[%swap3A_156, %swap3A_157], %select_n3A_155 {strides = array<i32>} : memref<8x32xf32, #tpu.memory_space<vmem>>, vector<8x32xf32>,
      %sub3A = vector.broadcast %broadcast_in_dim3A_117 : vector<8x1xf32> to vector<8x128xf32>
      %sub3A_159 = arith.subf %get3A_75, %sub3A : vector<8x128xf32>
      %integer_pow3A = arith.mulf %sub3A_159, %sub3A_159 : vector<8x128xf32>
      %sub3A_160 = vector.broadcast %broadcast_in_dim3A_123 : vector<8x1xf32> to vector<8x128xf32>
      %sub3A_161 = arith.subf %get3A_78, %sub3A_160 : vector<8x128xf32>
      %integer_pow3A_162 = arith.mulf %sub3A_161, %sub3A_161 : vector<8x128xf32>
      %add3A = arith.addf %integer_pow3A, %integer_pow3A_162 : vector<8x128xf32>
      %sub3A_163 = vector.broadcast %broadcast_in_dim3A_129 : vector<8x1xf32> to vector<8x128xf32>
      %sub3A_164 = arith.subf %get3A_81, %sub3A_163 : vector<8x128xf32>
      %integer_pow3A_165 = arith.mulf %sub3A_164, %sub3A_164 : vector<8x128xf32>
      %add3A_166 = arith.addf %add3A, %integer_pow3A_165 : vector<8x128xf32>
      %get3A_167 = arith.constant 0 : index
      %get3A_168 = arith.constant 0 : index
      %get3A_169 = vector.load %arg14[%get3A_167, %get3A_168] : memref<8x128xf32, #tpu.memory_space<vmem>>, vector<8x128xf32>
      %min3A = arith.minimumf %get3A_169, %add3A_166 : vector<8x128xf32>
      %swap3A_170 = arith.constant 0 : index
      %swap3A_171 = arith.constant 0 : index
      %swap3A_172 = vector.load %arg14[%swap3A_170, %swap3A_171] : memref<8x128xf32, #tpu.memory_space<vmem>>, vector<8x128xf32>
      tpu.vector_store %arg14[%swap3A_170, %swap3A_171], %min3A {strides = array<i32>} : memref<8x128xf32, #tpu.memory_space<vmem>>, vector<8x128xf32>,
      %reduce_max3A = arith.constant dense<0xFF800000> : vector<8xf32>
      %reduce_max3A_173 = vector.multi_reduction <maximumf>, %min3A, %reduce_max3A [1] : vector<8x128xf32> to vector<8xf32>
      %broadcast_in_dim3A_174 = vector.shape_cast %reduce_max3A_173 : vector<8xf32> to vector<8x1xf32>
      %eq3A_175 = vector.broadcast %broadcast_in_dim3A_174 : vector<8x1xf32> to vector<8x128xf32>
      %eq3A_176 = arith.cmpf oeq, %min3A, %eq3A_175 : vector<8x128xf32>
      %jit3A_177 = arith.constant 128 : i32
      %broadcast_in_dim3A_178 = vector.broadcast %jit3A_177 : i32 to vector<8x128xi32>
      %select_n3A_179 = arith.select %eq3A_176, %iota3A_82, %broadcast_in_dim3A_178 : vector<8x128xi1>, vector<8x128xi32>
      %reduce_min3A = arith.constant dense<2147483647> : vector<8xi32>
      %reduce_min3A_180 = vector.multi_reduction <minsi>, %select_n3A_179, %reduce_min3A [1] : vector<8x128xi32> to vector<8xi32>
      %broadcast_in_dim3A_181 = vector.shape_cast %reduce_min3A_180 : vector<8xi32> to vector<8x1xi32>
      scf.yield %broadcast_in_dim3A_181 : vector<8x1xi32>
    }
    %scan3A_111 = arith.constant 32 : i32
    return
  }
}

module attributes {stable_mosaic.version = 14 : i64} {
  func.func @_pack_kernel(%arg0: i32, %arg1: memref<1x512x8xf32, #tpu.memory_space<vmem>>, %arg2: memref<1x8x8192xf32, #tpu.memory_space<vmem>>, %arg3: memref<1x512x512xi32, #tpu.memory_space<vmem>>) attributes {dimension_semantics = [#tpu.dimension_semantics<arbitrary>], iteration_bounds = array<i64: 8>, scalar_prefetch = 0 : i64, scratch_operands = 0 : i64, tpu.core_type = #tpu.core_type<tc>, window_params = [{transform_indices = @transform_0, window_bounds = array<i64: 1, 512, 8>}, {transform_indices = @transform_1, window_bounds = array<i64: 1, 8, 8192>}, {transform_indices = @transform_2, window_bounds = array<i64: 1, 512, 512>}]} {
    %get3A = arith.constant 0 : index
    %get3A_0 = arith.constant 0 : index
    %get3A_1 = arith.constant 0 : index
    %get3A_2 = vector.load %arg1[%get3A, %get3A_0, %get3A_1] : memref<1x512x8xf32, #tpu.memory_space<vmem>>, vector<1x512x8xf32>
    %get3A_3 = vector.shape_cast %get3A_2 : vector<1x512x8xf32> to vector<512x8xf32>
    %get3A_4 = arith.constant 0 : index
    %get3A_5 = arith.constant 0 : index
    %get3A_6 = arith.constant 0 : index
    %get3A_7 = vector.load %arg2[%get3A_4, %get3A_5, %get3A_6] : memref<1x8x8192xf32, #tpu.memory_space<vmem>>, vector<1x8x8192xf32>
    %get3A_8 = vector.shape_cast %get3A_7 : vector<1x8x8192xf32> to vector<8x8192xf32>
    %slice3A = vector.extract_strided_slice %get3A_3 {offsets = [0, 0], sizes = [512, 3], strides = [1, 1]} : vector<512x8xf32> to vector<512x3xf32>
    %slice3A_9 = vector.extract_strided_slice %get3A_3 {offsets = [0, 0], sizes = [512, 3], strides = [1, 1]} : vector<512x8xf32> to vector<512x3xf32>
    %mul3A = arith.mulf %slice3A, %slice3A_9 : vector<512x3xf32>
    %reduce_sum3A = arith.constant dense<0.000000e+00> : vector<512xf32>
    %reduce_sum3A_10 = vector.multi_reduction <add>, %mul3A, %reduce_sum3A [1] : vector<512x3xf32> to vector<512xf32>
    %broadcast_in_dim3A = vector.shape_cast %reduce_sum3A_10 : vector<512xf32> to vector<512x1xf32>
    %slice3A_11 = vector.extract_strided_slice %get3A_8 {offsets = [0, 0], sizes = [3, 8192], strides = [1, 1]} : vector<8x8192xf32> to vector<3x8192xf32>
    %slice3A_12 = vector.extract_strided_slice %get3A_8 {offsets = [0, 0], sizes = [3, 8192], strides = [1, 1]} : vector<8x8192xf32> to vector<3x8192xf32>
    %mul3A_13 = arith.mulf %slice3A_11, %slice3A_12 : vector<3x8192xf32>
    %reduce_sum3A_14 = arith.constant dense<0.000000e+00> : vector<8192xf32>
    %reduce_sum3A_15 = vector.multi_reduction <add>, %mul3A_13, %reduce_sum3A_14 [0] : vector<3x8192xf32> to vector<8192xf32>
    %broadcast_in_dim3A_16 = vector.shape_cast %reduce_sum3A_15 : vector<8192xf32> to vector<1x8192xf32>
    %dot_general3A = arith.constant dense<0.000000e+00> : vector<512x8192xf32>
    %dot_general3A_17 = tpu.matmul %get3A_3, %get3A_8, %dot_general3A {dimension_numbers = #tpu.dot_dimension_numbers<[1], [0], [0], [1], [0, 0, 1, 1], [], []>, transpose_lhs_hint = false} : vector<512x8xf32>, vector<8x8192xf32>, vector<512x8192xf32> -> vector<512x8192xf32>
    %add3A = vector.broadcast %broadcast_in_dim3A : vector<512x1xf32> to vector<512x8192xf32>
    %add3A_18 = vector.broadcast %broadcast_in_dim3A_16 : vector<1x8192xf32> to vector<512x8192xf32>
    %add3A_19 = arith.addf %add3A, %add3A_18 : vector<512x8192xf32>
    %mul3A_20 = arith.constant 2.000000e+00 : f32
    %mul3A_21 = vector.broadcast %mul3A_20 : f32 to vector<512x8192xf32>
    %mul3A_22 = arith.mulf %mul3A_21, %dot_general3A_17 : vector<512x8192xf32>
    %sub3A = arith.subf %add3A_19, %mul3A_22 : vector<512x8192xf32>
    %gt3A = arith.constant 1.600000e-03 : f32
    %gt3A_23 = vector.broadcast %gt3A : f32 to vector<512x8192xf32>
    %gt3A_24 = arith.cmpf ogt, %sub3A, %gt3A_23 : vector<512x8192xf32>
    %jit3A = arith.constant 0.000000e+00 : f32
    %jit3A_25 = arith.constant 1.000000e+00 : f32
    %broadcast_in_dim3A_26 = vector.broadcast %jit3A : f32 to vector<512x8192xf32>
    %broadcast_in_dim3A_27 = vector.broadcast %jit3A_25 : f32 to vector<512x8192xf32>
    %select_n3A = arith.select %gt3A_24, %broadcast_in_dim3A_26, %broadcast_in_dim3A_27 : vector<512x8192xi1>, vector<512x8192xf32>
    %iota3A = tpu.iota {dimensions = array<i32: 0>} : vector<512x32xi32>
    %iota3A_28 = tpu.iota {dimensions = array<i32: 1>} : vector<512x32xi32>
    %shift_right_arithmetic3A = arith.constant 4 : i32
    %shift_right_arithmetic3A_29 = vector.broadcast %shift_right_arithmetic3A : i32 to vector<512x32xi32>
    %shift_right_arithmetic3A_30 = arith.shrsi %iota3A, %shift_right_arithmetic3A_29 : vector<512x32xi32>
    %eq3A = arith.cmpi eq, %shift_right_arithmetic3A_30, %iota3A_28 : vector<512x32xi32>
    %and3A = arith.constant 15 : i32
    %and3A_31 = vector.broadcast %and3A : i32 to vector<512x32xi32>
    %and3A_32 = arith.andi %iota3A, %and3A_31 : vector<512x32xi32>
    %shift_left3A = arith.constant 1 : i32
    %shift_left3A_33 = vector.broadcast %shift_left3A : i32 to vector<512x32xi32>
    %shift_left3A_34 = arith.shli %shift_left3A_33, %and3A_32 : vector<512x32xi32>
    %jit3A_35 = arith.constant 0 : i32
    %broadcast_in_dim3A_36 = vector.broadcast %jit3A_35 : i32 to vector<512x32xi32>
    %select_n3A_37 = arith.select %eq3A, %shift_left3A_34, %broadcast_in_dim3A_36 : vector<512x32xi1>, vector<512x32xi32>
    %convert_element_type3A = arith.sitofp %select_n3A_37 : vector<512x32xi32> to vector<512x32xf32>
    %slice3A_38 = vector.extract_strided_slice %select_n3A {offsets = [0, 0], sizes = [512, 512], strides = [1, 1]} : vector<512x8192xf32> to vector<512x512xf32>
    %dot_general3A_39 = arith.constant dense<0.000000e+00> : vector<512x32xf32>
    %dot_general3A_40 = tpu.matmul %slice3A_38, %convert_element_type3A, %dot_general3A_39 {dimension_numbers = #tpu.dot_dimension_numbers<[1], [0], [0], [1], [0, 0, 1, 1], [], []>, transpose_lhs_hint = false} : vector<512x512xf32>, vector<512x32xf32>, vector<512x32xf32> -> vector<512x32xf32>
    %slice3A_41 = vector.extract_strided_slice %select_n3A {offsets = [0, 512], sizes = [512, 512], strides = [1, 1]} : vector<512x8192xf32> to vector<512x512xf32>
    %dot_general3A_42 = arith.constant dense<0.000000e+00> : vector<512x32xf32>
    %dot_general3A_43 = tpu.matmul %slice3A_41, %convert_element_type3A, %dot_general3A_42 {dimension_numbers = #tpu.dot_dimension_numbers<[1], [0], [0], [1], [0, 0, 1, 1], [], []>, transpose_lhs_hint = false} : vector<512x512xf32>, vector<512x32xf32>, vector<512x32xf32> -> vector<512x32xf32>
    %slice3A_44 = vector.extract_strided_slice %select_n3A {offsets = [0, 1024], sizes = [512, 512], strides = [1, 1]} : vector<512x8192xf32> to vector<512x512xf32>
    %dot_general3A_45 = arith.constant dense<0.000000e+00> : vector<512x32xf32>
    %dot_general3A_46 = tpu.matmul %slice3A_44, %convert_element_type3A, %dot_general3A_45 {dimension_numbers = #tpu.dot_dimension_numbers<[1], [0], [0], [1], [0, 0, 1, 1], [], []>, transpose_lhs_hint = false} : vector<512x512xf32>, vector<512x32xf32>, vector<512x32xf32> -> vector<512x32xf32>
    %slice3A_47 = vector.extract_strided_slice %select_n3A {offsets = [0, 1536], sizes = [512, 512], strides = [1, 1]} : vector<512x8192xf32> to vector<512x512xf32>
    %dot_general3A_48 = arith.constant dense<0.000000e+00> : vector<512x32xf32>
    %dot_general3A_49 = tpu.matmul %slice3A_47, %convert_element_type3A, %dot_general3A_48 {dimension_numbers = #tpu.dot_dimension_numbers<[1], [0], [0], [1], [0, 0, 1, 1], [], []>, transpose_lhs_hint = false} : vector<512x512xf32>, vector<512x32xf32>, vector<512x32xf32> -> vector<512x32xf32>
    %slice3A_50 = vector.extract_strided_slice %select_n3A {offsets = [0, 2048], sizes = [512, 512], strides = [1, 1]} : vector<512x8192xf32> to vector<512x512xf32>
    %dot_general3A_51 = arith.constant dense<0.000000e+00> : vector<512x32xf32>
    %dot_general3A_52 = tpu.matmul %slice3A_50, %convert_element_type3A, %dot_general3A_51 {dimension_numbers = #tpu.dot_dimension_numbers<[1], [0], [0], [1], [0, 0, 1, 1], [], []>, transpose_lhs_hint = false} : vector<512x512xf32>, vector<512x32xf32>, vector<512x32xf32> -> vector<512x32xf32>
    %slice3A_53 = vector.extract_strided_slice %select_n3A {offsets = [0, 2560], sizes = [512, 512], strides = [1, 1]} : vector<512x8192xf32> to vector<512x512xf32>
    %dot_general3A_54 = arith.constant dense<0.000000e+00> : vector<512x32xf32>
    %dot_general3A_55 = tpu.matmul %slice3A_53, %convert_element_type3A, %dot_general3A_54 {dimension_numbers = #tpu.dot_dimension_numbers<[1], [0], [0], [1], [0, 0, 1, 1], [], []>, transpose_lhs_hint = false} : vector<512x512xf32>, vector<512x32xf32>, vector<512x32xf32> -> vector<512x32xf32>
    %slice3A_56 = vector.extract_strided_slice %select_n3A {offsets = [0, 3072], sizes = [512, 512], strides = [1, 1]} : vector<512x8192xf32> to vector<512x512xf32>
    %dot_general3A_57 = arith.constant dense<0.000000e+00> : vector<512x32xf32>
    %dot_general3A_58 = tpu.matmul %slice3A_56, %convert_element_type3A, %dot_general3A_57 {dimension_numbers = #tpu.dot_dimension_numbers<[1], [0], [0], [1], [0, 0, 1, 1], [], []>, transpose_lhs_hint = false} : vector<512x512xf32>, vector<512x32xf32>, vector<512x32xf32> -> vector<512x32xf32>
    %slice3A_59 = vector.extract_strided_slice %select_n3A {offsets = [0, 3584], sizes = [512, 512], strides = [1, 1]} : vector<512x8192xf32> to vector<512x512xf32>
    %dot_general3A_60 = arith.constant dense<0.000000e+00> : vector<512x32xf32>
    %dot_general3A_61 = tpu.matmul %slice3A_59, %convert_element_type3A, %dot_general3A_60 {dimension_numbers = #tpu.dot_dimension_numbers<[1], [0], [0], [1], [0, 0, 1, 1], [], []>, transpose_lhs_hint = false} : vector<512x512xf32>, vector<512x32xf32>, vector<512x32xf32> -> vector<512x32xf32>
    %slice3A_62 = vector.extract_strided_slice %select_n3A {offsets = [0, 4096], sizes = [512, 512], strides = [1, 1]} : vector<512x8192xf32> to vector<512x512xf32>
    %dot_general3A_63 = arith.constant dense<0.000000e+00> : vector<512x32xf32>
    %dot_general3A_64 = tpu.matmul %slice3A_62, %convert_element_type3A, %dot_general3A_63 {dimension_numbers = #tpu.dot_dimension_numbers<[1], [0], [0], [1], [0, 0, 1, 1], [], []>, transpose_lhs_hint = false} : vector<512x512xf32>, vector<512x32xf32>, vector<512x32xf32> -> vector<512x32xf32>
    %slice3A_65 = vector.extract_strided_slice %select_n3A {offsets = [0, 4608], sizes = [512, 512], strides = [1, 1]} : vector<512x8192xf32> to vector<512x512xf32>
    %dot_general3A_66 = arith.constant dense<0.000000e+00> : vector<512x32xf32>
    %dot_general3A_67 = tpu.matmul %slice3A_65, %convert_element_type3A, %dot_general3A_66 {dimension_numbers = #tpu.dot_dimension_numbers<[1], [0], [0], [1], [0, 0, 1, 1], [], []>, transpose_lhs_hint = false} : vector<512x512xf32>, vector<512x32xf32>, vector<512x32xf32> -> vector<512x32xf32>
    %slice3A_68 = vector.extract_strided_slice %select_n3A {offsets = [0, 5120], sizes = [512, 512], strides = [1, 1]} : vector<512x8192xf32> to vector<512x512xf32>
    %dot_general3A_69 = arith.constant dense<0.000000e+00> : vector<512x32xf32>
    %dot_general3A_70 = tpu.matmul %slice3A_68, %convert_element_type3A, %dot_general3A_69 {dimension_numbers = #tpu.dot_dimension_numbers<[1], [0], [0], [1], [0, 0, 1, 1], [], []>, transpose_lhs_hint = false} : vector<512x512xf32>, vector<512x32xf32>, vector<512x32xf32> -> vector<512x32xf32>
    %slice3A_71 = vector.extract_strided_slice %select_n3A {offsets = [0, 5632], sizes = [512, 512], strides = [1, 1]} : vector<512x8192xf32> to vector<512x512xf32>
    %dot_general3A_72 = arith.constant dense<0.000000e+00> : vector<512x32xf32>
    %dot_general3A_73 = tpu.matmul %slice3A_71, %convert_element_type3A, %dot_general3A_72 {dimension_numbers = #tpu.dot_dimension_numbers<[1], [0], [0], [1], [0, 0, 1, 1], [], []>, transpose_lhs_hint = false} : vector<512x512xf32>, vector<512x32xf32>, vector<512x32xf32> -> vector<512x32xf32>
    %slice3A_74 = vector.extract_strided_slice %select_n3A {offsets = [0, 6144], sizes = [512, 512], strides = [1, 1]} : vector<512x8192xf32> to vector<512x512xf32>
    %dot_general3A_75 = arith.constant dense<0.000000e+00> : vector<512x32xf32>
    %dot_general3A_76 = tpu.matmul %slice3A_74, %convert_element_type3A, %dot_general3A_75 {dimension_numbers = #tpu.dot_dimension_numbers<[1], [0], [0], [1], [0, 0, 1, 1], [], []>, transpose_lhs_hint = false} : vector<512x512xf32>, vector<512x32xf32>, vector<512x32xf32> -> vector<512x32xf32>
    %slice3A_77 = vector.extract_strided_slice %select_n3A {offsets = [0, 6656], sizes = [512, 512], strides = [1, 1]} : vector<512x8192xf32> to vector<512x512xf32>
    %dot_general3A_78 = arith.constant dense<0.000000e+00> : vector<512x32xf32>
    %dot_general3A_79 = tpu.matmul %slice3A_77, %convert_element_type3A, %dot_general3A_78 {dimension_numbers = #tpu.dot_dimension_numbers<[1], [0], [0], [1], [0, 0, 1, 1], [], []>, transpose_lhs_hint = false} : vector<512x512xf32>, vector<512x32xf32>, vector<512x32xf32> -> vector<512x32xf32>
    %slice3A_80 = vector.extract_strided_slice %select_n3A {offsets = [0, 7168], sizes = [512, 512], strides = [1, 1]} : vector<512x8192xf32> to vector<512x512xf32>
    %dot_general3A_81 = arith.constant dense<0.000000e+00> : vector<512x32xf32>
    %dot_general3A_82 = tpu.matmul %slice3A_80, %convert_element_type3A, %dot_general3A_81 {dimension_numbers = #tpu.dot_dimension_numbers<[1], [0], [0], [1], [0, 0, 1, 1], [], []>, transpose_lhs_hint = false} : vector<512x512xf32>, vector<512x32xf32>, vector<512x32xf32> -> vector<512x32xf32>
    %slice3A_83 = vector.extract_strided_slice %select_n3A {offsets = [0, 7680], sizes = [512, 512], strides = [1, 1]} : vector<512x8192xf32> to vector<512x512xf32>
    %dot_general3A_84 = arith.constant dense<0.000000e+00> : vector<512x32xf32>
    %dot_general3A_85 = tpu.matmul %slice3A_83, %convert_element_type3A, %dot_general3A_84 {dimension_numbers = #tpu.dot_dimension_numbers<[1], [0], [0], [1], [0, 0, 1, 1], [], []>, transpose_lhs_hint = false} : vector<512x512xf32>, vector<512x32xf32>, vector<512x32xf32> -> vector<512x32xf32>
    %concatenate3A = tpu.concatenate %dot_general3A_40, %dot_general3A_43, %dot_general3A_46, %dot_general3A_49, %dot_general3A_52, %dot_general3A_55, %dot_general3A_58, %dot_general3A_61, %dot_general3A_64, %dot_general3A_67, %dot_general3A_70, %dot_general3A_73, %dot_general3A_76, %dot_general3A_79, %dot_general3A_82, %dot_general3A_85 in 1 : vector<512x32xf32>, vector<512x32xf32>, vector<512x32xf32>, vector<512x32xf32>, vector<512x32xf32>, vector<512x32xf32>, vector<512x32xf32>, vector<512x32xf32>, vector<512x32xf32>, vector<512x32xf32>, vector<512x32xf32>, vector<512x32xf32>, vector<512x32xf32>, vector<512x32xf32>, vector<512x32xf32>, vector<512x32xf32> -> vector<512x512xf32>
    %convert_element_type3A_86 = arith.fptosi %concatenate3A : vector<512x512xf32> to vector<512x512xi32>
    %swap3A = arith.constant 0 : index
    %swap3A_87 = arith.constant 0 : index
    %swap3A_88 = arith.constant 0 : index
    %swap3A_89 = vector.load %arg3[%swap3A, %swap3A_87, %swap3A_88] : memref<1x512x512xi32, #tpu.memory_space<vmem>>, vector<1x512x512xi32>
    %swap3A_90 = vector.shape_cast %swap3A_89 : vector<1x512x512xi32> to vector<512x512xi32>
    %swap3A_91 = vector.shape_cast %convert_element_type3A_86 : vector<512x512xi32> to vector<1x512x512xi32>
    tpu.vector_store %arg3[%swap3A, %swap3A_87, %swap3A_88], %swap3A_91 {strides = array<i32>} : memref<1x512x512xi32, #tpu.memory_space<vmem>>, vector<1x512x512xi32>,
    return
  }
  func.func @transform_0(%arg0: i32) -> (i32, i32, i32) {
    %c0_i32 = arith.constant 0 : i32
    %c0_i32_0 = arith.constant 0 : i32
    %c0_i32_1 = arith.constant 0 : i32
    return %arg0, %c0_i32, %c0_i32_0 : i32, i32, i32
  }
  func.func @transform_1(%arg0: i32) -> (i32, i32, i32) {
    %c0_i32 = arith.constant 0 : i32
    %c0_i32_0 = arith.constant 0 : i32
    %c0_i32_1 = arith.constant 0 : i32
    return %arg0, %c0_i32, %c0_i32_0 : i32, i32, i32
  }
  func.func @transform_2(%arg0: i32) -> (i32, i32, i32) {
    %c0_i32 = arith.constant 0 : i32
    %c0_i32_0 = arith.constant 0 : i32
    %c0_i32_1 = arith.constant 0 : i32
    return %arg0, %c0_i32, %c0_i32_0 : i32, i32, i32
  }
}

module attributes {stable_mosaic.version = 14 : i64} {
  func.func @_ballq_kernel(%arg0: i32, %arg1: memref<1x128x8xf32, #tpu.memory_space<vmem>>, %arg2: memref<1x8x512xf32, #tpu.memory_space<vmem>>, %arg3: memref<1x128x32xi32, #tpu.memory_space<vmem>>) attributes {dimension_semantics = [#tpu.dimension_semantics<arbitrary>], iteration_bounds = array<i64: 8>, scalar_prefetch = 0 : i64, scratch_operands = 0 : i64, tpu.core_type = #tpu.core_type<tc>, window_params = [{transform_indices = @transform_0, window_bounds = array<i64: 1, 128, 8>}, {transform_indices = @transform_1, window_bounds = array<i64: 1, 8, 512>}, {transform_indices = @transform_2, window_bounds = array<i64: 1, 128, 32>}]} {
    %get3A = arith.constant 0 : index
    %get3A_0 = arith.constant 0 : index
    %get3A_1 = arith.constant 0 : index
    %get3A_2 = vector.load %arg1[%get3A, %get3A_0, %get3A_1] : memref<1x128x8xf32, #tpu.memory_space<vmem>>, vector<1x128x8xf32>
    %get3A_3 = vector.shape_cast %get3A_2 : vector<1x128x8xf32> to vector<128x8xf32>
    %get3A_4 = arith.constant 0 : index
    %get3A_5 = arith.constant 0 : index
    %get3A_6 = arith.constant 0 : index
    %get3A_7 = vector.load %arg2[%get3A_4, %get3A_5, %get3A_6] : memref<1x8x512xf32, #tpu.memory_space<vmem>>, vector<1x8x512xf32>
    %get3A_8 = vector.shape_cast %get3A_7 : vector<1x8x512xf32> to vector<8x512xf32>
    %slice3A = vector.extract_strided_slice %get3A_3 {offsets = [0, 0], sizes = [128, 3], strides = [1, 1]} : vector<128x8xf32> to vector<128x3xf32>
    %slice3A_9 = vector.extract_strided_slice %get3A_3 {offsets = [0, 0], sizes = [128, 3], strides = [1, 1]} : vector<128x8xf32> to vector<128x3xf32>
    %mul3A = arith.mulf %slice3A, %slice3A_9 : vector<128x3xf32>
    %reduce_sum3A = arith.constant dense<0.000000e+00> : vector<128xf32>
    %reduce_sum3A_10 = vector.multi_reduction <add>, %mul3A, %reduce_sum3A [1] : vector<128x3xf32> to vector<128xf32>
    %broadcast_in_dim3A = vector.shape_cast %reduce_sum3A_10 : vector<128xf32> to vector<128x1xf32>
    %slice3A_11 = vector.extract_strided_slice %get3A_8 {offsets = [0, 0], sizes = [3, 512], strides = [1, 1]} : vector<8x512xf32> to vector<3x512xf32>
    %slice3A_12 = vector.extract_strided_slice %get3A_8 {offsets = [0, 0], sizes = [3, 512], strides = [1, 1]} : vector<8x512xf32> to vector<3x512xf32>
    %mul3A_13 = arith.mulf %slice3A_11, %slice3A_12 : vector<3x512xf32>
    %reduce_sum3A_14 = arith.constant dense<0.000000e+00> : vector<512xf32>
    %reduce_sum3A_15 = vector.multi_reduction <add>, %mul3A_13, %reduce_sum3A_14 [0] : vector<3x512xf32> to vector<512xf32>
    %broadcast_in_dim3A_16 = vector.shape_cast %reduce_sum3A_15 : vector<512xf32> to vector<1x512xf32>
    %dot_general3A = arith.constant dense<0.000000e+00> : vector<128x512xf32>
    %dot_general3A_17 = tpu.matmul %get3A_3, %get3A_8, %dot_general3A {dimension_numbers = #tpu.dot_dimension_numbers<[1], [0], [0], [1], [0, 0, 1, 1], [], []>, transpose_lhs_hint = false} : vector<128x8xf32>, vector<8x512xf32>, vector<128x512xf32> -> vector<128x512xf32>
    %add3A = vector.broadcast %broadcast_in_dim3A : vector<128x1xf32> to vector<128x512xf32>
    %add3A_18 = vector.broadcast %broadcast_in_dim3A_16 : vector<1x512xf32> to vector<128x512xf32>
    %add3A_19 = arith.addf %add3A, %add3A_18 : vector<128x512xf32>
    %mul3A_20 = arith.constant 2.000000e+00 : f32
    %mul3A_21 = vector.broadcast %mul3A_20 : f32 to vector<128x512xf32>
    %mul3A_22 = arith.mulf %mul3A_21, %dot_general3A_17 : vector<128x512xf32>
    %sub3A = arith.subf %add3A_19, %mul3A_22 : vector<128x512xf32>
    %iota3A = tpu.iota {dimensions = array<i32: 1>} : vector<128x512xi32>
    %gt3A = arith.constant 6.400000e-03 : f32
    %gt3A_23 = vector.broadcast %gt3A : f32 to vector<128x512xf32>
    %gt3A_24 = arith.cmpf ogt, %sub3A, %gt3A_23 : vector<128x512xf32>
    %jit3A = arith.constant 512 : i32
    %broadcast_in_dim3A_25 = vector.broadcast %jit3A : i32 to vector<128x512xi32>
    %select_n3A = arith.select %gt3A_24, %broadcast_in_dim3A_25, %iota3A : vector<128x512xi1>, vector<128x512xi32>
    %iota3A_26 = tpu.iota {dimensions = array<i32: 1>} : vector<128x32xi32>
    %broadcast_in_dim3A_27 = arith.constant 0 : i32
    %broadcast_in_dim3A_28 = vector.broadcast %broadcast_in_dim3A_27 : i32 to vector<128x32xi32>
    %scan3A = arith.constant 0 : i32
    %scan3A_29 = arith.constant 32 : i32
    %scan3A_30 = arith.addi %scan3A, %scan3A_29 : i32
    %scan3A_31 = arith.constant 1 : i32
    %scan3A_32:2 = scf.for %scan3A_51 = %scan3A to %scan3A_30 step %scan3A_31 iter_args(%scan3A_52 = %select_n3A, %scan3A_53 = %broadcast_in_dim3A_28) -> (vector<128x512xi32>, vector<128x32xi32>)  : i32 {
      %reduce_min3A = arith.constant dense<2147483647> : vector<128xi32>
      %reduce_min3A_54 = vector.multi_reduction <minsi>, %scan3A_52, %reduce_min3A [1] : vector<128x512xi32> to vector<128xi32>
      %broadcast_in_dim3A_55 = vector.shape_cast %reduce_min3A_54 : vector<128xi32> to vector<128x1xi32>
      %eq3A_56 = vector.broadcast %scan3A_51 : i32 to vector<128x32xi32>
      %eq3A_57 = arith.cmpi eq, %iota3A_26, %eq3A_56 : vector<128x32xi32>
      %broadcast_in_dim3A_58 = vector.shape_cast %broadcast_in_dim3A_55 : vector<128x1xi32> to vector<128x1xi32>
      %broadcast_in_dim3A_59 = vector.broadcast %broadcast_in_dim3A_58 : vector<128x1xi32> to vector<128x32xi32>
      %select_n3A_60 = arith.select %eq3A_57, %broadcast_in_dim3A_59, %scan3A_53 : vector<128x32xi1>, vector<128x32xi32>
      %eq3A_61 = vector.broadcast %broadcast_in_dim3A_55 : vector<128x1xi32> to vector<128x512xi32>
      %eq3A_62 = arith.cmpi eq, %scan3A_52, %eq3A_61 : vector<128x512xi32>
      %jit3A_63 = arith.constant 512 : i32
      %broadcast_in_dim3A_64 = vector.broadcast %jit3A_63 : i32 to vector<128x512xi32>
      %select_n3A_65 = arith.select %eq3A_62, %broadcast_in_dim3A_64, %scan3A_52 : vector<128x512xi1>, vector<128x512xi32>
      scf.yield %select_n3A_65, %select_n3A_60 : vector<128x512xi32>, vector<128x32xi32>
    }
    %scan3A_33 = arith.constant 32 : i32
    %slice3A_34 = vector.extract_strided_slice %scan3A_32#1 {offsets = [0, 0], sizes = [128, 1], strides = [1, 1]} : vector<128x32xi32> to vector<128x1xi32>
    %eq3A = arith.constant 512 : i32
    %eq3A_35 = vector.broadcast %eq3A : i32 to vector<128x1xi32>
    %eq3A_36 = arith.cmpi eq, %slice3A_34, %eq3A_35 : vector<128x1xi32>
    %jit3A_37 = arith.constant 0 : i32
    %broadcast_in_dim3A_38 = vector.broadcast %jit3A_37 : i32 to vector<128x1xi32>
    %select_n3A_39 = arith.select %eq3A_36, %broadcast_in_dim3A_38, %slice3A_34 : vector<128x1xi1>, vector<128x1xi32>
    %eq3A_40 = arith.constant 512 : i32
    %eq3A_41 = vector.broadcast %eq3A_40 : i32 to vector<128x32xi32>
    %eq3A_42 = arith.cmpi eq, %scan3A_32#1, %eq3A_41 : vector<128x32xi32>
    %broadcast_in_dim3A_43 = vector.shape_cast %select_n3A_39 : vector<128x1xi32> to vector<128x1xi32>
    %broadcast_in_dim3A_44 = vector.broadcast %broadcast_in_dim3A_43 : vector<128x1xi32> to vector<128x32xi32>
    %select_n3A_45 = arith.select %eq3A_42, %broadcast_in_dim3A_44, %scan3A_32#1 : vector<128x32xi1>, vector<128x32xi32>
    %swap3A = arith.constant 0 : index
    %swap3A_46 = arith.constant 0 : index
    %swap3A_47 = arith.constant 0 : index
    %swap3A_48 = vector.load %arg3[%swap3A, %swap3A_46, %swap3A_47] : memref<1x128x32xi32, #tpu.memory_space<vmem>>, vector<1x128x32xi32>
    %swap3A_49 = vector.shape_cast %swap3A_48 : vector<1x128x32xi32> to vector<128x32xi32>
    %swap3A_50 = vector.shape_cast %select_n3A_45 : vector<128x32xi32> to vector<1x128x32xi32>
    tpu.vector_store %arg3[%swap3A, %swap3A_46, %swap3A_47], %swap3A_50 {strides = array<i32>} : memref<1x128x32xi32, #tpu.memory_space<vmem>>, vector<1x128x32xi32>,
    return
  }
  func.func @transform_0(%arg0: i32) -> (i32, i32, i32) {
    %c0_i32 = arith.constant 0 : i32
    %c0_i32_0 = arith.constant 0 : i32
    %c0_i32_1 = arith.constant 0 : i32
    return %arg0, %c0_i32, %c0_i32_0 : i32, i32, i32
  }
  func.func @transform_1(%arg0: i32) -> (i32, i32, i32) {
    %c0_i32 = arith.constant 0 : i32
    %c0_i32_0 = arith.constant 0 : i32
    %c0_i32_1 = arith.constant 0 : i32
    return %arg0, %c0_i32, %c0_i32_0 : i32, i32, i32
  }
  func.func @transform_2(%arg0: i32) -> (i32, i32, i32) {
    %c0_i32 = arith.constant 0 : i32
    %c0_i32_0 = arith.constant 0 : i32
    %c0_i32_1 = arith.constant 0 : i32
    return %arg0, %c0_i32, %c0_i32_0 : i32, i32, i32
  }
}

module attributes {stable_mosaic.version = 14 : i64} {
  func.func @_mlp_kernel(%arg0: i32, %arg1: i32, %arg2: memref<2048x16xf32, #tpu.memory_space<vmem>>, %arg3: memref<1x32x16xf32, #tpu.memory_space<vmem>>, %arg4: memref<16x32xf32, #tpu.memory_space<vmem>>, %arg5: memref<1x32xf32, #tpu.memory_space<vmem>>, %arg6: memref<1x32xf32, #tpu.memory_space<vmem>>, %arg7: memref<32x32xf32, #tpu.memory_space<vmem>>, %arg8: memref<1x32xf32, #tpu.memory_space<vmem>>, %arg9: memref<1x32xf32, #tpu.memory_space<vmem>>, %arg10: memref<32x64xf32, #tpu.memory_space<vmem>>, %arg11: memref<1x64xf32, #tpu.memory_space<vmem>>, %arg12: memref<1x64xf32, #tpu.memory_space<vmem>>, %arg13: memref<1x32x64xf32, #tpu.memory_space<vmem>>) attributes {dimension_semantics = [#tpu.dimension_semantics<arbitrary>, #tpu.dimension_semantics<arbitrary>], iteration_bounds = array<i64: 8, 16>, scalar_prefetch = 0 : i64, scratch_operands = 0 : i64, tpu.core_type = #tpu.core_type<tc>, window_params = [{transform_indices = @transform_0, window_bounds = array<i64: 2048, 16>}, {transform_indices = @transform_1, window_bounds = array<i64: 1, 32, 16>}, {pipeline_mode = #tpu.pipeline_mode<synchronous>, transform_indices = @transform_2, window_bounds = array<i64: 16, 32>}, {pipeline_mode = #tpu.pipeline_mode<synchronous>, transform_indices = @transform_3, window_bounds = array<i64: 1, 32>}, {pipeline_mode = #tpu.pipeline_mode<synchronous>, transform_indices = @transform_4, window_bounds = array<i64: 1, 32>}, {pipeline_mode = #tpu.pipeline_mode<synchronous>, transform_indices = @transform_5, window_bounds = array<i64: 32, 32>}, {pipeline_mode = #tpu.pipeline_mode<synchronous>, transform_indices = @transform_6, window_bounds = array<i64: 1, 32>}, {pipeline_mode = #tpu.pipeline_mode<synchronous>, transform_indices = @transform_7, window_bounds = array<i64: 1, 32>}, {pipeline_mode = #tpu.pipeline_mode<synchronous>, transform_indices = @transform_8, window_bounds = array<i64: 32, 64>}, {pipeline_mode = #tpu.pipeline_mode<synchronous>, transform_indices = @transform_9, window_bounds = array<i64: 1, 64>}, {pipeline_mode = #tpu.pipeline_mode<synchronous>, transform_indices = @transform_10, window_bounds = array<i64: 1, 64>}, {transform_indices = @transform_11, window_bounds = array<i64: 1, 32, 64>}]} {
    %get3A = arith.constant 0 : index
    %get3A_0 = arith.constant 0 : index
    %get3A_1 = vector.load %arg2[%get3A, %get3A_0] : memref<2048x16xf32, #tpu.memory_space<vmem>>, vector<2048x16xf32>
    %reshape3A = vector.shape_cast %get3A_1 : vector<2048x16xf32> to vector<32x64x16xf32>
    %get3A_2 = arith.constant 0 : index
    %get3A_3 = arith.constant 0 : index
    %get3A_4 = arith.constant 0 : index
    %get3A_5 = vector.load %arg3[%get3A_2, %get3A_3, %get3A_4] : memref<1x32x16xf32, #tpu.memory_space<vmem>>, vector<1x32x16xf32>
    %get3A_6 = vector.shape_cast %get3A_5 : vector<1x32x16xf32> to vector<32x16xf32>
    %broadcast_in_dim3A = vector.shape_cast %get3A_6 : vector<32x16xf32> to vector<32x1x16xf32>
    %sub3A = vector.broadcast %broadcast_in_dim3A : vector<32x1x16xf32> to vector<32x64x16xf32>
    %sub3A_7 = arith.subf %reshape3A, %sub3A : vector<32x64x16xf32>
    %reshape3A_8 = vector.shape_cast %sub3A_7 : vector<32x64x16xf32> to vector<2048x16xf32>
    %get3A_9 = arith.constant 0 : index
    %get3A_10 = arith.constant 0 : index
    %get3A_11 = vector.load %arg4[%get3A_9, %get3A_10] : memref<16x32xf32, #tpu.memory_space<vmem>>, vector<16x32xf32>
    %dot_general3A = arith.constant dense<0.000000e+00> : vector<2048x32xf32>
    %dot_general3A_12 = tpu.matmul %reshape3A_8, %get3A_11, %dot_general3A {dimension_numbers = #tpu.dot_dimension_numbers<[1], [0], [0], [1], [0, 0, 1, 1], [], []>, transpose_lhs_hint = false} : vector<2048x16xf32>, vector<16x32xf32>, vector<2048x32xf32> -> vector<2048x32xf32>
    %get3A_13 = arith.constant 0 : index
    %get3A_14 = arith.constant 0 : index
    %get3A_15 = vector.load %arg5[%get3A_13, %get3A_14] : memref<1x32xf32, #tpu.memory_space<vmem>>, vector<1x32xf32>
    %mul3A = vector.broadcast %get3A_15 : vector<1x32xf32> to vector<2048x32xf32>
    %mul3A_16 = arith.mulf %dot_general3A_12, %mul3A : vector<2048x32xf32>
    %get3A_17 = arith.constant 0 : index
    %get3A_18 = arith.constant 0 : index
    %get3A_19 = vector.load %arg6[%get3A_17, %get3A_18] : memref<1x32xf32, #tpu.memory_space<vmem>>, vector<1x32xf32>
    %add3A = vector.broadcast %get3A_19 : vector<1x32xf32> to vector<2048x32xf32>
    %add3A_20 = arith.addf %mul3A_16, %add3A : vector<2048x32xf32>
    %max3A = arith.constant 0.000000e+00 : f32
    %max3A_21 = vector.broadcast %max3A : f32 to vector<2048x32xf32>
    %max3A_22 = arith.maximumf %add3A_20, %max3A_21 : vector<2048x32xf32>
    %get3A_23 = arith.constant 0 : index
    %get3A_24 = arith.constant 0 : index
    %get3A_25 = vector.load %arg7[%get3A_23, %get3A_24] : memref<32x32xf32, #tpu.memory_space<vmem>>, vector<32x32xf32>
    %dot_general3A_26 = arith.constant dense<0.000000e+00> : vector<2048x32xf32>
    %dot_general3A_27 = tpu.matmul %max3A_22, %get3A_25, %dot_general3A_26 {dimension_numbers = #tpu.dot_dimension_numbers<[1], [0], [0], [1], [0, 0, 1, 1], [], []>, transpose_lhs_hint = false} : vector<2048x32xf32>, vector<32x32xf32>, vector<2048x32xf32> -> vector<2048x32xf32>
    %get3A_28 = arith.constant 0 : index
    %get3A_29 = arith.constant 0 : index
    %get3A_30 = vector.load %arg8[%get3A_28, %get3A_29] : memref<1x32xf32, #tpu.memory_space<vmem>>, vector<1x32xf32>
    %mul3A_31 = vector.broadcast %get3A_30 : vector<1x32xf32> to vector<2048x32xf32>
    %mul3A_32 = arith.mulf %dot_general3A_27, %mul3A_31 : vector<2048x32xf32>
    %get3A_33 = arith.constant 0 : index
    %get3A_34 = arith.constant 0 : index
    %get3A_35 = vector.load %arg9[%get3A_33, %get3A_34] : memref<1x32xf32, #tpu.memory_space<vmem>>, vector<1x32xf32>
    %add3A_36 = vector.broadcast %get3A_35 : vector<1x32xf32> to vector<2048x32xf32>
    %add3A_37 = arith.addf %mul3A_32, %add3A_36 : vector<2048x32xf32>
    %max3A_38 = arith.constant 0.000000e+00 : f32
    %max3A_39 = vector.broadcast %max3A_38 : f32 to vector<2048x32xf32>
    %max3A_40 = arith.maximumf %add3A_37, %max3A_39 : vector<2048x32xf32>
    %get3A_41 = arith.constant 0 : index
    %get3A_42 = arith.constant 0 : index
    %get3A_43 = vector.load %arg10[%get3A_41, %get3A_42] : memref<32x64xf32, #tpu.memory_space<vmem>>, vector<32x64xf32>
    %dot_general3A_44 = arith.constant dense<0.000000e+00> : vector<2048x64xf32>
    %dot_general3A_45 = tpu.matmul %max3A_40, %get3A_43, %dot_general3A_44 {dimension_numbers = #tpu.dot_dimension_numbers<[1], [0], [0], [1], [0, 0, 1, 1], [], []>, transpose_lhs_hint = false} : vector<2048x32xf32>, vector<32x64xf32>, vector<2048x64xf32> -> vector<2048x64xf32>
    %get3A_46 = arith.constant 0 : index
    %get3A_47 = arith.constant 0 : index
    %get3A_48 = vector.load %arg11[%get3A_46, %get3A_47] : memref<1x64xf32, #tpu.memory_space<vmem>>, vector<1x64xf32>
    %mul3A_49 = vector.broadcast %get3A_48 : vector<1x64xf32> to vector<2048x64xf32>
    %mul3A_50 = arith.mulf %dot_general3A_45, %mul3A_49 : vector<2048x64xf32>
    %get3A_51 = arith.constant 0 : index
    %get3A_52 = arith.constant 0 : index
    %get3A_53 = vector.load %arg12[%get3A_51, %get3A_52] : memref<1x64xf32, #tpu.memory_space<vmem>>, vector<1x64xf32>
    %add3A_54 = vector.broadcast %get3A_53 : vector<1x64xf32> to vector<2048x64xf32>
    %add3A_55 = arith.addf %mul3A_50, %add3A_54 : vector<2048x64xf32>
    %max3A_56 = arith.constant 0.000000e+00 : f32
    %max3A_57 = vector.broadcast %max3A_56 : f32 to vector<2048x64xf32>
    %max3A_58 = arith.maximumf %add3A_55, %max3A_57 : vector<2048x64xf32>
    %reshape3A_59 = vector.shape_cast %max3A_58 : vector<2048x64xf32> to vector<32x64x64xf32>
    %reduce_max3A = arith.constant dense<0xFF800000> : vector<32x64xf32>
    %reduce_max3A_60 = vector.multi_reduction <maximumf>, %reshape3A_59, %reduce_max3A [1] : vector<32x64x64xf32> to vector<32x64xf32>
    %swap3A = arith.constant 0 : index
    %swap3A_61 = arith.constant 0 : index
    %swap3A_62 = arith.constant 0 : index
    %swap3A_63 = vector.load %arg13[%swap3A, %swap3A_61, %swap3A_62] : memref<1x32x64xf32, #tpu.memory_space<vmem>>, vector<1x32x64xf32>
    %swap3A_64 = vector.shape_cast %swap3A_63 : vector<1x32x64xf32> to vector<32x64xf32>
    %swap3A_65 = vector.shape_cast %reduce_max3A_60 : vector<32x64xf32> to vector<1x32x64xf32>
    tpu.vector_store %arg13[%swap3A, %swap3A_61, %swap3A_62], %swap3A_65 {strides = array<i32>} : memref<1x32x64xf32, #tpu.memory_space<vmem>>, vector<1x32x64xf32>,
    return
  }
  func.func @transform_0(%arg0: i32, %arg1: i32) -> (i32, i32) {
    %mul3A = arith.constant 16 : i32
    %mul3A_0 = arith.muli %arg0, %mul3A : i32
    %add3A = arith.addi %mul3A_0, %arg1 : i32
    %c0_i32 = arith.constant 0 : i32
    %c0_i32_1 = arith.constant 0 : i32
    return %add3A, %c0_i32 : i32, i32
  }
  func.func @transform_1(%arg0: i32, %arg1: i32) -> (i32, i32, i32) {
    %c0_i32 = arith.constant 0 : i32
    %c0_i32_0 = arith.constant 0 : i32
    return %arg0, %arg1, %c0_i32 : i32, i32, i32
  }
  func.func @transform_2(%arg0: i32, %arg1: i32) -> (i32, i32) {
    %c0_i32 = arith.constant 0 : i32
    %c0_i32_0 = arith.constant 0 : i32
    %c0_i32_1 = arith.constant 0 : i32
    return %c0_i32, %c0_i32_0 : i32, i32
  }
  func.func @transform_3(%arg0: i32, %arg1: i32) -> (i32, i32) {
    %c0_i32 = arith.constant 0 : i32
    %c0_i32_0 = arith.constant 0 : i32
    %c0_i32_1 = arith.constant 0 : i32
    return %c0_i32, %c0_i32_0 : i32, i32
  }
  func.func @transform_4(%arg0: i32, %arg1: i32) -> (i32, i32) {
    %c0_i32 = arith.constant 0 : i32
    %c0_i32_0 = arith.constant 0 : i32
    %c0_i32_1 = arith.constant 0 : i32
    return %c0_i32, %c0_i32_0 : i32, i32
  }
  func.func @transform_5(%arg0: i32, %arg1: i32) -> (i32, i32) {
    %c0_i32 = arith.constant 0 : i32
    %c0_i32_0 = arith.constant 0 : i32
    %c0_i32_1 = arith.constant 0 : i32
    return %c0_i32, %c0_i32_0 : i32, i32
  }
  func.func @transform_6(%arg0: i32, %arg1: i32) -> (i32, i32) {
    %c0_i32 = arith.constant 0 : i32
    %c0_i32_0 = arith.constant 0 : i32
    %c0_i32_1 = arith.constant 0 : i32
    return %c0_i32, %c0_i32_0 : i32, i32
  }
  func.func @transform_7(%arg0: i32, %arg1: i32) -> (i32, i32) {
    %c0_i32 = arith.constant 0 : i32
    %c0_i32_0 = arith.constant 0 : i32
    %c0_i32_1 = arith.constant 0 : i32
    return %c0_i32, %c0_i32_0 : i32, i32
  }
  func.func @transform_8(%arg0: i32, %arg1: i32) -> (i32, i32) {
    %c0_i32 = arith.constant 0 : i32
    %c0_i32_0 = arith.constant 0 : i32
    %c0_i32_1 = arith.constant 0 : i32
    return %c0_i32, %c0_i32_0 : i32, i32
  }
  func.func @transform_9(%arg0: i32, %arg1: i32) -> (i32, i32) {
    %c0_i32 = arith.constant 0 : i32
    %c0_i32_0 = arith.constant 0 : i32
    %c0_i32_1 = arith.constant 0 : i32
    return %c0_i32, %c0_i32_0 : i32, i32
  }
  func.func @transform_10(%arg0: i32, %arg1: i32) -> (i32, i32) {
    %c0_i32 = arith.constant 0 : i32
    %c0_i32_0 = arith.constant 0 : i32
    %c0_i32_1 = arith.constant 0 : i32
    return %c0_i32, %c0_i32_0 : i32, i32
  }
  func.func @transform_11(%arg0: i32, %arg1: i32) -> (i32, i32, i32) {
    %c0_i32 = arith.constant 0 : i32
    %c0_i32_0 = arith.constant 0 : i32
    return %arg0, %arg1, %c0_i32 : i32, i32, i32
  }
}

module attributes {stable_mosaic.version = 14 : i64} {
  func.func @_ballq_kernel(%arg0: i32, %arg1: memref<1x32x8xf32, #tpu.memory_space<vmem>>, %arg2: memref<1x8x128xf32, #tpu.memory_space<vmem>>, %arg3: memref<1x32x16xi32, #tpu.memory_space<vmem>>) attributes {dimension_semantics = [#tpu.dimension_semantics<arbitrary>], iteration_bounds = array<i64: 8>, scalar_prefetch = 0 : i64, scratch_operands = 0 : i64, tpu.core_type = #tpu.core_type<tc>, window_params = [{transform_indices = @transform_0, window_bounds = array<i64: 1, 32, 8>}, {transform_indices = @transform_1, window_bounds = array<i64: 1, 8, 128>}, {transform_indices = @transform_2, window_bounds = array<i64: 1, 32, 16>}]} {
    %get3A = arith.constant 0 : index
    %get3A_0 = arith.constant 0 : index
    %get3A_1 = arith.constant 0 : index
    %get3A_2 = vector.load %arg1[%get3A, %get3A_0, %get3A_1] : memref<1x32x8xf32, #tpu.memory_space<vmem>>, vector<1x32x8xf32>
    %get3A_3 = vector.shape_cast %get3A_2 : vector<1x32x8xf32> to vector<32x8xf32>
    %get3A_4 = arith.constant 0 : index
    %get3A_5 = arith.constant 0 : index
    %get3A_6 = arith.constant 0 : index
    %get3A_7 = vector.load %arg2[%get3A_4, %get3A_5, %get3A_6] : memref<1x8x128xf32, #tpu.memory_space<vmem>>, vector<1x8x128xf32>
    %get3A_8 = vector.shape_cast %get3A_7 : vector<1x8x128xf32> to vector<8x128xf32>
    %slice3A = vector.extract_strided_slice %get3A_3 {offsets = [0, 0], sizes = [32, 3], strides = [1, 1]} : vector<32x8xf32> to vector<32x3xf32>
    %slice3A_9 = vector.extract_strided_slice %get3A_3 {offsets = [0, 0], sizes = [32, 3], strides = [1, 1]} : vector<32x8xf32> to vector<32x3xf32>
    %mul3A = arith.mulf %slice3A, %slice3A_9 : vector<32x3xf32>
    %reduce_sum3A = arith.constant dense<0.000000e+00> : vector<32xf32>
    %reduce_sum3A_10 = vector.multi_reduction <add>, %mul3A, %reduce_sum3A [1] : vector<32x3xf32> to vector<32xf32>
    %broadcast_in_dim3A = vector.shape_cast %reduce_sum3A_10 : vector<32xf32> to vector<32x1xf32>
    %slice3A_11 = vector.extract_strided_slice %get3A_8 {offsets = [0, 0], sizes = [3, 128], strides = [1, 1]} : vector<8x128xf32> to vector<3x128xf32>
    %slice3A_12 = vector.extract_strided_slice %get3A_8 {offsets = [0, 0], sizes = [3, 128], strides = [1, 1]} : vector<8x128xf32> to vector<3x128xf32>
    %mul3A_13 = arith.mulf %slice3A_11, %slice3A_12 : vector<3x128xf32>
    %reduce_sum3A_14 = arith.constant dense<0.000000e+00> : vector<128xf32>
    %reduce_sum3A_15 = vector.multi_reduction <add>, %mul3A_13, %reduce_sum3A_14 [0] : vector<3x128xf32> to vector<128xf32>
    %broadcast_in_dim3A_16 = vector.shape_cast %reduce_sum3A_15 : vector<128xf32> to vector<1x128xf32>
    %dot_general3A = arith.constant dense<0.000000e+00> : vector<32x128xf32>
    %dot_general3A_17 = tpu.matmul %get3A_3, %get3A_8, %dot_general3A {dimension_numbers = #tpu.dot_dimension_numbers<[1], [0], [0], [1], [0, 0, 1, 1], [], []>, transpose_lhs_hint = false} : vector<32x8xf32>, vector<8x128xf32>, vector<32x128xf32> -> vector<32x128xf32>
    %add3A = vector.broadcast %broadcast_in_dim3A : vector<32x1xf32> to vector<32x128xf32>
    %add3A_18 = vector.broadcast %broadcast_in_dim3A_16 : vector<1x128xf32> to vector<32x128xf32>
    %add3A_19 = arith.addf %add3A, %add3A_18 : vector<32x128xf32>
    %mul3A_20 = arith.constant 2.000000e+00 : f32
    %mul3A_21 = vector.broadcast %mul3A_20 : f32 to vector<32x128xf32>
    %mul3A_22 = arith.mulf %mul3A_21, %dot_general3A_17 : vector<32x128xf32>
    %sub3A = arith.subf %add3A_19, %mul3A_22 : vector<32x128xf32>
    %iota3A = tpu.iota {dimensions = array<i32: 1>} : vector<32x128xi32>
    %gt3A = arith.constant 2.560000e-02 : f32
    %gt3A_23 = vector.broadcast %gt3A : f32 to vector<32x128xf32>
    %gt3A_24 = arith.cmpf ogt, %sub3A, %gt3A_23 : vector<32x128xf32>
    %jit3A = arith.constant 128 : i32
    %broadcast_in_dim3A_25 = vector.broadcast %jit3A : i32 to vector<32x128xi32>
    %select_n3A = arith.select %gt3A_24, %broadcast_in_dim3A_25, %iota3A : vector<32x128xi1>, vector<32x128xi32>
    %iota3A_26 = tpu.iota {dimensions = array<i32: 1>} : vector<32x16xi32>
    %broadcast_in_dim3A_27 = arith.constant 0 : i32
    %broadcast_in_dim3A_28 = vector.broadcast %broadcast_in_dim3A_27 : i32 to vector<32x16xi32>
    %scan3A = arith.constant 0 : i32
    %scan3A_29 = arith.constant 16 : i32
    %scan3A_30 = arith.addi %scan3A, %scan3A_29 : i32
    %scan3A_31 = arith.constant 1 : i32
    %scan3A_32:2 = scf.for %scan3A_51 = %scan3A to %scan3A_30 step %scan3A_31 iter_args(%scan3A_52 = %select_n3A, %scan3A_53 = %broadcast_in_dim3A_28) -> (vector<32x128xi32>, vector<32x16xi32>)  : i32 {
      %reduce_min3A = arith.constant dense<2147483647> : vector<32xi32>
      %reduce_min3A_54 = vector.multi_reduction <minsi>, %scan3A_52, %reduce_min3A [1] : vector<32x128xi32> to vector<32xi32>
      %broadcast_in_dim3A_55 = vector.shape_cast %reduce_min3A_54 : vector<32xi32> to vector<32x1xi32>
      %eq3A_56 = vector.broadcast %scan3A_51 : i32 to vector<32x16xi32>
      %eq3A_57 = arith.cmpi eq, %iota3A_26, %eq3A_56 : vector<32x16xi32>
      %broadcast_in_dim3A_58 = vector.shape_cast %broadcast_in_dim3A_55 : vector<32x1xi32> to vector<32x1xi32>
      %broadcast_in_dim3A_59 = vector.broadcast %broadcast_in_dim3A_58 : vector<32x1xi32> to vector<32x16xi32>
      %select_n3A_60 = arith.select %eq3A_57, %broadcast_in_dim3A_59, %scan3A_53 : vector<32x16xi1>, vector<32x16xi32>
      %eq3A_61 = vector.broadcast %broadcast_in_dim3A_55 : vector<32x1xi32> to vector<32x128xi32>
      %eq3A_62 = arith.cmpi eq, %scan3A_52, %eq3A_61 : vector<32x128xi32>
      %jit3A_63 = arith.constant 128 : i32
      %broadcast_in_dim3A_64 = vector.broadcast %jit3A_63 : i32 to vector<32x128xi32>
      %select_n3A_65 = arith.select %eq3A_62, %broadcast_in_dim3A_64, %scan3A_52 : vector<32x128xi1>, vector<32x128xi32>
      scf.yield %select_n3A_65, %select_n3A_60 : vector<32x128xi32>, vector<32x16xi32>
    }
    %scan3A_33 = arith.constant 16 : i32
    %slice3A_34 = vector.extract_strided_slice %scan3A_32#1 {offsets = [0, 0], sizes = [32, 1], strides = [1, 1]} : vector<32x16xi32> to vector<32x1xi32>
    %eq3A = arith.constant 128 : i32
    %eq3A_35 = vector.broadcast %eq3A : i32 to vector<32x1xi32>
    %eq3A_36 = arith.cmpi eq, %slice3A_34, %eq3A_35 : vector<32x1xi32>
    %jit3A_37 = arith.constant 0 : i32
    %broadcast_in_dim3A_38 = vector.broadcast %jit3A_37 : i32 to vector<32x1xi32>
    %select_n3A_39 = arith.select %eq3A_36, %broadcast_in_dim3A_38, %slice3A_34 : vector<32x1xi1>, vector<32x1xi32>
    %eq3A_40 = arith.constant 128 : i32
    %eq3A_41 = vector.broadcast %eq3A_40 : i32 to vector<32x16xi32>
    %eq3A_42 = arith.cmpi eq, %scan3A_32#1, %eq3A_41 : vector<32x16xi32>
    %broadcast_in_dim3A_43 = vector.shape_cast %select_n3A_39 : vector<32x1xi32> to vector<32x1xi32>
    %broadcast_in_dim3A_44 = vector.broadcast %broadcast_in_dim3A_43 : vector<32x1xi32> to vector<32x16xi32>
    %select_n3A_45 = arith.select %eq3A_42, %broadcast_in_dim3A_44, %scan3A_32#1 : vector<32x16xi1>, vector<32x16xi32>
    %swap3A = arith.constant 0 : index
    %swap3A_46 = arith.constant 0 : index
    %swap3A_47 = arith.constant 0 : index
    %swap3A_48 = vector.load %arg3[%swap3A, %swap3A_46, %swap3A_47] : memref<1x32x16xi32, #tpu.memory_space<vmem>>, vector<1x32x16xi32>
    %swap3A_49 = vector.shape_cast %swap3A_48 : vector<1x32x16xi32> to vector<32x16xi32>
    %swap3A_50 = vector.shape_cast %select_n3A_45 : vector<32x16xi32> to vector<1x32x16xi32>
    tpu.vector_store %arg3[%swap3A, %swap3A_46, %swap3A_47], %swap3A_50 {strides = array<i32>} : memref<1x32x16xi32, #tpu.memory_space<vmem>>, vector<1x32x16xi32>,
    return
  }
  func.func @transform_0(%arg0: i32) -> (i32, i32, i32) {
    %c0_i32 = arith.constant 0 : i32
    %c0_i32_0 = arith.constant 0 : i32
    %c0_i32_1 = arith.constant 0 : i32
    return %arg0, %c0_i32, %c0_i32_0 : i32, i32, i32
  }
  func.func @transform_1(%arg0: i32) -> (i32, i32, i32) {
    %c0_i32 = arith.constant 0 : i32
    %c0_i32_0 = arith.constant 0 : i32
    %c0_i32_1 = arith.constant 0 : i32
    return %arg0, %c0_i32, %c0_i32_0 : i32, i32, i32
  }
  func.func @transform_2(%arg0: i32) -> (i32, i32, i32) {
    %c0_i32 = arith.constant 0 : i32
    %c0_i32_0 = arith.constant 0 : i32
    %c0_i32_1 = arith.constant 0 : i32
    return %arg0, %c0_i32, %c0_i32_0 : i32, i32, i32
  }
}

module attributes {stable_mosaic.version = 14 : i64} {
  func.func @_mlp_kernel(%arg0: i32, %arg1: i32, %arg2: memref<1024x80xf32, #tpu.memory_space<vmem>>, %arg3: memref<1x32x80xf32, #tpu.memory_space<vmem>>, %arg4: memref<80x128xf32, #tpu.memory_space<vmem>>, %arg5: memref<1x128xf32, #tpu.memory_space<vmem>>, %arg6: memref<1x128xf32, #tpu.memory_space<vmem>>, %arg7: memref<128x128xf32, #tpu.memory_space<vmem>>, %arg8: memref<1x128xf32, #tpu.memory_space<vmem>>, %arg9: memref<1x128xf32, #tpu.memory_space<vmem>>, %arg10: memref<128x256xf32, #tpu.memory_space<vmem>>, %arg11: memref<1x256xf32, #tpu.memory_space<vmem>>, %arg12: memref<1x256xf32, #tpu.memory_space<vmem>>, %arg13: memref<1x32x256xf32, #tpu.memory_space<vmem>>) attributes {dimension_semantics = [#tpu.dimension_semantics<arbitrary>, #tpu.dimension_semantics<arbitrary>], iteration_bounds = array<i64: 8, 4>, scalar_prefetch = 0 : i64, scratch_operands = 0 : i64, tpu.core_type = #tpu.core_type<tc>, window_params = [{transform_indices = @transform_0, window_bounds = array<i64: 1024, 80>}, {transform_indices = @transform_1, window_bounds = array<i64: 1, 32, 80>}, {pipeline_mode = #tpu.pipeline_mode<synchronous>, transform_indices = @transform_2, window_bounds = array<i64: 80, 128>}, {pipeline_mode = #tpu.pipeline_mode<synchronous>, transform_indices = @transform_3, window_bounds = array<i64: 1, 128>}, {pipeline_mode = #tpu.pipeline_mode<synchronous>, transform_indices = @transform_4, window_bounds = array<i64: 1, 128>}, {pipeline_mode = #tpu.pipeline_mode<synchronous>, transform_indices = @transform_5, window_bounds = array<i64: 128, 128>}, {pipeline_mode = #tpu.pipeline_mode<synchronous>, transform_indices = @transform_6, window_bounds = array<i64: 1, 128>}, {pipeline_mode = #tpu.pipeline_mode<synchronous>, transform_indices = @transform_7, window_bounds = array<i64: 1, 128>}, {pipeline_mode = #tpu.pipeline_mode<synchronous>, transform_indices = @transform_8, window_bounds = array<i64: 128, 256>}, {pipeline_mode = #tpu.pipeline_mode<synchronous>, transform_indices = @transform_9, window_bounds = array<i64: 1, 256>}, {pipeline_mode = #tpu.pipeline_mode<synchronous>, transform_indices = @transform_10, window_bounds = array<i64: 1, 256>}, {transform_indices = @transform_11, window_bounds = array<i64: 1, 32, 256>}]} {
    %get3A = arith.constant 0 : index
    %get3A_0 = arith.constant 0 : index
    %get3A_1 = vector.load %arg2[%get3A, %get3A_0] : memref<1024x80xf32, #tpu.memory_space<vmem>>, vector<1024x80xf32>
    %reshape3A = vector.shape_cast %get3A_1 : vector<1024x80xf32> to vector<32x32x80xf32>
    %get3A_2 = arith.constant 0 : index
    %get3A_3 = arith.constant 0 : index
    %get3A_4 = arith.constant 0 : index
    %get3A_5 = vector.load %arg3[%get3A_2, %get3A_3, %get3A_4] : memref<1x32x80xf32, #tpu.memory_space<vmem>>, vector<1x32x80xf32>
    %get3A_6 = vector.shape_cast %get3A_5 : vector<1x32x80xf32> to vector<32x80xf32>
    %broadcast_in_dim3A = vector.shape_cast %get3A_6 : vector<32x80xf32> to vector<32x1x80xf32>
    %sub3A = vector.broadcast %broadcast_in_dim3A : vector<32x1x80xf32> to vector<32x32x80xf32>
    %sub3A_7 = arith.subf %reshape3A, %sub3A : vector<32x32x80xf32>
    %reshape3A_8 = vector.shape_cast %sub3A_7 : vector<32x32x80xf32> to vector<1024x80xf32>
    %get3A_9 = arith.constant 0 : index
    %get3A_10 = arith.constant 0 : index
    %get3A_11 = vector.load %arg4[%get3A_9, %get3A_10] : memref<80x128xf32, #tpu.memory_space<vmem>>, vector<80x128xf32>
    %dot_general3A = arith.constant dense<0.000000e+00> : vector<1024x128xf32>
    %dot_general3A_12 = tpu.matmul %reshape3A_8, %get3A_11, %dot_general3A {dimension_numbers = #tpu.dot_dimension_numbers<[1], [0], [0], [1], [0, 0, 1, 1], [], []>, transpose_lhs_hint = false} : vector<1024x80xf32>, vector<80x128xf32>, vector<1024x128xf32> -> vector<1024x128xf32>
    %get3A_13 = arith.constant 0 : index
    %get3A_14 = arith.constant 0 : index
    %get3A_15 = vector.load %arg5[%get3A_13, %get3A_14] : memref<1x128xf32, #tpu.memory_space<vmem>>, vector<1x128xf32>
    %mul3A = vector.broadcast %get3A_15 : vector<1x128xf32> to vector<1024x128xf32>
    %mul3A_16 = arith.mulf %dot_general3A_12, %mul3A : vector<1024x128xf32>
    %get3A_17 = arith.constant 0 : index
    %get3A_18 = arith.constant 0 : index
    %get3A_19 = vector.load %arg6[%get3A_17, %get3A_18] : memref<1x128xf32, #tpu.memory_space<vmem>>, vector<1x128xf32>
    %add3A = vector.broadcast %get3A_19 : vector<1x128xf32> to vector<1024x128xf32>
    %add3A_20 = arith.addf %mul3A_16, %add3A : vector<1024x128xf32>
    %max3A = arith.constant 0.000000e+00 : f32
    %max3A_21 = vector.broadcast %max3A : f32 to vector<1024x128xf32>
    %max3A_22 = arith.maximumf %add3A_20, %max3A_21 : vector<1024x128xf32>
    %get3A_23 = arith.constant 0 : index
    %get3A_24 = arith.constant 0 : index
    %get3A_25 = vector.load %arg7[%get3A_23, %get3A_24] : memref<128x128xf32, #tpu.memory_space<vmem>>, vector<128x128xf32>
    %dot_general3A_26 = arith.constant dense<0.000000e+00> : vector<1024x128xf32>
    %dot_general3A_27 = tpu.matmul %max3A_22, %get3A_25, %dot_general3A_26 {dimension_numbers = #tpu.dot_dimension_numbers<[1], [0], [0], [1], [0, 0, 1, 1], [], []>, transpose_lhs_hint = false} : vector<1024x128xf32>, vector<128x128xf32>, vector<1024x128xf32> -> vector<1024x128xf32>
    %get3A_28 = arith.constant 0 : index
    %get3A_29 = arith.constant 0 : index
    %get3A_30 = vector.load %arg8[%get3A_28, %get3A_29] : memref<1x128xf32, #tpu.memory_space<vmem>>, vector<1x128xf32>
    %mul3A_31 = vector.broadcast %get3A_30 : vector<1x128xf32> to vector<1024x128xf32>
    %mul3A_32 = arith.mulf %dot_general3A_27, %mul3A_31 : vector<1024x128xf32>
    %get3A_33 = arith.constant 0 : index
    %get3A_34 = arith.constant 0 : index
    %get3A_35 = vector.load %arg9[%get3A_33, %get3A_34] : memref<1x128xf32, #tpu.memory_space<vmem>>, vector<1x128xf32>
    %add3A_36 = vector.broadcast %get3A_35 : vector<1x128xf32> to vector<1024x128xf32>
    %add3A_37 = arith.addf %mul3A_32, %add3A_36 : vector<1024x128xf32>
    %max3A_38 = arith.constant 0.000000e+00 : f32
    %max3A_39 = vector.broadcast %max3A_38 : f32 to vector<1024x128xf32>
    %max3A_40 = arith.maximumf %add3A_37, %max3A_39 : vector<1024x128xf32>
    %get3A_41 = arith.constant 0 : index
    %get3A_42 = arith.constant 0 : index
    %get3A_43 = vector.load %arg10[%get3A_41, %get3A_42] : memref<128x256xf32, #tpu.memory_space<vmem>>, vector<128x256xf32>
    %dot_general3A_44 = arith.constant dense<0.000000e+00> : vector<1024x256xf32>
    %dot_general3A_45 = tpu.matmul %max3A_40, %get3A_43, %dot_general3A_44 {dimension_numbers = #tpu.dot_dimension_numbers<[1], [0], [0], [1], [0, 0, 1, 1], [], []>, transpose_lhs_hint = false} : vector<1024x128xf32>, vector<128x256xf32>, vector<1024x256xf32> -> vector<1024x256xf32>
    %get3A_46 = arith.constant 0 : index
    %get3A_47 = arith.constant 0 : index
    %get3A_48 = vector.load %arg11[%get3A_46, %get3A_47] : memref<1x256xf32, #tpu.memory_space<vmem>>, vector<1x256xf32>
    %mul3A_49 = vector.broadcast %get3A_48 : vector<1x256xf32> to vector<1024x256xf32>
    %mul3A_50 = arith.mulf %dot_general3A_45, %mul3A_49 : vector<1024x256xf32>
    %get3A_51 = arith.constant 0 : index
    %get3A_52 = arith.constant 0 : index
    %get3A_53 = vector.load %arg12[%get3A_51, %get3A_52] : memref<1x256xf32, #tpu.memory_space<vmem>>, vector<1x256xf32>
    %add3A_54 = vector.broadcast %get3A_53 : vector<1x256xf32> to vector<1024x256xf32>
    %add3A_55 = arith.addf %mul3A_50, %add3A_54 : vector<1024x256xf32>
    %max3A_56 = arith.constant 0.000000e+00 : f32
    %max3A_57 = vector.broadcast %max3A_56 : f32 to vector<1024x256xf32>
    %max3A_58 = arith.maximumf %add3A_55, %max3A_57 : vector<1024x256xf32>
    %reshape3A_59 = vector.shape_cast %max3A_58 : vector<1024x256xf32> to vector<32x32x256xf32>
    %reduce_max3A = arith.constant dense<0xFF800000> : vector<32x256xf32>
    %reduce_max3A_60 = vector.multi_reduction <maximumf>, %reshape3A_59, %reduce_max3A [1] : vector<32x32x256xf32> to vector<32x256xf32>
    %swap3A = arith.constant 0 : index
    %swap3A_61 = arith.constant 0 : index
    %swap3A_62 = arith.constant 0 : index
    %swap3A_63 = vector.load %arg13[%swap3A, %swap3A_61, %swap3A_62] : memref<1x32x256xf32, #tpu.memory_space<vmem>>, vector<1x32x256xf32>
    %swap3A_64 = vector.shape_cast %swap3A_63 : vector<1x32x256xf32> to vector<32x256xf32>
    %swap3A_65 = vector.shape_cast %reduce_max3A_60 : vector<32x256xf32> to vector<1x32x256xf32>
    tpu.vector_store %arg13[%swap3A, %swap3A_61, %swap3A_62], %swap3A_65 {strides = array<i32>} : memref<1x32x256xf32, #tpu.memory_space<vmem>>, vector<1x32x256xf32>,
    return
  }
  func.func @transform_0(%arg0: i32, %arg1: i32) -> (i32, i32) {
    %mul3A = arith.constant 4 : i32
    %mul3A_0 = arith.muli %arg0, %mul3A : i32
    %add3A = arith.addi %mul3A_0, %arg1 : i32
    %c0_i32 = arith.constant 0 : i32
    %c0_i32_1 = arith.constant 0 : i32
    return %add3A, %c0_i32 : i32, i32
  }
  func.func @transform_1(%arg0: i32, %arg1: i32) -> (i32, i32, i32) {
    %c0_i32 = arith.constant 0 : i32
    %c0_i32_0 = arith.constant 0 : i32
    return %arg0, %arg1, %c0_i32 : i32, i32, i32
  }
  func.func @transform_2(%arg0: i32, %arg1: i32) -> (i32, i32) {
    %c0_i32 = arith.constant 0 : i32
    %c0_i32_0 = arith.constant 0 : i32
    %c0_i32_1 = arith.constant 0 : i32
    return %c0_i32, %c0_i32_0 : i32, i32
  }
  func.func @transform_3(%arg0: i32, %arg1: i32) -> (i32, i32) {
    %c0_i32 = arith.constant 0 : i32
    %c0_i32_0 = arith.constant 0 : i32
    %c0_i32_1 = arith.constant 0 : i32
    return %c0_i32, %c0_i32_0 : i32, i32
  }
  func.func @transform_4(%arg0: i32, %arg1: i32) -> (i32, i32) {
    %c0_i32 = arith.constant 0 : i32
    %c0_i32_0 = arith.constant 0 : i32
    %c0_i32_1 = arith.constant 0 : i32
    return %c0_i32, %c0_i32_0 : i32, i32
  }
  func.func @transform_5(%arg0: i32, %arg1: i32) -> (i32, i32) {
    %c0_i32 = arith.constant 0 : i32
    %c0_i32_0 = arith.constant 0 : i32
    %c0_i32_1 = arith.constant 0 : i32
    return %c0_i32, %c0_i32_0 : i32, i32
  }
  func.func @transform_6(%arg0: i32, %arg1: i32) -> (i32, i32) {
    %c0_i32 = arith.constant 0 : i32
    %c0_i32_0 = arith.constant 0 : i32
    %c0_i32_1 = arith.constant 0 : i32
    return %c0_i32, %c0_i32_0 : i32, i32
  }
  func.func @transform_7(%arg0: i32, %arg1: i32) -> (i32, i32) {
    %c0_i32 = arith.constant 0 : i32
    %c0_i32_0 = arith.constant 0 : i32
    %c0_i32_1 = arith.constant 0 : i32
    return %c0_i32, %c0_i32_0 : i32, i32
  }
  func.func @transform_8(%arg0: i32, %arg1: i32) -> (i32, i32) {
    %c0_i32 = arith.constant 0 : i32
    %c0_i32_0 = arith.constant 0 : i32
    %c0_i32_1 = arith.constant 0 : i32
    return %c0_i32, %c0_i32_0 : i32, i32
  }
  func.func @transform_9(%arg0: i32, %arg1: i32) -> (i32, i32) {
    %c0_i32 = arith.constant 0 : i32
    %c0_i32_0 = arith.constant 0 : i32
    %c0_i32_1 = arith.constant 0 : i32
    return %c0_i32, %c0_i32_0 : i32, i32
  }
  func.func @transform_10(%arg0: i32, %arg1: i32) -> (i32, i32) {
    %c0_i32 = arith.constant 0 : i32
    %c0_i32_0 = arith.constant 0 : i32
    %c0_i32_1 = arith.constant 0 : i32
    return %c0_i32, %c0_i32_0 : i32, i32
  }
  func.func @transform_11(%arg0: i32, %arg1: i32) -> (i32, i32, i32) {
    %c0_i32 = arith.constant 0 : i32
    %c0_i32_0 = arith.constant 0 : i32
    return %arg0, %arg1, %c0_i32 : i32, i32, i32
  }
}

module attributes {stable_mosaic.version = 14 : i64} {
  func.func @_mlp_kernel(%arg0: i32, %arg1: i32, %arg2: memref<512x272xf32, #tpu.memory_space<vmem>>, %arg3: memref<1x32x272xf32, #tpu.memory_space<vmem>>, %arg4: memref<272x256xf32, #tpu.memory_space<vmem>>, %arg5: memref<1x256xf32, #tpu.memory_space<vmem>>, %arg6: memref<1x256xf32, #tpu.memory_space<vmem>>, %arg7: memref<256x512xf32, #tpu.memory_space<vmem>>, %arg8: memref<1x512xf32, #tpu.memory_space<vmem>>, %arg9: memref<1x512xf32, #tpu.memory_space<vmem>>, %arg10: memref<512x512xf32, #tpu.memory_space<vmem>>, %arg11: memref<1x512xf32, #tpu.memory_space<vmem>>, %arg12: memref<1x512xf32, #tpu.memory_space<vmem>>, %arg13: memref<1x32x512xf32, #tpu.memory_space<vmem>>) attributes {dimension_semantics = [#tpu.dimension_semantics<arbitrary>, #tpu.dimension_semantics<arbitrary>], iteration_bounds = array<i64: 8, 1>, scalar_prefetch = 0 : i64, scratch_operands = 0 : i64, tpu.core_type = #tpu.core_type<tc>, window_params = [{transform_indices = @transform_0, window_bounds = array<i64: 512, 272>}, {transform_indices = @transform_1, window_bounds = array<i64: 1, 32, 272>}, {pipeline_mode = #tpu.pipeline_mode<synchronous>, transform_indices = @transform_2, window_bounds = array<i64: 272, 256>}, {pipeline_mode = #tpu.pipeline_mode<synchronous>, transform_indices = @transform_3, window_bounds = array<i64: 1, 256>}, {pipeline_mode = #tpu.pipeline_mode<synchronous>, transform_indices = @transform_4, window_bounds = array<i64: 1, 256>}, {pipeline_mode = #tpu.pipeline_mode<synchronous>, transform_indices = @transform_5, window_bounds = array<i64: 256, 512>}, {pipeline_mode = #tpu.pipeline_mode<synchronous>, transform_indices = @transform_6, window_bounds = array<i64: 1, 512>}, {pipeline_mode = #tpu.pipeline_mode<synchronous>, transform_indices = @transform_7, window_bounds = array<i64: 1, 512>}, {pipeline_mode = #tpu.pipeline_mode<synchronous>, transform_indices = @transform_8, window_bounds = array<i64: 512, 512>}, {pipeline_mode = #tpu.pipeline_mode<synchronous>, transform_indices = @transform_9, window_bounds = array<i64: 1, 512>}, {pipeline_mode = #tpu.pipeline_mode<synchronous>, transform_indices = @transform_10, window_bounds = array<i64: 1, 512>}, {transform_indices = @transform_11, window_bounds = array<i64: 1, 32, 512>}]} {
    %get3A = arith.constant 0 : index
    %get3A_0 = arith.constant 0 : index
    %get3A_1 = vector.load %arg2[%get3A, %get3A_0] : memref<512x272xf32, #tpu.memory_space<vmem>>, vector<512x272xf32>
    %reshape3A = vector.shape_cast %get3A_1 : vector<512x272xf32> to vector<32x16x272xf32>
    %get3A_2 = arith.constant 0 : index
    %get3A_3 = arith.constant 0 : index
    %get3A_4 = arith.constant 0 : index
    %get3A_5 = vector.load %arg3[%get3A_2, %get3A_3, %get3A_4] : memref<1x32x272xf32, #tpu.memory_space<vmem>>, vector<1x32x272xf32>
    %get3A_6 = vector.shape_cast %get3A_5 : vector<1x32x272xf32> to vector<32x272xf32>
    %broadcast_in_dim3A = vector.shape_cast %get3A_6 : vector<32x272xf32> to vector<32x1x272xf32>
    %sub3A = vector.broadcast %broadcast_in_dim3A : vector<32x1x272xf32> to vector<32x16x272xf32>
    %sub3A_7 = arith.subf %reshape3A, %sub3A : vector<32x16x272xf32>
    %reshape3A_8 = vector.shape_cast %sub3A_7 : vector<32x16x272xf32> to vector<512x272xf32>
    %get3A_9 = arith.constant 0 : index
    %get3A_10 = arith.constant 0 : index
    %get3A_11 = vector.load %arg4[%get3A_9, %get3A_10] : memref<272x256xf32, #tpu.memory_space<vmem>>, vector<272x256xf32>
    %dot_general3A = arith.constant dense<0.000000e+00> : vector<512x256xf32>
    %dot_general3A_12 = tpu.matmul %reshape3A_8, %get3A_11, %dot_general3A {dimension_numbers = #tpu.dot_dimension_numbers<[1], [0], [0], [1], [0, 0, 1, 1], [], []>, transpose_lhs_hint = false} : vector<512x272xf32>, vector<272x256xf32>, vector<512x256xf32> -> vector<512x256xf32>
    %get3A_13 = arith.constant 0 : index
    %get3A_14 = arith.constant 0 : index
    %get3A_15 = vector.load %arg5[%get3A_13, %get3A_14] : memref<1x256xf32, #tpu.memory_space<vmem>>, vector<1x256xf32>
    %mul3A = vector.broadcast %get3A_15 : vector<1x256xf32> to vector<512x256xf32>
    %mul3A_16 = arith.mulf %dot_general3A_12, %mul3A : vector<512x256xf32>
    %get3A_17 = arith.constant 0 : index
    %get3A_18 = arith.constant 0 : index
    %get3A_19 = vector.load %arg6[%get3A_17, %get3A_18] : memref<1x256xf32, #tpu.memory_space<vmem>>, vector<1x256xf32>
    %add3A = vector.broadcast %get3A_19 : vector<1x256xf32> to vector<512x256xf32>
    %add3A_20 = arith.addf %mul3A_16, %add3A : vector<512x256xf32>
    %max3A = arith.constant 0.000000e+00 : f32
    %max3A_21 = vector.broadcast %max3A : f32 to vector<512x256xf32>
    %max3A_22 = arith.maximumf %add3A_20, %max3A_21 : vector<512x256xf32>
    %get3A_23 = arith.constant 0 : index
    %get3A_24 = arith.constant 0 : index
    %get3A_25 = vector.load %arg7[%get3A_23, %get3A_24] : memref<256x512xf32, #tpu.memory_space<vmem>>, vector<256x512xf32>
    %dot_general3A_26 = arith.constant dense<0.000000e+00> : vector<512x512xf32>
    %dot_general3A_27 = tpu.matmul %max3A_22, %get3A_25, %dot_general3A_26 {dimension_numbers = #tpu.dot_dimension_numbers<[1], [0], [0], [1], [0, 0, 1, 1], [], []>, transpose_lhs_hint = false} : vector<512x256xf32>, vector<256x512xf32>, vector<512x512xf32> -> vector<512x512xf32>
    %get3A_28 = arith.constant 0 : index
    %get3A_29 = arith.constant 0 : index
    %get3A_30 = vector.load %arg8[%get3A_28, %get3A_29] : memref<1x512xf32, #tpu.memory_space<vmem>>, vector<1x512xf32>
    %mul3A_31 = vector.broadcast %get3A_30 : vector<1x512xf32> to vector<512x512xf32>
    %mul3A_32 = arith.mulf %dot_general3A_27, %mul3A_31 : vector<512x512xf32>
    %get3A_33 = arith.constant 0 : index
    %get3A_34 = arith.constant 0 : index
    %get3A_35 = vector.load %arg9[%get3A_33, %get3A_34] : memref<1x512xf32, #tpu.memory_space<vmem>>, vector<1x512xf32>
    %add3A_36 = vector.broadcast %get3A_35 : vector<1x512xf32> to vector<512x512xf32>
    %add3A_37 = arith.addf %mul3A_32, %add3A_36 : vector<512x512xf32>
    %max3A_38 = arith.constant 0.000000e+00 : f32
    %max3A_39 = vector.broadcast %max3A_38 : f32 to vector<512x512xf32>
    %max3A_40 = arith.maximumf %add3A_37, %max3A_39 : vector<512x512xf32>
    %get3A_41 = arith.constant 0 : index
    %get3A_42 = arith.constant 0 : index
    %get3A_43 = vector.load %arg10[%get3A_41, %get3A_42] : memref<512x512xf32, #tpu.memory_space<vmem>>, vector<512x512xf32>
    %dot_general3A_44 = arith.constant dense<0.000000e+00> : vector<512x512xf32>
    %dot_general3A_45 = tpu.matmul %max3A_40, %get3A_43, %dot_general3A_44 {dimension_numbers = #tpu.dot_dimension_numbers<[1], [0], [0], [1], [0, 0, 1, 1], [], []>, transpose_lhs_hint = false} : vector<512x512xf32>, vector<512x512xf32>, vector<512x512xf32> -> vector<512x512xf32>
    %get3A_46 = arith.constant 0 : index
    %get3A_47 = arith.constant 0 : index
    %get3A_48 = vector.load %arg11[%get3A_46, %get3A_47] : memref<1x512xf32, #tpu.memory_space<vmem>>, vector<1x512xf32>
    %mul3A_49 = vector.broadcast %get3A_48 : vector<1x512xf32> to vector<512x512xf32>
    %mul3A_50 = arith.mulf %dot_general3A_45, %mul3A_49 : vector<512x512xf32>
    %get3A_51 = arith.constant 0 : index
    %get3A_52 = arith.constant 0 : index
    %get3A_53 = vector.load %arg12[%get3A_51, %get3A_52] : memref<1x512xf32, #tpu.memory_space<vmem>>, vector<1x512xf32>
    %add3A_54 = vector.broadcast %get3A_53 : vector<1x512xf32> to vector<512x512xf32>
    %add3A_55 = arith.addf %mul3A_50, %add3A_54 : vector<512x512xf32>
    %max3A_56 = arith.constant 0.000000e+00 : f32
    %max3A_57 = vector.broadcast %max3A_56 : f32 to vector<512x512xf32>
    %max3A_58 = arith.maximumf %add3A_55, %max3A_57 : vector<512x512xf32>
    %reshape3A_59 = vector.shape_cast %max3A_58 : vector<512x512xf32> to vector<32x16x512xf32>
    %reduce_max3A = arith.constant dense<0xFF800000> : vector<32x512xf32>
    %reduce_max3A_60 = vector.multi_reduction <maximumf>, %reshape3A_59, %reduce_max3A [1] : vector<32x16x512xf32> to vector<32x512xf32>
    %swap3A = arith.constant 0 : index
    %swap3A_61 = arith.constant 0 : index
    %swap3A_62 = arith.constant 0 : index
    %swap3A_63 = vector.load %arg13[%swap3A, %swap3A_61, %swap3A_62] : memref<1x32x512xf32, #tpu.memory_space<vmem>>, vector<1x32x512xf32>
    %swap3A_64 = vector.shape_cast %swap3A_63 : vector<1x32x512xf32> to vector<32x512xf32>
    %swap3A_65 = vector.shape_cast %reduce_max3A_60 : vector<32x512xf32> to vector<1x32x512xf32>
    tpu.vector_store %arg13[%swap3A, %swap3A_61, %swap3A_62], %swap3A_65 {strides = array<i32>} : memref<1x32x512xf32, #tpu.memory_space<vmem>>, vector<1x32x512xf32>,
    return
  }
  func.func @transform_0(%arg0: i32, %arg1: i32) -> (i32, i32) {
    %mul3A = arith.constant 1 : i32
    %mul3A_0 = arith.muli %arg0, %mul3A : i32
    %add3A = arith.addi %mul3A_0, %arg1 : i32
    %c0_i32 = arith.constant 0 : i32
    %c0_i32_1 = arith.constant 0 : i32
    return %add3A, %c0_i32 : i32, i32
  }
  func.func @transform_1(%arg0: i32, %arg1: i32) -> (i32, i32, i32) {
    %c0_i32 = arith.constant 0 : i32
    %c0_i32_0 = arith.constant 0 : i32
    return %arg0, %arg1, %c0_i32 : i32, i32, i32
  }
  func.func @transform_2(%arg0: i32, %arg1: i32) -> (i32, i32) {
    %c0_i32 = arith.constant 0 : i32
    %c0_i32_0 = arith.constant 0 : i32
    %c0_i32_1 = arith.constant 0 : i32
    return %c0_i32, %c0_i32_0 : i32, i32
  }
  func.func @transform_3(%arg0: i32, %arg1: i32) -> (i32, i32) {
    %c0_i32 = arith.constant 0 : i32
    %c0_i32_0 = arith.constant 0 : i32
    %c0_i32_1 = arith.constant 0 : i32
    return %c0_i32, %c0_i32_0 : i32, i32
  }
  func.func @transform_4(%arg0: i32, %arg1: i32) -> (i32, i32) {
    %c0_i32 = arith.constant 0 : i32
    %c0_i32_0 = arith.constant 0 : i32
    %c0_i32_1 = arith.constant 0 : i32
    return %c0_i32, %c0_i32_0 : i32, i32
  }
  func.func @transform_5(%arg0: i32, %arg1: i32) -> (i32, i32) {
    %c0_i32 = arith.constant 0 : i32
    %c0_i32_0 = arith.constant 0 : i32
    %c0_i32_1 = arith.constant 0 : i32
    return %c0_i32, %c0_i32_0 : i32, i32
  }
  func.func @transform_6(%arg0: i32, %arg1: i32) -> (i32, i32) {
    %c0_i32 = arith.constant 0 : i32
    %c0_i32_0 = arith.constant 0 : i32
    %c0_i32_1 = arith.constant 0 : i32
    return %c0_i32, %c0_i32_0 : i32, i32
  }
  func.func @transform_7(%arg0: i32, %arg1: i32) -> (i32, i32) {
    %c0_i32 = arith.constant 0 : i32
    %c0_i32_0 = arith.constant 0 : i32
    %c0_i32_1 = arith.constant 0 : i32
    return %c0_i32, %c0_i32_0 : i32, i32
  }
  func.func @transform_8(%arg0: i32, %arg1: i32) -> (i32, i32) {
    %c0_i32 = arith.constant 0 : i32
    %c0_i32_0 = arith.constant 0 : i32
    %c0_i32_1 = arith.constant 0 : i32
    return %c0_i32, %c0_i32_0 : i32, i32
  }
  func.func @transform_9(%arg0: i32, %arg1: i32) -> (i32, i32) {
    %c0_i32 = arith.constant 0 : i32
    %c0_i32_0 = arith.constant 0 : i32
    %c0_i32_1 = arith.constant 0 : i32
    return %c0_i32, %c0_i32_0 : i32, i32
  }
  func.func @transform_10(%arg0: i32, %arg1: i32) -> (i32, i32) {
    %c0_i32 = arith.constant 0 : i32
    %c0_i32_0 = arith.constant 0 : i32
    %c0_i32_1 = arith.constant 0 : i32
    return %c0_i32, %c0_i32_0 : i32, i32
  }
  func.func @transform_11(%arg0: i32, %arg1: i32) -> (i32, i32, i32) {
    %c0_i32 = arith.constant 0 : i32
    %c0_i32_0 = arith.constant 0 : i32
    return %arg0, %arg1, %c0_i32 : i32, i32, i32
  }
}

module attributes {stable_mosaic.version = 14 : i64} {
  func.func @_mlp_kernel(%arg0: i32, %arg1: i32, %arg2: memref<32x528xf32, #tpu.memory_space<vmem>>, %arg3: memref<1x1x528xf32, #tpu.memory_space<vmem>>, %arg4: memref<528x512xf32, #tpu.memory_space<vmem>>, %arg5: memref<1x512xf32, #tpu.memory_space<vmem>>, %arg6: memref<1x512xf32, #tpu.memory_space<vmem>>, %arg7: memref<512x1024xf32, #tpu.memory_space<vmem>>, %arg8: memref<1x1024xf32, #tpu.memory_space<vmem>>, %arg9: memref<1x1024xf32, #tpu.memory_space<vmem>>, %arg10: memref<1024x1024xf32, #tpu.memory_space<vmem>>, %arg11: memref<1x1024xf32, #tpu.memory_space<vmem>>, %arg12: memref<1x1024xf32, #tpu.memory_space<vmem>>, %arg13: memref<1x1x1024xf32, #tpu.memory_space<vmem>>) attributes {dimension_semantics = [#tpu.dimension_semantics<arbitrary>, #tpu.dimension_semantics<arbitrary>], iteration_bounds = array<i64: 8, 1>, scalar_prefetch = 0 : i64, scratch_operands = 0 : i64, tpu.core_type = #tpu.core_type<tc>, window_params = [{transform_indices = @transform_0, window_bounds = array<i64: 32, 528>}, {transform_indices = @transform_1, window_bounds = array<i64: 1, 1, 528>}, {pipeline_mode = #tpu.pipeline_mode<synchronous>, transform_indices = @transform_2, window_bounds = array<i64: 528, 512>}, {pipeline_mode = #tpu.pipeline_mode<synchronous>, transform_indices = @transform_3, window_bounds = array<i64: 1, 512>}, {pipeline_mode = #tpu.pipeline_mode<synchronous>, transform_indices = @transform_4, window_bounds = array<i64: 1, 512>}, {pipeline_mode = #tpu.pipeline_mode<synchronous>, transform_indices = @transform_5, window_bounds = array<i64: 512, 1024>}, {pipeline_mode = #tpu.pipeline_mode<synchronous>, transform_indices = @transform_6, window_bounds = array<i64: 1, 1024>}, {pipeline_mode = #tpu.pipeline_mode<synchronous>, transform_indices = @transform_7, window_bounds = array<i64: 1, 1024>}, {pipeline_mode = #tpu.pipeline_mode<synchronous>, transform_indices = @transform_8, window_bounds = array<i64: 1024, 1024>}, {pipeline_mode = #tpu.pipeline_mode<synchronous>, transform_indices = @transform_9, window_bounds = array<i64: 1, 1024>}, {pipeline_mode = #tpu.pipeline_mode<synchronous>, transform_indices = @transform_10, window_bounds = array<i64: 1, 1024>}, {transform_indices = @transform_11, window_bounds = array<i64: 1, 1, 1024>}]} {
    %get3A = arith.constant 0 : index
    %get3A_0 = arith.constant 0 : index
    %get3A_1 = vector.load %arg2[%get3A, %get3A_0] : memref<32x528xf32, #tpu.memory_space<vmem>>, vector<32x528xf32>
    %reshape3A = vector.shape_cast %get3A_1 : vector<32x528xf32> to vector<1x32x528xf32>
    %get3A_2 = arith.constant 0 : index
    %get3A_3 = arith.constant 0 : index
    %get3A_4 = arith.constant 0 : index
    %get3A_5 = vector.load %arg3[%get3A_2, %get3A_3, %get3A_4] : memref<1x1x528xf32, #tpu.memory_space<vmem>>, vector<1x1x528xf32>
    %get3A_6 = vector.shape_cast %get3A_5 : vector<1x1x528xf32> to vector<1x528xf32>
    %broadcast_in_dim3A = vector.shape_cast %get3A_6 : vector<1x528xf32> to vector<1x1x528xf32>
    %sub3A = vector.broadcast %broadcast_in_dim3A : vector<1x1x528xf32> to vector<1x32x528xf32>
    %sub3A_7 = arith.subf %reshape3A, %sub3A : vector<1x32x528xf32>
    %reshape3A_8 = vector.shape_cast %sub3A_7 : vector<1x32x528xf32> to vector<32x528xf32>
    %get3A_9 = arith.constant 0 : index
    %get3A_10 = arith.constant 0 : index
    %get3A_11 = vector.load %arg4[%get3A_9, %get3A_10] : memref<528x512xf32, #tpu.memory_space<vmem>>, vector<528x512xf32>
    %dot_general3A = arith.constant dense<0.000000e+00> : vector<32x512xf32>
    %dot_general3A_12 = tpu.matmul %reshape3A_8, %get3A_11, %dot_general3A {dimension_numbers = #tpu.dot_dimension_numbers<[1], [0], [0], [1], [0, 0, 1, 1], [], []>, transpose_lhs_hint = false} : vector<32x528xf32>, vector<528x512xf32>, vector<32x512xf32> -> vector<32x512xf32>
    %get3A_13 = arith.constant 0 : index
    %get3A_14 = arith.constant 0 : index
    %get3A_15 = vector.load %arg5[%get3A_13, %get3A_14] : memref<1x512xf32, #tpu.memory_space<vmem>>, vector<1x512xf32>
    %mul3A = vector.broadcast %get3A_15 : vector<1x512xf32> to vector<32x512xf32>
    %mul3A_16 = arith.mulf %dot_general3A_12, %mul3A : vector<32x512xf32>
    %get3A_17 = arith.constant 0 : index
    %get3A_18 = arith.constant 0 : index
    %get3A_19 = vector.load %arg6[%get3A_17, %get3A_18] : memref<1x512xf32, #tpu.memory_space<vmem>>, vector<1x512xf32>
    %add3A = vector.broadcast %get3A_19 : vector<1x512xf32> to vector<32x512xf32>
    %add3A_20 = arith.addf %mul3A_16, %add3A : vector<32x512xf32>
    %max3A = arith.constant 0.000000e+00 : f32
    %max3A_21 = vector.broadcast %max3A : f32 to vector<32x512xf32>
    %max3A_22 = arith.maximumf %add3A_20, %max3A_21 : vector<32x512xf32>
    %get3A_23 = arith.constant 0 : index
    %get3A_24 = arith.constant 0 : index
    %get3A_25 = vector.load %arg7[%get3A_23, %get3A_24] : memref<512x1024xf32, #tpu.memory_space<vmem>>, vector<512x1024xf32>
    %dot_general3A_26 = arith.constant dense<0.000000e+00> : vector<32x1024xf32>
    %dot_general3A_27 = tpu.matmul %max3A_22, %get3A_25, %dot_general3A_26 {dimension_numbers = #tpu.dot_dimension_numbers<[1], [0], [0], [1], [0, 0, 1, 1], [], []>, transpose_lhs_hint = false} : vector<32x512xf32>, vector<512x1024xf32>, vector<32x1024xf32> -> vector<32x1024xf32>
    %get3A_28 = arith.constant 0 : index
    %get3A_29 = arith.constant 0 : index
    %get3A_30 = vector.load %arg8[%get3A_28, %get3A_29] : memref<1x1024xf32, #tpu.memory_space<vmem>>, vector<1x1024xf32>
    %mul3A_31 = vector.broadcast %get3A_30 : vector<1x1024xf32> to vector<32x1024xf32>
    %mul3A_32 = arith.mulf %dot_general3A_27, %mul3A_31 : vector<32x1024xf32>
    %get3A_33 = arith.constant 0 : index
    %get3A_34 = arith.constant 0 : index
    %get3A_35 = vector.load %arg9[%get3A_33, %get3A_34] : memref<1x1024xf32, #tpu.memory_space<vmem>>, vector<1x1024xf32>
    %add3A_36 = vector.broadcast %get3A_35 : vector<1x1024xf32> to vector<32x1024xf32>
    %add3A_37 = arith.addf %mul3A_32, %add3A_36 : vector<32x1024xf32>
    %max3A_38 = arith.constant 0.000000e+00 : f32
    %max3A_39 = vector.broadcast %max3A_38 : f32 to vector<32x1024xf32>
    %max3A_40 = arith.maximumf %add3A_37, %max3A_39 : vector<32x1024xf32>
    %get3A_41 = arith.constant 0 : index
    %get3A_42 = arith.constant 0 : index
    %get3A_43 = vector.load %arg10[%get3A_41, %get3A_42] : memref<1024x1024xf32, #tpu.memory_space<vmem>>, vector<1024x1024xf32>
    %dot_general3A_44 = arith.constant dense<0.000000e+00> : vector<32x1024xf32>
    %dot_general3A_45 = tpu.matmul %max3A_40, %get3A_43, %dot_general3A_44 {dimension_numbers = #tpu.dot_dimension_numbers<[1], [0], [0], [1], [0, 0, 1, 1], [], []>, transpose_lhs_hint = false} : vector<32x1024xf32>, vector<1024x1024xf32>, vector<32x1024xf32> -> vector<32x1024xf32>
    %get3A_46 = arith.constant 0 : index
    %get3A_47 = arith.constant 0 : index
    %get3A_48 = vector.load %arg11[%get3A_46, %get3A_47] : memref<1x1024xf32, #tpu.memory_space<vmem>>, vector<1x1024xf32>
    %mul3A_49 = vector.broadcast %get3A_48 : vector<1x1024xf32> to vector<32x1024xf32>
    %mul3A_50 = arith.mulf %dot_general3A_45, %mul3A_49 : vector<32x1024xf32>
    %get3A_51 = arith.constant 0 : index
    %get3A_52 = arith.constant 0 : index
    %get3A_53 = vector.load %arg12[%get3A_51, %get3A_52] : memref<1x1024xf32, #tpu.memory_space<vmem>>, vector<1x1024xf32>
    %add3A_54 = vector.broadcast %get3A_53 : vector<1x1024xf32> to vector<32x1024xf32>
    %add3A_55 = arith.addf %mul3A_50, %add3A_54 : vector<32x1024xf32>
    %max3A_56 = arith.constant 0.000000e+00 : f32
    %max3A_57 = vector.broadcast %max3A_56 : f32 to vector<32x1024xf32>
    %max3A_58 = arith.maximumf %add3A_55, %max3A_57 : vector<32x1024xf32>
    %reshape3A_59 = vector.shape_cast %max3A_58 : vector<32x1024xf32> to vector<1x32x1024xf32>
    %reduce_max3A = arith.constant dense<0xFF800000> : vector<1x1024xf32>
    %reduce_max3A_60 = vector.multi_reduction <maximumf>, %reshape3A_59, %reduce_max3A [1] : vector<1x32x1024xf32> to vector<1x1024xf32>
    %swap3A = arith.constant 0 : index
    %swap3A_61 = arith.constant 0 : index
    %swap3A_62 = arith.constant 0 : index
    %swap3A_63 = vector.load %arg13[%swap3A, %swap3A_61, %swap3A_62] : memref<1x1x1024xf32, #tpu.memory_space<vmem>>, vector<1x1x1024xf32>
    %swap3A_64 = vector.shape_cast %swap3A_63 : vector<1x1x1024xf32> to vector<1x1024xf32>
    %swap3A_65 = vector.shape_cast %reduce_max3A_60 : vector<1x1024xf32> to vector<1x1x1024xf32>
    tpu.vector_store %arg13[%swap3A, %swap3A_61, %swap3A_62], %swap3A_65 {strides = array<i32>} : memref<1x1x1024xf32, #tpu.memory_space<vmem>>, vector<1x1x1024xf32>,
    return
  }
  func.func @transform_0(%arg0: i32, %arg1: i32) -> (i32, i32) {
    %mul3A = arith.constant 1 : i32
    %mul3A_0 = arith.muli %arg0, %mul3A : i32
    %add3A = arith.addi %mul3A_0, %arg1 : i32
    %c0_i32 = arith.constant 0 : i32
    %c0_i32_1 = arith.constant 0 : i32
    return %add3A, %c0_i32 : i32, i32
  }
  func.func @transform_1(%arg0: i32, %arg1: i32) -> (i32, i32, i32) {
    %c0_i32 = arith.constant 0 : i32
    %c0_i32_0 = arith.constant 0 : i32
    return %arg0, %arg1, %c0_i32 : i32, i32, i32
  }
  func.func @transform_2(%arg0: i32, %arg1: i32) -> (i32, i32) {
    %c0_i32 = arith.constant 0 : i32
    %c0_i32_0 = arith.constant 0 : i32
    %c0_i32_1 = arith.constant 0 : i32
    return %c0_i32, %c0_i32_0 : i32, i32
  }
  func.func @transform_3(%arg0: i32, %arg1: i32) -> (i32, i32) {
    %c0_i32 = arith.constant 0 : i32
    %c0_i32_0 = arith.constant 0 : i32
    %c0_i32_1 = arith.constant 0 : i32
    return %c0_i32, %c0_i32_0 : i32, i32
  }
  func.func @transform_4(%arg0: i32, %arg1: i32) -> (i32, i32) {
    %c0_i32 = arith.constant 0 : i32
    %c0_i32_0 = arith.constant 0 : i32
    %c0_i32_1 = arith.constant 0 : i32
    return %c0_i32, %c0_i32_0 : i32, i32
  }
  func.func @transform_5(%arg0: i32, %arg1: i32) -> (i32, i32) {
    %c0_i32 = arith.constant 0 : i32
    %c0_i32_0 = arith.constant 0 : i32
    %c0_i32_1 = arith.constant 0 : i32
    return %c0_i32, %c0_i32_0 : i32, i32
  }
  func.func @transform_6(%arg0: i32, %arg1: i32) -> (i32, i32) {
    %c0_i32 = arith.constant 0 : i32
    %c0_i32_0 = arith.constant 0 : i32
    %c0_i32_1 = arith.constant 0 : i32
    return %c0_i32, %c0_i32_0 : i32, i32
  }
  func.func @transform_7(%arg0: i32, %arg1: i32) -> (i32, i32) {
    %c0_i32 = arith.constant 0 : i32
    %c0_i32_0 = arith.constant 0 : i32
    %c0_i32_1 = arith.constant 0 : i32
    return %c0_i32, %c0_i32_0 : i32, i32
  }
  func.func @transform_8(%arg0: i32, %arg1: i32) -> (i32, i32) {
    %c0_i32 = arith.constant 0 : i32
    %c0_i32_0 = arith.constant 0 : i32
    %c0_i32_1 = arith.constant 0 : i32
    return %c0_i32, %c0_i32_0 : i32, i32
  }
  func.func @transform_9(%arg0: i32, %arg1: i32) -> (i32, i32) {
    %c0_i32 = arith.constant 0 : i32
    %c0_i32_0 = arith.constant 0 : i32
    %c0_i32_1 = arith.constant 0 : i32
    return %c0_i32, %c0_i32_0 : i32, i32
  }
  func.func @transform_10(%arg0: i32, %arg1: i32) -> (i32, i32) {
    %c0_i32 = arith.constant 0 : i32
    %c0_i32_0 = arith.constant 0 : i32
    %c0_i32_1 = arith.constant 0 : i32
    return %c0_i32, %c0_i32_0 : i32, i32
  }
  func.func @transform_11(%arg0: i32, %arg1: i32) -> (i32, i32, i32) {
    %c0_i32 = arith.constant 0 : i32
    %c0_i32_0 = arith.constant 0 : i32
    return %arg0, %arg1, %c0_i32 : i32, i32, i32
  }
}

</mosaic_0001>

<sc_bundles>
// kernel: kernel.13.cloned.1.call-start
scs
__scs_entry_jumppad:
0x0: {  	(pc) =	sbr.rel $0x88, $3  }
0x1: {  	(tag) =	ssettag $0x0;
	lr =	simm.s32 $0x1  }
0x2: {  	[smem:$0x3F7C] =	sst lr;
	_ =	strace $0xD0000000  }
0x3: {  	_ = 	snop  }
0x4: {  	_ = 	snop  }
0x5: {  	_ = 	snop  }
0x6: {  	_ = 	snop  }
0x7: {  	_ = 	snop  }
__scs_overlays_trampoline_lowered:
0x8: {  	[smem:$0x3F8B] =	sst s0  }
0x9: {  	[smem:$0x3F8C] =	sst s1  }
0xa: {  	[smem:$0x3F8D] =	sst s2  }
0xb: {  	[smem:$0x3F8E] =	sst s3  }
0xc: {  	[smem:$0x3F8F] =	sst s4  }
0xd: {  	[smem:$0x3F90] =	sst s5  }
0xe: {  	[smem:$0x3F91] =	sst s6  }
0xf: {  	[smem:$0x3F92] =	sst s7  }
0x10: {  	[smem:$0x3F93] =	sst s8  }
0x11: {  	[smem:$0x3F94] =	sst s9;
	s0 =	simm.s32 @!p0 $0x0  }
0x12: {  	s1 =	sld [smem:$0x3F7A];
	s0 =	simm.s32 @p0 $0x1  }
0x13: {  	[smem:$0x3F95] =	sst s0;
	s0 =	simm.s32 @!p1 $0x0  }
0x14: {  	s2 =	sld [smem:$0x3F79];
	s0 =	simm.s32 @p1 $0x1  }
0x15: {  	[smem:$0x3F96] =	sst s0;
	s0 =	simm.s32 @!p2 $0x0  }
0x16: {  	s3 =	sld [smem:$0x3FDB];
	s0 =	simm.s32 @p2 $0x1  }
0x17: {  	s4 =	simm.s32 $0x1BF5;
	[smem:$0x3F98] =	sst s0  }
0x18: {  	s0 =	sld [smem:$0x3F7B];
	_ =	swait.ge [sflag:s4], $0x0  }
0x19: {  	s7 =	sld [smem:$0x3F7C]  }
0x1a: {  	s8 =	sadd.s32 $0xFFFFE003, lr  }
0x1b: {  	s9 =	sadd.s32 $0xFFFFFEF7, lr;
	s5 =	simm.s32 $0xFFFFFFFF;
	p2 =	slt.u32 s8, $0xFFFFF086  }
0x1c: {  	p1 =	slt.u32 s9, $0xF7A;
	s5 =	simm.s32 @!p2 $0x0  }
0x1d: {  	s5 =	simm.s32 @p1 $0x1;
	p0 =	seq.s32 s7, s2  }
0x1e: {  	s7 =	smul.u32 @!p0 $0xF7A, s2;
	p2 =	seq.s32 @!p0 s5, $0x0  }
0x1f: {  	s9 =	smul.u32 $0xF7A, s1;
	s8 =	simm.s32 @!p0 $0x1BF5;
	p2 =	por !p2, p0  }
0x20: {  	[sflag:s8] =	ssyncset.s32 @!p0 $0xFFFFF086;
	s6 =	sadd.s32 @!p0 s3, s7;
	s7 =	simm.s32 @!p0 $0x108  }
0x21: {  	s3 =	sadd.s32 s3, s9;
	s6 =	sadd.s32 @!p0 $0x88, s6;
	s7 =	simm.s32 @p2 $0x1082  }
0x22: {  	[simem:s7], [sflag:s8] =	dma.local @!p0 [hbm:s6], $0xF7A  }
0x23: {  	s9 =	sor.u32 $0xD0000000, s2;
	s6 =	simm.s32 $0x108;
	_ =	swait.ge @!p0 [sflag:s8], $0x0  }
0x24: {  	s3 =	sadd.s32 $0x88, s3;
	s6 =	simm.s32 @!p1 $0x1082;
	[sflag:s4] =	ssyncset.s32 $0xFFFFF086  }
0x25: {  	[simem:s6], [sflag:s4] =	dma.local [hbm:s3], $0xF7A  }
0x26: {  	[smem:$0x3F7C] =	sst s1;
	(tag) =	ssettag s2;
	_ =	strace s9  }
0x27: {  	s1 =	sld [smem:$0x3F8C]  }
0x28: {  	s2 =	sld [smem:$0x3F8D]  }
0x29: {  	s4 =	sld [smem:$0x3F8F]  }
0x2a: {  	p0 =	seq.s32 s5, $0x0;
	s5 =	sld [smem:$0x3F90]  }
0x2b: {  	s6 =	sld [smem:$0x3F91]  }
0x2c: {  	s7 =	sld [smem:$0x3F92]  }
0x2d: {  	s3 =	simm.s32 $0x108;
	s8 =	sld [smem:$0x3F93]  }
0x2e: {  	s3 =	simm.s32 @!p0 $0x1082;
	s9 =	sld [smem:$0x3F94]  }
0x2f: {  	lr =	sadd.s32 s0, s3;
	s0 =	sld [smem:$0x3F8B]  }
0x30: {  	s3 =	sld [smem:$0x3F8E]  }
0x31: {  	[smem:$0x3F97] =	sst s10  }
0x32: {  	s10 =	sld [smem:$0x3F95];
	_ =	sdelay $0x3  }
0x33: {  	p0 =	seq.s32 s10, $0x1;
	s10 =	sld [smem:$0x3F97];
	_ =	sdelay $0x3  }
0x34: {  	[smem:$0x3F97] =	sst s10  }
0x35: {  	s10 =	sld [smem:$0x3F96];
	_ =	sdelay $0x3  }
0x36: {  	p1 =	seq.s32 s10, $0x1;
	s10 =	sld [smem:$0x3F97];
	_ =	sdelay $0x3  }
0x37: {  	[smem:$0x3F97] =	sst s10  }
0x38: {  	s10 =	sld [smem:$0x3F98]  }
0x39: {  	_ = 	snop;
	(pc) =	sbr.ind lr, $3  }
0x3a: {  	_ = 	snop  }
0x3b: {  	_ = 	snop  }
0x3c: {  	p2 =	seq.s32 s10, $0x1;
	s10 =	sld [smem:$0x3F97]  }
0x3d: {  	_ =	shalt  }
0x3e: {  	_ =	shalt  }
0x3f: {  	_ =	shalt  }
0x40: {  	_ =	shalt  }
0x41: {  	_ =	shalt  }
0x42: {  	_ =	shalt  }
0x43: {  	_ =	shalt  }
0x44: {  	_ =	shalt  }
0x45: {  	_ =	shalt  }
0x46: {  	_ =	shalt  }
0x47: {  	_ =	shalt  }
0x48: {  	_ =	shalt  }
0x49: {  	_ =	shalt  }
0x4a: {  	_ =	shalt  }
0x4b: {  	_ =	shalt  }
0x4c: {  	_ =	shalt  }
0x4d: {  	_ =	shalt  }
0x4e: {  	_ =	shalt  }
0x4f: {  	_ =	shalt  }
0x50: {  	_ =	shalt  }
0x51: {  	_ =	shalt  }
0x52: {  	_ =	shalt  }
0x53: {  	_ =	shalt  }
0x54: {  	_ =	shalt  }
0x55: {  	_ =	shalt  }
0x56: {  	_ =	shalt  }
0x57: {  	_ =	shalt  }
0x58: {  	_ =	shalt  }
0x59: {  	_ =	shalt  }
0x5a: {  	_ =	shalt  }
0x5b: {  	_ =	shalt  }
0x5c: {  	_ =	shalt  }
0x5d: {  	_ =	shalt  }
0x5e: {  	_ =	shalt  }
0x5f: {  	_ =	shalt  }
0x60: {  	_ =	shalt  }
0x61: {  	_ =	shalt  }
0x62: {  	_ =	shalt  }
0x63: {  	_ =	shalt  }
0x64: {  	_ =	shalt  }
0x65: {  	_ =	shalt  }
0x66: {  	_ =	shalt  }
0x67: {  	_ =	shalt  }
0x68: {  	_ =	shalt  }
0x69: {  	_ =	shalt  }
0x6a: {  	_ =	shalt  }
0x6b: {  	_ =	shalt  }
0x6c: {  	_ =	shalt  }
0x6d: {  	_ =	shalt  }
0x6e: {  	_ =	shalt  }
0x6f: {  	_ =	shalt  }
0x70: {  	_ =	shalt  }
0x71: {  	_ =	shalt  }
0x72: {  	_ =	shalt  }
0x73: {  	_ =	shalt  }
0x74: {  	_ =	shalt  }
0x75: {  	_ =	shalt  }
0x76: {  	_ =	shalt  }
0x77: {  	_ =	shalt  }
0x78: {  	_ =	shalt  }
0x79: {  	_ =	shalt  }
0x7a: {  	_ =	shalt  }
0x7b: {  	_ =	shalt  }
0x7c: {  	_ =	shalt  }
0x7d: {  	_ =	shalt  }
0x7e: {  	_ =	shalt  }
0x7f: {  	_ =	shalt  }
0x80: {  	_ =	shalt  }
0x81: {  	_ =	shalt  }
0x82: {  	_ =	shalt  }
0x83: {  	_ =	shalt  }
0x84: {  	_ =	shalt  }
0x85: {  	_ =	shalt  }
0x86: {  	_ =	shalt  }
0x87: {  	_ =	shalt  }
.Lfunc_end0:
.L_simem_size_0:
called_computation_lowered:
.L_overlay_start_0:
0x88: {  	s2 =	sld [smem:$0x3FD9]  }
0x89: {  	s3 =	sld [smem:$0x3FFE];
	_ =	sdelay $0x1  }
0x8a: {  	s1 =	srdreg.scid  }
0x8b: {  	s0 =	sand.u32 $0x1, s1  }
0x8c: {  	s16 =	sshll.u32 s0, $0xA;
	s2 =	sadd.s32 s3, s2  }
0x8d: {  	s2 =	sadd.s32 s2, s16  }
0x8e: {  	[smem:$0x3FA3] =	sst s2  }
0x8f: {  	_ = 	snop  }
0x90: {  	(tm) =	ssettm $0x1  }
0x91: {  	s17 =	sld [smem:$0x3FFB];
	_ =	sdelay $0x3  }
0x92: {  	_ =	strace s17  }
0x93: {  	s2 =	sld [smem:$0x3FFC];
	_ =	sdelay $0x3  }
0x94: {  	_ =	strace s2  }
0x95: {  	s2 =	sld [smem:$0x3FFD];
	_ =	sdelay $0x3  }
0x96: {  	_ =	strace s2  }
0x97: {  	_ =	strace $0x8FFFFFFF  }
0x98: {  	s18 =	sld [smem:$0x3FDB];
	_ =	sdelay $0x1  }
0x99: {  	s19 =	simm.s32 $_scs_section_size  }
0x9a: {  	s4 =	simm.s32 $_size__tile_overlayer_lowered;
	s5 =	simm.s32 $_tile_overlayer_lowered  }
0x9b: {  	s22 =	simm.s32 $0x1BFF;
	s21 =	sshll.u32 s5, $0x1;
	s2 =	sadd.s32 s19, s18  }
0x9c: {  	s6 =	simm.s32 $0x0;
	s20 =	sshll.u32 s4, $0x1;
	s4 =	sadd.s32 s21, s2  }
0x9d: {  	[timem:s6], [sflag:s22] =	dma.local [hbm:s4], s20  }
0x9e: {  	_ =	swait.ge [sflag:s22], s20  }
0x9f: {  	s3 =	ssub.s32 $0x0, s20;
	[sflag:s22] =	ssyncset.done $0x0  }
0xa0: {  	[sflag:s22] =	ssyncadd.s32 s3;
	_ =	sdelay $0x1  }
0xa1: {  	s23 =	simm.s32 $0x1B8B  }
0xa2: {  	_ =	swait.ge [sflag:s23], $0x1  }
0xa3: {  	[sflag:s23] =	ssyncset.done $0x0  }
0xa4: {  	s25 =	simm.s32 $0x1B8E;
	s24 =	sld [smem:$0x3FFE];
	[sflag:s23] =	ssyncadd.s32 $0xFFFFFFFF  }
0xa5: {  	s26 =	simm.s32 $execute0_lowered;
	[smem:$0x3FD2] =	sst s25  }
0xa6: {  	s4 =	sshll.u32 s26, $0x1;
	_ =	strace $0x80000046;
	[dreg:$0x1] =	wrdreg $0xFFFFFFFF  }
0xa7: {  	s28 =	simm.s32 $_size_execute0_lowered;
	s2 =	sadd.s32 s2, s4;
	[dreg:$0x0] =	wrdreg $0x0  }
0xa8: {  	s4 =	sshll.u32 s28, $0x1;
	[dreg:$0x2] =	wrdreg s2  }
0xa9: {  	[dreg:$0x3] =	wrdreg s4  }
0xaa: {  	[dreg:$0x4] =	wrdreg $0xC0  }
0xab: {  	_ =	task [dreg:s6], $0x5FFFF  }
0xac: {  	[dreg:$0x1] =	wrdreg $0xFFFFFFFF  }
0xad: {  	[dreg:$0x0] =	wrdreg $0x60  }
0xae: {  	[dreg:$0x2] =	wrdreg s24  }
0xaf: {  	[dreg:$0x3] =	wrdreg $0x9  }
0xb0: {  	_ =	task.clear_ibuf [dreg:s6], $0x4FFFF;
	_ =	strace $0x90000046  }
0xb1: {  	s29 =	simm.s32 $0x9;
	_ =	strace $0x80000048  }
0xb2: {  	_ =	swait.ge [sflag:s29], $0x1  }
0xb3: {  	[sflag:s29] =	ssyncadd.s32 $0xFFFFFFFF  }
0xb4: {  	_ =	strace $0x90000048  }
0xb5: {  	_ =	sfence  }
0xb6: {  	s30 =	sld [smem:$0x0];
	_ =	sdelay $0x2  }
0xb7: {  	s31 =	sshll.u32 s1, $0xD;
	s1 =	sshrl.u32 s1, $0x2  }
0xb8: {  	s3 =	sand.u32 $0x4000, s31;
	s1 =	sadd.s32 s1, s30  }
0xb9: {  	s0 =	sor.u32 s3, s0;
	s1 =	sshll.u32 s1, $0x11  }
0xba: {  	s0 =	sor.u32 s1, s0  }
0xbb: {  	s0 =	sadd.s32 $0x8F2B, s0  }
0xbc: {  	[sflag:s0] =	ssyncadd.remote.s32 $0x1  }
0xbd: {  	_ =	sfence.sel $0xFFFF  }
0xbe: {  	[dreg:$0x0] =	wrdreg $0xFFFFFFFF;
	(pc) =	sbr.abs _section_cstart, $3  }
0xbf: {  	[dreg:$0x1] =	wrdreg $0xFFFFFFFF  }
0xc0: {  	_ =	task.clear_ibuf [dreg:s6], $0x2FFFF;
	_ =	strace $0x9FFFFFFF  }
0xc1: {  	(tm) =	ssettm $0x7FFFFFFF  }
tec
execute0_lowered:
.L_overlay_start_1:
0x0: {  	(tag) =	ssettag $0x1  }
0x1: {  	v0 =	vlaneseq.u32  }
0x2: {  	v1 =	vimm.f32 $0.0e+00;
	v2 =	vimm.s32 $0x0;
	v24 =	vimm.s32 $0x8040201  }
0x3: {  	v25 =	vimm.s32 $0x80402010;
	vm0 =	vcmask $0xF00;
	vm3 =	vmxor vm3, vm3  }
0x4: {  	v3 =	vor.u32 $0x10, v0;
	v4 =	vor.u32 $0x20, v0;
	v5 =	vor.u32 $0x30, v0  }
0x5: {  	v6 =	vor.u32 $0x40, v0;
	v7 =	vor.u32 $0x50, v0;
	v8 =	vor.u32 $0x60, v0  }
0x6: {  	v9 =	vor.u32 $0x70, v0;
	v10 =	vor.u32 $0x80, v0;
	v11 =	vor.u32 $0x90, v0  }
0x7: {  	s3 =	rddreg [dreg:$0x0];
	v12 =	vor.u32 $0xA0, v0;
	v13 =	vor.u32 $0xB0, v0;
	v14 =	vor.u32 $0xC0, v0  }
0x8: {  	s0 =	stileid.u32;
	s1 =	rddreg [dreg:$0x1];
	v15 =	vor.u32 $0xD0, v0;
	v16 =	vor.u32 $0xE0, v0;
	v17 =	vor.u32 $0xF0, v0  }
0x9: {  	s2 =	simm.s32 $0x0;
	s5 =	srdreg.scid;
	s12 =	simm.s32 $0x4000;
	v18 =	vor.u32 $0x100, v0;
	v19 =	vor.u32 $0x110, v0;
	v20 =	vor.u32 $0x120, v0  }
0xa: {  	s13 =	simm.s32 $0x6000;
	s14 =	simm.s32 $0x16040;
	s15 =	simm.s32 $0x16000;
	v21 =	vor.u32 $0x130, v0;
	v26 =	vunpack.c.0.s8.s32 v24;
	v27 =	vunpack.c.0.s8.s32 v25  }
0xb: {  	s16 =	simm.s32 $0x16250;
	s17 =	simm.s32 $0x0;
	s6 =	sshrl.u32 s0, $0x1;
	v22 =	vor.u32 $0x140, v0;
	v23 =	vor.u32 $0x150, v0;
	v24 =	vor.u32 $0x160, v0  }
0xc: {  	[smem:$0x7FF] =	sst s2;
	s25 =	sand.u32 $0x1, s5;
	s9 =	sshll.u32 s0, $0x1;
	v28 =	vnsel vm0, $0x8000, v26;
	v27 =	vand.u32 $0xFF, v27;
	vm0 =	vcmask $0x1F10  }
0xd: {  	v25 =	vor.u32 $0x170, v0;
	s4 =	sshll.u32 s6, $0xF;
	_ =	strace $0x80000047;
	s26 =	sshll.u32 s6, $0xA;
	v28 =	vsel vm0, v27, v28;
	vm0 =	vcmask $0x2320  }
0xe: {  	s8 =	ssub.s32 $0x2, s25;
	s9 =	sand.u32 $0x2, s9;
	s31 =	sshll.u32 s6, $0x9;
	v26 =	vor.u32 $0x180, v0;
	v29 =	vsel vm0, $0x100, v28;
	vm0 =	vcmask $0x2724  }
0xf: {  	s7 =	sadd.s32 s4, s3;
	s10 =	sadd.s32 s26, s3;
	s28 =	sshrl.u32 s8, $0x1;
	v27 =	vor.u32 $0x190, v0;
	v30 =	vsel vm0, $0x200, v29;
	vm0 =	vcmask $0x2B28  }
.Ltmp0:
0x10: {  	s3 =	sadd.s32 $0x4BC00, s3;
	s29 =	sor.u32 s25, s9;
	v28 =	vor.u32 $0x1A0, v0;
	v31 =	vsel vm0, $0x400, v30;
	vm0 =	vcmask $0x2F2C;
	(pc) =	sbr.rel .LBB2_1-.Ltmp0, $4  }
0x11: {  	s11 =	ssub.s32 s8, s28;
	s30 =	sshll.u32 s29, $0x7;
	s4 =	sadd.s32 $0x49C00, s10;
	v29 =	vor.u32 $0x1B0, v0;
	v32 =	vsel vm0, $0x800, v31;
	vm0 =	vcmask $0x3330  }
0x12: {  	s9 =	sshll.u32 s29, $0xD;
	s5 =	sadd.s32 $0x47C00, s10;
	s6 =	sadd.s32 $0x45C00, s10;
	v30 =	vor.u32 $0x1C0, v0;
	v33 =	vsel vm0, $0x1000, v32;
	vm0 =	vcmask $0x3734  }
0x13: {  	s10 =	simm.s32 $0x1;
	s7 =	sadd.s32 s9, s7;
	s8 =	sor.u32 s31, s30;
	v31 =	vor.u32 $0x1D0, v0;
	v34 =	vsel vm0, $0x2000, v33;
	vm0 =	vcmask $0x3B38  }
0x14: {  	s9 =	smax.u32 s11, $0x1;
	s11 =	simm.s32 $0x2000;
	s7 =	sadd.s32 $0x5C00, s7;
	v32 =	vor.u32 $0x1E0, v0;
	v33 =	vor.u32 $0x1F0, v0;
	v34 =	vsel vm0, $0x4000, v34  }
.LBB2_10:
0x15: {  	s17 =	sadd.s32 $0x1, s17  }
0x16: {  	p0 =	sne.s32 s17, s9  }
.Ltmp1:
0x17: {  	_ = 	snop;
	(pc) =	sbr.rel @!p0 .LBB2_11-.Ltmp1, $1  }
0x18: {  	_ =	sdelay $0x3  }
.LBB2_1:
0x19: {  	[tilespmem:s2], [sflag:$0x1] =	stream.linear.gather [hbm4b:s4+s2], $0x2000, $0x38;
	[tilespmem:$0x18250] =	vst v63  }
0x1a: {  	_ =	swait.ge [sflag:s10], $0x2000  }
0x1b: {  	[sflag:s10] =	ssyncset.done $0x0  }
0x1c: {  	[sflag:s10] =	ssyncadd.s32 $0xFFFFE000  }
0x1d: {  	[tilespmem:s11], [sflag:$0x1] =	stream.linear.gather [hbm4b:s5+s2], $0x2000, $0x38;
	[tilespmem:$0x18250] =	vst v63  }
0x1e: {  	_ =	swait.ge [sflag:s10], $0x2000  }
0x1f: {  	[sflag:s10] =	ssyncset.done $0x0  }
0x20: {  	[sflag:s10] =	ssyncadd.s32 $0xFFFFE000  }
0x21: {  	[tilespmem:s12], [sflag:$0x1] =	stream.linear.gather [hbm4b:s6+s2], $0x2000, $0x38;
	[tilespmem:$0x18250] =	vst v63  }
0x22: {  	_ =	swait.ge [sflag:s10], $0x2000  }
0x23: {  	[sflag:s10] =	ssyncset.done $0x0  }
0x24: {  	[sflag:s10] =	ssyncadd.s32 $0xFFFFE000  }
0x25: {  	[tilespmem:s13], [sflag:$0x1] =	stream.linear.gather [hbm4b:s7+s2], $0x10000, $0x38;
	[tilespmem:$0x18250] =	vst v63  }
0x26: {  	_ =	swait.ge [sflag:s10], $0x10000  }
0x27: {  	[sflag:s10] =	ssyncset.done $0x0  }
0x28: {  	s18 =	simm.s32 $0x0;
	[sflag:s10] =	ssyncadd.s32 $0xFFFF0000  }
.LBB2_2:
0x29: {  	p0 =	sne.s32 s18, $0x7FC0  }
.Ltmp2:
0x2a: {  	_ = 	snop;
	(pc) =	sbr.rel @p0 .LBB2_2-.Ltmp2, $3  }
0x2b: {  	_ =	sdelay $0x1  }
0x2c: {  	s19 =	sshra.s32 s18, $0x2  }
0x2d: {  	s18 =	sadd.s32 $0x40, s18;
	[tilespmem:s19+$0x16250] =	vst v1  }
.Ltmp3:
0x2e: {  	(pc) =	sbr.rel .LBB2_4-.Ltmp3, $2  }
0x2f: {  	_ =	sdelay $0x2  }
0x30: {  	s18 =	simm.s32 $0x0  }
.LBB2_5:
0x31: {  	s19 =	simm.s32 $0x0;
	v47 =	vimm.s32 $0x0;
	v35 =	vld [tilespmem:$0x16000]  }
.LBB2_9:
0x32: {  	_ =	sdelay $0x2  }
0x33: {  	vm0 =	vgt.s32 v47, v0  }
0x34: {  	v35 =	vnsel vm0, s19, v35  }
0x35: {  	s20 =	sand.u32 $0x7, s18  }
0x36: {  	s21 =	sshll.u32 s20, $0x6  }
0x37: {  	v37 =	vmul.u32 $0x10, v0;
	v36 =	vmov s21  }
0x38: {  	v36 =	vshll.u32 v36, $0x4  }
0x39: {  	v36 =	vor.u32 v37, v36;
	v38 =	vld.idx.msk [tilespmem:v35+s2+$0x0], $0xffff  }
0x3a: {  	v40 =	vor.u32 $0x1, v36;
	v39 =	vld.idx.msk [tilespmem:v35+s11+$0x0], $0xffff  }
0x3b: {  	v41 =	vor.u32 $0x2, v36;
	v35 =	vld.idx.msk [tilespmem:v35+s12+$0x0], $0xffff;
	_ =	sdelay $0x2  }
0x3c: {  	[tilespmem:v36+s16+$0x0] =	vst.idx.msk $0xffff, v38  }
0x3d: {  	[tilespmem:v40+s16+$0x0] =	vst.idx.msk $0xffff, v39  }
0x3e: {  	[tilespmem:v41+s16+$0x0] =	vst.idx.msk $0xffff, v35  }
0x3f: {  	v35 =	vld [tilespmem:$0x16010];
	_ =	sdelay $0x3  }
0x40: {  	vm0 =	vgt.s32 v47, v3  }
0x41: {  	v35 =	vnsel vm0, s19, v35;
	_ =	sdelay $0x1  }
0x42: {  	s22 =	sor.u32 $0x10, s21  }
0x43: {  	v54 =	vmov s22  }
0x44: {  	v36 =	vshll.u32 v54, $0x4  }
0x45: {  	v36 =	vor.u32 v37, v36;
	v38 =	vld.idx.msk [tilespmem:v35+s2+$0x0], $0xffff  }
0x46: {  	v55 =	vor.u32 $0x1, v36;
	v39 =	vld.idx.msk [tilespmem:v35+s11+$0x0], $0xffff  }
0x47: {  	v56 =	vor.u32 $0x2, v36;
	v35 =	vld.idx.msk [tilespmem:v35+s12+$0x0], $0xffff;
	_ =	sdelay $0x2  }
0x48: {  	[tilespmem:v36+s16+$0x0] =	vst.idx.msk $0xffff, v38  }
0x49: {  	[tilespmem:v55+s16+$0x0] =	vst.idx.msk $0xffff, v39  }
0x4a: {  	[tilespmem:v56+s16+$0x0] =	vst.idx.msk $0xffff, v35  }
0x4b: {  	v35 =	vld [tilespmem:$0x16020];
	_ =	sdelay $0x3  }
0x4c: {  	vm0 =	vgt.s32 v47, v4  }
0x4d: {  	v35 =	vnsel vm0, s19, v35;
	_ =	sdelay $0x1  }
0x4e: {  	s30 =	sor.u32 $0x20, s21  }
0x4f: {  	v57 =	vmov s30  }
0x50: {  	v36 =	vshll.u32 v57, $0x4  }
0x51: {  	v36 =	vor.u32 v37, v36;
	v38 =	vld.idx.msk [tilespmem:v35+s2+$0x0], $0xffff  }
0x52: {  	v58 =	vor.u32 $0x1, v36;
	v39 =	vld.idx.msk [tilespmem:v35+s11+$0x0], $0xffff  }
0x53: {  	v59 =	vor.u32 $0x2, v36;
	v35 =	vld.idx.msk [tilespmem:v35+s12+$0x0], $0xffff;
	_ =	sdelay $0x2  }
0x54: {  	[tilespmem:v36+s16+$0x0] =	vst.idx.msk $0xffff, v38  }
0x55: {  	[tilespmem:v58+s16+$0x0] =	vst.idx.msk $0xffff, v39  }
0x56: {  	[tilespmem:v59+s16+$0x0] =	vst.idx.msk $0xffff, v35  }
0x57: {  	v35 =	vld [tilespmem:$0x16030];
	_ =	sdelay $0x3  }
0x58: {  	vm0 =	vgt.s32 v47, v5  }
0x59: {  	v35 =	vnsel vm0, s19, v35;
	_ =	sdelay $0x1  }
0x5a: {  	s31 =	sor.u32 $0x30, s21  }
0x5b: {  	v60 =	vmov s31  }
0x5c: {  	v36 =	vshll.u32 v60, $0x4  }
0x5d: {  	v36 =	vor.u32 v37, v36;
	v38 =	vld.idx.msk [tilespmem:v35+s2+$0x0], $0xffff  }
0x5e: {  	v62 =	vor.u32 $0x1, v36;
	v61 =	vld.idx.msk [tilespmem:v35+s11+$0x0], $0xffff  }
0x5f: {  	p0 =	sne.s32 s20, $0x7;
	v63 =	vor.u32 $0x2, v36;
	v35 =	vld.idx.msk [tilespmem:v35+s12+$0x0], $0xffff  }
0x60: {  	s19 =	sadd.s32 @!p0 s8, s18  }
0x61: {  	s19 =	sshll.u32 @!p0 s19, $0xA  }
0x62: {  	s19 =	sadd.s32 @!p0 $0xFFFFE400, s19;
	[tilespmem:v36+s16+$0x0] =	vst.idx.msk $0xffff, v38  }
0x63: {  	s20 =	simm.s32 @!p0 $0x0;
	s18 =	sadd.s32 $0x1, s18;
	s19 =	sshrl.u32 @!p0 s19, $0x3;
	[tilespmem:v62+s16+$0x0] =	vst.idx.msk $0xffff, v61  }
0x64: {  	s21 =	simm.s32 @!p0 $0x16250;
	p1 =	sne.s32 s18, $0x80;
	s19 =	sadd.s32 @!p0 s3, s19;
	[tilespmem:v63+s16+$0x0] =	vst.idx.msk $0xffff, v35  }
0x65: {  	[hbm4b:s19+s20] =	stream.linear.scatter @!p0 [tilespmem:s21], [sflag:$0x1], $0x2000, $0x38;
	[tilespmem:$0x18250] =	vst v63  }
.Ltmp4:
0x66: {  	_ = 	snop;
	(pc) =	sbr.rel @!p1 .LBB2_10-.Ltmp4, $4  }
0x67: {  	s19 =	simm.s32 @!p0 $0x1  }
0x68: {  	_ =	swait.ge @!p0 [sflag:s19], $0x2000  }
0x69: {  	[sflag:s19] =	ssyncset.done @!p0 $0x0  }
0x6a: {  	[sflag:s19] =	ssyncadd.s32 @!p0 $0xFFFFE000  }
.LBB2_4:
0x6b: {  	s20 =	sshll.u32 s18, $0x9  }
0x6c: {  	s19 =	sand.u32 $0x3FFFFE00, s20  }
0x6d: {  	v35 =	vld [tilespmem:s19+$0x6000];
	_ =	sdelay $0x4  }
0x6e: {  	vm0 =	vne.s32 v35, $0x0  }
0x6f: {  	v35 =	vsel vm0, $0x1, v2  }
0x70: {  	(xrf0) =	vadd.scan.msk.s32 $0xffff, v35;
	_ =	sdelay $0x5  }
0x71: {  	v35, _, _ =	vpop (xrf0)  }
0x72: {  	v35 =	vadd.s32 $0xFFFFFFFF, v35;
	_ =	sdelay $0x4  }
0x73: {  	[tilespmem:v35+s14+$0x0] =	vst.idx.msk vm0, v0  }
0x74: {  	v35 =	vld [tilespmem:s19+$0x6010];
	_ =	sdelay $0x4  }
0x75: {  	vm1 =	vne.s32 v35, $0x0  }
0x76: {  	v35 =	vsel vm1, $0x1, v2  }
0x77: {  	(xrf0) =	vadd.scan.msk.s32 $0xffff, v35;
	_ =	sdelay $0x4  }
0x78: {  	v52 =	vmpcnt.ones.xlane vm0  }
0x79: {  	v36, _, _ =	vpop (xrf0)  }
0x7a: {  	v36 =	vadd.s32 v36, v52  }
0x7b: {  	v36 =	vadd.s32 $0xFFFFFFFF, v36;
	_ =	sdelay $0x4  }
0x7c: {  	[tilespmem:v36+s14+$0x0] =	vst.idx.msk vm1, v3  }
0x7d: {  	v36 =	vld [tilespmem:s19+$0x6020];
	_ =	sdelay $0x4  }
0x7e: {  	vm0 =	vne.s32 v36, $0x0  }
0x7f: {  	v36 =	vsel vm0, $0x1, v2  }
0x80: {  	(xrf0) =	vadd.scan.msk.s32 $0xffff, v36;
	_ =	sdelay $0x3  }
0x81: {  	v53 =	vmpcnt.ones.xlane vm1;
	_ =	sdelay $0x1  }
0x82: {  	v35 =	vadd.s32 v52, v53;
	v54, _, _ =	vpop (xrf0)  }
0x83: {  	v36 =	vadd.s32 v54, v35  }
0x84: {  	v36 =	vadd.s32 $0xFFFFFFFF, v36;
	_ =	sdelay $0x4  }
0x85: {  	[tilespmem:v36+s14+$0x0] =	vst.idx.msk vm0, v4  }
0x86: {  	v36 =	vld [tilespmem:s19+$0x6030];
	_ =	sdelay $0x4  }
0x87: {  	vm1 =	vne.s32 v36, $0x0  }
0x88: {  	v36 =	vsel vm1, $0x1, v2  }
0x89: {  	(xrf0) =	vadd.scan.msk.s32 $0xffff, v36;
	_ =	sdelay $0x3  }
0x8a: {  	v55 =	vmpcnt.ones.xlane vm0;
	_ =	sdelay $0x1  }
0x8b: {  	v35 =	vadd.s32 v35, v55;
	v56, _, _ =	vpop (xrf0)  }
0x8c: {  	v36 =	vadd.s32 v56, v35  }
0x8d: {  	v36 =	vadd.s32 $0xFFFFFFFF, v36;
	_ =	sdelay $0x4  }
0x8e: {  	[tilespmem:v36+s14+$0x0] =	vst.idx.msk vm1, v5  }
0x8f: {  	v36 =	vld [tilespmem:s19+$0x6040];
	_ =	sdelay $0x4  }
0x90: {  	vm0 =	vne.s32 v36, $0x0  }
0x91: {  	v36 =	vsel vm0, $0x1, v2  }
0x92: {  	(xrf0) =	vadd.scan.msk.s32 $0xffff, v36;
	_ =	sdelay $0x3  }
0x93: {  	v57 =	vmpcnt.ones.xlane vm1;
	_ =	sdelay $0x1  }
0x94: {  	v35 =	vadd.s32 v35, v57;
	v58, _, _ =	vpop (xrf0)  }
0x95: {  	v36 =	vadd.s32 v58, v35  }
0x96: {  	v36 =	vadd.s32 $0xFFFFFFFF, v36;
	_ =	sdelay $0x4  }
0x97: {  	[tilespmem:v36+s14+$0x0] =	vst.idx.msk vm0, v6  }
0x98: {  	v36 =	vld [tilespmem:s19+$0x6050];
	_ =	sdelay $0x4  }
0x99: {  	vm1 =	vne.s32 v36, $0x0  }
0x9a: {  	v36 =	vsel vm1, $0x1, v2  }
0x9b: {  	(xrf0) =	vadd.scan.msk.s32 $0xffff, v36;
	_ =	sdelay $0x3  }
0x9c: {  	v59 =	vmpcnt.ones.xlane vm0;
	_ =	sdelay $0x1  }
0x9d: {  	v35 =	vadd.s32 v35, v59;
	v60, _, _ =	vpop (xrf0)  }
0x9e: {  	v36 =	vadd.s32 v60, v35  }
0x9f: {  	v36 =	vadd.s32 $0xFFFFFFFF, v36;
	_ =	sdelay $0x4  }
0xa0: {  	[tilespmem:v36+s14+$0x0] =	vst.idx.msk vm1, v7  }
0xa1: {  	v36 =	vld [tilespmem:s19+$0x6060];
	_ =	sdelay $0x4  }
0xa2: {  	vm0 =	vne.s32 v36, $0x0  }
0xa3: {  	v36 =	vsel vm0, $0x1, v2  }
0xa4: {  	(xrf0) =	vadd.scan.msk.s32 $0xffff, v36;
	_ =	sdelay $0x3  }
0xa5: {  	v61 =	vmpcnt.ones.xlane vm1;
	_ =	sdelay $0x1  }
0xa6: {  	v35 =	vadd.s32 v35, v61;
	v62, _, _ =	vpop (xrf0)  }
0xa7: {  	v36 =	vadd.s32 v62, v35  }
0xa8: {  	v36 =	vadd.s32 $0xFFFFFFFF, v36;
	_ =	sdelay $0x4  }
0xa9: {  	[tilespmem:v36+s14+$0x0] =	vst.idx.msk vm0, v8  }
0xaa: {  	v36 =	vld [tilespmem:s19+$0x6070];
	_ =	sdelay $0x4  }
0xab: {  	vm1 =	vne.s32 v36, $0x0  }
0xac: {  	v36 =	vsel vm1, $0x1, v2  }
0xad: {  	(xrf0) =	vadd.scan.msk.s32 $0xffff, v36;
	_ =	sdelay $0x3  }
0xae: {  	v63 =	vmpcnt.ones.xlane vm0;
	_ =	sdelay $0x1  }
0xaf: {  	v35 =	vadd.s32 v35, v63;
	v40, _, _ =	vpop (xrf0)  }
0xb0: {  	v36 =	vadd.s32 v40, v35  }
0xb1: {  	v36 =	vadd.s32 $0xFFFFFFFF, v36;
	_ =	sdelay $0x4  }
0xb2: {  	[tilespmem:v36+s14+$0x0] =	vst.idx.msk vm1, v9  }
0xb3: {  	v36 =	vld [tilespmem:s19+$0x6080];
	_ =	sdelay $0x4  }
0xb4: {  	vm0 =	vne.s32 v36, $0x0  }
0xb5: {  	v36 =	vsel vm0, $0x1, v2  }
0xb6: {  	(xrf0) =	vadd.scan.msk.s32 $0xffff, v36;
	_ =	sdelay $0x3  }
0xb7: {  	v41 =	vmpcnt.ones.xlane vm1;
	_ =	sdelay $0x1  }
0xb8: {  	v35 =	vadd.s32 v35, v41;
	v42, _, _ =	vpop (xrf0)  }
0xb9: {  	v36 =	vadd.s32 v42, v35  }
0xba: {  	v36 =	vadd.s32 $0xFFFFFFFF, v36;
	_ =	sdelay $0x4  }
0xbb: {  	[tilespmem:v36+s14+$0x0] =	vst.idx.msk vm0, v10  }
0xbc: {  	v36 =	vld [tilespmem:s19+$0x6090];
	_ =	sdelay $0x4  }
0xbd: {  	vm1 =	vne.s32 v36, $0x0  }
0xbe: {  	v36 =	vsel vm1, $0x1, v2  }
0xbf: {  	(xrf0) =	vadd.scan.msk.s32 $0xffff, v36;
	_ =	sdelay $0x3  }
0xc0: {  	v43 =	vmpcnt.ones.xlane vm0;
	_ =	sdelay $0x1  }
0xc1: {  	v35 =	vadd.s32 v35, v43;
	v44, _, _ =	vpop (xrf0)  }
0xc2: {  	v36 =	vadd.s32 v44, v35  }
0xc3: {  	v36 =	vadd.s32 $0xFFFFFFFF, v36;
	_ =	sdelay $0x4  }
0xc4: {  	[tilespmem:v36+s14+$0x0] =	vst.idx.msk vm1, v11  }
0xc5: {  	v36 =	vld [tilespmem:s19+$0x60A0];
	_ =	sdelay $0x4  }
0xc6: {  	vm0 =	vne.s32 v36, $0x0  }
0xc7: {  	v36 =	vsel vm0, $0x1, v2  }
0xc8: {  	(xrf0) =	vadd.scan.msk.s32 $0xffff, v36;
	_ =	sdelay $0x3  }
0xc9: {  	v45 =	vmpcnt.ones.xlane vm1;
	_ =	sdelay $0x1  }
0xca: {  	v35 =	vadd.s32 v35, v45;
	v46, _, _ =	vpop (xrf0)  }
0xcb: {  	v36 =	vadd.s32 v46, v35  }
0xcc: {  	v36 =	vadd.s32 $0xFFFFFFFF, v36;
	_ =	sdelay $0x4  }
0xcd: {  	[tilespmem:v36+s14+$0x0] =	vst.idx.msk vm0, v12  }
0xce: {  	v36 =	vld [tilespmem:s19+$0x60B0];
	_ =	sdelay $0x4  }
0xcf: {  	vm1 =	vne.s32 v36, $0x0  }
0xd0: {  	v36 =	vsel vm1, $0x1, v2  }
0xd1: {  	(xrf0) =	vadd.scan.msk.s32 $0xffff, v36;
	_ =	sdelay $0x3  }
0xd2: {  	v47 =	vmpcnt.ones.xlane vm0;
	_ =	sdelay $0x1  }
0xd3: {  	v35 =	vadd.s32 v35, v47;
	v48, _, _ =	vpop (xrf0)  }
0xd4: {  	v36 =	vadd.s32 v48, v35  }
0xd5: {  	v36 =	vadd.s32 $0xFFFFFFFF, v36;
	_ =	sdelay $0x4  }
0xd6: {  	[tilespmem:v36+s14+$0x0] =	vst.idx.msk vm1, v13  }
0xd7: {  	v36 =	vld [tilespmem:s19+$0x60C0];
	_ =	sdelay $0x4  }
0xd8: {  	vm0 =	vne.s32 v36, $0x0  }
0xd9: {  	v36 =	vsel vm0, $0x1, v2  }
0xda: {  	(xrf0) =	vadd.scan.msk.s32 $0xffff, v36;
	_ =	sdelay $0x3  }
0xdb: {  	v49 =	vmpcnt.ones.xlane vm1;
	_ =	sdelay $0x1  }
0xdc: {  	v35 =	vadd.s32 v35, v49;
	v50, _, _ =	vpop (xrf0)  }
0xdd: {  	v36 =	vadd.s32 v50, v35  }
0xde: {  	v36 =	vadd.s32 $0xFFFFFFFF, v36;
	_ =	sdelay $0x4  }
0xdf: {  	[tilespmem:v36+s14+$0x0] =	vst.idx.msk vm0, v14  }
0xe0: {  	v36 =	vld [tilespmem:s19+$0x60D0];
	_ =	sdelay $0x4  }
0xe1: {  	vm1 =	vne.s32 v36, $0x0  }
0xe2: {  	v36 =	vsel vm1, $0x1, v2  }
0xe3: {  	(xrf0) =	vadd.scan.msk.s32 $0xffff, v36;
	_ =	sdelay $0x3  }
0xe4: {  	v51 =	vmpcnt.ones.xlane vm0;
	_ =	sdelay $0x1  }
0xe5: {  	v35 =	vadd.s32 v35, v51;
	v52, _, _ =	vpop (xrf0)  }
0xe6: {  	v36 =	vadd.s32 v52, v35  }
0xe7: {  	v36 =	vadd.s32 $0xFFFFFFFF, v36;
	_ =	sdelay $0x4  }
0xe8: {  	[tilespmem:v36+s14+$0x0] =	vst.idx.msk vm1, v15  }
0xe9: {  	v36 =	vld [tilespmem:s19+$0x60E0];
	_ =	sdelay $0x4  }
0xea: {  	vm0 =	vne.s32 v36, $0x0  }
0xeb: {  	v36 =	vsel vm0, $0x1, v2  }
0xec: {  	(xrf0) =	vadd.scan.msk.s32 $0xffff, v36;
	_ =	sdelay $0x3  }
0xed: {  	v53 =	vmpcnt.ones.xlane vm1;
	_ =	sdelay $0x1  }
0xee: {  	v35 =	vadd.s32 v35, v53;
	v54, _, _ =	vpop (xrf0)  }
0xef: {  	v36 =	vadd.s32 v54, v35  }
0xf0: {  	v36 =	vadd.s32 $0xFFFFFFFF, v36;
	_ =	sdelay $0x4  }
0xf1: {  	[tilespmem:v36+s14+$0x0] =	vst.idx.msk vm0, v16  }
0xf2: {  	v36 =	vld [tilespmem:s19+$0x60F0];
	_ =	sdelay $0x4  }
0xf3: {  	vm1 =	vne.s32 v36, $0x0  }
0xf4: {  	v36 =	vsel vm1, $0x1, v2  }
0xf5: {  	(xrf0) =	vadd.scan.msk.s32 $0xffff, v36;
	_ =	sdelay $0x3  }
0xf6: {  	v55 =	vmpcnt.ones.xlane vm0;
	_ =	sdelay $0x1  }
0xf7: {  	v35 =	vadd.s32 v35, v55;
	v56, _, _ =	vpop (xrf0)  }
0xf8: {  	v36 =	vadd.s32 v56, v35  }
0xf9: {  	v36 =	vadd.s32 $0xFFFFFFFF, v36;
	_ =	sdelay $0x4  }
0xfa: {  	[tilespmem:v36+s14+$0x0] =	vst.idx.msk vm1, v17  }
0xfb: {  	v36 =	vld [tilespmem:s19+$0x6100];
	_ =	sdelay $0x4  }
0xfc: {  	vm0 =	vne.s32 v36, $0x0  }
0xfd: {  	v36 =	vsel vm0, $0x1, v2  }
0xfe: {  	(xrf0) =	vadd.scan.msk.s32 $0xffff, v36;
	_ =	sdelay $0x3  }
0xff: {  	v57 =	vmpcnt.ones.xlane vm1;
	_ =	sdelay $0x1  }
0x100: {  	v35 =	vadd.s32 v35, v57;
	v58, _, _ =	vpop (xrf0)  }
0x101: {  	v36 =	vadd.s32 v58, v35  }
0x102: {  	v36 =	vadd.s32 $0xFFFFFFFF, v36;
	_ =	sdelay $0x4  }
0x103: {  	[tilespmem:v36+s14+$0x0] =	vst.idx.msk vm0, v18  }
0x104: {  	v36 =	vld [tilespmem:s19+$0x6110];
	_ =	sdelay $0x4  }
0x105: {  	vm1 =	vne.s32 v36, $0x0  }
0x106: {  	v36 =	vsel vm1, $0x1, v2  }
0x107: {  	(xrf0) =	vadd.scan.msk.s32 $0xffff, v36;
	_ =	sdelay $0x3  }
0x108: {  	v59 =	vmpcnt.ones.xlane vm0;
	_ =	sdelay $0x1  }
0x109: {  	v35 =	vadd.s32 v35, v59;
	v60, _, _ =	vpop (xrf0)  }
0x10a: {  	v36 =	vadd.s32 v60, v35  }
0x10b: {  	v36 =	vadd.s32 $0xFFFFFFFF, v36;
	_ =	sdelay $0x4  }
0x10c: {  	[tilespmem:v36+s14+$0x0] =	vst.idx.msk vm1, v19  }
0x10d: {  	v36 =	vld [tilespmem:s19+$0x6120];
	_ =	sdelay $0x4  }
0x10e: {  	vm0 =	vne.s32 v36, $0x0  }
0x10f: {  	v36 =	vsel vm0, $0x1, v2  }
0x110: {  	(xrf0) =	vadd.scan.msk.s32 $0xffff, v36;
	_ =	sdelay $0x3  }
0x111: {  	v61 =	vmpcnt.ones.xlane vm1;
	_ =	sdelay $0x1  }
0x112: {  	v35 =	vadd.s32 v35, v61;
	v62, _, _ =	vpop (xrf0)  }
0x113: {  	v36 =	vadd.s32 v62, v35  }
0x114: {  	v36 =	vadd.s32 $0xFFFFFFFF, v36;
	_ =	sdelay $0x4  }
0x115: {  	[tilespmem:v36+s14+$0x0] =	vst.idx.msk vm0, v20  }
0x116: {  	v36 =	vld [tilespmem:s19+$0x6130];
	_ =	sdelay $0x4  }
0x117: {  	vm1 =	vne.s32 v36, $0x0  }
0x118: {  	v36 =	vsel vm1, $0x1, v2  }
0x119: {  	(xrf0) =	vadd.scan.msk.s32 $0xffff, v36;
	_ =	sdelay $0x3  }
0x11a: {  	v63 =	vmpcnt.ones.xlane vm0;
	_ =	sdelay $0x1  }
0x11b: {  	v35 =	vadd.s32 v35, v63;
	v40, _, _ =	vpop (xrf0)  }
0x11c: {  	v36 =	vadd.s32 v40, v35  }
0x11d: {  	v36 =	vadd.s32 $0xFFFFFFFF, v36;
	_ =	sdelay $0x4  }
0x11e: {  	[tilespmem:v36+s14+$0x0] =	vst.idx.msk vm1, v21  }
0x11f: {  	v36 =	vld [tilespmem:s19+$0x6140];
	_ =	sdelay $0x4  }
0x120: {  	vm0 =	vne.s32 v36, $0x0  }
0x121: {  	v36 =	vsel vm0, $0x1, v2  }
0x122: {  	(xrf0) =	vadd.scan.msk.s32 $0xffff, v36;
	_ =	sdelay $0x3  }
0x123: {  	v41 =	vmpcnt.ones.xlane vm1;
	_ =	sdelay $0x1  }
0x124: {  	v35 =	vadd.s32 v35, v41;
	v42, _, _ =	vpop (xrf0)  }
0x125: {  	v36 =	vadd.s32 v42, v35  }
0x126: {  	v36 =	vadd.s32 $0xFFFFFFFF, v36;
	_ =	sdelay $0x4  }
0x127: {  	[tilespmem:v36+s14+$0x0] =	vst.idx.msk vm0, v22  }
0x128: {  	v36 =	vld [tilespmem:s19+$0x6150];
	_ =	sdelay $0x4  }
0x129: {  	vm1 =	vne.s32 v36, $0x0  }
0x12a: {  	v36 =	vsel vm1, $0x1, v2  }
0x12b: {  	(xrf0) =	vadd.scan.msk.s32 $0xffff, v36;
	_ =	sdelay $0x3  }
0x12c: {  	v43 =	vmpcnt.ones.xlane vm0;
	_ =	sdelay $0x1  }
0x12d: {  	v35 =	vadd.s32 v35, v43;
	v44, _, _ =	vpop (xrf0)  }
0x12e: {  	v36 =	vadd.s32 v44, v35  }
0x12f: {  	v36 =	vadd.s32 $0xFFFFFFFF, v36;
	_ =	sdelay $0x4  }
0x130: {  	[tilespmem:v36+s14+$0x0] =	vst.idx.msk vm1, v23  }
0x131: {  	v36 =	vld [tilespmem:s19+$0x6160];
	_ =	sdelay $0x4  }
0x132: {  	vm0 =	vne.s32 v36, $0x0  }
0x133: {  	v36 =	vsel vm0, $0x1, v2  }
0x134: {  	(xrf0) =	vadd.scan.msk.s32 $0xffff, v36;
	_ =	sdelay $0x3  }
0x135: {  	v45 =	vmpcnt.ones.xlane vm1;
	_ =	sdelay $0x1  }
0x136: {  	v35 =	vadd.s32 v35, v45;
	v46, _, _ =	vpop (xrf0)  }
0x137: {  	v36 =	vadd.s32 v46, v35  }
0x138: {  	v36 =	vadd.s32 $0xFFFFFFFF, v36;
	_ =	sdelay $0x4  }
0x139: {  	[tilespmem:v36+s14+$0x0] =	vst.idx.msk vm0, v24  }
0x13a: {  	v36 =	vld [tilespmem:s19+$0x6170];
	_ =	sdelay $0x4  }
0x13b: {  	vm1 =	vne.s32 v36, $0x0  }
0x13c: {  	v36 =	vsel vm1, $0x1, v2  }
0x13d: {  	(xrf0) =	vadd.scan.msk.s32 $0xffff, v36;
	_ =	sdelay $0x3  }
0x13e: {  	v47 =	vmpcnt.ones.xlane vm0;
	_ =	sdelay $0x1  }
0x13f: {  	v35 =	vadd.s32 v35, v47;
	v48, _, _ =	vpop (xrf0)  }
0x140: {  	v36 =	vadd.s32 v48, v35  }
0x141: {  	v36 =	vadd.s32 $0xFFFFFFFF, v36;
	_ =	sdelay $0x4  }
0x142: {  	[tilespmem:v36+s14+$0x0] =	vst.idx.msk vm1, v25  }
0x143: {  	v36 =	vld [tilespmem:s19+$0x6180];
	_ =	sdelay $0x4  }
0x144: {  	vm0 =	vne.s32 v36, $0x0  }
0x145: {  	v36 =	vsel vm0, $0x1, v2  }
0x146: {  	(xrf0) =	vadd.scan.msk.s32 $0xffff, v36;
	_ =	sdelay $0x3  }
0x147: {  	v49 =	vmpcnt.ones.xlane vm1;
	_ =	sdelay $0x1  }
0x148: {  	v35 =	vadd.s32 v35, v49;
	v50, _, _ =	vpop (xrf0)  }
0x149: {  	v36 =	vadd.s32 v50, v35  }
0x14a: {  	v36 =	vadd.s32 $0xFFFFFFFF, v36;
	_ =	sdelay $0x4  }
0x14b: {  	[tilespmem:v36+s14+$0x0] =	vst.idx.msk vm0, v26  }
0x14c: {  	v36 =	vld [tilespmem:s19+$0x6190];
	_ =	sdelay $0x4  }
0x14d: {  	vm1 =	vne.s32 v36, $0x0  }
0x14e: {  	v36 =	vsel vm1, $0x1, v2  }
0x14f: {  	(xrf0) =	vadd.scan.msk.s32 $0xffff, v36;
	_ =	sdelay $0x3  }
0x150: {  	v51 =	vmpcnt.ones.xlane vm0;
	_ =	sdelay $0x1  }
0x151: {  	v35 =	vadd.s32 v35, v51;
	v52, _, _ =	vpop (xrf0)  }
0x152: {  	v36 =	vadd.s32 v52, v35  }
0x153: {  	v36 =	vadd.s32 $0xFFFFFFFF, v36;
	_ =	sdelay $0x4  }
0x154: {  	[tilespmem:v36+s14+$0x0] =	vst.idx.msk vm1, v27  }
0x155: {  	v36 =	vld [tilespmem:s19+$0x61A0];
	_ =	sdelay $0x4  }
0x156: {  	vm0 =	vne.s32 v36, $0x0  }
0x157: {  	v36 =	vsel vm0, $0x1, v2  }
0x158: {  	(xrf0) =	vadd.scan.msk.s32 $0xffff, v36;
	_ =	sdelay $0x3  }
0x159: {  	v53 =	vmpcnt.ones.xlane vm1;
	_ =	sdelay $0x1  }
0x15a: {  	v35 =	vadd.s32 v35, v53;
	v54, _, _ =	vpop (xrf0)  }
0x15b: {  	v36 =	vadd.s32 v54, v35  }
0x15c: {  	v36 =	vadd.s32 $0xFFFFFFFF, v36;
	_ =	sdelay $0x4  }
0x15d: {  	[tilespmem:v36+s14+$0x0] =	vst.idx.msk vm0, v28  }
0x15e: {  	v36 =	vld [tilespmem:s19+$0x61B0];
	_ =	sdelay $0x4  }
0x15f: {  	vm1 =	vne.s32 v36, $0x0  }
0x160: {  	v36 =	vsel vm1, $0x1, v2  }
0x161: {  	(xrf0) =	vadd.scan.msk.s32 $0xffff, v36;
	_ =	sdelay $0x3  }
0x162: {  	v55 =	vmpcnt.ones.xlane vm0;
	_ =	sdelay $0x1  }
0x163: {  	v35 =	vadd.s32 v35, v55;
	v56, _, _ =	vpop (xrf0)  }
0x164: {  	v36 =	vadd.s32 v56, v35  }
0x165: {  	v36 =	vadd.s32 $0xFFFFFFFF, v36;
	_ =	sdelay $0x4  }
0x166: {  	[tilespmem:v36+s14+$0x0] =	vst.idx.msk vm1, v29  }
0x167: {  	v36 =	vld [tilespmem:s19+$0x61C0];
	_ =	sdelay $0x4  }
0x168: {  	vm0 =	vne.s32 v36, $0x0  }
0x169: {  	v36 =	vsel vm0, $0x1, v2  }
0x16a: {  	(xrf0) =	vadd.scan.msk.s32 $0xffff, v36;
	_ =	sdelay $0x3  }
0x16b: {  	v57 =	vmpcnt.ones.xlane vm1;
	_ =	sdelay $0x1  }
0x16c: {  	v35 =	vadd.s32 v35, v57;
	v58, _, _ =	vpop (xrf0)  }
0x16d: {  	v36 =	vadd.s32 v58, v35  }
0x16e: {  	v36 =	vadd.s32 $0xFFFFFFFF, v36;
	_ =	sdelay $0x4  }
0x16f: {  	[tilespmem:v36+s14+$0x0] =	vst.idx.msk vm0, v30  }
0x170: {  	v36 =	vld [tilespmem:s19+$0x61D0];
	_ =	sdelay $0x4  }
0x171: {  	vm1 =	vne.s32 v36, $0x0  }
0x172: {  	v36 =	vsel vm1, $0x1, v2  }
0x173: {  	(xrf0) =	vadd.scan.msk.s32 $0xffff, v36;
	_ =	sdelay $0x3  }
0x174: {  	v59 =	vmpcnt.ones.xlane vm0;
	_ =	sdelay $0x1  }
0x175: {  	v35 =	vadd.s32 v35, v59;
	v60, _, _ =	vpop (xrf0)  }
0x176: {  	v36 =	vadd.s32 v60, v35  }
0x177: {  	v36 =	vadd.s32 $0xFFFFFFFF, v36;
	_ =	sdelay $0x4  }
0x178: {  	[tilespmem:v36+s14+$0x0] =	vst.idx.msk vm1, v31  }
0x179: {  	v36 =	vld [tilespmem:s19+$0x61E0];
	_ =	sdelay $0x4  }
0x17a: {  	vm0 =	vne.s32 v36, $0x0  }
0x17b: {  	v36 =	vsel vm0, $0x1, v2  }
0x17c: {  	(xrf0) =	vadd.scan.msk.s32 $0xffff, v36;
	_ =	sdelay $0x3  }
0x17d: {  	v61 =	vmpcnt.ones.xlane vm1;
	_ =	sdelay $0x1  }
0x17e: {  	v35 =	vadd.s32 v35, v61;
	v62, _, _ =	vpop (xrf0)  }
0x17f: {  	v36 =	vadd.s32 v62, v35  }
0x180: {  	v36 =	vadd.s32 $0xFFFFFFFF, v36;
	_ =	sdelay $0x4  }
0x181: {  	[tilespmem:v36+s14+$0x0] =	vst.idx.msk vm0, v32  }
0x182: {  	v36 =	vld [tilespmem:s19+$0x61F0];
	_ =	sdelay $0x4  }
0x183: {  	v37 =	vmpcnt.ones.xlane vm0;
	vm0 =	vne.s32 v36, $0x0  }
0x184: {  	v36 =	vmpcnt.ones.xlane vm0  }
0x185: {  	v37 =	vadd.s32 v35, v37  }
0x186: {  	v35 =	vadd.s32 v37, v36  }
0x187: {  	(v2sf) =	vpush v35, $0x0;
	_ =	sdelay $0x6  }
0x188: {  	v63 =	vsel vm0, $0x1, v2  }
0x189: {  	(xrf0) =	vadd.scan.msk.s32 $0xffff, v63;
	_ =	sdelay $0x5  }
0x18a: {  	v36, _, _ =	vpop (xrf0)  }
0x18b: {  	v36 =	vadd.s32 v36, v37;
	s19 =	spop (v2sf)  }
0x18c: {  	v36 =	vadd.s32 $0xFFFFFFFF, v36;
	p0 =	sgt.s32 s19, $0x0  }
.Ltmp5:
0x18d: {  	_ = 	snop;
	(pc) =	sbr.rel @!p0 .LBB2_5-.Ltmp5, $2  }
0x18e: {  	_ =	sdelay $0x2  }
0x18f: {  	[tilespmem:v36+s14+$0x0] =	vst.idx.msk vm0, v33  }
0x190: {  	v35 =	vbroadcast v35, $0x0;
	v36 =	vmov s20;
	v47 =	vimm.s32 $0x0;
	s20 =	simm.s32 $0x0;
	s21 =	simm.s32 $0x16040  }
.LBB2_7:
0x191: {  	v37 =	vld [tilespmem:s21+$0x0];
	_ =	sdelay $0x4  }
0x192: {  	v38 =	vor.u32 s20, v0;
	v39 =	vand.u32 $0xFFFFFFF8, v37  }
0x193: {  	vm0 =	vlt.s32 v38, v35;
	v49 =	vand.u32 $0x7, v37;
	v39 =	vadd.s32 v36, v39  }
0x194: {  	v38 =	vor.u32 v49, v39;
	_ =	sdelay $0x4  }
0x195: {  	v40 =	vld.idx.msk [tilespmem:v38+s13+$0x0], vm0;
	_ =	sdelay $0x4  }
0x196: {  	v38 =	vbroadcast v40, $0x0;
	_ =	sdelay $0x1  }
0x197: {  	v38 =	vand.u32 v34, v38  }
0x198: {  	vm0 =	vne.s32 v38, $0x0  }
0x199: {  	v38 =	vsel vm0, $0x1, v2  }
0x19a: {  	(xrf0) =	vadd.scan.msk.s32 $0xffff, v38  }
0x19b: {  	v50 =	vbroadcast v40, $0x1  }
0x19c: {  	s22 =	sadd.s32 $0x1, s20  }
0x19d: {  	vm1 =	vmmov vm3;
	p0 =	slt.s32 s22, s19;
	v38 =	vand.u32 v34, v50  }
0x19e: {  	vm1 =	vmneg @p0 vm1;
	vm2 =	vne.s32 v38, $0x0  }
0x19f: {  	vm2 =	vmand vm1, vm2  }
0x1a0: {  	v52 =	vsel vm2, $0x1, v2;
	v51, _, _ =	vpop (xrf0)  }
0x1a1: {  	(xrf0) =	vadd.scan.msk.s32 $0xffff, v52;
	v38 =	vadd.s32 v51, v47  }
0x1a2: {  	v53 =	vbroadcast v40, $0x2;
	v38 =	vadd.s32 $0xFFFFFFFF, v38  }
0x1a3: {  	s25 =	sadd.s32 $0x2, s20;
	v41 =	vimm.s32 $0x0;
	vm1 =	vlt.s32 v38, $0x40  }
0x1a4: {  	p0 =	slt.s32 s25, s19;
	v39 =	vand.u32 v34, v53;
	vm1 =	vmand vm0, vm1;
	vm0 =	vmmov vm3  }
0x1a5: {  	vm3 =	vne.s32 v39, $0x0;
	v54 =	vmpcnt.ones.xlane vm1;
	vm0 =	vmneg @p0 vm0  }
0x1a6: {  	v41 =	vsel vm1, $0xFFFFFFFF, v41;
	vm0 =	vmand vm0, vm3  }
0x1a7: {  	[tilespmem:$0x1FFF0] =	vst v41;
	v55, _, _ =	vpop (xrf0);
	v41 =	vadd.s32 v47, v54;
	v42 =	vsel vm0, $0x1, v2  }
0x1a8: {  	v39 =	vadd.s32 v55, v41;
	(xrf0) =	vadd.scan.msk.s32 $0xffff, v42  }
0x1a9: {  	v56 =	vbroadcast v40, $0x3;
	v39 =	vadd.s32 $0xFFFFFFFF, v39  }
0x1aa: {  	s26 =	sadd.s32 $0x3, s20;
	vm3 =	vlt.s32 v39, $0x40  }
0x1ab: {  	p0 =	slt.s32 s26, s19;
	v42 =	vand.u32 v34, v56;
	vm2 =	vmand vm2, vm3;
	vm3 =	vmxor vm3, vm3  }
0x1ac: {  	vm4 =	vne.s32 v42, $0x0;
	v43 =	vmpcnt.ones.xlane vm2;
	vm3 =	vmneg @p0 vm3  }
0x1ad: {  	vm4 =	vmand vm3, vm4  }
0x1ae: {  	v57 =	vadd.s32 v41, v43;
	v58, _, _ =	vpop (xrf0);
	v59 =	vsel vm4, $0x1, v2  }
0x1af: {  	v41 =	vadd.s32 v58, v57;
	(xrf0) =	vadd.scan.msk.s32 $0xffff, v59  }
0x1b0: {  	v60 =	vbroadcast v40, $0x4;
	v41 =	vadd.s32 $0xFFFFFFFF, v41  }
0x1b1: {  	s28 =	sadd.s32 $0x4, s20;
	vm3 =	vlt.s32 v41, $0x40  }
0x1b2: {  	p0 =	slt.s32 s28, s19;
	v43 =	vand.u32 v34, v60;
	vm3 =	vmand vm0, vm3;
	vm0 =	vmxor vm0, vm0  }
0x1b3: {  	vm5 =	vne.s32 v43, $0x0;
	v44 =	vmpcnt.ones.xlane vm3;
	vm0 =	vmneg @p0 vm0  }
0x1b4: {  	vm0 =	vmand vm0, vm5  }
0x1b5: {  	v61 =	vadd.s32 v57, v44;
	v62, _, _ =	vpop (xrf0);
	v63 =	vsel vm0, $0x1, v2  }
0x1b6: {  	v42 =	vadd.s32 v61, v62;
	(xrf0) =	vadd.scan.msk.s32 $0xffff, v63  }
0x1b7: {  	v48 =	vbroadcast v40, $0x5;
	v42 =	vadd.s32 $0xFFFFFFFF, v42  }
0x1b8: {  	s29 =	sadd.s32 $0x5, s20;
	vm5 =	vlt.s32 v42, $0x40  }
0x1b9: {  	p0 =	slt.s32 s29, s19;
	v44 =	vand.u32 v34, v48;
	vm4 =	vmand vm4, vm5;
	vm5 =	vmxor vm5, vm5  }
0x1ba: {  	vm6 =	vne.s32 v44, $0x0;
	v45 =	vmpcnt.ones.xlane vm4;
	vm5 =	vmneg @p0 vm5  }
0x1bb: {  	vm6 =	vmand vm5, vm6  }
0x1bc: {  	v49 =	vadd.s32 v61, v45;
	v50, _, _ =	vpop (xrf0);
	v51 =	vsel vm6, $0x1, v2  }
0x1bd: {  	v43 =	vadd.s32 v49, v50;
	(xrf0) =	vadd.scan.msk.s32 $0xffff, v51  }
0x1be: {  	v52 =	vbroadcast v40, $0x6;
	v43 =	vadd.s32 $0xFFFFFFFF, v43  }
0x1bf: {  	s30 =	sadd.s32 $0x6, s20;
	vm5 =	vlt.s32 v43, $0x40  }
0x1c0: {  	p0 =	slt.s32 s30, s19;
	v45 =	vand.u32 v34, v52;
	vm5 =	vmand vm0, vm5;
	vm0 =	vmxor vm0, vm0  }
0x1c1: {  	vm7 =	vne.s32 v45, $0x0;
	v46 =	vmpcnt.ones.xlane vm5;
	vm0 =	vmneg @p0 vm0  }
0x1c2: {  	vm0 =	vmand vm0, vm7  }
0x1c3: {  	v53 =	vadd.s32 v49, v46;
	v54, _, _ =	vpop (xrf0);
	v55 =	vsel vm0, $0x1, v2  }
0x1c4: {  	v44 =	vadd.s32 v53, v54;
	(xrf0) =	vadd.scan.msk.s32 $0xffff, v55  }
0x1c5: {  	v56 =	vbroadcast v40, $0x7;
	v44 =	vadd.s32 $0xFFFFFFFF, v44  }
0x1c6: {  	s31 =	sadd.s32 $0x7, s20;
	vm10 =	vlt.s32 v44, $0x40  }
0x1c7: {  	p0 =	slt.s32 s31, s19;
	v46 =	vand.u32 v34, v56;
	vm6 =	vmand vm6, vm10;
	vm7 =	vmxor vm10, vm10  }
0x1c8: {  	vm8 =	vne.s32 v46, $0x0;
	v57 =	vmpcnt.ones.xlane vm6;
	vm7 =	vmneg @p0 vm7  }
0x1c9: {  	vm8 =	vmand vm7, vm8  }
0x1ca: {  	v58 =	vadd.s32 v53, v57;
	v59, _, _ =	vpop (xrf0);
	v60 =	vsel vm8, $0x1, v2  }
0x1cb: {  	v45 =	vadd.s32 v58, v59;
	(xrf0) =	vadd.scan.msk.s32 $0xffff, v60  }
0x1cc: {  	v61 =	vbroadcast v40, $0x8;
	v45 =	vadd.s32 $0xFFFFFFFF, v45  }
0x1cd: {  	s23 =	sadd.s32 $0x8, s20;
	vm11 =	vlt.s32 v45, $0x40  }
0x1ce: {  	v47 =	vand.u32 v34, v61;
	p0 =	slt.s32 s23, s19;
	vm7 =	vmand vm0, vm11;
	vm0 =	vmxor vm0, vm0  }
0x1cf: {  	vm9 =	vne.s32 v47, $0x0;
	v48 =	vmpcnt.ones.xlane vm7;
	vm0 =	vmneg @p0 vm0  }
0x1d0: {  	vm0 =	vmand vm0, vm9  }
0x1d1: {  	v62 =	vadd.s32 v58, v48;
	v63, _, _ =	vpop (xrf0);
	v52 =	vsel vm0, $0x1, v2  }
0x1d2: {  	v46 =	vadd.s32 v62, v63;
	(xrf0) =	vadd.scan.msk.s32 $0xffff, v52  }
0x1d3: {  	v53 =	vbroadcast v40, $0x9;
	v46 =	vadd.s32 $0xFFFFFFFF, v46  }
0x1d4: {  	s24 =	sadd.s32 $0x9, s20;
	vm12 =	vlt.s32 v46, $0x40  }
0x1d5: {  	p0 =	slt.s32 s24, s19;
	v48 =	vand.u32 v34, v53;
	vm8 =	vmand vm8, vm12;
	vm9 =	vmxor vm12, vm12  }
0x1d6: {  	vm10 =	vne.s32 v48, $0x0;
	v49 =	vmpcnt.ones.xlane vm8;
	vm9 =	vmneg @p0 vm9  }
0x1d7: {  	vm10 =	vmand vm9, vm10  }
0x1d8: {  	v47 =	vadd.s32 v62, v49;
	v54, _, _ =	vpop (xrf0);
	v55 =	vsel vm10, $0x1, v2  }
0x1d9: {  	v48 =	vadd.s32 v47, v54;
	(xrf0) =	vadd.scan.msk.s32 $0xffff, v55  }
0x1da: {  	v56 =	vbroadcast v40, $0xA;
	v48 =	vadd.s32 $0xFFFFFFFF, v48  }
0x1db: {  	s25 =	sadd.s32 $0xA, s20;
	vm13 =	vlt.s32 v48, $0x40  }
0x1dc: {  	p0 =	slt.s32 s25, s19;
	v49 =	vand.u32 v34, v56;
	vm9 =	vmand vm0, vm13;
	vm0 =	vmxor vm0, vm0  }
0x1dd: {  	vm11 =	vne.s32 v49, $0x0;
	v50 =	vmpcnt.ones.xlane vm9;
	vm0 =	vmneg @p0 vm0  }
0x1de: {  	vm0 =	vmand vm0, vm11  }
0x1df: {  	v47 =	vadd.s32 v47, v50;
	v57, _, _ =	vpop (xrf0);
	v58 =	vsel vm0, $0x1, v2  }
0x1e0: {  	v49 =	vadd.s32 v47, v57;
	(xrf0) =	vadd.scan.msk.s32 $0xffff, v58  }
0x1e1: {  	v59 =	vbroadcast v40, $0xB;
	v49 =	vadd.s32 $0xFFFFFFFF, v49  }
0x1e2: {  	s26 =	sadd.s32 $0xB, s20;
	vm14 =	vlt.s32 v49, $0x40  }
0x1e3: {  	p0 =	slt.s32 s26, s19;
	v50 =	vand.u32 v34, v59;
	vm10 =	vmand vm10, vm14;
	vm11 =	vmxor vm14, vm14  }
0x1e4: {  	vm12 =	vne.s32 v50, $0x0;
	v51 =	vmpcnt.ones.xlane vm10;
	vm11 =	vmneg @p0 vm11  }
0x1e5: {  	vm12 =	vmand vm11, vm12  }
0x1e6: {  	v47 =	vadd.s32 v47, v51;
	v60, _, _ =	vpop (xrf0);
	v61 =	vsel vm12, $0x1, v2  }
0x1e7: {  	v50 =	vadd.s32 v47, v60;
	(xrf0) =	vadd.scan.msk.s32 $0xffff, v61  }
0x1e8: {  	v62 =	vbroadcast v40, $0xC;
	v50 =	vadd.s32 $0xFFFFFFFF, v50  }
0x1e9: {  	s28 =	sadd.s32 $0xC, s20;
	vm15 =	vlt.s32 v50, $0x40  }
0x1ea: {  	p0 =	slt.s32 s28, s19;
	v51 =	vand.u32 v34, v62;
	vm11 =	vmand vm0, vm15;
	vm0 =	vmxor vm0, vm0  }
0x1eb: {  	vm13 =	vne.s32 v51, $0x0;
	v52 =	vmpcnt.ones.xlane vm11;
	vm0 =	vmneg @p0 vm0  }
0x1ec: {  	vm0 =	vmand vm0, vm13  }
0x1ed: {  	v47 =	vadd.s32 v47, v52;
	v63, _, _ =	vpop (xrf0);
	v56 =	vsel vm0, $0x1, v2  }
0x1ee: {  	v51 =	vadd.s32 v47, v63;
	(xrf0) =	vadd.scan.msk.s32 $0xffff, v56  }
0x1ef: {  	v57 =	vbroadcast v40, $0xD;
	v51 =	vadd.s32 $0xFFFFFFFF, v51  }
0x1f0: {  	s29 =	sadd.s32 $0xD, s20;
	vm13 =	vlt.s32 v51, $0x40  }
0x1f1: {  	p0 =	slt.s32 s29, s19;
	v52 =	vand.u32 v34, v57;
	vm12 =	vmand vm12, vm13;
	vm13 =	vmxor vm13, vm13  }
0x1f2: {  	vm14 =	vne.s32 v52, $0x0;
	v53 =	vmpcnt.ones.xlane vm12;
	vm13 =	vmneg @p0 vm13  }
0x1f3: {  	vm14 =	vmand vm13, vm14  }
0x1f4: {  	v47 =	vadd.s32 v47, v53;
	v58, _, _ =	vpop (xrf0);
	v59 =	vsel vm14, $0x1, v2  }
0x1f5: {  	v52 =	vadd.s32 v47, v58;
	(xrf0) =	vadd.scan.msk.s32 $0xffff, v59  }
0x1f6: {  	v60 =	vbroadcast v40, $0xE;
	v52 =	vadd.s32 $0xFFFFFFFF, v52  }
0x1f7: {  	s30 =	sadd.s32 $0xE, s20;
	vm13 =	vlt.s32 v52, $0x40  }
0x1f8: {  	p0 =	slt.s32 s30, s19;
	v53 =	vand.u32 v34, v60;
	vm13 =	vmand vm0, vm13;
	vm0 =	vmxor vm0, vm0  }
0x1f9: {  	vm15 =	vne.s32 v53, $0x0;
	v54 =	vmpcnt.ones.xlane vm13;
	vm0 =	vmneg @p0 vm0  }
0x1fa: {  	vm0 =	vmand vm0, vm15  }
0x1fb: {  	v47 =	vadd.s32 v47, v54;
	v61, _, _ =	vpop (xrf0);
	v62 =	vsel vm0, $0x1, v2  }
0x1fc: {  	v53 =	vadd.s32 v47, v61;
	(xrf0) =	vadd.scan.msk.s32 $0xffff, v62  }
0x1fd: {  	v40 =	vbroadcast v40, $0xF;
	v53 =	vadd.s32 $0xFFFFFFFF, v53  }
0x1fe: {  	s31 =	sadd.s32 $0xF, s20;
	vm15 =	vlt.s32 v53, $0x40  }
0x1ff: {  	v40 =	vand.u32 v34, v40;
	p0 =	slt.s32 s31, s19;
	vm14 =	vmand vm14, vm15;
	vm15 =	vmxor vm15, vm15  }
0x200: {  	vm1 =	vne.s32 v40, $0x0;
	v63 =	vmpcnt.ones.xlane vm14;
	vm15 =	vmneg @p0 vm15  }
0x201: {  	vm1 =	vmand vm15, vm1  }
0x202: {  	v57 =	vadd.s32 v47, v63;
	v58, _, _ =	vpop (xrf0);
	v59 =	vsel vm1, $0x1, v2  }
0x203: {  	v47 =	vadd.s32 v57, v58;
	(xrf0) =	vadd.scan.msk.s32 $0xffff, v59  }
0x204: {  	v54 =	vadd.s32 $0xFFFFFFFF, v47  }
0x205: {  	vm15 =	vlt.s32 v54, $0x40  }
0x206: {  	vm15 =	vmand vm0, vm15  }
0x207: {  	v60 =	vmpcnt.ones.xlane vm15;
	_ =	sdelay $0x1  }
0x208: {  	v40 =	vadd.s32 v57, v60;
	v61, _, _ =	vpop (xrf0)  }
0x209: {  	v47 =	vadd.s32 v40, v61  }
0x20a: {  	v55 =	vadd.s32 $0xFFFFFFFF, v47  }
0x20b: {  	vm0 =	vlt.s32 v55, $0x40  }
0x20c: {  	v58 =	vld [tilespmem:$0x1FFF0];
	vm0 =	vmand vm1, vm0  }
0x20d: {  	v62 =	vmpcnt.ones.xlane vm0  }
0x20e: {  	v37 =	vshll.u32 v37, $0x4  }
0x20f: {  	(v2sf) =	vpush v37, $0xF;
	v47 =	vadd.s32 v40, v62  }
0x210: {  	(v2sf) =	vpush v47, $0x0  }
0x211: {  	vm1 =	vnez.u8 v58;
	_ =	sdelay $0x2  }
0x212: {  	v63 =	vbroadcast v37, $0x0  }
0x213: {  	v56 =	vbroadcast v37, $0x1  }
0x214: {  	v57 =	vbroadcast v37, $0x2;
	v40 =	vor.u32 v0, v63  }
0x215: {  	v59 =	vor.u32 v0, v56;
	v60 =	vbroadcast v37, $0x3;
	[tilespmem:v38+s15+$0x0] =	vst.idx.msk vm1, v40  }
0x216: {  	v61 =	vor.u32 v0, v57;
	v62 =	vbroadcast v37, $0x4;
	[tilespmem:v39+s15+$0x0] =	vst.idx.msk vm2, v59  }
0x217: {  	v56 =	vbroadcast v37, $0x5;
	v63 =	vor.u32 v0, v60;
	[tilespmem:v41+s15+$0x0] =	vst.idx.msk vm3, v61  }
0x218: {  	v58 =	vbroadcast v37, $0x6;
	v57 =	vor.u32 v0, v62;
	[tilespmem:v42+s15+$0x0] =	vst.idx.msk vm4, v63  }
0x219: {  	v60 =	vbroadcast v37, $0x7;
	v59 =	vor.u32 v0, v56;
	[tilespmem:v43+s15+$0x0] =	vst.idx.msk vm5, v57  }
0x21a: {  	v62 =	vbroadcast v37, $0x8;
	v61 =	vor.u32 v0, v58;
	[tilespmem:v44+s15+$0x0] =	vst.idx.msk vm6, v59  }
0x21b: {  	v63 =	vor.u32 v0, v60;
	v44 =	vbroadcast v37, $0x9;
	[tilespmem:v45+s15+$0x0] =	vst.idx.msk vm7, v61  }
0x21c: {  	s20 =	sadd.s32 $0x10, s20;
	s23 =	spop (v2sf);
	v45 =	vor.u32 v0, v62;
	[tilespmem:v46+s15+$0x0] =	vst.idx.msk vm8, v63;
	v46 =	vbroadcast v37, $0xA  }
0x21d: {  	p0 =	sge.s32 s20, s19;
	v56 =	vbroadcast v37, $0xB;
	[tilespmem:v48+s15+$0x0] =	vst.idx.msk vm9, v45;
	v48 =	vor.u32 v0, v44;
	s22 =	spop (v2sf)  }
0x21e: {  	v58 =	vbroadcast v37, $0xC;
	[tilespmem:v49+s15+$0x0] =	vst.idx.msk vm10, v48;
	v57 =	vor.u32 v0, v46;
	p1 =	slt.s32 @!p0 s22, $0x40  }
0x21f: {  	v60 =	vbroadcast v37, $0xD;
	v59 =	vor.u32 v0, v56;
	[tilespmem:v50+s15+$0x0] =	vst.idx.msk vm11, v57;
	p0 =	por p0, !p1  }
.Ltmp6:
0x220: {  	v61 =	vor.u32 v0, v58;
	v37 =	vbroadcast v37, $0xE;
	[tilespmem:v51+s15+$0x0] =	vst.idx.msk vm12, v59;
	(pc) =	sbr.rel @!p0 .LBB2_7-.Ltmp6, $4  }
0x221: {  	v62 =	vor.u32 v0, v60;
	[tilespmem:v52+s15+$0x0] =	vst.idx.msk vm13, v61  }
0x222: {  	v37 =	vor.u32 v0, v37;
	[tilespmem:v53+s15+$0x0] =	vst.idx.msk vm14, v62  }
0x223: {  	v63 =	vor.u32 s23, v0;
	[tilespmem:v54+s15+$0x0] =	vst.idx.msk vm15, v37  }
0x224: {  	s21 =	sadd.s32 $0x10, s21;
	vm3 =	vmxor vm3, vm3;
	[tilespmem:v55+s15+$0x0] =	vst.idx.msk vm0, v63  }
0x225: {  	v35 =	vld [tilespmem:$0x16000];
	_ =	sdelay $0x4  }
0x226: {  	(v2sf) =	vpush v35, $0x0;
	_ =	sdelay $0xb  }
.Ltmp7:
0x227: {  	_ = 	snop;
	(pc) =	sbr.rel .LBB2_9-.Ltmp7, $3  }
0x228: {  	_ =	sdelay $0x1  }
0x229: {  	p0 =	sgt.s32 s22, $0x0;
	s19 =	spop (v2sf)  }
0x22a: {  	s19 =	simm.s32 @!p0 $0x0  }
.LBB2_11:
0x22b: {  	_ =	sfence.sel $0x180000  }
0x22c: {  	[bflag:$0x0] =	sbarrier.arrive $0xFFFF  }
0x22d: {  	p0 =	sne.s32 s0, $0x0;
	_ =	strace $0x90000047  }
0x22e: {  	s0 =	sadd.s32 @!p0 $0x100000, s1;
	[bflag:$0x2] =	sbarrier.arrive $0xFFFF  }
0x22f: {  	[sflag:s0] =	ssyncadd.tile.s32 @!p0 $0x1;
	_ =	shalt  }
.Lfunc_end2:
_tile_overlayer_lowered:
.L_overlay_start_2:
0x230: {  	(tag) =	ssettag $0x2  }
0x231: {  	s0 =	rddreg [dreg:$0x0];
	s2 =	stileid.u32  }
0x232: {  	s1 =	rddreg [dreg:$0x1];
	p0 =	sne.s32 s2, $0x0  }
0x233: {  	s3 =	rddreg [dreg:$0x2];
	[bflag:$0x3] =	sbarrier.arrive $0xFFFF;
	s2 =	simm.s32 @!p0 $0x1C01  }
0x234: {  	[timem:s3], [sflag:s2] =	dma.local @!p0 [hbm:s0], s1  }
0x235: {  	s0 =	simm.s32 @!p0 $0x1  }
0x236: {  	_ =	swait.ge @!p0 [sflag:s0], s1  }
0x237: {  	s1 =	ssub.s32 @!p0 $0x0, s1;
	[sflag:s0] =	ssyncset.done @!p0 $0x0  }
0x238: {  	[sflag:s0] =	ssyncadd.s32 @!p0 s1  }
0x239: {  	[bflag:$0x3] =	sbarrier.arrive $0xFFFF  }
0x23a: {  	_ =	shalt  }

// kernel: kernel.16.cloned.1.call-start
scs
__scs_entry_jumppad:
0x0: {  	(pc) =	sbr.rel $0x88, $3  }
0x1: {  	(tag) =	ssettag $0x0;
	lr =	simm.s32 $0x1  }
0x2: {  	[smem:$0x3F7C] =	sst lr;
	_ =	strace $0xD0000000  }
0x3: {  	_ = 	snop  }
0x4: {  	_ = 	snop  }
0x5: {  	_ = 	snop  }
0x6: {  	_ = 	snop  }
0x7: {  	_ = 	snop  }
__scs_overlays_trampoline_lowered:
0x8: {  	[smem:$0x3F8B] =	sst s0  }
0x9: {  	[smem:$0x3F8C] =	sst s1  }
0xa: {  	[smem:$0x3F8D] =	sst s2  }
0xb: {  	[smem:$0x3F8E] =	sst s3  }
0xc: {  	[smem:$0x3F8F] =	sst s4  }
0xd: {  	[smem:$0x3F90] =	sst s5  }
0xe: {  	[smem:$0x3F91] =	sst s6  }
0xf: {  	[smem:$0x3F92] =	sst s7  }
0x10: {  	[smem:$0x3F93] =	sst s8  }
0x11: {  	[smem:$0x3F94] =	sst s9;
	s0 =	simm.s32 @!p0 $0x0  }
0x12: {  	s1 =	sld [smem:$0x3F7A];
	s0 =	simm.s32 @p0 $0x1  }
0x13: {  	[smem:$0x3F95] =	sst s0;
	s0 =	simm.s32 @!p1 $0x0  }
0x14: {  	s2 =	sld [smem:$0x3F79];
	s0 =	simm.s32 @p1 $0x1  }
0x15: {  	[smem:$0x3F96] =	sst s0;
	s0 =	simm.s32 @!p2 $0x0  }
0x16: {  	s3 =	sld [smem:$0x3FDB];
	s0 =	simm.s32 @p2 $0x1  }
0x17: {  	s4 =	simm.s32 $0x1BF5;
	[smem:$0x3F98] =	sst s0  }
0x18: {  	s0 =	sld [smem:$0x3F7B];
	_ =	swait.ge [sflag:s4], $0x0  }
0x19: {  	s7 =	sld [smem:$0x3F7C]  }
0x1a: {  	s8 =	sadd.s32 $0xFFFFE003, lr  }
0x1b: {  	s9 =	sadd.s32 $0xFFFFFEF7, lr;
	s5 =	simm.s32 $0xFFFFFFFF;
	p2 =	slt.u32 s8, $0xFFFFF086  }
0x1c: {  	p1 =	slt.u32 s9, $0xF7A;
	s5 =	simm.s32 @!p2 $0x0  }
0x1d: {  	s5 =	simm.s32 @p1 $0x1;
	p0 =	seq.s32 s7, s2  }
0x1e: {  	s7 =	smul.u32 @!p0 $0xF7A, s2;
	p2 =	seq.s32 @!p0 s5, $0x0  }
0x1f: {  	s9 =	smul.u32 $0xF7A, s1;
	s8 =	simm.s32 @!p0 $0x1BF5;
	p2 =	por !p2, p0  }
0x20: {  	[sflag:s8] =	ssyncset.s32 @!p0 $0xFFFFF086;
	s6 =	sadd.s32 @!p0 s3, s7;
	s7 =	simm.s32 @!p0 $0x108  }
0x21: {  	s3 =	sadd.s32 s3, s9;
	s6 =	sadd.s32 @!p0 $0x88, s6;
	s7 =	simm.s32 @p2 $0x1082  }
0x22: {  	[simem:s7], [sflag:s8] =	dma.local @!p0 [hbm:s6], $0xF7A  }
0x23: {  	s9 =	sor.u32 $0xD0000000, s2;
	s6 =	simm.s32 $0x108;
	_ =	swait.ge @!p0 [sflag:s8], $0x0  }
0x24: {  	s3 =	sadd.s32 $0x88, s3;
	s6 =	simm.s32 @!p1 $0x1082;
	[sflag:s4] =	ssyncset.s32 $0xFFFFF086  }
0x25: {  	[simem:s6], [sflag:s4] =	dma.local [hbm:s3], $0xF7A  }
0x26: {  	[smem:$0x3F7C] =	sst s1;
	(tag) =	ssettag s2;
	_ =	strace s9  }
0x27: {  	s1 =	sld [smem:$0x3F8C]  }
0x28: {  	s2 =	sld [smem:$0x3F8D]  }
0x29: {  	s4 =	sld [smem:$0x3F8F]  }
0x2a: {  	p0 =	seq.s32 s5, $0x0;
	s5 =	sld [smem:$0x3F90]  }
0x2b: {  	s6 =	sld [smem:$0x3F91]  }
0x2c: {  	s7 =	sld [smem:$0x3F92]  }
0x2d: {  	s3 =	simm.s32 $0x108;
	s8 =	sld [smem:$0x3F93]  }
0x2e: {  	s3 =	simm.s32 @!p0 $0x1082;
	s9 =	sld [smem:$0x3F94]  }
0x2f: {  	lr =	sadd.s32 s0, s3;
	s0 =	sld [smem:$0x3F8B]  }
0x30: {  	s3 =	sld [smem:$0x3F8E]  }
0x31: {  	[smem:$0x3F97] =	sst s10  }
0x32: {  	s10 =	sld [smem:$0x3F95];
	_ =	sdelay $0x3  }
0x33: {  	p0 =	seq.s32 s10, $0x1;
	s10 =	sld [smem:$0x3F97];
	_ =	sdelay $0x3  }
0x34: {  	[smem:$0x3F97] =	sst s10  }
0x35: {  	s10 =	sld [smem:$0x3F96];
	_ =	sdelay $0x3  }
0x36: {  	p1 =	seq.s32 s10, $0x1;
	s10 =	sld [smem:$0x3F97];
	_ =	sdelay $0x3  }
0x37: {  	[smem:$0x3F97] =	sst s10  }
0x38: {  	s10 =	sld [smem:$0x3F98]  }
0x39: {  	_ = 	snop;
	(pc) =	sbr.ind lr, $3  }
0x3a: {  	_ = 	snop  }
0x3b: {  	_ = 	snop  }
0x3c: {  	p2 =	seq.s32 s10, $0x1;
	s10 =	sld [smem:$0x3F97]  }
0x3d: {  	_ =	shalt  }
0x3e: {  	_ =	shalt  }
0x3f: {  	_ =	shalt  }
0x40: {  	_ =	shalt  }
0x41: {  	_ =	shalt  }
0x42: {  	_ =	shalt  }
0x43: {  	_ =	shalt  }
0x44: {  	_ =	shalt  }
0x45: {  	_ =	shalt  }
0x46: {  	_ =	shalt  }
0x47: {  	_ =	shalt  }
0x48: {  	_ =	shalt  }
0x49: {  	_ =	shalt  }
0x4a: {  	_ =	shalt  }
0x4b: {  	_ =	shalt  }
0x4c: {  	_ =	shalt  }
0x4d: {  	_ =	shalt  }
0x4e: {  	_ =	shalt  }
0x4f: {  	_ =	shalt  }
0x50: {  	_ =	shalt  }
0x51: {  	_ =	shalt  }
0x52: {  	_ =	shalt  }
0x53: {  	_ =	shalt  }
0x54: {  	_ =	shalt  }
0x55: {  	_ =	shalt  }
0x56: {  	_ =	shalt  }
0x57: {  	_ =	shalt  }
0x58: {  	_ =	shalt  }
0x59: {  	_ =	shalt  }
0x5a: {  	_ =	shalt  }
0x5b: {  	_ =	shalt  }
0x5c: {  	_ =	shalt  }
0x5d: {  	_ =	shalt  }
0x5e: {  	_ =	shalt  }
0x5f: {  	_ =	shalt  }
0x60: {  	_ =	shalt  }
0x61: {  	_ =	shalt  }
0x62: {  	_ =	shalt  }
0x63: {  	_ =	shalt  }
0x64: {  	_ =	shalt  }
0x65: {  	_ =	shalt  }
0x66: {  	_ =	shalt  }
0x67: {  	_ =	shalt  }
0x68: {  	_ =	shalt  }
0x69: {  	_ =	shalt  }
0x6a: {  	_ =	shalt  }
0x6b: {  	_ =	shalt  }
0x6c: {  	_ =	shalt  }
0x6d: {  	_ =	shalt  }
0x6e: {  	_ =	shalt  }
0x6f: {  	_ =	shalt  }
0x70: {  	_ =	shalt  }
0x71: {  	_ =	shalt  }
0x72: {  	_ =	shalt  }
0x73: {  	_ =	shalt  }
0x74: {  	_ =	shalt  }
0x75: {  	_ =	shalt  }
0x76: {  	_ =	shalt  }
0x77: {  	_ =	shalt  }
0x78: {  	_ =	shalt  }
0x79: {  	_ =	shalt  }
0x7a: {  	_ =	shalt  }
0x7b: {  	_ =	shalt  }
0x7c: {  	_ =	shalt  }
0x7d: {  	_ =	shalt  }
0x7e: {  	_ =	shalt  }
0x7f: {  	_ =	shalt  }
0x80: {  	_ =	shalt  }
0x81: {  	_ =	shalt  }
0x82: {  	_ =	shalt  }
0x83: {  	_ =	shalt  }
0x84: {  	_ =	shalt  }
0x85: {  	_ =	shalt  }
0x86: {  	_ =	shalt  }
0x87: {  	_ =	shalt  }
.Lfunc_end0:
.L_simem_size_0:
called_computation.1_lowered:
.L_overlay_start_0:
0x88: {  	s2 =	sld [smem:$0x3FD9]  }
0x89: {  	s3 =	sld [smem:$0x3FFE];
	_ =	sdelay $0x1  }
0x8a: {  	s1 =	srdreg.scid  }
0x8b: {  	s0 =	sand.u32 $0x1, s1  }
0x8c: {  	s16 =	sshll.u32 s0, $0xA;
	s2 =	sadd.s32 s3, s2  }
0x8d: {  	s2 =	sadd.s32 s2, s16  }
0x8e: {  	[smem:$0x3FA3] =	sst s2  }
0x8f: {  	_ = 	snop  }
0x90: {  	(tm) =	ssettm $0x1  }
0x91: {  	s17 =	sld [smem:$0x3FFB];
	_ =	sdelay $0x3  }
0x92: {  	_ =	strace s17  }
0x93: {  	s2 =	sld [smem:$0x3FFC];
	_ =	sdelay $0x3  }
0x94: {  	_ =	strace s2  }
0x95: {  	s2 =	sld [smem:$0x3FFD];
	_ =	sdelay $0x3  }
0x96: {  	_ =	strace s2  }
0x97: {  	_ =	strace $0x8FFFFFFF  }
0x98: {  	s18 =	sld [smem:$0x3FDB];
	_ =	sdelay $0x1  }
0x99: {  	s19 =	simm.s32 $_scs_section_size  }
0x9a: {  	s4 =	simm.s32 $_size__tile_overlayer_lowered;
	s5 =	simm.s32 $_tile_overlayer_lowered  }
0x9b: {  	s22 =	simm.s32 $0x1BFF;
	s21 =	sshll.u32 s5, $0x1;
	s2 =	sadd.s32 s19, s18  }
0x9c: {  	s6 =	simm.s32 $0x0;
	s20 =	sshll.u32 s4, $0x1;
	s4 =	sadd.s32 s21, s2  }
0x9d: {  	[timem:s6], [sflag:s22] =	dma.local [hbm:s4], s20  }
0x9e: {  	_ =	swait.ge [sflag:s22], s20  }
0x9f: {  	s3 =	ssub.s32 $0x0, s20;
	[sflag:s22] =	ssyncset.done $0x0  }
0xa0: {  	[sflag:s22] =	ssyncadd.s32 s3;
	_ =	sdelay $0x1  }
0xa1: {  	s23 =	simm.s32 $0x1B8B  }
0xa2: {  	_ =	swait.ge [sflag:s23], $0x1  }
0xa3: {  	[sflag:s23] =	ssyncset.done $0x0  }
0xa4: {  	s25 =	simm.s32 $0x1B8E;
	s24 =	sld [smem:$0x3FFE];
	[sflag:s23] =	ssyncadd.s32 $0xFFFFFFFF  }
0xa5: {  	s26 =	simm.s32 $execute0_lowered;
	[smem:$0x3FD2] =	sst s25  }
0xa6: {  	s4 =	sshll.u32 s26, $0x1;
	_ =	strace $0x80000049;
	[dreg:$0x1] =	wrdreg $0xFFFFFFFF  }
0xa7: {  	s28 =	simm.s32 $_size_execute0_lowered;
	s2 =	sadd.s32 s2, s4;
	[dreg:$0x0] =	wrdreg $0x0  }
0xa8: {  	s4 =	sshll.u32 s28, $0x1;
	[dreg:$0x2] =	wrdreg s2  }
0xa9: {  	[dreg:$0x3] =	wrdreg s4  }
0xaa: {  	[dreg:$0x4] =	wrdreg $0xC0  }
0xab: {  	_ =	task [dreg:s6], $0x5FFFF  }
0xac: {  	[dreg:$0x1] =	wrdreg $0xFFFFFFFF  }
0xad: {  	[dreg:$0x0] =	wrdreg $0x60  }
0xae: {  	[dreg:$0x2] =	wrdreg s24  }
0xaf: {  	[dreg:$0x3] =	wrdreg $0x9  }
0xb0: {  	_ =	task.clear_ibuf [dreg:s6], $0x4FFFF;
	_ =	strace $0x90000049  }
0xb1: {  	s29 =	simm.s32 $0x9;
	_ =	strace $0x8000004B  }
0xb2: {  	_ =	swait.ge [sflag:s29], $0x1  }
0xb3: {  	[sflag:s29] =	ssyncadd.s32 $0xFFFFFFFF  }
0xb4: {  	_ =	strace $0x9000004B  }
0xb5: {  	_ =	sfence  }
0xb6: {  	s30 =	sld [smem:$0x0];
	_ =	sdelay $0x2  }
0xb7: {  	s31 =	sshll.u32 s1, $0xD;
	s1 =	sshrl.u32 s1, $0x2  }
0xb8: {  	s3 =	sand.u32 $0x4000, s31;
	s1 =	sadd.s32 s1, s30  }
0xb9: {  	s0 =	sor.u32 s3, s0;
	s1 =	sshll.u32 s1, $0x11  }
0xba: {  	s0 =	sor.u32 s1, s0  }
0xbb: {  	s0 =	sadd.s32 $0x8F2B, s0  }
0xbc: {  	[sflag:s0] =	ssyncadd.remote.s32 $0x1  }
0xbd: {  	_ =	sfence.sel $0xFFFF  }
0xbe: {  	[dreg:$0x0] =	wrdreg $0xFFFFFFFF;
	(pc) =	sbr.abs _section_cstart, $3  }
0xbf: {  	[dreg:$0x1] =	wrdreg $0xFFFFFFFF  }
0xc0: {  	_ =	task.clear_ibuf [dreg:s6], $0x2FFFF;
	_ =	strace $0x9FFFFFFF  }
0xc1: {  	(tm) =	ssettm $0x7FFFFFFF  }
tec
execute0_lowered:
.L_overlay_start_1:
0x0: {  	(tag) =	ssettag $0x1  }
0x1: {  	s1 =	srdreg.scid  }
0x2: {  	s0 =	stileid.u32;
	s21 =	sand.u32 $0x1, s1  }
0x3: {  	s31 =	sshll.u32 s0, $0xB;
	s2 =	sshll.u32 s21, $0xA  }
0x4: {  	s9 =	rddreg [dreg:$0x0];
	s6 =	sor.u32 s2, s31  }
0x5: {  	s1 =	rddreg [dreg:$0x1];
	s2 =	simm.s32 $0x0;
	s3 =	sshrl.u32 s6, $0x3  }
0x6: {  	[smem:$0x7FF] =	sst s2;
	s3 =	sadd.s32 s3, s9  }
0x7: {  	_ =	strace $0x8000004A;
	s4 =	sadd.s32 $0xCBC00, s3;
	s3 =	simm.s32 $0x2  }
0x8: {  	[tilespmem:s2], [sflag:$0x2] =	stream.linear.gather [hbm4b:s4+s2], $0x400, $0x38;
	[tilespmem:$0x2C00] =	vst v63  }
0x9: {  	s7 =	simm.s32 $0x400;
	_ =	swait.ge [sflag:s3], $0x400  }
0xa: {  	s8 =	simm.s32 $0x1;
	s5 =	sadd.s32 $0x5C00, s9;
	[sflag:s3] =	ssyncset.done $0x0  }
0xb: {  	s10 =	smul.u32 $0xA, s6;
	s6 =	simm.s32 $0x80;
	[sflag:s3] =	ssyncadd.s32 $0xFFFFFC00  }
0xc: {  	[tilespmem:s7], [sflag:$0x1] =	stream.indirect.gather [hbm4b:s5+s6], $0x50, s2, s6, $0xb8;
	[tilespmem:$0x2C00] =	vst v63  }
0xd: {  	_ =	swait.ge [sflag:s8], $0x2800  }
0xe: {  	s22 =	sadd.s32 s10, s9;
	[sflag:s8] =	ssyncset.done $0x0  }
0xf: {  	s9 =	sadd.s32 $0xFC00, s22;
	[sflag:s8] =	ssyncadd.s32 $0xFFFFD800  }
0x10: {  	[hbm4b:s9+s2] =	stream.linear.scatter [tilespmem:s7], [sflag:$0x2], $0x2800, $0x38;
	[tilespmem:$0x2C00] =	vst v63  }
0x11: {  	_ =	swait.ge [sflag:s3], $0x2800  }
0x12: {  	[sflag:s3] =	ssyncset.done $0x0  }
0x13: {  	[sflag:s3] =	ssyncadd.s32 $0xFFFFD800  }
0x14: {  	[tilespmem:s7], [sflag:$0x1] =	stream.indirect.gather [hbm4b:s5+s6], $0x50, s6, s6, $0xb8;
	[tilespmem:$0x2C00] =	vst v63  }
0x15: {  	_ =	swait.ge [sflag:s8], $0x2800  }
0x16: {  	[sflag:s8] =	ssyncset.done $0x0  }
0x17: {  	s10 =	sadd.s32 $0x10100, s22;
	[sflag:s8] =	ssyncadd.s32 $0xFFFFD800  }
0x18: {  	[hbm4b:s10+s2] =	stream.linear.scatter [tilespmem:s7], [sflag:$0x2], $0x2800, $0x38;
	[tilespmem:$0x2C00] =	vst v63  }
0x19: {  	_ =	swait.ge [sflag:s3], $0x2800  }
0x1a: {  	[sflag:s3] =	ssyncset.done $0x0  }
0x1b: {  	s11 =	simm.s32 $0x100;
	[sflag:s3] =	ssyncadd.s32 $0xFFFFD800  }
0x1c: {  	[tilespmem:s7], [sflag:$0x1] =	stream.indirect.gather [hbm4b:s5+s6], $0x50, s11, s6, $0xb8;
	[tilespmem:$0x2C00] =	vst v63  }
0x1d: {  	_ =	swait.ge [sflag:s8], $0x2800  }
0x1e: {  	[sflag:s8] =	ssyncset.done $0x0  }
0x1f: {  	s12 =	sadd.s32 $0x10600, s22;
	[sflag:s8] =	ssyncadd.s32 $0xFFFFD800  }
0x20: {  	[hbm4b:s12+s2] =	stream.linear.scatter [tilespmem:s7], [sflag:$0x2], $0x2800, $0x38;
	[tilespmem:$0x2C00] =	vst v63  }
0x21: {  	_ =	swait.ge [sflag:s3], $0x2800  }
0x22: {  	[sflag:s3] =	ssyncset.done $0x0  }
0x23: {  	s13 =	simm.s32 $0x180;
	[sflag:s3] =	ssyncadd.s32 $0xFFFFD800  }
0x24: {  	[tilespmem:s7], [sflag:$0x1] =	stream.indirect.gather [hbm4b:s5+s6], $0x50, s13, s6, $0xb8;
	[tilespmem:$0x2C00] =	vst v63  }
0x25: {  	_ =	swait.ge [sflag:s8], $0x2800  }
0x26: {  	[sflag:s8] =	ssyncset.done $0x0  }
0x27: {  	s14 =	sadd.s32 $0x10B00, s22;
	[sflag:s8] =	ssyncadd.s32 $0xFFFFD800  }
0x28: {  	[hbm4b:s14+s2] =	stream.linear.scatter [tilespmem:s7], [sflag:$0x2], $0x2800, $0x38;
	[tilespmem:$0x2C00] =	vst v63  }
0x29: {  	_ =	swait.ge [sflag:s3], $0x2800  }
0x2a: {  	[sflag:s3] =	ssyncset.done $0x0  }
0x2b: {  	s15 =	simm.s32 $0x200;
	[sflag:s3] =	ssyncadd.s32 $0xFFFFD800  }
0x2c: {  	[tilespmem:s7], [sflag:$0x1] =	stream.indirect.gather [hbm4b:s5+s6], $0x50, s15, s6, $0xb8;
	[tilespmem:$0x2C00] =	vst v63  }
0x2d: {  	_ =	swait.ge [sflag:s8], $0x2800  }
0x2e: {  	[sflag:s8] =	ssyncset.done $0x0  }
0x2f: {  	s16 =	sadd.s32 $0x11000, s22;
	[sflag:s8] =	ssyncadd.s32 $0xFFFFD800  }
0x30: {  	[hbm4b:s16+s2] =	stream.linear.scatter [tilespmem:s7], [sflag:$0x2], $0x2800, $0x38;
	[tilespmem:$0x2C00] =	vst v63  }
0x31: {  	_ =	swait.ge [sflag:s3], $0x2800  }
0x32: {  	[sflag:s3] =	ssyncset.done $0x0  }
0x33: {  	s17 =	simm.s32 $0x280;
	[sflag:s3] =	ssyncadd.s32 $0xFFFFD800  }
0x34: {  	[tilespmem:s7], [sflag:$0x1] =	stream.indirect.gather [hbm4b:s5+s6], $0x50, s17, s6, $0xb8;
	[tilespmem:$0x2C00] =	vst v63  }
0x35: {  	_ =	swait.ge [sflag:s8], $0x2800  }
0x36: {  	[sflag:s8] =	ssyncset.done $0x0  }
0x37: {  	s18 =	sadd.s32 $0x11500, s22;
	[sflag:s8] =	ssyncadd.s32 $0xFFFFD800  }
0x38: {  	[hbm4b:s18+s2] =	stream.linear.scatter [tilespmem:s7], [sflag:$0x2], $0x2800, $0x38;
	[tilespmem:$0x2C00] =	vst v63  }
0x39: {  	_ =	swait.ge [sflag:s3], $0x2800  }
0x3a: {  	[sflag:s3] =	ssyncset.done $0x0  }
0x3b: {  	s19 =	simm.s32 $0x300;
	[sflag:s3] =	ssyncadd.s32 $0xFFFFD800  }
0x3c: {  	[tilespmem:s7], [sflag:$0x1] =	stream.indirect.gather [hbm4b:s5+s6], $0x50, s19, s6, $0xb8;
	[tilespmem:$0x2C00] =	vst v63  }
0x3d: {  	_ =	swait.ge [sflag:s8], $0x2800  }
0x3e: {  	[sflag:s8] =	ssyncset.done $0x0  }
0x3f: {  	s23 =	ssub.s32 $0x2, s21;
	s20 =	sadd.s32 $0x11A00, s22;
	[sflag:s8] =	ssyncadd.s32 $0xFFFFD800  }
0x40: {  	[hbm4b:s20+s2] =	stream.linear.scatter [tilespmem:s7], [sflag:$0x2], $0x2800, $0x38;
	[tilespmem:$0x2C00] =	vst v63  }
0x41: {  	s24 =	sshrl.u32 s23, $0x1;
	_ =	swait.ge [sflag:s3], $0x2800  }
0x42: {  	s23 =	ssub.s32 s23, s24;
	[sflag:s3] =	ssyncset.done $0x0  }
0x43: {  	s21 =	simm.s32 $0x380;
	s23 =	smax.u32 s23, $0x1;
	[sflag:s3] =	ssyncadd.s32 $0xFFFFD800  }
0x44: {  	[tilespmem:s7], [sflag:$0x1] =	stream.indirect.gather [hbm4b:s5+s6], $0x50, s21, s6, $0xb8;
	[tilespmem:$0x2C00] =	vst v63  }
0x45: {  	p0 =	sne.s32 s23, $0x1;
	_ =	swait.ge [sflag:s8], $0x2800  }
.Ltmp0:
0x46: {  	[sflag:s8] =	ssyncset.done $0x0;
	(pc) =	sbr.rel @!p0 .LBB2_2-.Ltmp0, $4  }
0x47: {  	s22 =	sadd.s32 $0x11F00, s22;
	[sflag:s8] =	ssyncadd.s32 $0xFFFFD800  }
0x48: {  	[hbm4b:s22+s2] =	stream.linear.scatter [tilespmem:s7], [sflag:$0x2], $0x2800, $0x38;
	[tilespmem:$0x2C00] =	vst v63  }
0x49: {  	_ =	swait.ge [sflag:s3], $0x2800  }
0x4a: {  	s23 =	sadd.s32 $0xFFFFFFFF, s23;
	[sflag:s3] =	ssyncset.done $0x0  }
.LBB2_1:
0x4b: {  	p0 =	sne.s32 s23, $0x1;
	s23 =	sadd.s32 $0xFFFFFFFF, s23;
	[sflag:s3] =	ssyncadd.s32 $0xFFFFD800  }
0x4c: {  	[tilespmem:s2], [sflag:$0x2] =	stream.linear.gather [hbm4b:s4+s2], $0x400, $0x38;
	[tilespmem:$0x2C00] =	vst v63  }
0x4d: {  	_ =	swait.ge [sflag:s3], $0x400  }
0x4e: {  	[sflag:s3] =	ssyncset.done $0x0  }
0x4f: {  	[sflag:s3] =	ssyncadd.s32 $0xFFFFFC00  }
0x50: {  	[tilespmem:s7], [sflag:$0x1] =	stream.indirect.gather [hbm4b:s5+s6], $0x50, s2, s6, $0xb8;
	[tilespmem:$0x2C00] =	vst v63  }
0x51: {  	_ =	swait.ge [sflag:s8], $0x2800  }
0x52: {  	[sflag:s8] =	ssyncset.done $0x0  }
0x53: {  	[sflag:s8] =	ssyncadd.s32 $0xFFFFD800  }
0x54: {  	[hbm4b:s9+s2] =	stream.linear.scatter [tilespmem:s7], [sflag:$0x2], $0x2800, $0x38;
	[tilespmem:$0x2C00] =	vst v63  }
0x55: {  	_ =	swait.ge [sflag:s3], $0x2800  }
0x56: {  	[sflag:s3] =	ssyncset.done $0x0  }
0x57: {  	[sflag:s3] =	ssyncadd.s32 $0xFFFFD800  }
0x58: {  	[tilespmem:s7], [sflag:$0x1] =	stream.indirect.gather [hbm4b:s5+s6], $0x50, s6, s6, $0xb8;
	[tilespmem:$0x2C00] =	vst v63  }
0x59: {  	_ =	swait.ge [sflag:s8], $0x2800  }
0x5a: {  	[sflag:s8] =	ssyncset.done $0x0  }
0x5b: {  	[sflag:s8] =	ssyncadd.s32 $0xFFFFD800  }
0x5c: {  	[hbm4b:s10+s2] =	stream.linear.scatter [tilespmem:s7], [sflag:$0x2], $0x2800, $0x38;
	[tilespmem:$0x2C00] =	vst v63  }
0x5d: {  	_ =	swait.ge [sflag:s3], $0x2800  }
0x5e: {  	[sflag:s3] =	ssyncset.done $0x0  }
0x5f: {  	[sflag:s3] =	ssyncadd.s32 $0xFFFFD800  }
0x60: {  	[tilespmem:s7], [sflag:$0x1] =	stream.indirect.gather [hbm4b:s5+s6], $0x50, s11, s6, $0xb8;
	[tilespmem:$0x2C00] =	vst v63  }
0x61: {  	_ =	swait.ge [sflag:s8], $0x2800  }
0x62: {  	[sflag:s8] =	ssyncset.done $0x0  }
0x63: {  	[sflag:s8] =	ssyncadd.s32 $0xFFFFD800  }
0x64: {  	[hbm4b:s12+s2] =	stream.linear.scatter [tilespmem:s7], [sflag:$0x2], $0x2800, $0x38;
	[tilespmem:$0x2C00] =	vst v63  }
0x65: {  	_ =	swait.ge [sflag:s3], $0x2800  }
0x66: {  	[sflag:s3] =	ssyncset.done $0x0  }
0x67: {  	[sflag:s3] =	ssyncadd.s32 $0xFFFFD800  }
0x68: {  	[tilespmem:s7], [sflag:$0x1] =	stream.indirect.gather [hbm4b:s5+s6], $0x50, s13, s6, $0xb8;
	[tilespmem:$0x2C00] =	vst v63  }
0x69: {  	_ =	swait.ge [sflag:s8], $0x2800  }
0x6a: {  	[sflag:s8] =	ssyncset.done $0x0  }
0x6b: {  	[sflag:s8] =	ssyncadd.s32 $0xFFFFD800  }
0x6c: {  	[hbm4b:s14+s2] =	stream.linear.scatter [tilespmem:s7], [sflag:$0x2], $0x2800, $0x38;
	[tilespmem:$0x2C00] =	vst v63  }
0x6d: {  	_ =	swait.ge [sflag:s3], $0x2800  }
0x6e: {  	[sflag:s3] =	ssyncset.done $0x0  }
0x6f: {  	[sflag:s3] =	ssyncadd.s32 $0xFFFFD800  }
0x70: {  	[tilespmem:s7], [sflag:$0x1] =	stream.indirect.gather [hbm4b:s5+s6], $0x50, s15, s6, $0xb8;
	[tilespmem:$0x2C00] =	vst v63  }
0x71: {  	_ =	swait.ge [sflag:s8], $0x2800  }
0x72: {  	[sflag:s8] =	ssyncset.done $0x0  }
0x73: {  	[sflag:s8] =	ssyncadd.s32 $0xFFFFD800  }
0x74: {  	[hbm4b:s16+s2] =	stream.linear.scatter [tilespmem:s7], [sflag:$0x2], $0x2800, $0x38;
	[tilespmem:$0x2C00] =	vst v63  }
0x75: {  	_ =	swait.ge [sflag:s3], $0x2800  }
0x76: {  	[sflag:s3] =	ssyncset.done $0x0  }
0x77: {  	[sflag:s3] =	ssyncadd.s32 $0xFFFFD800  }
0x78: {  	[tilespmem:s7], [sflag:$0x1] =	stream.indirect.gather [hbm4b:s5+s6], $0x50, s17, s6, $0xb8;
	[tilespmem:$0x2C00] =	vst v63  }
0x79: {  	_ =	swait.ge [sflag:s8], $0x2800  }
0x7a: {  	[sflag:s8] =	ssyncset.done $0x0  }
0x7b: {  	[sflag:s8] =	ssyncadd.s32 $0xFFFFD800  }
0x7c: {  	[hbm4b:s18+s2] =	stream.linear.scatter [tilespmem:s7], [sflag:$0x2], $0x2800, $0x38;
	[tilespmem:$0x2C00] =	vst v63  }
0x7d: {  	_ =	swait.ge [sflag:s3], $0x2800  }
0x7e: {  	[sflag:s3] =	ssyncset.done $0x0  }
0x7f: {  	[sflag:s3] =	ssyncadd.s32 $0xFFFFD800  }
0x80: {  	[tilespmem:s7], [sflag:$0x1] =	stream.indirect.gather [hbm4b:s5+s6], $0x50, s19, s6, $0xb8;
	[tilespmem:$0x2C00] =	vst v63  }
0x81: {  	_ =	swait.ge [sflag:s8], $0x2800  }
0x82: {  	[sflag:s8] =	ssyncset.done $0x0  }
0x83: {  	[sflag:s8] =	ssyncadd.s32 $0xFFFFD800  }
0x84: {  	[hbm4b:s20+s2] =	stream.linear.scatter [tilespmem:s7], [sflag:$0x2], $0x2800, $0x38;
	[tilespmem:$0x2C00] =	vst v63  }
0x85: {  	_ =	swait.ge [sflag:s3], $0x2800  }
0x86: {  	[sflag:s3] =	ssyncset.done $0x0  }
0x87: {  	[sflag:s3] =	ssyncadd.s32 $0xFFFFD800  }
0x88: {  	[tilespmem:s7], [sflag:$0x1] =	stream.indirect.gather [hbm4b:s5+s6], $0x50, s21, s6, $0xb8;
	[tilespmem:$0x2C00] =	vst v63  }
0x89: {  	_ =	swait.ge [sflag:s8], $0x2800  }
.Ltmp1:
0x8a: {  	[sflag:s8] =	ssyncset.done $0x0;
	(pc) =	sbr.rel @p0 .LBB2_1-.Ltmp1, $4  }
0x8b: {  	[sflag:s8] =	ssyncadd.s32 $0xFFFFD800  }
0x8c: {  	[hbm4b:s22+s2] =	stream.linear.scatter [tilespmem:s7], [sflag:$0x2], $0x2800, $0x38;
	[tilespmem:$0x2C00] =	vst v63  }
0x8d: {  	_ =	swait.ge [sflag:s3], $0x2800  }
0x8e: {  	[sflag:s3] =	ssyncset.done $0x0  }
.LBB2_2:
0x8f: {  	[sflag:s3] =	ssyncadd.s32 $0xFFFFD800  }
0x90: {  	_ =	sfence.sel $0x180000  }
0x91: {  	[bflag:$0x0] =	sbarrier.arrive $0xFFFF  }
0x92: {  	p0 =	sne.s32 s0, $0x0;
	_ =	strace $0x9000004A  }
0x93: {  	s0 =	sadd.s32 @!p0 $0x100000, s1;
	[bflag:$0x2] =	sbarrier.arrive $0xFFFF  }
0x94: {  	[sflag:s0] =	ssyncadd.tile.s32 @!p0 $0x1;
	_ =	shalt  }
.Lfunc_end2:
_tile_overlayer_lowered:
.L_overlay_start_2:
0x95: {  	(tag) =	ssettag $0x2  }
0x96: {  	s0 =	rddreg [dreg:$0x0];
	s2 =	stileid.u32  }
0x97: {  	s1 =	rddreg [dreg:$0x1];
	p0 =	sne.s32 s2, $0x0  }
0x98: {  	s3 =	rddreg [dreg:$0x2];
	[bflag:$0x3] =	sbarrier.arrive $0xFFFF;
	s2 =	simm.s32 @!p0 $0x1C02  }
0x99: {  	[timem:s3], [sflag:s2] =	dma.local @!p0 [hbm:s0], s1  }
0x9a: {  	s0 =	simm.s32 @!p0 $0x2  }
0x9b: {  	_ =	swait.ge @!p0 [sflag:s0], s1  }
0x9c: {  	s1 =	ssub.s32 @!p0 $0x0, s1;
	[sflag:s0] =	ssyncset.done @!p0 $0x0  }
0x9d: {  	[sflag:s0] =	ssyncadd.s32 @!p0 s1  }
0x9e: {  	[bflag:$0x3] =	sbarrier.arrive $0xFFFF  }
0x9f: {  	_ =	shalt  }

// kernel: kernel.19.cloned.1.call-start
scs
__scs_entry_jumppad:
0x0: {  	(pc) =	sbr.rel $0x88, $3  }
0x1: {  	(tag) =	ssettag $0x0;
	lr =	simm.s32 $0x1  }
0x2: {  	[smem:$0x3F7C] =	sst lr;
	_ =	strace $0xD0000000  }
0x3: {  	_ = 	snop  }
0x4: {  	_ = 	snop  }
0x5: {  	_ = 	snop  }
0x6: {  	_ = 	snop  }
0x7: {  	_ = 	snop  }
__scs_overlays_trampoline_lowered:
0x8: {  	[smem:$0x3F8B] =	sst s0  }
0x9: {  	[smem:$0x3F8C] =	sst s1  }
0xa: {  	[smem:$0x3F8D] =	sst s2  }
0xb: {  	[smem:$0x3F8E] =	sst s3  }
0xc: {  	[smem:$0x3F8F] =	sst s4  }
0xd: {  	[smem:$0x3F90] =	sst s5  }
0xe: {  	[smem:$0x3F91] =	sst s6  }
0xf: {  	[smem:$0x3F92] =	sst s7  }
0x10: {  	[smem:$0x3F93] =	sst s8  }
0x11: {  	[smem:$0x3F94] =	sst s9;
	s0 =	simm.s32 @!p0 $0x0  }
0x12: {  	s1 =	sld [smem:$0x3F7A];
	s0 =	simm.s32 @p0 $0x1  }
0x13: {  	[smem:$0x3F95] =	sst s0;
	s0 =	simm.s32 @!p1 $0x0  }
0x14: {  	s2 =	sld [smem:$0x3F79];
	s0 =	simm.s32 @p1 $0x1  }
0x15: {  	[smem:$0x3F96] =	sst s0;
	s0 =	simm.s32 @!p2 $0x0  }
0x16: {  	s3 =	sld [smem:$0x3FDB];
	s0 =	simm.s32 @p2 $0x1  }
0x17: {  	s4 =	simm.s32 $0x1BF5;
	[smem:$0x3F98] =	sst s0  }
0x18: {  	s0 =	sld [smem:$0x3F7B];
	_ =	swait.ge [sflag:s4], $0x0  }
0x19: {  	s7 =	sld [smem:$0x3F7C]  }
0x1a: {  	s8 =	sadd.s32 $0xFFFFE003, lr  }
0x1b: {  	s9 =	sadd.s32 $0xFFFFFEF7, lr;
	s5 =	simm.s32 $0xFFFFFFFF;
	p2 =	slt.u32 s8, $0xFFFFF086  }
0x1c: {  	p1 =	slt.u32 s9, $0xF7A;
	s5 =	simm.s32 @!p2 $0x0  }
0x1d: {  	s5 =	simm.s32 @p1 $0x1;
	p0 =	seq.s32 s7, s2  }
0x1e: {  	s7 =	smul.u32 @!p0 $0xF7A, s2;
	p2 =	seq.s32 @!p0 s5, $0x0  }
0x1f: {  	s9 =	smul.u32 $0xF7A, s1;
	s8 =	simm.s32 @!p0 $0x1BF5;
	p2 =	por !p2, p0  }
0x20: {  	[sflag:s8] =	ssyncset.s32 @!p0 $0xFFFFF086;
	s6 =	sadd.s32 @!p0 s3, s7;
	s7 =	simm.s32 @!p0 $0x108  }
0x21: {  	s3 =	sadd.s32 s3, s9;
	s6 =	sadd.s32 @!p0 $0x88, s6;
	s7 =	simm.s32 @p2 $0x1082  }
0x22: {  	[simem:s7], [sflag:s8] =	dma.local @!p0 [hbm:s6], $0xF7A  }
0x23: {  	s9 =	sor.u32 $0xD0000000, s2;
	s6 =	simm.s32 $0x108;
	_ =	swait.ge @!p0 [sflag:s8], $0x0  }
0x24: {  	s3 =	sadd.s32 $0x88, s3;
	s6 =	simm.s32 @!p1 $0x1082;
	[sflag:s4] =	ssyncset.s32 $0xFFFFF086  }
0x25: {  	[simem:s6], [sflag:s4] =	dma.local [hbm:s3], $0xF7A  }
0x26: {  	[smem:$0x3F7C] =	sst s1;
	(tag) =	ssettag s2;
	_ =	strace s9  }
0x27: {  	s1 =	sld [smem:$0x3F8C]  }
0x28: {  	s2 =	sld [smem:$0x3F8D]  }
0x29: {  	s4 =	sld [smem:$0x3F8F]  }
0x2a: {  	p0 =	seq.s32 s5, $0x0;
	s5 =	sld [smem:$0x3F90]  }
0x2b: {  	s6 =	sld [smem:$0x3F91]  }
0x2c: {  	s7 =	sld [smem:$0x3F92]  }
0x2d: {  	s3 =	simm.s32 $0x108;
	s8 =	sld [smem:$0x3F93]  }
0x2e: {  	s3 =	simm.s32 @!p0 $0x1082;
	s9 =	sld [smem:$0x3F94]  }
0x2f: {  	lr =	sadd.s32 s0, s3;
	s0 =	sld [smem:$0x3F8B]  }
0x30: {  	s3 =	sld [smem:$0x3F8E]  }
0x31: {  	[smem:$0x3F97] =	sst s10  }
0x32: {  	s10 =	sld [smem:$0x3F95];
	_ =	sdelay $0x3  }
0x33: {  	p0 =	seq.s32 s10, $0x1;
	s10 =	sld [smem:$0x3F97];
	_ =	sdelay $0x3  }
0x34: {  	[smem:$0x3F97] =	sst s10  }
0x35: {  	s10 =	sld [smem:$0x3F96];
	_ =	sdelay $0x3  }
0x36: {  	p1 =	seq.s32 s10, $0x1;
	s10 =	sld [smem:$0x3F97];
	_ =	sdelay $0x3  }
0x37: {  	[smem:$0x3F97] =	sst s10  }
0x38: {  	s10 =	sld [smem:$0x3F98]  }
0x39: {  	_ = 	snop;
	(pc) =	sbr.ind lr, $3  }
0x3a: {  	_ = 	snop  }
0x3b: {  	_ = 	snop  }
0x3c: {  	p2 =	seq.s32 s10, $0x1;
	s10 =	sld [smem:$0x3F97]  }
0x3d: {  	_ =	shalt  }
0x3e: {  	_ =	shalt  }
0x3f: {  	_ =	shalt  }
0x40: {  	_ =	shalt  }
0x41: {  	_ =	shalt  }
0x42: {  	_ =	shalt  }
0x43: {  	_ =	shalt  }
0x44: {  	_ =	shalt  }
0x45: {  	_ =	shalt  }
0x46: {  	_ =	shalt  }
0x47: {  	_ =	shalt  }
0x48: {  	_ =	shalt  }
0x49: {  	_ =	shalt  }
0x4a: {  	_ =	shalt  }
0x4b: {  	_ =	shalt  }
0x4c: {  	_ =	shalt  }
0x4d: {  	_ =	shalt  }
0x4e: {  	_ =	shalt  }
0x4f: {  	_ =	shalt  }
0x50: {  	_ =	shalt  }
0x51: {  	_ =	shalt  }
0x52: {  	_ =	shalt  }
0x53: {  	_ =	shalt  }
0x54: {  	_ =	shalt  }
0x55: {  	_ =	shalt  }
0x56: {  	_ =	shalt  }
0x57: {  	_ =	shalt  }
0x58: {  	_ =	shalt  }
0x59: {  	_ =	shalt  }
0x5a: {  	_ =	shalt  }
0x5b: {  	_ =	shalt  }
0x5c: {  	_ =	shalt  }
0x5d: {  	_ =	shalt  }
0x5e: {  	_ =	shalt  }
0x5f: {  	_ =	shalt  }
0x60: {  	_ =	shalt  }
0x61: {  	_ =	shalt  }
0x62: {  	_ =	shalt  }
0x63: {  	_ =	shalt  }
0x64: {  	_ =	shalt  }
0x65: {  	_ =	shalt  }
0x66: {  	_ =	shalt  }
0x67: {  	_ =	shalt  }
0x68: {  	_ =	shalt  }
0x69: {  	_ =	shalt  }
0x6a: {  	_ =	shalt  }
0x6b: {  	_ =	shalt  }
0x6c: {  	_ =	shalt  }
0x6d: {  	_ =	shalt  }
0x6e: {  	_ =	shalt  }
0x6f: {  	_ =	shalt  }
0x70: {  	_ =	shalt  }
0x71: {  	_ =	shalt  }
0x72: {  	_ =	shalt  }
0x73: {  	_ =	shalt  }
0x74: {  	_ =	shalt  }
0x75: {  	_ =	shalt  }
0x76: {  	_ =	shalt  }
0x77: {  	_ =	shalt  }
0x78: {  	_ =	shalt  }
0x79: {  	_ =	shalt  }
0x7a: {  	_ =	shalt  }
0x7b: {  	_ =	shalt  }
0x7c: {  	_ =	shalt  }
0x7d: {  	_ =	shalt  }
0x7e: {  	_ =	shalt  }
0x7f: {  	_ =	shalt  }
0x80: {  	_ =	shalt  }
0x81: {  	_ =	shalt  }
0x82: {  	_ =	shalt  }
0x83: {  	_ =	shalt  }
0x84: {  	_ =	shalt  }
0x85: {  	_ =	shalt  }
0x86: {  	_ =	shalt  }
0x87: {  	_ =	shalt  }
.Lfunc_end0:
.L_simem_size_0:
called_computation.2_lowered:
.L_overlay_start_0:
0x88: {  	s2 =	sld [smem:$0x3FD9]  }
0x89: {  	s3 =	sld [smem:$0x3FFE];
	_ =	sdelay $0x1  }
0x8a: {  	s1 =	srdreg.scid  }
0x8b: {  	s0 =	sand.u32 $0x1, s1  }
0x8c: {  	s17 =	sshll.u32 s0, $0xA;
	s2 =	sadd.s32 s3, s2  }
0x8d: {  	s2 =	sadd.s32 s2, s17  }
0x8e: {  	[smem:$0x3FA3] =	sst s2  }
0x8f: {  	_ = 	snop  }
0x90: {  	s2 =	sld [smem:$0x3FD0];
	(tm) =	ssettm $0x1  }
0x91: {  	s18 =	sld [smem:$0x3FFB];
	_ =	sdelay $0x3  }
0x92: {  	_ =	strace s18  }
0x93: {  	s3 =	sld [smem:$0x3FFC];
	_ =	sdelay $0x3  }
0x94: {  	_ =	strace s3  }
0x95: {  	s3 =	sld [smem:$0x3FFD];
	_ =	sdelay $0x3  }
0x96: {  	_ =	strace s3  }
0x97: {  	_ =	strace $0x8FFFFFFF  }
0x98: {  	s19 =	sld [smem:$0x3FDB];
	_ =	sdelay $0x1  }
0x99: {  	s4 =	simm.s32 $_scs_section_size  }
0x9a: {  	s5 =	simm.s32 $_size__tile_overlayer_lowered;
	s6 =	simm.s32 $_tile_overlayer_lowered  }
0x9b: {  	s22 =	simm.s32 $0x1BFF;
	s21 =	sshll.u32 s6, $0x1;
	s3 =	sadd.s32 s4, s19  }
0x9c: {  	s7 =	simm.s32 $0x0;
	s20 =	sshll.u32 s5, $0x1;
	s5 =	sadd.s32 s21, s3  }
0x9d: {  	[timem:s7], [sflag:s22] =	dma.local [hbm:s5], s20  }
0x9e: {  	_ =	swait.ge [sflag:s22], s20  }
0x9f: {  	s4 =	ssub.s32 $0x0, s20;
	[sflag:s22] =	ssyncset.done $0x0  }
0xa0: {  	[sflag:s22] =	ssyncadd.s32 s4;
	_ =	sdelay $0x1  }
0xa1: {  	s23 =	simm.s32 $0x1B8B  }
0xa2: {  	_ =	swait.ge [sflag:s23], $0x1  }
0xa3: {  	[sflag:s23] =	ssyncset.done $0x0  }
0xa4: {  	s25 =	simm.s32 $0x1B8E;
	s24 =	sld [smem:$0x3FFE];
	[sflag:s23] =	ssyncadd.s32 $0xFFFFFFFF  }
0xa5: {  	s26 =	simm.s32 $execute0_lowered;
	[smem:$0x3FD2] =	sst s25  }
0xa6: {  	s5 =	sshll.u32 s26, $0x1;
	_ =	strace $0x8000004C;
	[dreg:$0x1] =	wrdreg $0xFFFFFFFF  }
0xa7: {  	s28 =	simm.s32 $_size_execute0_lowered;
	s3 =	sadd.s32 s3, s5;
	[dreg:$0x0] =	wrdreg $0x0  }
0xa8: {  	s5 =	sshll.u32 s28, $0x1;
	[dreg:$0x2] =	wrdreg s3  }
0xa9: {  	[dreg:$0x3] =	wrdreg s5  }
0xaa: {  	[dreg:$0x4] =	wrdreg $0xC0  }
0xab: {  	_ =	task [dreg:s7], $0x5FFFF  }
0xac: {  	[dreg:$0x1] =	wrdreg $0xFFFFFFFF  }
0xad: {  	[dreg:$0x0] =	wrdreg $0x60  }
0xae: {  	[dreg:$0x2] =	wrdreg s24  }
0xaf: {  	[dreg:$0x3] =	wrdreg s2  }
0xb0: {  	[dreg:$0x4] =	wrdreg $0x9  }
0xb1: {  	_ =	task.clear_ibuf [dreg:s7], $0x5FFFF;
	_ =	strace $0x9000004C  }
0xb2: {  	s29 =	simm.s32 $0x9;
	_ =	strace $0x8000004E  }
0xb3: {  	_ =	swait.ge [sflag:s29], $0x1  }
0xb4: {  	[sflag:s29] =	ssyncadd.s32 $0xFFFFFFFF  }
0xb5: {  	_ =	strace $0x9000004E  }
0xb6: {  	_ =	sfence  }
0xb7: {  	s30 =	sld [smem:$0x0];
	_ =	sdelay $0x2  }
0xb8: {  	s31 =	sshll.u32 s1, $0xD;
	s1 =	sshrl.u32 s1, $0x2  }
0xb9: {  	s3 =	sand.u32 $0x4000, s31;
	s1 =	sadd.s32 s1, s30  }
0xba: {  	s0 =	sor.u32 s3, s0;
	s1 =	sshll.u32 s1, $0x11  }
0xbb: {  	s0 =	sor.u32 s1, s0  }
0xbc: {  	s0 =	sadd.s32 $0x8F2B, s0  }
0xbd: {  	[sflag:s0] =	ssyncadd.remote.s32 $0x1  }
0xbe: {  	_ =	sfence.sel $0xFFFF  }
0xbf: {  	[dreg:$0x0] =	wrdreg $0xFFFFFFFF;
	(pc) =	sbr.abs _section_cstart, $3  }
0xc0: {  	[dreg:$0x1] =	wrdreg $0xFFFFFFFF  }
0xc1: {  	_ =	task.clear_ibuf [dreg:s7], $0x2FFFF;
	_ =	strace $0x9FFFFFFF  }
0xc2: {  	(tm) =	ssettm $0x7FFFFFFF  }
0xc3: {  	_ =	shalt  }
tec
execute0_lowered:
.L_overlay_start_1:
0x0: {  	(tag) =	ssettag $0x1  }
0x1: {  	s1 =	srdreg.scid  }
0x2: {  	s8 =	rddreg [dreg:$0x0];
	s0 =	stileid.u32  }
0x3: {  	s3 =	rddreg [dreg:$0x1];
	s2 =	simm.s32 $0x0;
	s6 =	sand.u32 $0x1, s1  }
0x4: {  	s4 =	sshll.u32 s0, $0x8;
	[smem:$0x7FF] =	sst s2;
	s5 =	sshll.u32 s6, $0x7  }
0x5: {  	s1 =	rddreg [dreg:$0x2];
	_ =	strace $0x8000004D;
	s7 =	sor.u32 s5, s4  }
0x6: {  	s10 =	ssub.s32 $0x2, s6;
	s6 =	simm.s32 $0x80;
	s4 =	sshrl.u32 s7, $0x3  }
0x7: {  	s5 =	sadd.s32 $0x5C00, s8;
	s4 =	sadd.s32 s3, s4;
	s3 =	simm.s32 $0x2  }
0x8: {  	[tilespmem:s2], [sflag:$0x2] =	stream.linear.gather [hbm4b:s4+s2], $0x80, $0x38;
	[tilespmem:$0x8880] =	vst v63  }
0x9: {  	s11 =	sshrl.u32 s10, $0x1;
	s9 =	smul.u32 $0x22, s7;
	_ =	swait.ge [sflag:s3], $0x80  }
0xa: {  	s7 =	simm.s32 $0x1;
	s31 =	ssub.s32 s10, s11;
	[sflag:s3] =	ssyncset.done $0x0  }
0xb: {  	s8 =	sadd.s32 s9, s8;
	s9 =	smax.u32 s31, $0x1;
	[sflag:s3] =	ssyncadd.s32 $0xFFFFFF80  }
0xc: {  	[tilespmem:s6], [sflag:$0x1] =	stream.indirect.gather [hbm4b:s5+s6], $0x110, s2, s6, $0xb8;
	[tilespmem:$0x8880] =	vst v63  }
0xd: {  	p0 =	sne.s32 s9, $0x1;
	_ =	swait.ge [sflag:s7], $0x8800  }
.Ltmp0:
0xe: {  	[sflag:s7] =	ssyncset.done $0x0;
	(pc) =	sbr.rel @!p0 .LBB2_2-.Ltmp0, $4  }
0xf: {  	s8 =	sadd.s32 $0xE400, s8;
	[sflag:s7] =	ssyncadd.s32 $0xFFFF7800  }
0x10: {  	[hbm4b:s8+s2] =	stream.linear.scatter [tilespmem:s6], [sflag:$0x2], $0x8800, $0x38;
	[tilespmem:$0x8880] =	vst v63  }
0x11: {  	_ =	swait.ge [sflag:s3], $0x8800  }
0x12: {  	s9 =	sadd.s32 $0xFFFFFFFF, s9;
	[sflag:s3] =	ssyncset.done $0x0  }
.LBB2_1:
0x13: {  	p0 =	sne.s32 s9, $0x1;
	s9 =	sadd.s32 $0xFFFFFFFF, s9;
	[sflag:s3] =	ssyncadd.s32 $0xFFFF7800  }
0x14: {  	[tilespmem:s2], [sflag:$0x2] =	stream.linear.gather [hbm4b:s4+s2], $0x80, $0x38;
	[tilespmem:$0x8880] =	vst v63  }
0x15: {  	_ =	swait.ge [sflag:s3], $0x80  }
0x16: {  	[sflag:s3] =	ssyncset.done $0x0  }
0x17: {  	[sflag:s3] =	ssyncadd.s32 $0xFFFFFF80  }
0x18: {  	[tilespmem:s6], [sflag:$0x1] =	stream.indirect.gather [hbm4b:s5+s6], $0x110, s2, s6, $0xb8;
	[tilespmem:$0x8880] =	vst v63  }
0x19: {  	_ =	swait.ge [sflag:s7], $0x8800  }
.Ltmp1:
0x1a: {  	[sflag:s7] =	ssyncset.done $0x0;
	(pc) =	sbr.rel @p0 .LBB2_1-.Ltmp1, $4  }
0x1b: {  	[sflag:s7] =	ssyncadd.s32 $0xFFFF7800  }
0x1c: {  	[hbm4b:s8+s2] =	stream.linear.scatter [tilespmem:s6], [sflag:$0x2], $0x8800, $0x38;
	[tilespmem:$0x8880] =	vst v63  }
0x1d: {  	_ =	swait.ge [sflag:s3], $0x8800  }
0x1e: {  	[sflag:s3] =	ssyncset.done $0x0  }
.LBB2_2:
0x1f: {  	[sflag:s3] =	ssyncadd.s32 $0xFFFF7800  }
0x20: {  	_ =	sfence.sel $0x180000  }
0x21: {  	[bflag:$0x0] =	sbarrier.arrive $0xFFFF  }
0x22: {  	p0 =	sne.s32 s0, $0x0;
	_ =	strace $0x9000004D  }
0x23: {  	s0 =	sadd.s32 @!p0 $0x100000, s1;
	[bflag:$0x2] =	sbarrier.arrive $0xFFFF  }
0x24: {  	[sflag:s0] =	ssyncadd.tile.s32 @!p0 $0x1;
	_ =	shalt  }
.Lfunc_end2:
_tile_overlayer_lowered:
.L_overlay_start_2:
0x25: {  	(tag) =	ssettag $0x2  }
0x26: {  	s0 =	rddreg [dreg:$0x0];
	s2 =	stileid.u32  }
0x27: {  	s1 =	rddreg [dreg:$0x1];
	p0 =	sne.s32 s2, $0x0  }
0x28: {  	s3 =	rddreg [dreg:$0x2];
	[bflag:$0x3] =	sbarrier.arrive $0xFFFF;
	s2 =	simm.s32 @!p0 $0x1C02  }
0x29: {  	[timem:s3], [sflag:s2] =	dma.local @!p0 [hbm:s0], s1  }
0x2a: {  	s0 =	simm.s32 @!p0 $0x2  }
0x2b: {  	_ =	swait.ge @!p0 [sflag:s0], s1  }
0x2c: {  	s1 =	ssub.s32 @!p0 $0x0, s1;
	[sflag:s0] =	ssyncset.done @!p0 $0x0  }
0x2d: {  	[sflag:s0] =	ssyncadd.s32 @!p0 s1  }
0x2e: {  	[bflag:$0x3] =	sbarrier.arrive $0xFFFF  }
0x2f: {  	_ =	shalt  }

</sc_bundles>
